<compile_context>
chip_gen: v7x
topology: tpu7x:2x2x1
jax: 0.10.2.dev20260603
libtpu: 0.0.44.dev20260713+nightly
codegen_flags: <defaults>
</compile_context>

<pallas_src>
import jax
import jax.numpy as jnp
from jax import lax
from jax.experimental import pallas as pl
from jax.experimental.pallas import tpu as pltpu
from jax.experimental.pallas import tpu_sc as plsc

N = 10000
E = 160000
D = 256
H = 128
R = 200
T = 16384

NC = 2
NS = 16
EB = 32
EG = 16
ECH = 320
EGRP = ECH // EG
ESP = ECH * EB
EPAD = NS * ESP
DEPTH = 4
LAG = 2
NP = 10240
NROWS = NP // NS
WB = 64
TS = T // NS
TB = 128
TCH = TS // TB


def _mesh():
    return plsc.VectorSubcoreMesh(
        core_axis_name="c", subcore_axis_name="s", num_cores=NC,
        num_subcores=NS)


def _rel_body(coeff_ref, bases_ref, w_ref, rw_ref, z_ref, ur_ref):
    r = jnp.dot(coeff_ref[...], bases_ref[...],
                preferred_element_type=jnp.float32)
    for k in range(3):
        zk = jnp.dot(r, w_ref[k], preferred_element_type=jnp.float32)
        z_ref[0, k * R:(k + 1) * R, :] = zk[:, :H]
        z_ref[1, k * R:(k + 1) * R, :] = zk[:, H:]
    ur = jnp.dot(r, rw_ref[...], preferred_element_type=jnp.float32)
    ur_ref[0] = ur[:, :H]
    ur_ref[1] = ur[:, H:]


def _rel_tables(coefficients, bases, weights, relation_weight):
    out = jax.ShapeDtypeStruct
    z, ur = pl.pallas_call(
        _rel_body,
        out_shape=(out((NC, 3 * R, H), jnp.float32),
                   out((NC, R, H), jnp.float32)),
    )(coefficients, bases, weights, relation_weight)
    return z.reshape(NC * 3 * R, H), ur.reshape(NC * R, H)


BN = 1000


def _y_body(x_ref, w_ref, y_ref):
    y = jnp.dot(x_ref[...], w_ref[0], preferred_element_type=jnp.float32)
    y_ref[0, 0] = y[:, :H]
    y_ref[1, 0] = y[:, H:]


def _y_tables(entity_embeds, weights):
    y = pl.pallas_call(
        _y_body,
        grid=(3, N // BN),
        in_specs=[
            pl.BlockSpec((BN, D), lambda k, i: (i, 0)),
            pl.BlockSpec((1, D, D), lambda k, i: (k, 0, 0)),
        ],
        out_specs=pl.BlockSpec((NC, 1, BN, H), lambda k, i: (0, k, i, 0)),
        out_shape=jax.ShapeDtypeStruct((NC, 3, N, H), jnp.float32),
    )(entity_embeds, weights)
    return y.reshape(NC * 3 * N, H)


def _agg_body(y_tab, z_tab, gy, gz, sd, zrows, x_out,
              gy_v, gz_v, sd_v,
              ry0, ry1, ry2, ry3, rz0, rz1, rz2, rz3, wb_v, acc_sh,
              sgy0, sgy1, sgy2, sgy3, sgz0, sgz1, sgz2, sgz3,
              ssy0, ssy1, ssy2, ssy3, ssz0, ssz1, ssz2, ssz3):
    c = lax.axis_index("c")
    s = lax.axis_index("s")
    rowy = (ry0, ry1, ry2, ry3)
    rowz = (rz0, rz1, rz2, rz3)
    sem_gy = (sgy0, sgy1, sgy2, sgy3)
    sem_gz = (sgz0, sgz1, sgz2, sgz3)
    sem_sy = (ssy0, ssy1, ssy2, ssy3)
    sem_sz = (ssz0, ssz1, ssz2, ssz3)
    pltpu.sync_copy(zrows, acc_sh.at[pl.ds(s * NROWS, NROWS)])
    plsc.subcore_barrier()

    def group(g, carry):
        pltpu.sync_copy(gy.at[(c * NS + s) * EGRP + g], gy_v)
        pltpu.sync_copy(gz.at[(c * NS + s) * EGRP + g], gz_v)
        pltpu.sync_copy(sd.at[s * EGRP + g], sd_v)

        gyd = [None] * DEPTH
        gzd = [None] * DEPTH
        syd = [None] * DEPTH
        szd = [None] * DEPTH

        def scat(j):
            pb = j % DEPTH
            gyd[pb].wait()
            syd[pb] = pltpu.async_copy(
                rowy[pb], acc_sh.at[sd_v.at[j]], sem_sy[pb], add=True)
            gzd[pb].wait()
            szd[pb] = pltpu.async_copy(
                rowz[pb], acc_sh.at[sd_v.at[j]], sem_sz[pb], add=True)

        for j in range(EG):
            b = j % DEPTH
            if j >= DEPTH:
                syd[b].wait()
                szd[b].wait()
            gyd[b] = pltpu.async_copy(y_tab.at[gy_v.at[j]], rowy[b],
                                      sem_gy[b])
            gzd[b] = pltpu.async_copy(z_tab.at[gz_v.at[j]], rowz[b],
                                      sem_gz[b])
            if j >= LAG:
                scat(j - LAG)
        for j in range(EG - LAG, EG):
            scat(j)
        for b in range(DEPTH):
            syd[b].wait()
            szd[b].wait()
        return carry
    lax.fori_loop(0, EGRP, group, 0)
    plsc.subcore_barrier()

    def wb_step(j, carry1):
        base = s * NROWS + j * WB
        pltpu.sync_copy(acc_sh.at[pl.ds(base, WB)], wb_v)

        def row(i, carry2):
            for jj in range(H // 16):
                sl = pl.ds(jj * 16, 16)
                v = wb_v[i, sl]
                wb_v[i, sl] = (jnp.maximum(v, 0.0) +
                               0.01 * jnp.minimum(v, 0.0))
            return carry2
        lax.fori_loop(0, WB, row, 0)
        pltpu.sync_copy(wb_v, x_out.at[pl.ds(c * NP + base, WB)])
        return carry1
    lax.fori_loop(0, NROWS // WB, wb_step, 0)


def _aggregate(y_tab, z_tab, gy, gz, sd):
    zrows = jnp.zeros((NROWS, H), jnp.float32)
    f = pl.kernel(
        _agg_body,
        out_type=jax.ShapeDtypeStruct((NC * NP, H), jnp.float32),
        mesh=_mesh(),
        scratch_types=(
            [pltpu.VMEM((EG, EB), jnp.int32)] * 3 +
            [pltpu.VMEM((EB, H), jnp.float32)] * (2 * DEPTH) +
            [pltpu.VMEM((WB, H), jnp.float32),
             pltpu.VMEM_SHARED((NP, H), jnp.float32)] +
            [pltpu.SemaphoreType.DMA] * (4 * DEPTH)
        ),
    )
    return f(y_tab, z_tab, gy, gz, sd, zrows)


def _score_body(x_tab, ur_tab, hi, ri, ti, d_out,
                hi_v, ri_v, ti_v, h0, r0, t0, h1, r1, t1,
                sh0, sr0, st0, sh1, sr1, st1, sw0, sw1):
    c = lax.axis_index("c")
    s = lax.axis_index("s")
    pltpu.sync_copy(hi.at[c * NS + s], hi_v)
    pltpu.sync_copy(ri.at[c * NS + s], ri_v)
    pltpu.sync_copy(ti.at[c * NS + s], ti_v)

    hb = (h0, h1)
    rb = (r0, r1)
    tb = (t0, t1)
    sem_h = (sh0, sh1)
    sem_r = (sr0, sr1)
    sem_t = (st0, st1)
    sem_w = (sw0, sw1)
    gd = [[None] * 3, [None] * 3]
    wd = [None, None]

    def emit(k):
        pb = k & 1
        for d_ in gd[pb]:
            d_.wait()
        hv, rv, tv = hb[pb], rb[pb], tb[pb]

        def row(i, carry2):
            for jj in range(H // 16):
                sl = pl.ds(jj * 16, 16)
                hv[i, sl] = hv[i, sl] + rv[i, sl] - tv[i, sl]
            return carry2
        lax.fori_loop(0, TB, row, 0)
        wd[pb] = pltpu.async_copy(
            hv, d_out.at[pl.ds(c * T + s * TS + k * TB, TB)], sem_w[pb])

    for k in range(TCH):
        b = k & 1
        if k >= 2:
            wd[b].wait()
        gd[b] = [
            pltpu.async_copy(x_tab.at[hi_v.at[k]], hb[b], sem_h[b]),
            pltpu.async_copy(ur_tab.at[ri_v.at[k]], rb[b], sem_r[b]),
            pltpu.async_copy(x_tab.at[ti_v.at[k]], tb[b], sem_t[b]),
        ]
        if k >= 1:
            emit(k - 1)
    emit(TCH - 1)
    for b in range(2):
        wd[b].wait()


def _score_gather(x_tab, ur_tab, hi, ri, ti):
    f = pl.kernel(
        _score_body,
        out_type=jax.ShapeDtypeStruct((NC * T, H), jnp.float32),
        mesh=_mesh(),
        scratch_types=(
            [pltpu.VMEM((TCH, TB), jnp.int32)] * 3 +
            [pltpu.VMEM((TB, H), jnp.float32)] * 6 +
            [pltpu.SemaphoreType.DMA] * 8
        ),
    )
    return f(x_tab, ur_tab, hi, ri, ti)


BT = 2048


def _fin_body(d0_ref, d1_ref, o_ref):
    ssum = (jnp.sum(jnp.abs(d0_ref[...]), axis=1) +
            jnp.sum(jnp.abs(d1_ref[...]), axis=1))
    o_ref[...] = jax.nn.sigmoid(ssum)


def _finish(d_all):
    return pl.pallas_call(
        _fin_body,
        grid=(T // BT,),
        in_specs=[pl.BlockSpec((BT, H), lambda i: (i, 0)),
                  pl.BlockSpec((BT, H), lambda i: (i + T // BT, 0))],
        out_specs=pl.BlockSpec((BT,), lambda i: (i,)),
        out_shape=jax.ShapeDtypeStruct((T,), jnp.float32),
    )(d_all, d_all)


def kernel(entity_embeds, bases, coefficients, weights, relation_weight,
           edge_index, edge_type, masks, triple_batch):
    src = edge_index[0]
    dst = edge_index[1]
    npad_e = EPAD - E
    coff = jnp.arange(NC, dtype=jnp.int32)[:, None]
    gy = jnp.pad((masks * N + src).astype(jnp.int32), (0, npad_e))
    gy = (gy[None, :] + coff * (3 * N)).reshape(NC * NS * EGRP, EG, EB)
    gz = jnp.pad((masks * R + edge_type).astype(jnp.int32), (0, npad_e))
    gz = (gz[None, :] + coff * (3 * R)).reshape(NC * NS * EGRP, EG, EB)
    pad_sink = N + (jnp.arange(npad_e, dtype=jnp.int32) & (NP - N - 1))
    sd = jnp.concatenate([dst.astype(jnp.int32), pad_sink])
    sd = sd.reshape(NS * EGRP, EG, EB)
    hi = triple_batch[:, 0].astype(jnp.int32)
    hi = (hi[None, :] + coff * NP).reshape(NC * NS, TCH, TB)
    ri = triple_batch[:, 1].astype(jnp.int32)
    ri = (ri[None, :] + coff * R).reshape(NC * NS, TCH, TB)
    ti = triple_batch[:, 2].astype(jnp.int32)
    ti = (ti[None, :] + coff * NP).reshape(NC * NS, TCH, TB)

    z_tab, ur_tab = _rel_tables(coefficients, bases, weights, relation_weight)
    y_tab = _y_tables(entity_embeds, weights)
    x_all = _aggregate(y_tab, z_tab, gy, gz, sd)
    d_all = _score_gather(x_all, ur_tab, hi, ri, ti)
    return _finish(d_all)

# --- scband reference (transcript-rebuilt; emitter-appended) ---
"""Pipeline reference for scband-compgcn-lp-41747082117129 (READ-ONLY COPY).

The authoritative reference and input builder live on the scoring server;
editing this copy changes nothing except your own understanding.
"""

import jax, jax.numpy as jnp
import numpy as np

N = 10000
E = 160000
D_IN = 256
D_OUT = 256
R = 200
NB = 50
T = 16384


def setup_inputs(seed: int = 0) -> dict:
    key = jax.random.key(seed)
    ks = jax.random.split(key, 10)
    edge_index = jax.random.randint(ks[0], (2, E), 0, N, dtype=jnp.int32)
    edge_type = jax.random.randint(ks[1], (E,), 0, R, dtype=jnp.int32)
    masks = jax.random.randint(ks[2], (E,), 0, 3, dtype=jnp.int32)
    triple_batch = jax.random.randint(ks[3], (T, 3), 0, R, dtype=jnp.int32)
    entity_embeds = jax.random.normal(ks[4], (N, D_IN), dtype=jnp.float32) * 0.05
    bases = jax.random.normal(ks[5], (NB, D_IN), dtype=jnp.float32) * 0.05
    coefficients = jax.random.normal(ks[6], (R, NB), dtype=jnp.float32) * 0.05
    weights = jax.random.normal(ks[7], (3, D_IN, D_OUT), dtype=jnp.float32) * 0.05
    relation_weight = jax.random.normal(ks[8], (D_IN, D_OUT), dtype=jnp.float32) * 0.05
    return {
        "entity_embeds": entity_embeds,
        "bases": bases,
        "coefficients": coefficients,
        "weights": weights,
        "relation_weight": relation_weight,
        "edge_index": edge_index,
        "edge_type": edge_type,
        "masks": masks,
        "triple_batch": triple_batch,
    }


def reference(entity_embeds, bases, coefficients, weights, relation_weight,
              edge_index, edge_type, masks, triple_batch):
    # CompGCN (op='TransE', first_layer=True) forward
    r = jnp.matmul(coefficients, bases)                       # [R, D_IN]
    edge_rel_embeds = jnp.take(r, edge_type, axis=0)          # [E, D_IN]
    # message: x_j = x[src] (source_to_target flow: src=edge_index[0], dst=edge_index[1])
    x_j = jnp.take(entity_embeds, edge_index[0], axis=0)      # [E, D_IN]
    edge_weights = jnp.take(weights, masks, axis=0)           # [E, D_IN, D_OUT]
    messages = x_j + edge_rel_embeds                          # [E, D_IN]
    messages = jnp.einsum('ei,eio->eo', messages, edge_weights)  # [E, D_OUT] (bmm)
    # aggregate: sum-scatter to dst nodes
    agg = jax.ops.segment_sum(messages, edge_index[1], num_segments=entity_embeds.shape[0])
    # update: leaky_relu
    updated_x = jax.nn.leaky_relu(agg, negative_slope=0.01)   # [N, D_OUT]
    updated_r = jnp.matmul(r, relation_weight)                # [R, D_OUT]
    # TransE scoring on triple batch
    head = jnp.take(updated_x, triple_batch[:, 0], axis=0)    # [T, D_OUT]
    tail = jnp.take(updated_x, triple_batch[:, 2], axis=0)    # [T, D_OUT]
    rel = jnp.take(updated_r, triple_batch[:, 1], axis=0)     # [T, D_OUT]
    scores = jnp.sum(jnp.abs(head + rel - tail), axis=1)      # L1 norm (norm=1)
    return jax.nn.sigmoid(scores)

if __name__ == "__main__":
    import jax
    _d = setup_inputs()
    print(jax.jit(kernel)(*tuple(_d.values())))

</pallas_src>

<mosaic_0001>
#map = affine_map<(d0, d1) -> (0, 0)>
#map1 = affine_map<(d0, d1) -> (0, 0, 0)>
module attributes {stable_mosaic.version = 14 : i64} {
  func.func @_score_body(%arg0: i32, %arg1: i32, %arg2: memref<20480x128xf32, #tpu.memory_space<hbm>>, %arg3: memref<400x128xf32, #tpu.memory_space<hbm>>, %arg4: memref<32x8x128xi32, #tpu.memory_space<hbm>>, %arg5: memref<32x8x128xi32, #tpu.memory_space<hbm>>, %arg6: memref<32x8x128xi32, #tpu.memory_space<hbm>>, %arg7: memref<32768x128xf32, #tpu.memory_space<hbm>>, %arg8: memref<8x128xi32, #tpu.memory_space<vmem>>, %arg9: memref<8x128xi32, #tpu.memory_space<vmem>>, %arg10: memref<8x128xi32, #tpu.memory_space<vmem>>, %arg11: memref<128x128xf32, #tpu.memory_space<vmem>>, %arg12: memref<128x128xf32, #tpu.memory_space<vmem>>, %arg13: memref<128x128xf32, #tpu.memory_space<vmem>>, %arg14: memref<128x128xf32, #tpu.memory_space<vmem>>, %arg15: memref<128x128xf32, #tpu.memory_space<vmem>>, %arg16: memref<128x128xf32, #tpu.memory_space<vmem>>, %arg17: memref<!tpu.dma_semaphore, #tpu.memory_space<semaphore_mem>>, %arg18: memref<!tpu.dma_semaphore, #tpu.memory_space<semaphore_mem>>, %arg19: memref<!tpu.dma_semaphore, #tpu.memory_space<semaphore_mem>>, %arg20: memref<!tpu.dma_semaphore, #tpu.memory_space<semaphore_mem>>, %arg21: memref<!tpu.dma_semaphore, #tpu.memory_space<semaphore_mem>>, %arg22: memref<!tpu.dma_semaphore, #tpu.memory_space<semaphore_mem>>, %arg23: memref<!tpu.dma_semaphore, #tpu.memory_space<semaphore_mem>>, %arg24: memref<!tpu.dma_semaphore, #tpu.memory_space<semaphore_mem>>) attributes {dimension_semantics = [#tpu.dimension_semantics<core_parallel>, #tpu.dimension_semantics<subcore_parallel>], iteration_bounds = array<i64: 2, 16>, scalar_prefetch = 0 : i64, scratch_operands = 17 : i64, tpu.core_type = #tpu.core_type<sc_vector_subcore>, window_params = [{transform_indices = #map}, {transform_indices = #map}, {transform_indices = #map1}, {transform_indices = #map1}, {transform_indices = #map1}, {transform_indices = #map}]} {
    %mul3A = arith.constant 16 : i32
    %mul3A_0 = arith.muli %arg0, %mul3A : i32
    %add3A = arith.addi %mul3A_0, %arg1 : i32
    "tpu.region"() ({
      %run_scoped3A = tpu.sem_alloc : memref<!tpu.dma_semaphore, #tpu.memory_space<semaphore_mem>>
      %dma_start3A_508 = arith.constant 0 : i32
      %dma_start3A_509 = arith.constant 0 : i32
      %dma_start3A_510 = tpu.memref_slice %arg4[%add3A, %dma_start3A_508, %dma_start3A_509] : memref<32x8x128xi32, #tpu.memory_space<hbm>> -> memref<1x8x128xi32, #tpu.memory_space<hbm>>
      %dma_start3A_511 = tpu.memref_squeeze %dma_start3A_510 : memref<1x8x128xi32, #tpu.memory_space<hbm>> -> memref<8x128xi32, #tpu.memory_space<hbm>>
      %dma_start3A_512 = arith.constant 0 : i32
      %dma_start3A_513 = arith.constant 0 : i32
      %dma_start3A_514 = tpu.memref_slice %arg4[%add3A, %dma_start3A_512, %dma_start3A_513] : memref<32x8x128xi32, #tpu.memory_space<hbm>> -> memref<1x8x128xi32, #tpu.memory_space<hbm>>
      %dma_start3A_515 = tpu.memref_squeeze %dma_start3A_514 : memref<1x8x128xi32, #tpu.memory_space<hbm>> -> memref<8x128xi32, #tpu.memory_space<hbm>>
      tpu.enqueue_dma source(%dma_start3A_515 : memref<8x128xi32, #tpu.memory_space<hbm>>) target(%arg8 : memref<8x128xi32, #tpu.memory_space<vmem>>) target_semaphore(%run_scoped3A : memref<!tpu.dma_semaphore, #tpu.memory_space<semaphore_mem>>)
      %dma_wait3A_516 = arith.constant 0 : i32
      %dma_wait3A_517 = arith.constant 0 : i32
      %dma_wait3A_518 = tpu.memref_slice %arg4[%add3A, %dma_wait3A_516, %dma_wait3A_517] : memref<32x8x128xi32, #tpu.memory_space<hbm>> -> memref<1x8x128xi32, #tpu.memory_space<hbm>>
      %dma_wait3A_519 = tpu.memref_squeeze %dma_wait3A_518 : memref<1x8x128xi32, #tpu.memory_space<hbm>> -> memref<8x128xi32, #tpu.memory_space<hbm>>
      %dma_wait3A_520 = arith.constant 0 : i32
      %dma_wait3A_521 = arith.constant 0 : i32
      %dma_wait3A_522 = tpu.memref_slice %arg4[%add3A, %dma_wait3A_520, %dma_wait3A_521] : memref<32x8x128xi32, #tpu.memory_space<hbm>> -> memref<1x8x128xi32, #tpu.memory_space<hbm>>
      %dma_wait3A_523 = tpu.memref_squeeze %dma_wait3A_522 : memref<1x8x128xi32, #tpu.memory_space<hbm>> -> memref<8x128xi32, #tpu.memory_space<hbm>>
      tpu.wait_dma2 semaphore(%run_scoped3A : memref<!tpu.dma_semaphore, #tpu.memory_space<semaphore_mem>>) src(%dma_wait3A_523 : memref<8x128xi32, #tpu.memory_space<hbm>>) dst(%arg8 : memref<8x128xi32, #tpu.memory_space<vmem>>)
      tpu.yield
    }) : () -> ()
    %mul3A_1 = arith.constant 16 : i32
    %mul3A_2 = arith.muli %arg0, %mul3A_1 : i32
    %add3A_3 = arith.addi %mul3A_2, %arg1 : i32
    "tpu.region"() ({
      %run_scoped3A = tpu.sem_alloc : memref<!tpu.dma_semaphore, #tpu.memory_space<semaphore_mem>>
      %dma_start3A_508 = arith.constant 0 : i32
      %dma_start3A_509 = arith.constant 0 : i32
      %dma_start3A_510 = tpu.memref_slice %arg5[%add3A_3, %dma_start3A_508, %dma_start3A_509] : memref<32x8x128xi32, #tpu.memory_space<hbm>> -> memref<1x8x128xi32, #tpu.memory_space<hbm>>
      %dma_start3A_511 = tpu.memref_squeeze %dma_start3A_510 : memref<1x8x128xi32, #tpu.memory_space<hbm>> -> memref<8x128xi32, #tpu.memory_space<hbm>>
      %dma_start3A_512 = arith.constant 0 : i32
      %dma_start3A_513 = arith.constant 0 : i32
      %dma_start3A_514 = tpu.memref_slice %arg5[%add3A_3, %dma_start3A_512, %dma_start3A_513] : memref<32x8x128xi32, #tpu.memory_space<hbm>> -> memref<1x8x128xi32, #tpu.memory_space<hbm>>
      %dma_start3A_515 = tpu.memref_squeeze %dma_start3A_514 : memref<1x8x128xi32, #tpu.memory_space<hbm>> -> memref<8x128xi32, #tpu.memory_space<hbm>>
      tpu.enqueue_dma source(%dma_start3A_515 : memref<8x128xi32, #tpu.memory_space<hbm>>) target(%arg9 : memref<8x128xi32, #tpu.memory_space<vmem>>) target_semaphore(%run_scoped3A : memref<!tpu.dma_semaphore, #tpu.memory_space<semaphore_mem>>)
      %dma_wait3A_516 = arith.constant 0 : i32
      %dma_wait3A_517 = arith.constant 0 : i32
      %dma_wait3A_518 = tpu.memref_slice %arg5[%add3A_3, %dma_wait3A_516, %dma_wait3A_517] : memref<32x8x128xi32, #tpu.memory_space<hbm>> -> memref<1x8x128xi32, #tpu.memory_space<hbm>>
      %dma_wait3A_519 = tpu.memref_squeeze %dma_wait3A_518 : memref<1x8x128xi32, #tpu.memory_space<hbm>> -> memref<8x128xi32, #tpu.memory_space<hbm>>
      %dma_wait3A_520 = arith.constant 0 : i32
      %dma_wait3A_521 = arith.constant 0 : i32
      %dma_wait3A_522 = tpu.memref_slice %arg5[%add3A_3, %dma_wait3A_520, %dma_wait3A_521] : memref<32x8x128xi32, #tpu.memory_space<hbm>> -> memref<1x8x128xi32, #tpu.memory_space<hbm>>
      %dma_wait3A_523 = tpu.memref_squeeze %dma_wait3A_522 : memref<1x8x128xi32, #tpu.memory_space<hbm>> -> memref<8x128xi32, #tpu.memory_space<hbm>>
      tpu.wait_dma2 semaphore(%run_scoped3A : memref<!tpu.dma_semaphore, #tpu.memory_space<semaphore_mem>>) src(%dma_wait3A_523 : memref<8x128xi32, #tpu.memory_space<hbm>>) dst(%arg9 : memref<8x128xi32, #tpu.memory_space<vmem>>)
      tpu.yield
    }) : () -> ()
    %mul3A_4 = arith.constant 16 : i32
    %mul3A_5 = arith.muli %arg0, %mul3A_4 : i32
    %add3A_6 = arith.addi %mul3A_5, %arg1 : i32
    "tpu.region"() ({
      %run_scoped3A = tpu.sem_alloc : memref<!tpu.dma_semaphore, #tpu.memory_space<semaphore_mem>>
      %dma_start3A_508 = arith.constant 0 : i32
      %dma_start3A_509 = arith.constant 0 : i32
      %dma_start3A_510 = tpu.memref_slice %arg6[%add3A_6, %dma_start3A_508, %dma_start3A_509] : memref<32x8x128xi32, #tpu.memory_space<hbm>> -> memref<1x8x128xi32, #tpu.memory_space<hbm>>
      %dma_start3A_511 = tpu.memref_squeeze %dma_start3A_510 : memref<1x8x128xi32, #tpu.memory_space<hbm>> -> memref<8x128xi32, #tpu.memory_space<hbm>>
      %dma_start3A_512 = arith.constant 0 : i32
      %dma_start3A_513 = arith.constant 0 : i32
      %dma_start3A_514 = tpu.memref_slice %arg6[%add3A_6, %dma_start3A_512, %dma_start3A_513] : memref<32x8x128xi32, #tpu.memory_space<hbm>> -> memref<1x8x128xi32, #tpu.memory_space<hbm>>
      %dma_start3A_515 = tpu.memref_squeeze %dma_start3A_514 : memref<1x8x128xi32, #tpu.memory_space<hbm>> -> memref<8x128xi32, #tpu.memory_space<hbm>>
      tpu.enqueue_dma source(%dma_start3A_515 : memref<8x128xi32, #tpu.memory_space<hbm>>) target(%arg10 : memref<8x128xi32, #tpu.memory_space<vmem>>) target_semaphore(%run_scoped3A : memref<!tpu.dma_semaphore, #tpu.memory_space<semaphore_mem>>)
      %dma_wait3A_516 = arith.constant 0 : i32
      %dma_wait3A_517 = arith.constant 0 : i32
      %dma_wait3A_518 = tpu.memref_slice %arg6[%add3A_6, %dma_wait3A_516, %dma_wait3A_517] : memref<32x8x128xi32, #tpu.memory_space<hbm>> -> memref<1x8x128xi32, #tpu.memory_space<hbm>>
      %dma_wait3A_519 = tpu.memref_squeeze %dma_wait3A_518 : memref<1x8x128xi32, #tpu.memory_space<hbm>> -> memref<8x128xi32, #tpu.memory_space<hbm>>
      %dma_wait3A_520 = arith.constant 0 : i32
      %dma_wait3A_521 = arith.constant 0 : i32
      %dma_wait3A_522 = tpu.memref_slice %arg6[%add3A_6, %dma_wait3A_520, %dma_wait3A_521] : memref<32x8x128xi32, #tpu.memory_space<hbm>> -> memref<1x8x128xi32, #tpu.memory_space<hbm>>
      %dma_wait3A_523 = tpu.memref_squeeze %dma_wait3A_522 : memref<1x8x128xi32, #tpu.memory_space<hbm>> -> memref<8x128xi32, #tpu.memory_space<hbm>>
      tpu.wait_dma2 semaphore(%run_scoped3A : memref<!tpu.dma_semaphore, #tpu.memory_space<semaphore_mem>>) src(%dma_wait3A_523 : memref<8x128xi32, #tpu.memory_space<hbm>>) dst(%arg10 : memref<8x128xi32, #tpu.memory_space<vmem>>)
      tpu.yield
    }) : () -> ()
    %dma_start3A = arith.constant 0 : i32
    %dma_start3A_7 = arith.constant 0 : i32
    %dma_start3A_8 = tpu.memref_slice %arg8[%dma_start3A, %dma_start3A_7] : memref<8x128xi32, #tpu.memory_space<vmem>> -> memref<1x128xi32, #tpu.memory_space<vmem>>
    %dma_start3A_9 = tpu.memref_squeeze %dma_start3A_8 : memref<1x128xi32, #tpu.memory_space<vmem>> -> memref<128xi32, #tpu.memory_space<vmem>>
    %dma_start3A_10 = arith.constant 0 : i32
    %dma_start3A_11 = arith.constant 0 : i32
    %dma_start3A_12 = tpu.memref_slice %arg2[%dma_start3A_10, %dma_start3A_11] : memref<20480x128xf32, #tpu.memory_space<hbm>> -> memref<20480x128xf32, #tpu.memory_space<hbm>>
    tpu.enqueue_indirect_dma source(%dma_start3A_12 : memref<20480x128xf32, #tpu.memory_space<hbm>>) target(%arg11 : memref<128x128xf32, #tpu.memory_space<vmem>>) offsets(%dma_start3A_9 : memref<128xi32, #tpu.memory_space<vmem>>) semaphore(%arg17 : memref<!tpu.dma_semaphore, #tpu.memory_space<semaphore_mem>>)
    %dma_start3A_13 = arith.constant 0 : i32
    %dma_start3A_14 = arith.constant 0 : i32
    %dma_start3A_15 = tpu.memref_slice %arg9[%dma_start3A_13, %dma_start3A_14] : memref<8x128xi32, #tpu.memory_space<vmem>> -> memref<1x128xi32, #tpu.memory_space<vmem>>
    %dma_start3A_16 = tpu.memref_squeeze %dma_start3A_15 : memref<1x128xi32, #tpu.memory_space<vmem>> -> memref<128xi32, #tpu.memory_space<vmem>>
    %dma_start3A_17 = arith.constant 0 : i32
    %dma_start3A_18 = arith.constant 0 : i32
    %dma_start3A_19 = tpu.memref_slice %arg3[%dma_start3A_17, %dma_start3A_18] : memref<400x128xf32, #tpu.memory_space<hbm>> -> memref<400x128xf32, #tpu.memory_space<hbm>>
    tpu.enqueue_indirect_dma source(%dma_start3A_19 : memref<400x128xf32, #tpu.memory_space<hbm>>) target(%arg12 : memref<128x128xf32, #tpu.memory_space<vmem>>) offsets(%dma_start3A_16 : memref<128xi32, #tpu.memory_space<vmem>>) semaphore(%arg18 : memref<!tpu.dma_semaphore, #tpu.memory_space<semaphore_mem>>)
    %dma_start3A_20 = arith.constant 0 : i32
    %dma_start3A_21 = arith.constant 0 : i32
    %dma_start3A_22 = tpu.memref_slice %arg10[%dma_start3A_20, %dma_start3A_21] : memref<8x128xi32, #tpu.memory_space<vmem>> -> memref<1x128xi32, #tpu.memory_space<vmem>>
    %dma_start3A_23 = tpu.memref_squeeze %dma_start3A_22 : memref<1x128xi32, #tpu.memory_space<vmem>> -> memref<128xi32, #tpu.memory_space<vmem>>
    %dma_start3A_24 = arith.constant 0 : i32
    %dma_start3A_25 = arith.constant 0 : i32
    %dma_start3A_26 = tpu.memref_slice %arg2[%dma_start3A_24, %dma_start3A_25] : memref<20480x128xf32, #tpu.memory_space<hbm>> -> memref<20480x128xf32, #tpu.memory_space<hbm>>
    tpu.enqueue_indirect_dma source(%dma_start3A_26 : memref<20480x128xf32, #tpu.memory_space<hbm>>) target(%arg13 : memref<128x128xf32, #tpu.memory_space<vmem>>) offsets(%dma_start3A_23 : memref<128xi32, #tpu.memory_space<vmem>>) semaphore(%arg19 : memref<!tpu.dma_semaphore, #tpu.memory_space<semaphore_mem>>)
    %dma_start3A_27 = arith.constant 1 : i32
    %dma_start3A_28 = arith.constant 0 : i32
    %dma_start3A_29 = tpu.memref_slice %arg8[%dma_start3A_27, %dma_start3A_28] : memref<8x128xi32, #tpu.memory_space<vmem>> -> memref<1x128xi32, #tpu.memory_space<vmem>>
    %dma_start3A_30 = tpu.memref_squeeze %dma_start3A_29 : memref<1x128xi32, #tpu.memory_space<vmem>> -> memref<128xi32, #tpu.memory_space<vmem>>
    %dma_start3A_31 = arith.constant 0 : i32
    %dma_start3A_32 = arith.constant 0 : i32
    %dma_start3A_33 = tpu.memref_slice %arg2[%dma_start3A_31, %dma_start3A_32] : memref<20480x128xf32, #tpu.memory_space<hbm>> -> memref<20480x128xf32, #tpu.memory_space<hbm>>
    tpu.enqueue_indirect_dma source(%dma_start3A_33 : memref<20480x128xf32, #tpu.memory_space<hbm>>) target(%arg14 : memref<128x128xf32, #tpu.memory_space<vmem>>) offsets(%dma_start3A_30 : memref<128xi32, #tpu.memory_space<vmem>>) semaphore(%arg20 : memref<!tpu.dma_semaphore, #tpu.memory_space<semaphore_mem>>)
    %dma_start3A_34 = arith.constant 1 : i32
    %dma_start3A_35 = arith.constant 0 : i32
    %dma_start3A_36 = tpu.memref_slice %arg9[%dma_start3A_34, %dma_start3A_35] : memref<8x128xi32, #tpu.memory_space<vmem>> -> memref<1x128xi32, #tpu.memory_space<vmem>>
    %dma_start3A_37 = tpu.memref_squeeze %dma_start3A_36 : memref<1x128xi32, #tpu.memory_space<vmem>> -> memref<128xi32, #tpu.memory_space<vmem>>
    %dma_start3A_38 = arith.constant 0 : i32
    %dma_start3A_39 = arith.constant 0 : i32
    %dma_start3A_40 = tpu.memref_slice %arg3[%dma_start3A_38, %dma_start3A_39] : memref<400x128xf32, #tpu.memory_space<hbm>> -> memref<400x128xf32, #tpu.memory_space<hbm>>
    tpu.enqueue_indirect_dma source(%dma_start3A_40 : memref<400x128xf32, #tpu.memory_space<hbm>>) target(%arg15 : memref<128x128xf32, #tpu.memory_space<vmem>>) offsets(%dma_start3A_37 : memref<128xi32, #tpu.memory_space<vmem>>) semaphore(%arg21 : memref<!tpu.dma_semaphore, #tpu.memory_space<semaphore_mem>>)
    %dma_start3A_41 = arith.constant 1 : i32
    %dma_start3A_42 = arith.constant 0 : i32
    %dma_start3A_43 = tpu.memref_slice %arg10[%dma_start3A_41, %dma_start3A_42] : memref<8x128xi32, #tpu.memory_space<vmem>> -> memref<1x128xi32, #tpu.memory_space<vmem>>
    %dma_start3A_44 = tpu.memref_squeeze %dma_start3A_43 : memref<1x128xi32, #tpu.memory_space<vmem>> -> memref<128xi32, #tpu.memory_space<vmem>>
    %dma_start3A_45 = arith.constant 0 : i32
    %dma_start3A_46 = arith.constant 0 : i32
    %dma_start3A_47 = tpu.memref_slice %arg2[%dma_start3A_45, %dma_start3A_46] : memref<20480x128xf32, #tpu.memory_space<hbm>> -> memref<20480x128xf32, #tpu.memory_space<hbm>>
    tpu.enqueue_indirect_dma source(%dma_start3A_47 : memref<20480x128xf32, #tpu.memory_space<hbm>>) target(%arg16 : memref<128x128xf32, #tpu.memory_space<vmem>>) offsets(%dma_start3A_44 : memref<128xi32, #tpu.memory_space<vmem>>) semaphore(%arg22 : memref<!tpu.dma_semaphore, #tpu.memory_space<semaphore_mem>>)
    %dma_wait3A = arith.constant 0 : i32
    %dma_wait3A_48 = arith.constant 0 : i32
    %dma_wait3A_49 = tpu.memref_slice %arg8[%dma_wait3A, %dma_wait3A_48] : memref<8x128xi32, #tpu.memory_space<vmem>> -> memref<1x128xi32, #tpu.memory_space<vmem>>
    %dma_wait3A_50 = tpu.memref_squeeze %dma_wait3A_49 : memref<1x128xi32, #tpu.memory_space<vmem>> -> memref<128xi32, #tpu.memory_space<vmem>>
    %dma_wait3A_51 = arith.constant 0 : i32
    %dma_wait3A_52 = arith.constant 0 : i32
    %dma_wait3A_53 = tpu.memref_slice %arg2[%dma_wait3A_51, %dma_wait3A_52] : memref<20480x128xf32, #tpu.memory_space<hbm>> -> memref<20480x128xf32, #tpu.memory_space<hbm>>
    tpu.wait_indirect_dma semaphore(%arg17 : memref<!tpu.dma_semaphore, #tpu.memory_space<semaphore_mem>>) src(%dma_wait3A_53 : memref<20480x128xf32, #tpu.memory_space<hbm>>) dst(%arg11 : memref<128x128xf32, #tpu.memory_space<vmem>>)
    %dma_wait3A_54 = arith.constant 0 : i32
    %dma_wait3A_55 = arith.constant 0 : i32
    %dma_wait3A_56 = tpu.memref_slice %arg9[%dma_wait3A_54, %dma_wait3A_55] : memref<8x128xi32, #tpu.memory_space<vmem>> -> memref<1x128xi32, #tpu.memory_space<vmem>>
    %dma_wait3A_57 = tpu.memref_squeeze %dma_wait3A_56 : memref<1x128xi32, #tpu.memory_space<vmem>> -> memref<128xi32, #tpu.memory_space<vmem>>
    %dma_wait3A_58 = arith.constant 0 : i32
    %dma_wait3A_59 = arith.constant 0 : i32
    %dma_wait3A_60 = tpu.memref_slice %arg3[%dma_wait3A_58, %dma_wait3A_59] : memref<400x128xf32, #tpu.memory_space<hbm>> -> memref<400x128xf32, #tpu.memory_space<hbm>>
    tpu.wait_indirect_dma semaphore(%arg18 : memref<!tpu.dma_semaphore, #tpu.memory_space<semaphore_mem>>) src(%dma_wait3A_60 : memref<400x128xf32, #tpu.memory_space<hbm>>) dst(%arg12 : memref<128x128xf32, #tpu.memory_space<vmem>>)
    %dma_wait3A_61 = arith.constant 0 : i32
    %dma_wait3A_62 = arith.constant 0 : i32
    %dma_wait3A_63 = tpu.memref_slice %arg10[%dma_wait3A_61, %dma_wait3A_62] : memref<8x128xi32, #tpu.memory_space<vmem>> -> memref<1x128xi32, #tpu.memory_space<vmem>>
    %dma_wait3A_64 = tpu.memref_squeeze %dma_wait3A_63 : memref<1x128xi32, #tpu.memory_space<vmem>> -> memref<128xi32, #tpu.memory_space<vmem>>
    %dma_wait3A_65 = arith.constant 0 : i32
    %dma_wait3A_66 = arith.constant 0 : i32
    %dma_wait3A_67 = tpu.memref_slice %arg2[%dma_wait3A_65, %dma_wait3A_66] : memref<20480x128xf32, #tpu.memory_space<hbm>> -> memref<20480x128xf32, #tpu.memory_space<hbm>>
    tpu.wait_indirect_dma semaphore(%arg19 : memref<!tpu.dma_semaphore, #tpu.memory_space<semaphore_mem>>) src(%dma_wait3A_67 : memref<20480x128xf32, #tpu.memory_space<hbm>>) dst(%arg13 : memref<128x128xf32, #tpu.memory_space<vmem>>)
    %scan3A = arith.constant 0 : i32
    %scan3A_68 = arith.constant 0 : i32
    %scan3A_69 = arith.constant 128 : i32
    %scan3A_70 = arith.addi %scan3A_68, %scan3A_69 : i32
    %scan3A_71 = arith.constant 1 : i32
    scf.for %scan3A_508 = %scan3A_68 to %scan3A_70 step %scan3A_71  : i32 {
      %get3A = arith.index_cast %scan3A_508 : i32 to index
      %get3A_509 = arith.constant 0 : index
      %get3A_510 = tpu.vector_load %arg11[%get3A, %get3A_509] {strides = array<i32>} : memref<128x128xf32, #tpu.memory_space<vmem>>, vector<1x16xf32>,
      %get3A_511 = vector.shape_cast %get3A_510 : vector<1x16xf32> to vector<16xf32>
      %get3A_512 = arith.index_cast %scan3A_508 : i32 to index
      %get3A_513 = arith.constant 0 : index
      %get3A_514 = tpu.vector_load %arg12[%get3A_512, %get3A_513] {strides = array<i32>} : memref<128x128xf32, #tpu.memory_space<vmem>>, vector<1x16xf32>,
      %get3A_515 = vector.shape_cast %get3A_514 : vector<1x16xf32> to vector<16xf32>
      %add3A_516 = arith.addf %get3A_511, %get3A_515 : vector<16xf32>
      %get3A_517 = arith.index_cast %scan3A_508 : i32 to index
      %get3A_518 = arith.constant 0 : index
      %get3A_519 = tpu.vector_load %arg13[%get3A_517, %get3A_518] {strides = array<i32>} : memref<128x128xf32, #tpu.memory_space<vmem>>, vector<1x16xf32>,
      %get3A_520 = vector.shape_cast %get3A_519 : vector<1x16xf32> to vector<16xf32>
      %sub3A = arith.subf %add3A_516, %get3A_520 : vector<16xf32>
      %swap3A = arith.index_cast %scan3A_508 : i32 to index
      %swap3A_521 = arith.constant 0 : index
      %swap3A_522 = tpu.vector_load %arg11[%swap3A, %swap3A_521] {strides = array<i32>} : memref<128x128xf32, #tpu.memory_space<vmem>>, vector<1x16xf32>,
      %swap3A_523 = vector.shape_cast %swap3A_522 : vector<1x16xf32> to vector<16xf32>
      %swap3A_524 = vector.shape_cast %sub3A : vector<16xf32> to vector<1x16xf32>
      tpu.vector_store %arg11[%swap3A, %swap3A_521], %swap3A_524 {strides = array<i32>} : memref<128x128xf32, #tpu.memory_space<vmem>>, vector<1x16xf32>,
      %get3A_525 = arith.index_cast %scan3A_508 : i32 to index
      %get3A_526 = arith.constant 16 : index
      %get3A_527 = tpu.vector_load %arg11[%get3A_525, %get3A_526] {strides = array<i32>} : memref<128x128xf32, #tpu.memory_space<vmem>>, vector<1x16xf32>,
      %get3A_528 = vector.shape_cast %get3A_527 : vector<1x16xf32> to vector<16xf32>
      %get3A_529 = arith.index_cast %scan3A_508 : i32 to index
      %get3A_530 = arith.constant 16 : index
      %get3A_531 = tpu.vector_load %arg12[%get3A_529, %get3A_530] {strides = array<i32>} : memref<128x128xf32, #tpu.memory_space<vmem>>, vector<1x16xf32>,
      %get3A_532 = vector.shape_cast %get3A_531 : vector<1x16xf32> to vector<16xf32>
      %add3A_533 = arith.addf %get3A_528, %get3A_532 : vector<16xf32>
      %get3A_534 = arith.index_cast %scan3A_508 : i32 to index
      %get3A_535 = arith.constant 16 : index
      %get3A_536 = tpu.vector_load %arg13[%get3A_534, %get3A_535] {strides = array<i32>} : memref<128x128xf32, #tpu.memory_space<vmem>>, vector<1x16xf32>,
      %get3A_537 = vector.shape_cast %get3A_536 : vector<1x16xf32> to vector<16xf32>
      %sub3A_538 = arith.subf %add3A_533, %get3A_537 : vector<16xf32>
      %swap3A_539 = arith.index_cast %scan3A_508 : i32 to index
      %swap3A_540 = arith.constant 16 : index
      %swap3A_541 = tpu.vector_load %arg11[%swap3A_539, %swap3A_540] {strides = array<i32>} : memref<128x128xf32, #tpu.memory_space<vmem>>, vector<1x16xf32>,
      %swap3A_542 = vector.shape_cast %swap3A_541 : vector<1x16xf32> to vector<16xf32>
      %swap3A_543 = vector.shape_cast %sub3A_538 : vector<16xf32> to vector<1x16xf32>
      tpu.vector_store %arg11[%swap3A_539, %swap3A_540], %swap3A_543 {strides = array<i32>} : memref<128x128xf32, #tpu.memory_space<vmem>>, vector<1x16xf32>,
      %get3A_544 = arith.index_cast %scan3A_508 : i32 to index
      %get3A_545 = arith.constant 32 : index
      %get3A_546 = tpu.vector_load %arg11[%get3A_544, %get3A_545] {strides = array<i32>} : memref<128x128xf32, #tpu.memory_space<vmem>>, vector<1x16xf32>,
      %get3A_547 = vector.shape_cast %get3A_546 : vector<1x16xf32> to vector<16xf32>
      %get3A_548 = arith.index_cast %scan3A_508 : i32 to index
      %get3A_549 = arith.constant 32 : index
      %get3A_550 = tpu.vector_load %arg12[%get3A_548, %get3A_549] {strides = array<i32>} : memref<128x128xf32, #tpu.memory_space<vmem>>, vector<1x16xf32>,
      %get3A_551 = vector.shape_cast %get3A_550 : vector<1x16xf32> to vector<16xf32>
      %add3A_552 = arith.addf %get3A_547, %get3A_551 : vector<16xf32>
      %get3A_553 = arith.index_cast %scan3A_508 : i32 to index
      %get3A_554 = arith.constant 32 : index
      %get3A_555 = tpu.vector_load %arg13[%get3A_553, %get3A_554] {strides = array<i32>} : memref<128x128xf32, #tpu.memory_space<vmem>>, vector<1x16xf32>,
      %get3A_556 = vector.shape_cast %get3A_555 : vector<1x16xf32> to vector<16xf32>
      %sub3A_557 = arith.subf %add3A_552, %get3A_556 : vector<16xf32>
      %swap3A_558 = arith.index_cast %scan3A_508 : i32 to index
      %swap3A_559 = arith.constant 32 : index
      %swap3A_560 = tpu.vector_load %arg11[%swap3A_558, %swap3A_559] {strides = array<i32>} : memref<128x128xf32, #tpu.memory_space<vmem>>, vector<1x16xf32>,
      %swap3A_561 = vector.shape_cast %swap3A_560 : vector<1x16xf32> to vector<16xf32>
      %swap3A_562 = vector.shape_cast %sub3A_557 : vector<16xf32> to vector<1x16xf32>
      tpu.vector_store %arg11[%swap3A_558, %swap3A_559], %swap3A_562 {strides = array<i32>} : memref<128x128xf32, #tpu.memory_space<vmem>>, vector<1x16xf32>,
      %get3A_563 = arith.index_cast %scan3A_508 : i32 to index
      %get3A_564 = arith.constant 48 : index
      %get3A_565 = tpu.vector_load %arg11[%get3A_563, %get3A_564] {strides = array<i32>} : memref<128x128xf32, #tpu.memory_space<vmem>>, vector<1x16xf32>,
      %get3A_566 = vector.shape_cast %get3A_565 : vector<1x16xf32> to vector<16xf32>
      %get3A_567 = arith.index_cast %scan3A_508 : i32 to index
      %get3A_568 = arith.constant 48 : index
      %get3A_569 = tpu.vector_load %arg12[%get3A_567, %get3A_568] {strides = array<i32>} : memref<128x128xf32, #tpu.memory_space<vmem>>, vector<1x16xf32>,
      %get3A_570 = vector.shape_cast %get3A_569 : vector<1x16xf32> to vector<16xf32>
      %add3A_571 = arith.addf %get3A_566, %get3A_570 : vector<16xf32>
      %get3A_572 = arith.index_cast %scan3A_508 : i32 to index
      %get3A_573 = arith.constant 48 : index
      %get3A_574 = tpu.vector_load %arg13[%get3A_572, %get3A_573] {strides = array<i32>} : memref<128x128xf32, #tpu.memory_space<vmem>>, vector<1x16xf32>,
      %get3A_575 = vector.shape_cast %get3A_574 : vector<1x16xf32> to vector<16xf32>
      %sub3A_576 = arith.subf %add3A_571, %get3A_575 : vector<16xf32>
      %swap3A_577 = arith.index_cast %scan3A_508 : i32 to index
      %swap3A_578 = arith.constant 48 : index
      %swap3A_579 = tpu.vector_load %arg11[%swap3A_577, %swap3A_578] {strides = array<i32>} : memref<128x128xf32, #tpu.memory_space<vmem>>, vector<1x16xf32>,
      %swap3A_580 = vector.shape_cast %swap3A_579 : vector<1x16xf32> to vector<16xf32>
      %swap3A_581 = vector.shape_cast %sub3A_576 : vector<16xf32> to vector<1x16xf32>
      tpu.vector_store %arg11[%swap3A_577, %swap3A_578], %swap3A_581 {strides = array<i32>} : memref<128x128xf32, #tpu.memory_space<vmem>>, vector<1x16xf32>,
      %get3A_582 = arith.index_cast %scan3A_508 : i32 to index
      %get3A_583 = arith.constant 64 : index
      %get3A_584 = tpu.vector_load %arg11[%get3A_582, %get3A_583] {strides = array<i32>} : memref<128x128xf32, #tpu.memory_space<vmem>>, vector<1x16xf32>,
      %get3A_585 = vector.shape_cast %get3A_584 : vector<1x16xf32> to vector<16xf32>
      %get3A_586 = arith.index_cast %scan3A_508 : i32 to index
      %get3A_587 = arith.constant 64 : index
      %get3A_588 = tpu.vector_load %arg12[%get3A_586, %get3A_587] {strides = array<i32>} : memref<128x128xf32, #tpu.memory_space<vmem>>, vector<1x16xf32>,
      %get3A_589 = vector.shape_cast %get3A_588 : vector<1x16xf32> to vector<16xf32>
      %add3A_590 = arith.addf %get3A_585, %get3A_589 : vector<16xf32>
      %get3A_591 = arith.index_cast %scan3A_508 : i32 to index
      %get3A_592 = arith.constant 64 : index
      %get3A_593 = tpu.vector_load %arg13[%get3A_591, %get3A_592] {strides = array<i32>} : memref<128x128xf32, #tpu.memory_space<vmem>>, vector<1x16xf32>,
      %get3A_594 = vector.shape_cast %get3A_593 : vector<1x16xf32> to vector<16xf32>
      %sub3A_595 = arith.subf %add3A_590, %get3A_594 : vector<16xf32>
      %swap3A_596 = arith.index_cast %scan3A_508 : i32 to index
      %swap3A_597 = arith.constant 64 : index
      %swap3A_598 = tpu.vector_load %arg11[%swap3A_596, %swap3A_597] {strides = array<i32>} : memref<128x128xf32, #tpu.memory_space<vmem>>, vector<1x16xf32>,
      %swap3A_599 = vector.shape_cast %swap3A_598 : vector<1x16xf32> to vector<16xf32>
      %swap3A_600 = vector.shape_cast %sub3A_595 : vector<16xf32> to vector<1x16xf32>
      tpu.vector_store %arg11[%swap3A_596, %swap3A_597], %swap3A_600 {strides = array<i32>} : memref<128x128xf32, #tpu.memory_space<vmem>>, vector<1x16xf32>,
      %get3A_601 = arith.index_cast %scan3A_508 : i32 to index
      %get3A_602 = arith.constant 80 : index
      %get3A_603 = tpu.vector_load %arg11[%get3A_601, %get3A_602] {strides = array<i32>} : memref<128x128xf32, #tpu.memory_space<vmem>>, vector<1x16xf32>,
      %get3A_604 = vector.shape_cast %get3A_603 : vector<1x16xf32> to vector<16xf32>
      %get3A_605 = arith.index_cast %scan3A_508 : i32 to index
      %get3A_606 = arith.constant 80 : index
      %get3A_607 = tpu.vector_load %arg12[%get3A_605, %get3A_606] {strides = array<i32>} : memref<128x128xf32, #tpu.memory_space<vmem>>, vector<1x16xf32>,
      %get3A_608 = vector.shape_cast %get3A_607 : vector<1x16xf32> to vector<16xf32>
      %add3A_609 = arith.addf %get3A_604, %get3A_608 : vector<16xf32>
      %get3A_610 = arith.index_cast %scan3A_508 : i32 to index
      %get3A_611 = arith.constant 80 : index
      %get3A_612 = tpu.vector_load %arg13[%get3A_610, %get3A_611] {strides = array<i32>} : memref<128x128xf32, #tpu.memory_space<vmem>>, vector<1x16xf32>,
      %get3A_613 = vector.shape_cast %get3A_612 : vector<1x16xf32> to vector<16xf32>
      %sub3A_614 = arith.subf %add3A_609, %get3A_613 : vector<16xf32>
      %swap3A_615 = arith.index_cast %scan3A_508 : i32 to index
      %swap3A_616 = arith.constant 80 : index
      %swap3A_617 = tpu.vector_load %arg11[%swap3A_615, %swap3A_616] {strides = array<i32>} : memref<128x128xf32, #tpu.memory_space<vmem>>, vector<1x16xf32>,
      %swap3A_618 = vector.shape_cast %swap3A_617 : vector<1x16xf32> to vector<16xf32>
      %swap3A_619 = vector.shape_cast %sub3A_614 : vector<16xf32> to vector<1x16xf32>
      tpu.vector_store %arg11[%swap3A_615, %swap3A_616], %swap3A_619 {strides = array<i32>} : memref<128x128xf32, #tpu.memory_space<vmem>>, vector<1x16xf32>,
      %get3A_620 = arith.index_cast %scan3A_508 : i32 to index
      %get3A_621 = arith.constant 96 : index
      %get3A_622 = tpu.vector_load %arg11[%get3A_620, %get3A_621] {strides = array<i32>} : memref<128x128xf32, #tpu.memory_space<vmem>>, vector<1x16xf32>,
      %get3A_623 = vector.shape_cast %get3A_622 : vector<1x16xf32> to vector<16xf32>
      %get3A_624 = arith.index_cast %scan3A_508 : i32 to index
      %get3A_625 = arith.constant 96 : index
      %get3A_626 = tpu.vector_load %arg12[%get3A_624, %get3A_625] {strides = array<i32>} : memref<128x128xf32, #tpu.memory_space<vmem>>, vector<1x16xf32>,
      %get3A_627 = vector.shape_cast %get3A_626 : vector<1x16xf32> to vector<16xf32>
      %add3A_628 = arith.addf %get3A_623, %get3A_627 : vector<16xf32>
      %get3A_629 = arith.index_cast %scan3A_508 : i32 to index
      %get3A_630 = arith.constant 96 : index
      %get3A_631 = tpu.vector_load %arg13[%get3A_629, %get3A_630] {strides = array<i32>} : memref<128x128xf32, #tpu.memory_space<vmem>>, vector<1x16xf32>,
      %get3A_632 = vector.shape_cast %get3A_631 : vector<1x16xf32> to vector<16xf32>
      %sub3A_633 = arith.subf %add3A_628, %get3A_632 : vector<16xf32>
      %swap3A_634 = arith.index_cast %scan3A_508 : i32 to index
      %swap3A_635 = arith.constant 96 : index
      %swap3A_636 = tpu.vector_load %arg11[%swap3A_634, %swap3A_635] {strides = array<i32>} : memref<128x128xf32, #tpu.memory_space<vmem>>, vector<1x16xf32>,
      %swap3A_637 = vector.shape_cast %swap3A_636 : vector<1x16xf32> to vector<16xf32>
      %swap3A_638 = vector.shape_cast %sub3A_633 : vector<16xf32> to vector<1x16xf32>
      tpu.vector_store %arg11[%swap3A_634, %swap3A_635], %swap3A_638 {strides = array<i32>} : memref<128x128xf32, #tpu.memory_space<vmem>>, vector<1x16xf32>,
      %get3A_639 = arith.index_cast %scan3A_508 : i32 to index
      %get3A_640 = arith.constant 112 : index
      %get3A_641 = tpu.vector_load %arg11[%get3A_639, %get3A_640] {strides = array<i32>} : memref<128x128xf32, #tpu.memory_space<vmem>>, vector<1x16xf32>,
      %get3A_642 = vector.shape_cast %get3A_641 : vector<1x16xf32> to vector<16xf32>
      %get3A_643 = arith.index_cast %scan3A_508 : i32 to index
      %get3A_644 = arith.constant 112 : index
      %get3A_645 = tpu.vector_load %arg12[%get3A_643, %get3A_644] {strides = array<i32>} : memref<128x128xf32, #tpu.memory_space<vmem>>, vector<1x16xf32>,
      %get3A_646 = vector.shape_cast %get3A_645 : vector<1x16xf32> to vector<16xf32>
      %add3A_647 = arith.addf %get3A_642, %get3A_646 : vector<16xf32>
      %get3A_648 = arith.index_cast %scan3A_508 : i32 to index
      %get3A_649 = arith.constant 112 : index
      %get3A_650 = tpu.vector_load %arg13[%get3A_648, %get3A_649] {strides = array<i32>} : memref<128x128xf32, #tpu.memory_space<vmem>>, vector<1x16xf32>,
      %get3A_651 = vector.shape_cast %get3A_650 : vector<1x16xf32> to vector<16xf32>
      %sub3A_652 = arith.subf %add3A_647, %get3A_651 : vector<16xf32>
      %swap3A_653 = arith.index_cast %scan3A_508 : i32 to index
      %swap3A_654 = arith.constant 112 : index
      %swap3A_655 = tpu.vector_load %arg11[%swap3A_653, %swap3A_654] {strides = array<i32>} : memref<128x128xf32, #tpu.memory_space<vmem>>, vector<1x16xf32>,
      %swap3A_656 = vector.shape_cast %swap3A_655 : vector<1x16xf32> to vector<16xf32>
      %swap3A_657 = vector.shape_cast %sub3A_652 : vector<16xf32> to vector<1x16xf32>
      tpu.vector_store %arg11[%swap3A_653, %swap3A_654], %swap3A_657 {strides = array<i32>} : memref<128x128xf32, #tpu.memory_space<vmem>>, vector<1x16xf32>,
    }
    %scan3A_72 = arith.constant 128 : i32
    %mul3A_73 = arith.constant 16384 : i32
    %mul3A_74 = arith.muli %arg0, %mul3A_73 : i32
    %mul3A_75 = arith.constant 1024 : i32
    %mul3A_76 = arith.muli %arg1, %mul3A_75 : i32
    %add3A_77 = arith.addi %mul3A_74, %mul3A_76 : i32
    %add3A_78 = arith.constant 0 : i32
    %add3A_79 = arith.addi %add3A_77, %add3A_78 : i32
    %dma_start3A_80 = arith.constant 0 : i32
    %dma_start3A_81 = tpu.memref_slice %arg7[%add3A_79, %dma_start3A_80] : memref<32768x128xf32, #tpu.memory_space<hbm>> -> memref<128x128xf32, #tpu.memory_space<hbm>>
    %dma_start3A_82 = arith.constant 0 : i32
    %dma_start3A_83 = tpu.memref_slice %arg7[%add3A_79, %dma_start3A_82] : memref<32768x128xf32, #tpu.memory_space<hbm>> -> memref<128x128xf32, #tpu.memory_space<hbm>>
    tpu.enqueue_dma source(%arg11 : memref<128x128xf32, #tpu.memory_space<vmem>>) target(%dma_start3A_83 : memref<128x128xf32, #tpu.memory_space<hbm>>) target_semaphore(%arg23 : memref<!tpu.dma_semaphore, #tpu.memory_space<semaphore_mem>>)
    %dma_wait3A_84 = arith.constant 0 : i32
    %dma_wait3A_85 = tpu.memref_slice %arg7[%add3A_79, %dma_wait3A_84] : memref<32768x128xf32, #tpu.memory_space<hbm>> -> memref<128x128xf32, #tpu.memory_space<hbm>>
    %dma_wait3A_86 = arith.constant 0 : i32
    %dma_wait3A_87 = tpu.memref_slice %arg7[%add3A_79, %dma_wait3A_86] : memref<32768x128xf32, #tpu.memory_space<hbm>> -> memref<128x128xf32, #tpu.memory_space<hbm>>
    tpu.wait_dma2 semaphore(%arg23 : memref<!tpu.dma_semaphore, #tpu.memory_space<semaphore_mem>>) src(%arg11 : memref<128x128xf32, #tpu.memory_space<vmem>>) dst(%dma_wait3A_87 : memref<128x128xf32, #tpu.memory_space<hbm>>)
    %dma_start3A_88 = arith.constant 2 : i32
    %dma_start3A_89 = arith.constant 0 : i32
    %dma_start3A_90 = tpu.memref_slice %arg8[%dma_start3A_88, %dma_start3A_89] : memref<8x128xi32, #tpu.memory_space<vmem>> -> memref<1x128xi32, #tpu.memory_space<vmem>>
    %dma_start3A_91 = tpu.memref_squeeze %dma_start3A_90 : memref<1x128xi32, #tpu.memory_space<vmem>> -> memref<128xi32, #tpu.memory_space<vmem>>
    %dma_start3A_92 = arith.constant 0 : i32
    %dma_start3A_93 = arith.constant 0 : i32
    %dma_start3A_94 = tpu.memref_slice %arg2[%dma_start3A_92, %dma_start3A_93] : memref<20480x128xf32, #tpu.memory_space<hbm>> -> memref<20480x128xf32, #tpu.memory_space<hbm>>
    tpu.enqueue_indirect_dma source(%dma_start3A_94 : memref<20480x128xf32, #tpu.memory_space<hbm>>) target(%arg11 : memref<128x128xf32, #tpu.memory_space<vmem>>) offsets(%dma_start3A_91 : memref<128xi32, #tpu.memory_space<vmem>>) semaphore(%arg17 : memref<!tpu.dma_semaphore, #tpu.memory_space<semaphore_mem>>)
    %dma_start3A_95 = arith.constant 2 : i32
    %dma_start3A_96 = arith.constant 0 : i32
    %dma_start3A_97 = tpu.memref_slice %arg9[%dma_start3A_95, %dma_start3A_96] : memref<8x128xi32, #tpu.memory_space<vmem>> -> memref<1x128xi32, #tpu.memory_space<vmem>>
    %dma_start3A_98 = tpu.memref_squeeze %dma_start3A_97 : memref<1x128xi32, #tpu.memory_space<vmem>> -> memref<128xi32, #tpu.memory_space<vmem>>
    %dma_start3A_99 = arith.constant 0 : i32
    %dma_start3A_100 = arith.constant 0 : i32
    %dma_start3A_101 = tpu.memref_slice %arg3[%dma_start3A_99, %dma_start3A_100] : memref<400x128xf32, #tpu.memory_space<hbm>> -> memref<400x128xf32, #tpu.memory_space<hbm>>
    tpu.enqueue_indirect_dma source(%dma_start3A_101 : memref<400x128xf32, #tpu.memory_space<hbm>>) target(%arg12 : memref<128x128xf32, #tpu.memory_space<vmem>>) offsets(%dma_start3A_98 : memref<128xi32, #tpu.memory_space<vmem>>) semaphore(%arg18 : memref<!tpu.dma_semaphore, #tpu.memory_space<semaphore_mem>>)
    %dma_start3A_102 = arith.constant 2 : i32
    %dma_start3A_103 = arith.constant 0 : i32
    %dma_start3A_104 = tpu.memref_slice %arg10[%dma_start3A_102, %dma_start3A_103] : memref<8x128xi32, #tpu.memory_space<vmem>> -> memref<1x128xi32, #tpu.memory_space<vmem>>
    %dma_start3A_105 = tpu.memref_squeeze %dma_start3A_104 : memref<1x128xi32, #tpu.memory_space<vmem>> -> memref<128xi32, #tpu.memory_space<vmem>>
    %dma_start3A_106 = arith.constant 0 : i32
    %dma_start3A_107 = arith.constant 0 : i32
    %dma_start3A_108 = tpu.memref_slice %arg2[%dma_start3A_106, %dma_start3A_107] : memref<20480x128xf32, #tpu.memory_space<hbm>> -> memref<20480x128xf32, #tpu.memory_space<hbm>>
    tpu.enqueue_indirect_dma source(%dma_start3A_108 : memref<20480x128xf32, #tpu.memory_space<hbm>>) target(%arg13 : memref<128x128xf32, #tpu.memory_space<vmem>>) offsets(%dma_start3A_105 : memref<128xi32, #tpu.memory_space<vmem>>) semaphore(%arg19 : memref<!tpu.dma_semaphore, #tpu.memory_space<semaphore_mem>>)
    %dma_wait3A_109 = arith.constant 1 : i32
    %dma_wait3A_110 = arith.constant 0 : i32
    %dma_wait3A_111 = tpu.memref_slice %arg8[%dma_wait3A_109, %dma_wait3A_110] : memref<8x128xi32, #tpu.memory_space<vmem>> -> memref<1x128xi32, #tpu.memory_space<vmem>>
    %dma_wait3A_112 = tpu.memref_squeeze %dma_wait3A_111 : memref<1x128xi32, #tpu.memory_space<vmem>> -> memref<128xi32, #tpu.memory_space<vmem>>
    %dma_wait3A_113 = arith.constant 0 : i32
    %dma_wait3A_114 = arith.constant 0 : i32
    %dma_wait3A_115 = tpu.memref_slice %arg2[%dma_wait3A_113, %dma_wait3A_114] : memref<20480x128xf32, #tpu.memory_space<hbm>> -> memref<20480x128xf32, #tpu.memory_space<hbm>>
    tpu.wait_indirect_dma semaphore(%arg20 : memref<!tpu.dma_semaphore, #tpu.memory_space<semaphore_mem>>) src(%dma_wait3A_115 : memref<20480x128xf32, #tpu.memory_space<hbm>>) dst(%arg14 : memref<128x128xf32, #tpu.memory_space<vmem>>)
    %dma_wait3A_116 = arith.constant 1 : i32
    %dma_wait3A_117 = arith.constant 0 : i32
    %dma_wait3A_118 = tpu.memref_slice %arg9[%dma_wait3A_116, %dma_wait3A_117] : memref<8x128xi32, #tpu.memory_space<vmem>> -> memref<1x128xi32, #tpu.memory_space<vmem>>
    %dma_wait3A_119 = tpu.memref_squeeze %dma_wait3A_118 : memref<1x128xi32, #tpu.memory_space<vmem>> -> memref<128xi32, #tpu.memory_space<vmem>>
    %dma_wait3A_120 = arith.constant 0 : i32
    %dma_wait3A_121 = arith.constant 0 : i32
    %dma_wait3A_122 = tpu.memref_slice %arg3[%dma_wait3A_120, %dma_wait3A_121] : memref<400x128xf32, #tpu.memory_space<hbm>> -> memref<400x128xf32, #tpu.memory_space<hbm>>
    tpu.wait_indirect_dma semaphore(%arg21 : memref<!tpu.dma_semaphore, #tpu.memory_space<semaphore_mem>>) src(%dma_wait3A_122 : memref<400x128xf32, #tpu.memory_space<hbm>>) dst(%arg15 : memref<128x128xf32, #tpu.memory_space<vmem>>)
    %dma_wait3A_123 = arith.constant 1 : i32
    %dma_wait3A_124 = arith.constant 0 : i32
    %dma_wait3A_125 = tpu.memref_slice %arg10[%dma_wait3A_123, %dma_wait3A_124] : memref<8x128xi32, #tpu.memory_space<vmem>> -> memref<1x128xi32, #tpu.memory_space<vmem>>
    %dma_wait3A_126 = tpu.memref_squeeze %dma_wait3A_125 : memref<1x128xi32, #tpu.memory_space<vmem>> -> memref<128xi32, #tpu.memory_space<vmem>>
    %dma_wait3A_127 = arith.constant 0 : i32
    %dma_wait3A_128 = arith.constant 0 : i32
    %dma_wait3A_129 = tpu.memref_slice %arg2[%dma_wait3A_127, %dma_wait3A_128] : memref<20480x128xf32, #tpu.memory_space<hbm>> -> memref<20480x128xf32, #tpu.memory_space<hbm>>
    tpu.wait_indirect_dma semaphore(%arg22 : memref<!tpu.dma_semaphore, #tpu.memory_space<semaphore_mem>>) src(%dma_wait3A_129 : memref<20480x128xf32, #tpu.memory_space<hbm>>) dst(%arg16 : memref<128x128xf32, #tpu.memory_space<vmem>>)
    %scan3A_130 = arith.constant 0 : i32
    %scan3A_131 = arith.constant 0 : i32
    %scan3A_132 = arith.constant 128 : i32
    %scan3A_133 = arith.addi %scan3A_131, %scan3A_132 : i32
    %scan3A_134 = arith.constant 1 : i32
    scf.for %scan3A_508 = %scan3A_131 to %scan3A_133 step %scan3A_134  : i32 {
      %get3A = arith.index_cast %scan3A_508 : i32 to index
      %get3A_509 = arith.constant 0 : index
      %get3A_510 = tpu.vector_load %arg14[%get3A, %get3A_509] {strides = array<i32>} : memref<128x128xf32, #tpu.memory_space<vmem>>, vector<1x16xf32>,
      %get3A_511 = vector.shape_cast %get3A_510 : vector<1x16xf32> to vector<16xf32>
      %get3A_512 = arith.index_cast %scan3A_508 : i32 to index
      %get3A_513 = arith.constant 0 : index
      %get3A_514 = tpu.vector_load %arg15[%get3A_512, %get3A_513] {strides = array<i32>} : memref<128x128xf32, #tpu.memory_space<vmem>>, vector<1x16xf32>,
      %get3A_515 = vector.shape_cast %get3A_514 : vector<1x16xf32> to vector<16xf32>
      %add3A_516 = arith.addf %get3A_511, %get3A_515 : vector<16xf32>
      %get3A_517 = arith.index_cast %scan3A_508 : i32 to index
      %get3A_518 = arith.constant 0 : index
      %get3A_519 = tpu.vector_load %arg16[%get3A_517, %get3A_518] {strides = array<i32>} : memref<128x128xf32, #tpu.memory_space<vmem>>, vector<1x16xf32>,
      %get3A_520 = vector.shape_cast %get3A_519 : vector<1x16xf32> to vector<16xf32>
      %sub3A = arith.subf %add3A_516, %get3A_520 : vector<16xf32>
      %swap3A = arith.index_cast %scan3A_508 : i32 to index
      %swap3A_521 = arith.constant 0 : index
      %swap3A_522 = tpu.vector_load %arg14[%swap3A, %swap3A_521] {strides = array<i32>} : memref<128x128xf32, #tpu.memory_space<vmem>>, vector<1x16xf32>,
      %swap3A_523 = vector.shape_cast %swap3A_522 : vector<1x16xf32> to vector<16xf32>
      %swap3A_524 = vector.shape_cast %sub3A : vector<16xf32> to vector<1x16xf32>
      tpu.vector_store %arg14[%swap3A, %swap3A_521], %swap3A_524 {strides = array<i32>} : memref<128x128xf32, #tpu.memory_space<vmem>>, vector<1x16xf32>,
      %get3A_525 = arith.index_cast %scan3A_508 : i32 to index
      %get3A_526 = arith.constant 16 : index
      %get3A_527 = tpu.vector_load %arg14[%get3A_525, %get3A_526] {strides = array<i32>} : memref<128x128xf32, #tpu.memory_space<vmem>>, vector<1x16xf32>,
      %get3A_528 = vector.shape_cast %get3A_527 : vector<1x16xf32> to vector<16xf32>
      %get3A_529 = arith.index_cast %scan3A_508 : i32 to index
      %get3A_530 = arith.constant 16 : index
      %get3A_531 = tpu.vector_load %arg15[%get3A_529, %get3A_530] {strides = array<i32>} : memref<128x128xf32, #tpu.memory_space<vmem>>, vector<1x16xf32>,
      %get3A_532 = vector.shape_cast %get3A_531 : vector<1x16xf32> to vector<16xf32>
      %add3A_533 = arith.addf %get3A_528, %get3A_532 : vector<16xf32>
      %get3A_534 = arith.index_cast %scan3A_508 : i32 to index
      %get3A_535 = arith.constant 16 : index
      %get3A_536 = tpu.vector_load %arg16[%get3A_534, %get3A_535] {strides = array<i32>} : memref<128x128xf32, #tpu.memory_space<vmem>>, vector<1x16xf32>,
      %get3A_537 = vector.shape_cast %get3A_536 : vector<1x16xf32> to vector<16xf32>
      %sub3A_538 = arith.subf %add3A_533, %get3A_537 : vector<16xf32>
      %swap3A_539 = arith.index_cast %scan3A_508 : i32 to index
      %swap3A_540 = arith.constant 16 : index
      %swap3A_541 = tpu.vector_load %arg14[%swap3A_539, %swap3A_540] {strides = array<i32>} : memref<128x128xf32, #tpu.memory_space<vmem>>, vector<1x16xf32>,
      %swap3A_542 = vector.shape_cast %swap3A_541 : vector<1x16xf32> to vector<16xf32>
      %swap3A_543 = vector.shape_cast %sub3A_538 : vector<16xf32> to vector<1x16xf32>
      tpu.vector_store %arg14[%swap3A_539, %swap3A_540], %swap3A_543 {strides = array<i32>} : memref<128x128xf32, #tpu.memory_space<vmem>>, vector<1x16xf32>,
      %get3A_544 = arith.index_cast %scan3A_508 : i32 to index
      %get3A_545 = arith.constant 32 : index
      %get3A_546 = tpu.vector_load %arg14[%get3A_544, %get3A_545] {strides = array<i32>} : memref<128x128xf32, #tpu.memory_space<vmem>>, vector<1x16xf32>,
      %get3A_547 = vector.shape_cast %get3A_546 : vector<1x16xf32> to vector<16xf32>
      %get3A_548 = arith.index_cast %scan3A_508 : i32 to index
      %get3A_549 = arith.constant 32 : index
      %get3A_550 = tpu.vector_load %arg15[%get3A_548, %get3A_549] {strides = array<i32>} : memref<128x128xf32, #tpu.memory_space<vmem>>, vector<1x16xf32>,
      %get3A_551 = vector.shape_cast %get3A_550 : vector<1x16xf32> to vector<16xf32>
      %add3A_552 = arith.addf %get3A_547, %get3A_551 : vector<16xf32>
      %get3A_553 = arith.index_cast %scan3A_508 : i32 to index
      %get3A_554 = arith.constant 32 : index
      %get3A_555 = tpu.vector_load %arg16[%get3A_553, %get3A_554] {strides = array<i32>} : memref<128x128xf32, #tpu.memory_space<vmem>>, vector<1x16xf32>,
      %get3A_556 = vector.shape_cast %get3A_555 : vector<1x16xf32> to vector<16xf32>
      %sub3A_557 = arith.subf %add3A_552, %get3A_556 : vector<16xf32>
      %swap3A_558 = arith.index_cast %scan3A_508 : i32 to index
      %swap3A_559 = arith.constant 32 : index
      %swap3A_560 = tpu.vector_load %arg14[%swap3A_558, %swap3A_559] {strides = array<i32>} : memref<128x128xf32, #tpu.memory_space<vmem>>, vector<1x16xf32>,
      %swap3A_561 = vector.shape_cast %swap3A_560 : vector<1x16xf32> to vector<16xf32>
      %swap3A_562 = vector.shape_cast %sub3A_557 : vector<16xf32> to vector<1x16xf32>
      tpu.vector_store %arg14[%swap3A_558, %swap3A_559], %swap3A_562 {strides = array<i32>} : memref<128x128xf32, #tpu.memory_space<vmem>>, vector<1x16xf32>,
      %get3A_563 = arith.index_cast %scan3A_508 : i32 to index
      %get3A_564 = arith.constant 48 : index
      %get3A_565 = tpu.vector_load %arg14[%get3A_563, %get3A_564] {strides = array<i32>} : memref<128x128xf32, #tpu.memory_space<vmem>>, vector<1x16xf32>,
      %get3A_566 = vector.shape_cast %get3A_565 : vector<1x16xf32> to vector<16xf32>
      %get3A_567 = arith.index_cast %scan3A_508 : i32 to index
      %get3A_568 = arith.constant 48 : index
      %get3A_569 = tpu.vector_load %arg15[%get3A_567, %get3A_568] {strides = array<i32>} : memref<128x128xf32, #tpu.memory_space<vmem>>, vector<1x16xf32>,
      %get3A_570 = vector.shape_cast %get3A_569 : vector<1x16xf32> to vector<16xf32>
      %add3A_571 = arith.addf %get3A_566, %get3A_570 : vector<16xf32>
      %get3A_572 = arith.index_cast %scan3A_508 : i32 to index
      %get3A_573 = arith.constant 48 : index
      %get3A_574 = tpu.vector_load %arg16[%get3A_572, %get3A_573] {strides = array<i32>} : memref<128x128xf32, #tpu.memory_space<vmem>>, vector<1x16xf32>,
      %get3A_575 = vector.shape_cast %get3A_574 : vector<1x16xf32> to vector<16xf32>
      %sub3A_576 = arith.subf %add3A_571, %get3A_575 : vector<16xf32>
      %swap3A_577 = arith.index_cast %scan3A_508 : i32 to index
      %swap3A_578 = arith.constant 48 : index
      %swap3A_579 = tpu.vector_load %arg14[%swap3A_577, %swap3A_578] {strides = array<i32>} : memref<128x128xf32, #tpu.memory_space<vmem>>, vector<1x16xf32>,
      %swap3A_580 = vector.shape_cast %swap3A_579 : vector<1x16xf32> to vector<16xf32>
      %swap3A_581 = vector.shape_cast %sub3A_576 : vector<16xf32> to vector<1x16xf32>
      tpu.vector_store %arg14[%swap3A_577, %swap3A_578], %swap3A_581 {strides = array<i32>} : memref<128x128xf32, #tpu.memory_space<vmem>>, vector<1x16xf32>,
      %get3A_582 = arith.index_cast %scan3A_508 : i32 to index
      %get3A_583 = arith.constant 64 : index
      %get3A_584 = tpu.vector_load %arg14[%get3A_582, %get3A_583] {strides = array<i32>} : memref<128x128xf32, #tpu.memory_space<vmem>>, vector<1x16xf32>,
      %get3A_585 = vector.shape_cast %get3A_584 : vector<1x16xf32> to vector<16xf32>
      %get3A_586 = arith.index_cast %scan3A_508 : i32 to index
      %get3A_587 = arith.constant 64 : index
      %get3A_588 = tpu.vector_load %arg15[%get3A_586, %get3A_587] {strides = array<i32>} : memref<128x128xf32, #tpu.memory_space<vmem>>, vector<1x16xf32>,
      %get3A_589 = vector.shape_cast %get3A_588 : vector<1x16xf32> to vector<16xf32>
      %add3A_590 = arith.addf %get3A_585, %get3A_589 : vector<16xf32>
      %get3A_591 = arith.index_cast %scan3A_508 : i32 to index
      %get3A_592 = arith.constant 64 : index
      %get3A_593 = tpu.vector_load %arg16[%get3A_591, %get3A_592] {strides = array<i32>} : memref<128x128xf32, #tpu.memory_space<vmem>>, vector<1x16xf32>,
      %get3A_594 = vector.shape_cast %get3A_593 : vector<1x16xf32> to vector<16xf32>
      %sub3A_595 = arith.subf %add3A_590, %get3A_594 : vector<16xf32>
      %swap3A_596 = arith.index_cast %scan3A_508 : i32 to index
      %swap3A_597 = arith.constant 64 : index
      %swap3A_598 = tpu.vector_load %arg14[%swap3A_596, %swap3A_597] {strides = array<i32>} : memref<128x128xf32, #tpu.memory_space<vmem>>, vector<1x16xf32>,
      %swap3A_599 = vector.shape_cast %swap3A_598 : vector<1x16xf32> to vector<16xf32>
      %swap3A_600 = vector.shape_cast %sub3A_595 : vector<16xf32> to vector<1x16xf32>
      tpu.vector_store %arg14[%swap3A_596, %swap3A_597], %swap3A_600 {strides = array<i32>} : memref<128x128xf32, #tpu.memory_space<vmem>>, vector<1x16xf32>,
      %get3A_601 = arith.index_cast %scan3A_508 : i32 to index
      %get3A_602 = arith.constant 80 : index
      %get3A_603 = tpu.vector_load %arg14[%get3A_601, %get3A_602] {strides = array<i32>} : memref<128x128xf32, #tpu.memory_space<vmem>>, vector<1x16xf32>,
      %get3A_604 = vector.shape_cast %get3A_603 : vector<1x16xf32> to vector<16xf32>
      %get3A_605 = arith.index_cast %scan3A_508 : i32 to index
      %get3A_606 = arith.constant 80 : index
      %get3A_607 = tpu.vector_load %arg15[%get3A_605, %get3A_606] {strides = array<i32>} : memref<128x128xf32, #tpu.memory_space<vmem>>, vector<1x16xf32>,
      %get3A_608 = vector.shape_cast %get3A_607 : vector<1x16xf32> to vector<16xf32>
      %add3A_609 = arith.addf %get3A_604, %get3A_608 : vector<16xf32>
      %get3A_610 = arith.index_cast %scan3A_508 : i32 to index
      %get3A_611 = arith.constant 80 : index
      %get3A_612 = tpu.vector_load %arg16[%get3A_610, %get3A_611] {strides = array<i32>} : memref<128x128xf32, #tpu.memory_space<vmem>>, vector<1x16xf32>,
      %get3A_613 = vector.shape_cast %get3A_612 : vector<1x16xf32> to vector<16xf32>
      %sub3A_614 = arith.subf %add3A_609, %get3A_613 : vector<16xf32>
      %swap3A_615 = arith.index_cast %scan3A_508 : i32 to index
      %swap3A_616 = arith.constant 80 : index
      %swap3A_617 = tpu.vector_load %arg14[%swap3A_615, %swap3A_616] {strides = array<i32>} : memref<128x128xf32, #tpu.memory_space<vmem>>, vector<1x16xf32>,
      %swap3A_618 = vector.shape_cast %swap3A_617 : vector<1x16xf32> to vector<16xf32>
      %swap3A_619 = vector.shape_cast %sub3A_614 : vector<16xf32> to vector<1x16xf32>
      tpu.vector_store %arg14[%swap3A_615, %swap3A_616], %swap3A_619 {strides = array<i32>} : memref<128x128xf32, #tpu.memory_space<vmem>>, vector<1x16xf32>,
      %get3A_620 = arith.index_cast %scan3A_508 : i32 to index
      %get3A_621 = arith.constant 96 : index
      %get3A_622 = tpu.vector_load %arg14[%get3A_620, %get3A_621] {strides = array<i32>} : memref<128x128xf32, #tpu.memory_space<vmem>>, vector<1x16xf32>,
      %get3A_623 = vector.shape_cast %get3A_622 : vector<1x16xf32> to vector<16xf32>
      %get3A_624 = arith.index_cast %scan3A_508 : i32 to index
      %get3A_625 = arith.constant 96 : index
      %get3A_626 = tpu.vector_load %arg15[%get3A_624, %get3A_625] {strides = array<i32>} : memref<128x128xf32, #tpu.memory_space<vmem>>, vector<1x16xf32>,
      %get3A_627 = vector.shape_cast %get3A_626 : vector<1x16xf32> to vector<16xf32>
      %add3A_628 = arith.addf %get3A_623, %get3A_627 : vector<16xf32>
      %get3A_629 = arith.index_cast %scan3A_508 : i32 to index
      %get3A_630 = arith.constant 96 : index
      %get3A_631 = tpu.vector_load %arg16[%get3A_629, %get3A_630] {strides = array<i32>} : memref<128x128xf32, #tpu.memory_space<vmem>>, vector<1x16xf32>,
      %get3A_632 = vector.shape_cast %get3A_631 : vector<1x16xf32> to vector<16xf32>
      %sub3A_633 = arith.subf %add3A_628, %get3A_632 : vector<16xf32>
      %swap3A_634 = arith.index_cast %scan3A_508 : i32 to index
      %swap3A_635 = arith.constant 96 : index
      %swap3A_636 = tpu.vector_load %arg14[%swap3A_634, %swap3A_635] {strides = array<i32>} : memref<128x128xf32, #tpu.memory_space<vmem>>, vector<1x16xf32>,
      %swap3A_637 = vector.shape_cast %swap3A_636 : vector<1x16xf32> to vector<16xf32>
      %swap3A_638 = vector.shape_cast %sub3A_633 : vector<16xf32> to vector<1x16xf32>
      tpu.vector_store %arg14[%swap3A_634, %swap3A_635], %swap3A_638 {strides = array<i32>} : memref<128x128xf32, #tpu.memory_space<vmem>>, vector<1x16xf32>,
      %get3A_639 = arith.index_cast %scan3A_508 : i32 to index
      %get3A_640 = arith.constant 112 : index
      %get3A_641 = tpu.vector_load %arg14[%get3A_639, %get3A_640] {strides = array<i32>} : memref<128x128xf32, #tpu.memory_space<vmem>>, vector<1x16xf32>,
      %get3A_642 = vector.shape_cast %get3A_641 : vector<1x16xf32> to vector<16xf32>
      %get3A_643 = arith.index_cast %scan3A_508 : i32 to index
      %get3A_644 = arith.constant 112 : index
      %get3A_645 = tpu.vector_load %arg15[%get3A_643, %get3A_644] {strides = array<i32>} : memref<128x128xf32, #tpu.memory_space<vmem>>, vector<1x16xf32>,
      %get3A_646 = vector.shape_cast %get3A_645 : vector<1x16xf32> to vector<16xf32>
      %add3A_647 = arith.addf %get3A_642, %get3A_646 : vector<16xf32>
      %get3A_648 = arith.index_cast %scan3A_508 : i32 to index
      %get3A_649 = arith.constant 112 : index
      %get3A_650 = tpu.vector_load %arg16[%get3A_648, %get3A_649] {strides = array<i32>} : memref<128x128xf32, #tpu.memory_space<vmem>>, vector<1x16xf32>,
      %get3A_651 = vector.shape_cast %get3A_650 : vector<1x16xf32> to vector<16xf32>
      %sub3A_652 = arith.subf %add3A_647, %get3A_651 : vector<16xf32>
      %swap3A_653 = arith.index_cast %scan3A_508 : i32 to index
      %swap3A_654 = arith.constant 112 : index
      %swap3A_655 = tpu.vector_load %arg14[%swap3A_653, %swap3A_654] {strides = array<i32>} : memref<128x128xf32, #tpu.memory_space<vmem>>, vector<1x16xf32>,
      %swap3A_656 = vector.shape_cast %swap3A_655 : vector<1x16xf32> to vector<16xf32>
      %swap3A_657 = vector.shape_cast %sub3A_652 : vector<16xf32> to vector<1x16xf32>
      tpu.vector_store %arg14[%swap3A_653, %swap3A_654], %swap3A_657 {strides = array<i32>} : memref<128x128xf32, #tpu.memory_space<vmem>>, vector<1x16xf32>,
    }
    %scan3A_135 = arith.constant 128 : i32
    %mul3A_136 = arith.constant 16384 : i32
    %mul3A_137 = arith.muli %arg0, %mul3A_136 : i32
    %mul3A_138 = arith.constant 1024 : i32
    %mul3A_139 = arith.muli %arg1, %mul3A_138 : i32
    %add3A_140 = arith.addi %mul3A_137, %mul3A_139 : i32
    %add3A_141 = arith.constant 128 : i32
    %add3A_142 = arith.addi %add3A_140, %add3A_141 : i32
    %dma_start3A_143 = arith.constant 0 : i32
    %dma_start3A_144 = tpu.memref_slice %arg7[%add3A_142, %dma_start3A_143] : memref<32768x128xf32, #tpu.memory_space<hbm>> -> memref<128x128xf32, #tpu.memory_space<hbm>>
    %dma_start3A_145 = arith.constant 0 : i32
    %dma_start3A_146 = tpu.memref_slice %arg7[%add3A_142, %dma_start3A_145] : memref<32768x128xf32, #tpu.memory_space<hbm>> -> memref<128x128xf32, #tpu.memory_space<hbm>>
    tpu.enqueue_dma source(%arg14 : memref<128x128xf32, #tpu.memory_space<vmem>>) target(%dma_start3A_146 : memref<128x128xf32, #tpu.memory_space<hbm>>) target_semaphore(%arg24 : memref<!tpu.dma_semaphore, #tpu.memory_space<semaphore_mem>>)
    %dma_wait3A_147 = arith.constant 0 : i32
    %dma_wait3A_148 = tpu.memref_slice %arg7[%add3A_142, %dma_wait3A_147] : memref<32768x128xf32, #tpu.memory_space<hbm>> -> memref<128x128xf32, #tpu.memory_space<hbm>>
    %dma_wait3A_149 = arith.constant 0 : i32
    %dma_wait3A_150 = tpu.memref_slice %arg7[%add3A_142, %dma_wait3A_149] : memref<32768x128xf32, #tpu.memory_space<hbm>> -> memref<128x128xf32, #tpu.memory_space<hbm>>
    tpu.wait_dma2 semaphore(%arg24 : memref<!tpu.dma_semaphore, #tpu.memory_space<semaphore_mem>>) src(%arg14 : memref<128x128xf32, #tpu.memory_space<vmem>>) dst(%dma_wait3A_150 : memref<128x128xf32, #tpu.memory_space<hbm>>)
    %dma_start3A_151 = arith.constant 3 : i32
    %dma_start3A_152 = arith.constant 0 : i32
    %dma_start3A_153 = tpu.memref_slice %arg8[%dma_start3A_151, %dma_start3A_152] : memref<8x128xi32, #tpu.memory_space<vmem>> -> memref<1x128xi32, #tpu.memory_space<vmem>>
    %dma_start3A_154 = tpu.memref_squeeze %dma_start3A_153 : memref<1x128xi32, #tpu.memory_space<vmem>> -> memref<128xi32, #tpu.memory_space<vmem>>
    %dma_start3A_155 = arith.constant 0 : i32
    %dma_start3A_156 = arith.constant 0 : i32
    %dma_start3A_157 = tpu.memref_slice %arg2[%dma_start3A_155, %dma_start3A_156] : memref<20480x128xf32, #tpu.memory_space<hbm>> -> memref<20480x128xf32, #tpu.memory_space<hbm>>
    tpu.enqueue_indirect_dma source(%dma_start3A_157 : memref<20480x128xf32, #tpu.memory_space<hbm>>) target(%arg14 : memref<128x128xf32, #tpu.memory_space<vmem>>) offsets(%dma_start3A_154 : memref<128xi32, #tpu.memory_space<vmem>>) semaphore(%arg20 : memref<!tpu.dma_semaphore, #tpu.memory_space<semaphore_mem>>)
    %dma_start3A_158 = arith.constant 3 : i32
    %dma_start3A_159 = arith.constant 0 : i32
    %dma_start3A_160 = tpu.memref_slice %arg9[%dma_start3A_158, %dma_start3A_159] : memref<8x128xi32, #tpu.memory_space<vmem>> -> memref<1x128xi32, #tpu.memory_space<vmem>>
    %dma_start3A_161 = tpu.memref_squeeze %dma_start3A_160 : memref<1x128xi32, #tpu.memory_space<vmem>> -> memref<128xi32, #tpu.memory_space<vmem>>
    %dma_start3A_162 = arith.constant 0 : i32
    %dma_start3A_163 = arith.constant 0 : i32
    %dma_start3A_164 = tpu.memref_slice %arg3[%dma_start3A_162, %dma_start3A_163] : memref<400x128xf32, #tpu.memory_space<hbm>> -> memref<400x128xf32, #tpu.memory_space<hbm>>
    tpu.enqueue_indirect_dma source(%dma_start3A_164 : memref<400x128xf32, #tpu.memory_space<hbm>>) target(%arg15 : memref<128x128xf32, #tpu.memory_space<vmem>>) offsets(%dma_start3A_161 : memref<128xi32, #tpu.memory_space<vmem>>) semaphore(%arg21 : memref<!tpu.dma_semaphore, #tpu.memory_space<semaphore_mem>>)
    %dma_start3A_165 = arith.constant 3 : i32
    %dma_start3A_166 = arith.constant 0 : i32
    %dma_start3A_167 = tpu.memref_slice %arg10[%dma_start3A_165, %dma_start3A_166] : memref<8x128xi32, #tpu.memory_space<vmem>> -> memref<1x128xi32, #tpu.memory_space<vmem>>
    %dma_start3A_168 = tpu.memref_squeeze %dma_start3A_167 : memref<1x128xi32, #tpu.memory_space<vmem>> -> memref<128xi32, #tpu.memory_space<vmem>>
    %dma_start3A_169 = arith.constant 0 : i32
    %dma_start3A_170 = arith.constant 0 : i32
    %dma_start3A_171 = tpu.memref_slice %arg2[%dma_start3A_169, %dma_start3A_170] : memref<20480x128xf32, #tpu.memory_space<hbm>> -> memref<20480x128xf32, #tpu.memory_space<hbm>>
    tpu.enqueue_indirect_dma source(%dma_start3A_171 : memref<20480x128xf32, #tpu.memory_space<hbm>>) target(%arg16 : memref<128x128xf32, #tpu.memory_space<vmem>>) offsets(%dma_start3A_168 : memref<128xi32, #tpu.memory_space<vmem>>) semaphore(%arg22 : memref<!tpu.dma_semaphore, #tpu.memory_space<semaphore_mem>>)
    %dma_wait3A_172 = arith.constant 2 : i32
    %dma_wait3A_173 = arith.constant 0 : i32
    %dma_wait3A_174 = tpu.memref_slice %arg8[%dma_wait3A_172, %dma_wait3A_173] : memref<8x128xi32, #tpu.memory_space<vmem>> -> memref<1x128xi32, #tpu.memory_space<vmem>>
    %dma_wait3A_175 = tpu.memref_squeeze %dma_wait3A_174 : memref<1x128xi32, #tpu.memory_space<vmem>> -> memref<128xi32, #tpu.memory_space<vmem>>
    %dma_wait3A_176 = arith.constant 0 : i32
    %dma_wait3A_177 = arith.constant 0 : i32
    %dma_wait3A_178 = tpu.memref_slice %arg2[%dma_wait3A_176, %dma_wait3A_177] : memref<20480x128xf32, #tpu.memory_space<hbm>> -> memref<20480x128xf32, #tpu.memory_space<hbm>>
    tpu.wait_indirect_dma semaphore(%arg17 : memref<!tpu.dma_semaphore, #tpu.memory_space<semaphore_mem>>) src(%dma_wait3A_178 : memref<20480x128xf32, #tpu.memory_space<hbm>>) dst(%arg11 : memref<128x128xf32, #tpu.memory_space<vmem>>)
    %dma_wait3A_179 = arith.constant 2 : i32
    %dma_wait3A_180 = arith.constant 0 : i32
    %dma_wait3A_181 = tpu.memref_slice %arg9[%dma_wait3A_179, %dma_wait3A_180] : memref<8x128xi32, #tpu.memory_space<vmem>> -> memref<1x128xi32, #tpu.memory_space<vmem>>
    %dma_wait3A_182 = tpu.memref_squeeze %dma_wait3A_181 : memref<1x128xi32, #tpu.memory_space<vmem>> -> memref<128xi32, #tpu.memory_space<vmem>>
    %dma_wait3A_183 = arith.constant 0 : i32
    %dma_wait3A_184 = arith.constant 0 : i32
    %dma_wait3A_185 = tpu.memref_slice %arg3[%dma_wait3A_183, %dma_wait3A_184] : memref<400x128xf32, #tpu.memory_space<hbm>> -> memref<400x128xf32, #tpu.memory_space<hbm>>
    tpu.wait_indirect_dma semaphore(%arg18 : memref<!tpu.dma_semaphore, #tpu.memory_space<semaphore_mem>>) src(%dma_wait3A_185 : memref<400x128xf32, #tpu.memory_space<hbm>>) dst(%arg12 : memref<128x128xf32, #tpu.memory_space<vmem>>)
    %dma_wait3A_186 = arith.constant 2 : i32
    %dma_wait3A_187 = arith.constant 0 : i32
    %dma_wait3A_188 = tpu.memref_slice %arg10[%dma_wait3A_186, %dma_wait3A_187] : memref<8x128xi32, #tpu.memory_space<vmem>> -> memref<1x128xi32, #tpu.memory_space<vmem>>
    %dma_wait3A_189 = tpu.memref_squeeze %dma_wait3A_188 : memref<1x128xi32, #tpu.memory_space<vmem>> -> memref<128xi32, #tpu.memory_space<vmem>>
    %dma_wait3A_190 = arith.constant 0 : i32
    %dma_wait3A_191 = arith.constant 0 : i32
    %dma_wait3A_192 = tpu.memref_slice %arg2[%dma_wait3A_190, %dma_wait3A_191] : memref<20480x128xf32, #tpu.memory_space<hbm>> -> memref<20480x128xf32, #tpu.memory_space<hbm>>
    tpu.wait_indirect_dma semaphore(%arg19 : memref<!tpu.dma_semaphore, #tpu.memory_space<semaphore_mem>>) src(%dma_wait3A_192 : memref<20480x128xf32, #tpu.memory_space<hbm>>) dst(%arg13 : memref<128x128xf32, #tpu.memory_space<vmem>>)
    %scan3A_193 = arith.constant 0 : i32
    %scan3A_194 = arith.constant 0 : i32
    %scan3A_195 = arith.constant 128 : i32
    %scan3A_196 = arith.addi %scan3A_194, %scan3A_195 : i32
    %scan3A_197 = arith.constant 1 : i32
    scf.for %scan3A_508 = %scan3A_194 to %scan3A_196 step %scan3A_197  : i32 {
      %get3A = arith.index_cast %scan3A_508 : i32 to index
      %get3A_509 = arith.constant 0 : index
      %get3A_510 = tpu.vector_load %arg11[%get3A, %get3A_509] {strides = array<i32>} : memref<128x128xf32, #tpu.memory_space<vmem>>, vector<1x16xf32>,
      %get3A_511 = vector.shape_cast %get3A_510 : vector<1x16xf32> to vector<16xf32>
      %get3A_512 = arith.index_cast %scan3A_508 : i32 to index
      %get3A_513 = arith.constant 0 : index
      %get3A_514 = tpu.vector_load %arg12[%get3A_512, %get3A_513] {strides = array<i32>} : memref<128x128xf32, #tpu.memory_space<vmem>>, vector<1x16xf32>,
      %get3A_515 = vector.shape_cast %get3A_514 : vector<1x16xf32> to vector<16xf32>
      %add3A_516 = arith.addf %get3A_511, %get3A_515 : vector<16xf32>
      %get3A_517 = arith.index_cast %scan3A_508 : i32 to index
      %get3A_518 = arith.constant 0 : index
      %get3A_519 = tpu.vector_load %arg13[%get3A_517, %get3A_518] {strides = array<i32>} : memref<128x128xf32, #tpu.memory_space<vmem>>, vector<1x16xf32>,
      %get3A_520 = vector.shape_cast %get3A_519 : vector<1x16xf32> to vector<16xf32>
      %sub3A = arith.subf %add3A_516, %get3A_520 : vector<16xf32>
      %swap3A = arith.index_cast %scan3A_508 : i32 to index
      %swap3A_521 = arith.constant 0 : index
      %swap3A_522 = tpu.vector_load %arg11[%swap3A, %swap3A_521] {strides = array<i32>} : memref<128x128xf32, #tpu.memory_space<vmem>>, vector<1x16xf32>,
      %swap3A_523 = vector.shape_cast %swap3A_522 : vector<1x16xf32> to vector<16xf32>
      %swap3A_524 = vector.shape_cast %sub3A : vector<16xf32> to vector<1x16xf32>
      tpu.vector_store %arg11[%swap3A, %swap3A_521], %swap3A_524 {strides = array<i32>} : memref<128x128xf32, #tpu.memory_space<vmem>>, vector<1x16xf32>,
      %get3A_525 = arith.index_cast %scan3A_508 : i32 to index
      %get3A_526 = arith.constant 16 : index
      %get3A_527 = tpu.vector_load %arg11[%get3A_525, %get3A_526] {strides = array<i32>} : memref<128x128xf32, #tpu.memory_space<vmem>>, vector<1x16xf32>,
      %get3A_528 = vector.shape_cast %get3A_527 : vector<1x16xf32> to vector<16xf32>
      %get3A_529 = arith.index_cast %scan3A_508 : i32 to index
      %get3A_530 = arith.constant 16 : index
      %get3A_531 = tpu.vector_load %arg12[%get3A_529, %get3A_530] {strides = array<i32>} : memref<128x128xf32, #tpu.memory_space<vmem>>, vector<1x16xf32>,
      %get3A_532 = vector.shape_cast %get3A_531 : vector<1x16xf32> to vector<16xf32>
      %add3A_533 = arith.addf %get3A_528, %get3A_532 : vector<16xf32>
      %get3A_534 = arith.index_cast %scan3A_508 : i32 to index
      %get3A_535 = arith.constant 16 : index
      %get3A_536 = tpu.vector_load %arg13[%get3A_534, %get3A_535] {strides = array<i32>} : memref<128x128xf32, #tpu.memory_space<vmem>>, vector<1x16xf32>,
      %get3A_537 = vector.shape_cast %get3A_536 : vector<1x16xf32> to vector<16xf32>
      %sub3A_538 = arith.subf %add3A_533, %get3A_537 : vector<16xf32>
      %swap3A_539 = arith.index_cast %scan3A_508 : i32 to index
      %swap3A_540 = arith.constant 16 : index
      %swap3A_541 = tpu.vector_load %arg11[%swap3A_539, %swap3A_540] {strides = array<i32>} : memref<128x128xf32, #tpu.memory_space<vmem>>, vector<1x16xf32>,
      %swap3A_542 = vector.shape_cast %swap3A_541 : vector<1x16xf32> to vector<16xf32>
      %swap3A_543 = vector.shape_cast %sub3A_538 : vector<16xf32> to vector<1x16xf32>
      tpu.vector_store %arg11[%swap3A_539, %swap3A_540], %swap3A_543 {strides = array<i32>} : memref<128x128xf32, #tpu.memory_space<vmem>>, vector<1x16xf32>,
      %get3A_544 = arith.index_cast %scan3A_508 : i32 to index
      %get3A_545 = arith.constant 32 : index
      %get3A_546 = tpu.vector_load %arg11[%get3A_544, %get3A_545] {strides = array<i32>} : memref<128x128xf32, #tpu.memory_space<vmem>>, vector<1x16xf32>,
      %get3A_547 = vector.shape_cast %get3A_546 : vector<1x16xf32> to vector<16xf32>
      %get3A_548 = arith.index_cast %scan3A_508 : i32 to index
      %get3A_549 = arith.constant 32 : index
      %get3A_550 = tpu.vector_load %arg12[%get3A_548, %get3A_549] {strides = array<i32>} : memref<128x128xf32, #tpu.memory_space<vmem>>, vector<1x16xf32>,
      %get3A_551 = vector.shape_cast %get3A_550 : vector<1x16xf32> to vector<16xf32>
      %add3A_552 = arith.addf %get3A_547, %get3A_551 : vector<16xf32>
      %get3A_553 = arith.index_cast %scan3A_508 : i32 to index
      %get3A_554 = arith.constant 32 : index
      %get3A_555 = tpu.vector_load %arg13[%get3A_553, %get3A_554] {strides = array<i32>} : memref<128x128xf32, #tpu.memory_space<vmem>>, vector<1x16xf32>,
      %get3A_556 = vector.shape_cast %get3A_555 : vector<1x16xf32> to vector<16xf32>
      %sub3A_557 = arith.subf %add3A_552, %get3A_556 : vector<16xf32>
      %swap3A_558 = arith.index_cast %scan3A_508 : i32 to index
      %swap3A_559 = arith.constant 32 : index
      %swap3A_560 = tpu.vector_load %arg11[%swap3A_558, %swap3A_559] {strides = array<i32>} : memref<128x128xf32, #tpu.memory_space<vmem>>, vector<1x16xf32>,
      %swap3A_561 = vector.shape_cast %swap3A_560 : vector<1x16xf32> to vector<16xf32>
      %swap3A_562 = vector.shape_cast %sub3A_557 : vector<16xf32> to vector<1x16xf32>
      tpu.vector_store %arg11[%swap3A_558, %swap3A_559], %swap3A_562 {strides = array<i32>} : memref<128x128xf32, #tpu.memory_space<vmem>>, vector<1x16xf32>,
      %get3A_563 = arith.index_cast %scan3A_508 : i32 to index
      %get3A_564 = arith.constant 48 : index
      %get3A_565 = tpu.vector_load %arg11[%get3A_563, %get3A_564] {strides = array<i32>} : memref<128x128xf32, #tpu.memory_space<vmem>>, vector<1x16xf32>,
      %get3A_566 = vector.shape_cast %get3A_565 : vector<1x16xf32> to vector<16xf32>
      %get3A_567 = arith.index_cast %scan3A_508 : i32 to index
      %get3A_568 = arith.constant 48 : index
      %get3A_569 = tpu.vector_load %arg12[%get3A_567, %get3A_568] {strides = array<i32>} : memref<128x128xf32, #tpu.memory_space<vmem>>, vector<1x16xf32>,
      %get3A_570 = vector.shape_cast %get3A_569 : vector<1x16xf32> to vector<16xf32>
      %add3A_571 = arith.addf %get3A_566, %get3A_570 : vector<16xf32>
      %get3A_572 = arith.index_cast %scan3A_508 : i32 to index
      %get3A_573 = arith.constant 48 : index
      %get3A_574 = tpu.vector_load %arg13[%get3A_572, %get3A_573] {strides = array<i32>} : memref<128x128xf32, #tpu.memory_space<vmem>>, vector<1x16xf32>,
      %get3A_575 = vector.shape_cast %get3A_574 : vector<1x16xf32> to vector<16xf32>
      %sub3A_576 = arith.subf %add3A_571, %get3A_575 : vector<16xf32>
      %swap3A_577 = arith.index_cast %scan3A_508 : i32 to index
      %swap3A_578 = arith.constant 48 : index
      %swap3A_579 = tpu.vector_load %arg11[%swap3A_577, %swap3A_578] {strides = array<i32>} : memref<128x128xf32, #tpu.memory_space<vmem>>, vector<1x16xf32>,
      %swap3A_580 = vector.shape_cast %swap3A_579 : vector<1x16xf32> to vector<16xf32>
      %swap3A_581 = vector.shape_cast %sub3A_576 : vector<16xf32> to vector<1x16xf32>
      tpu.vector_store %arg11[%swap3A_577, %swap3A_578], %swap3A_581 {strides = array<i32>} : memref<128x128xf32, #tpu.memory_space<vmem>>, vector<1x16xf32>,
      %get3A_582 = arith.index_cast %scan3A_508 : i32 to index
      %get3A_583 = arith.constant 64 : index
      %get3A_584 = tpu.vector_load %arg11[%get3A_582, %get3A_583] {strides = array<i32>} : memref<128x128xf32, #tpu.memory_space<vmem>>, vector<1x16xf32>,
      %get3A_585 = vector.shape_cast %get3A_584 : vector<1x16xf32> to vector<16xf32>
      %get3A_586 = arith.index_cast %scan3A_508 : i32 to index
      %get3A_587 = arith.constant 64 : index
      %get3A_588 = tpu.vector_load %arg12[%get3A_586, %get3A_587] {strides = array<i32>} : memref<128x128xf32, #tpu.memory_space<vmem>>, vector<1x16xf32>,
      %get3A_589 = vector.shape_cast %get3A_588 : vector<1x16xf32> to vector<16xf32>
      %add3A_590 = arith.addf %get3A_585, %get3A_589 : vector<16xf32>
      %get3A_591 = arith.index_cast %scan3A_508 : i32 to index
      %get3A_592 = arith.constant 64 : index
      %get3A_593 = tpu.vector_load %arg13[%get3A_591, %get3A_592] {strides = array<i32>} : memref<128x128xf32, #tpu.memory_space<vmem>>, vector<1x16xf32>,
      %get3A_594 = vector.shape_cast %get3A_593 : vector<1x16xf32> to vector<16xf32>
      %sub3A_595 = arith.subf %add3A_590, %get3A_594 : vector<16xf32>
      %swap3A_596 = arith.index_cast %scan3A_508 : i32 to index
      %swap3A_597 = arith.constant 64 : index
      %swap3A_598 = tpu.vector_load %arg11[%swap3A_596, %swap3A_597] {strides = array<i32>} : memref<128x128xf32, #tpu.memory_space<vmem>>, vector<1x16xf32>,
      %swap3A_599 = vector.shape_cast %swap3A_598 : vector<1x16xf32> to vector<16xf32>
      %swap3A_600 = vector.shape_cast %sub3A_595 : vector<16xf32> to vector<1x16xf32>
      tpu.vector_store %arg11[%swap3A_596, %swap3A_597], %swap3A_600 {strides = array<i32>} : memref<128x128xf32, #tpu.memory_space<vmem>>, vector<1x16xf32>,
      %get3A_601 = arith.index_cast %scan3A_508 : i32 to index
      %get3A_602 = arith.constant 80 : index
      %get3A_603 = tpu.vector_load %arg11[%get3A_601, %get3A_602] {strides = array<i32>} : memref<128x128xf32, #tpu.memory_space<vmem>>, vector<1x16xf32>,
      %get3A_604 = vector.shape_cast %get3A_603 : vector<1x16xf32> to vector<16xf32>
      %get3A_605 = arith.index_cast %scan3A_508 : i32 to index
      %get3A_606 = arith.constant 80 : index
      %get3A_607 = tpu.vector_load %arg12[%get3A_605, %get3A_606] {strides = array<i32>} : memref<128x128xf32, #tpu.memory_space<vmem>>, vector<1x16xf32>,
      %get3A_608 = vector.shape_cast %get3A_607 : vector<1x16xf32> to vector<16xf32>
      %add3A_609 = arith.addf %get3A_604, %get3A_608 : vector<16xf32>
      %get3A_610 = arith.index_cast %scan3A_508 : i32 to index
      %get3A_611 = arith.constant 80 : index
      %get3A_612 = tpu.vector_load %arg13[%get3A_610, %get3A_611] {strides = array<i32>} : memref<128x128xf32, #tpu.memory_space<vmem>>, vector<1x16xf32>,
      %get3A_613 = vector.shape_cast %get3A_612 : vector<1x16xf32> to vector<16xf32>
      %sub3A_614 = arith.subf %add3A_609, %get3A_613 : vector<16xf32>
      %swap3A_615 = arith.index_cast %scan3A_508 : i32 to index
      %swap3A_616 = arith.constant 80 : index
      %swap3A_617 = tpu.vector_load %arg11[%swap3A_615, %swap3A_616] {strides = array<i32>} : memref<128x128xf32, #tpu.memory_space<vmem>>, vector<1x16xf32>,
      %swap3A_618 = vector.shape_cast %swap3A_617 : vector<1x16xf32> to vector<16xf32>
      %swap3A_619 = vector.shape_cast %sub3A_614 : vector<16xf32> to vector<1x16xf32>
      tpu.vector_store %arg11[%swap3A_615, %swap3A_616], %swap3A_619 {strides = array<i32>} : memref<128x128xf32, #tpu.memory_space<vmem>>, vector<1x16xf32>,
      %get3A_620 = arith.index_cast %scan3A_508 : i32 to index
      %get3A_621 = arith.constant 96 : index
      %get3A_622 = tpu.vector_load %arg11[%get3A_620, %get3A_621] {strides = array<i32>} : memref<128x128xf32, #tpu.memory_space<vmem>>, vector<1x16xf32>,
      %get3A_623 = vector.shape_cast %get3A_622 : vector<1x16xf32> to vector<16xf32>
      %get3A_624 = arith.index_cast %scan3A_508 : i32 to index
      %get3A_625 = arith.constant 96 : index
      %get3A_626 = tpu.vector_load %arg12[%get3A_624, %get3A_625] {strides = array<i32>} : memref<128x128xf32, #tpu.memory_space<vmem>>, vector<1x16xf32>,
      %get3A_627 = vector.shape_cast %get3A_626 : vector<1x16xf32> to vector<16xf32>
      %add3A_628 = arith.addf %get3A_623, %get3A_627 : vector<16xf32>
      %get3A_629 = arith.index_cast %scan3A_508 : i32 to index
      %get3A_630 = arith.constant 96 : index
      %get3A_631 = tpu.vector_load %arg13[%get3A_629, %get3A_630] {strides = array<i32>} : memref<128x128xf32, #tpu.memory_space<vmem>>, vector<1x16xf32>,
      %get3A_632 = vector.shape_cast %get3A_631 : vector<1x16xf32> to vector<16xf32>
      %sub3A_633 = arith.subf %add3A_628, %get3A_632 : vector<16xf32>
      %swap3A_634 = arith.index_cast %scan3A_508 : i32 to index
      %swap3A_635 = arith.constant 96 : index
      %swap3A_636 = tpu.vector_load %arg11[%swap3A_634, %swap3A_635] {strides = array<i32>} : memref<128x128xf32, #tpu.memory_space<vmem>>, vector<1x16xf32>,
      %swap3A_637 = vector.shape_cast %swap3A_636 : vector<1x16xf32> to vector<16xf32>
      %swap3A_638 = vector.shape_cast %sub3A_633 : vector<16xf32> to vector<1x16xf32>
      tpu.vector_store %arg11[%swap3A_634, %swap3A_635], %swap3A_638 {strides = array<i32>} : memref<128x128xf32, #tpu.memory_space<vmem>>, vector<1x16xf32>,
      %get3A_639 = arith.index_cast %scan3A_508 : i32 to index
      %get3A_640 = arith.constant 112 : index
      %get3A_641 = tpu.vector_load %arg11[%get3A_639, %get3A_640] {strides = array<i32>} : memref<128x128xf32, #tpu.memory_space<vmem>>, vector<1x16xf32>,
      %get3A_642 = vector.shape_cast %get3A_641 : vector<1x16xf32> to vector<16xf32>
      %get3A_643 = arith.index_cast %scan3A_508 : i32 to index
      %get3A_644 = arith.constant 112 : index
      %get3A_645 = tpu.vector_load %arg12[%get3A_643, %get3A_644] {strides = array<i32>} : memref<128x128xf32, #tpu.memory_space<vmem>>, vector<1x16xf32>,
      %get3A_646 = vector.shape_cast %get3A_645 : vector<1x16xf32> to vector<16xf32>
      %add3A_647 = arith.addf %get3A_642, %get3A_646 : vector<16xf32>
      %get3A_648 = arith.index_cast %scan3A_508 : i32 to index
      %get3A_649 = arith.constant 112 : index
      %get3A_650 = tpu.vector_load %arg13[%get3A_648, %get3A_649] {strides = array<i32>} : memref<128x128xf32, #tpu.memory_space<vmem>>, vector<1x16xf32>,
      %get3A_651 = vector.shape_cast %get3A_650 : vector<1x16xf32> to vector<16xf32>
      %sub3A_652 = arith.subf %add3A_647, %get3A_651 : vector<16xf32>
      %swap3A_653 = arith.index_cast %scan3A_508 : i32 to index
      %swap3A_654 = arith.constant 112 : index
      %swap3A_655 = tpu.vector_load %arg11[%swap3A_653, %swap3A_654] {strides = array<i32>} : memref<128x128xf32, #tpu.memory_space<vmem>>, vector<1x16xf32>,
      %swap3A_656 = vector.shape_cast %swap3A_655 : vector<1x16xf32> to vector<16xf32>
      %swap3A_657 = vector.shape_cast %sub3A_652 : vector<16xf32> to vector<1x16xf32>
      tpu.vector_store %arg11[%swap3A_653, %swap3A_654], %swap3A_657 {strides = array<i32>} : memref<128x128xf32, #tpu.memory_space<vmem>>, vector<1x16xf32>,
    }
    %scan3A_198 = arith.constant 128 : i32
    %mul3A_199 = arith.constant 16384 : i32
    %mul3A_200 = arith.muli %arg0, %mul3A_199 : i32
    %mul3A_201 = arith.constant 1024 : i32
    %mul3A_202 = arith.muli %arg1, %mul3A_201 : i32
    %add3A_203 = arith.addi %mul3A_200, %mul3A_202 : i32
    %add3A_204 = arith.constant 256 : i32
    %add3A_205 = arith.addi %add3A_203, %add3A_204 : i32
    %dma_start3A_206 = arith.constant 0 : i32
    %dma_start3A_207 = tpu.memref_slice %arg7[%add3A_205, %dma_start3A_206] : memref<32768x128xf32, #tpu.memory_space<hbm>> -> memref<128x128xf32, #tpu.memory_space<hbm>>
    %dma_start3A_208 = arith.constant 0 : i32
    %dma_start3A_209 = tpu.memref_slice %arg7[%add3A_205, %dma_start3A_208] : memref<32768x128xf32, #tpu.memory_space<hbm>> -> memref<128x128xf32, #tpu.memory_space<hbm>>
    tpu.enqueue_dma source(%arg11 : memref<128x128xf32, #tpu.memory_space<vmem>>) target(%dma_start3A_209 : memref<128x128xf32, #tpu.memory_space<hbm>>) target_semaphore(%arg23 : memref<!tpu.dma_semaphore, #tpu.memory_space<semaphore_mem>>)
    %dma_wait3A_210 = arith.constant 0 : i32
    %dma_wait3A_211 = tpu.memref_slice %arg7[%add3A_205, %dma_wait3A_210] : memref<32768x128xf32, #tpu.memory_space<hbm>> -> memref<128x128xf32, #tpu.memory_space<hbm>>
    %dma_wait3A_212 = arith.constant 0 : i32
    %dma_wait3A_213 = tpu.memref_slice %arg7[%add3A_205, %dma_wait3A_212] : memref<32768x128xf32, #tpu.memory_space<hbm>> -> memref<128x128xf32, #tpu.memory_space<hbm>>
    tpu.wait_dma2 semaphore(%arg23 : memref<!tpu.dma_semaphore, #tpu.memory_space<semaphore_mem>>) src(%arg11 : memref<128x128xf32, #tpu.memory_space<vmem>>) dst(%dma_wait3A_213 : memref<128x128xf32, #tpu.memory_space<hbm>>)
    %dma_start3A_214 = arith.constant 4 : i32
    %dma_start3A_215 = arith.constant 0 : i32
    %dma_start3A_216 = tpu.memref_slice %arg8[%dma_start3A_214, %dma_start3A_215] : memref<8x128xi32, #tpu.memory_space<vmem>> -> memref<1x128xi32, #tpu.memory_space<vmem>>
    %dma_start3A_217 = tpu.memref_squeeze %dma_start3A_216 : memref<1x128xi32, #tpu.memory_space<vmem>> -> memref<128xi32, #tpu.memory_space<vmem>>
    %dma_start3A_218 = arith.constant 0 : i32
    %dma_start3A_219 = arith.constant 0 : i32
    %dma_start3A_220 = tpu.memref_slice %arg2[%dma_start3A_218, %dma_start3A_219] : memref<20480x128xf32, #tpu.memory_space<hbm>> -> memref<20480x128xf32, #tpu.memory_space<hbm>>
    tpu.enqueue_indirect_dma source(%dma_start3A_220 : memref<20480x128xf32, #tpu.memory_space<hbm>>) target(%arg11 : memref<128x128xf32, #tpu.memory_space<vmem>>) offsets(%dma_start3A_217 : memref<128xi32, #tpu.memory_space<vmem>>) semaphore(%arg17 : memref<!tpu.dma_semaphore, #tpu.memory_space<semaphore_mem>>)
    %dma_start3A_221 = arith.constant 4 : i32
    %dma_start3A_222 = arith.constant 0 : i32
    %dma_start3A_223 = tpu.memref_slice %arg9[%dma_start3A_221, %dma_start3A_222] : memref<8x128xi32, #tpu.memory_space<vmem>> -> memref<1x128xi32, #tpu.memory_space<vmem>>
    %dma_start3A_224 = tpu.memref_squeeze %dma_start3A_223 : memref<1x128xi32, #tpu.memory_space<vmem>> -> memref<128xi32, #tpu.memory_space<vmem>>
    %dma_start3A_225 = arith.constant 0 : i32
    %dma_start3A_226 = arith.constant 0 : i32
    %dma_start3A_227 = tpu.memref_slice %arg3[%dma_start3A_225, %dma_start3A_226] : memref<400x128xf32, #tpu.memory_space<hbm>> -> memref<400x128xf32, #tpu.memory_space<hbm>>
    tpu.enqueue_indirect_dma source(%dma_start3A_227 : memref<400x128xf32, #tpu.memory_space<hbm>>) target(%arg12 : memref<128x128xf32, #tpu.memory_space<vmem>>) offsets(%dma_start3A_224 : memref<128xi32, #tpu.memory_space<vmem>>) semaphore(%arg18 : memref<!tpu.dma_semaphore, #tpu.memory_space<semaphore_mem>>)
    %dma_start3A_228 = arith.constant 4 : i32
    %dma_start3A_229 = arith.constant 0 : i32
    %dma_start3A_230 = tpu.memref_slice %arg10[%dma_start3A_228, %dma_start3A_229] : memref<8x128xi32, #tpu.memory_space<vmem>> -> memref<1x128xi32, #tpu.memory_space<vmem>>
    %dma_start3A_231 = tpu.memref_squeeze %dma_start3A_230 : memref<1x128xi32, #tpu.memory_space<vmem>> -> memref<128xi32, #tpu.memory_space<vmem>>
    %dma_start3A_232 = arith.constant 0 : i32
    %dma_start3A_233 = arith.constant 0 : i32
    %dma_start3A_234 = tpu.memref_slice %arg2[%dma_start3A_232, %dma_start3A_233] : memref<20480x128xf32, #tpu.memory_space<hbm>> -> memref<20480x128xf32, #tpu.memory_space<hbm>>
    tpu.enqueue_indirect_dma source(%dma_start3A_234 : memref<20480x128xf32, #tpu.memory_space<hbm>>) target(%arg13 : memref<128x128xf32, #tpu.memory_space<vmem>>) offsets(%dma_start3A_231 : memref<128xi32, #tpu.memory_space<vmem>>) semaphore(%arg19 : memref<!tpu.dma_semaphore, #tpu.memory_space<semaphore_mem>>)
    %dma_wait3A_235 = arith.constant 3 : i32
    %dma_wait3A_236 = arith.constant 0 : i32
    %dma_wait3A_237 = tpu.memref_slice %arg8[%dma_wait3A_235, %dma_wait3A_236] : memref<8x128xi32, #tpu.memory_space<vmem>> -> memref<1x128xi32, #tpu.memory_space<vmem>>
    %dma_wait3A_238 = tpu.memref_squeeze %dma_wait3A_237 : memref<1x128xi32, #tpu.memory_space<vmem>> -> memref<128xi32, #tpu.memory_space<vmem>>
    %dma_wait3A_239 = arith.constant 0 : i32
    %dma_wait3A_240 = arith.constant 0 : i32
    %dma_wait3A_241 = tpu.memref_slice %arg2[%dma_wait3A_239, %dma_wait3A_240] : memref<20480x128xf32, #tpu.memory_space<hbm>> -> memref<20480x128xf32, #tpu.memory_space<hbm>>
    tpu.wait_indirect_dma semaphore(%arg20 : memref<!tpu.dma_semaphore, #tpu.memory_space<semaphore_mem>>) src(%dma_wait3A_241 : memref<20480x128xf32, #tpu.memory_space<hbm>>) dst(%arg14 : memref<128x128xf32, #tpu.memory_space<vmem>>)
    %dma_wait3A_242 = arith.constant 3 : i32
    %dma_wait3A_243 = arith.constant 0 : i32
    %dma_wait3A_244 = tpu.memref_slice %arg9[%dma_wait3A_242, %dma_wait3A_243] : memref<8x128xi32, #tpu.memory_space<vmem>> -> memref<1x128xi32, #tpu.memory_space<vmem>>
    %dma_wait3A_245 = tpu.memref_squeeze %dma_wait3A_244 : memref<1x128xi32, #tpu.memory_space<vmem>> -> memref<128xi32, #tpu.memory_space<vmem>>
    %dma_wait3A_246 = arith.constant 0 : i32
    %dma_wait3A_247 = arith.constant 0 : i32
    %dma_wait3A_248 = tpu.memref_slice %arg3[%dma_wait3A_246, %dma_wait3A_247] : memref<400x128xf32, #tpu.memory_space<hbm>> -> memref<400x128xf32, #tpu.memory_space<hbm>>
    tpu.wait_indirect_dma semaphore(%arg21 : memref<!tpu.dma_semaphore, #tpu.memory_space<semaphore_mem>>) src(%dma_wait3A_248 : memref<400x128xf32, #tpu.memory_space<hbm>>) dst(%arg15 : memref<128x128xf32, #tpu.memory_space<vmem>>)
    %dma_wait3A_249 = arith.constant 3 : i32
    %dma_wait3A_250 = arith.constant 0 : i32
    %dma_wait3A_251 = tpu.memref_slice %arg10[%dma_wait3A_249, %dma_wait3A_250] : memref<8x128xi32, #tpu.memory_space<vmem>> -> memref<1x128xi32, #tpu.memory_space<vmem>>
    %dma_wait3A_252 = tpu.memref_squeeze %dma_wait3A_251 : memref<1x128xi32, #tpu.memory_space<vmem>> -> memref<128xi32, #tpu.memory_space<vmem>>
    %dma_wait3A_253 = arith.constant 0 : i32
    %dma_wait3A_254 = arith.constant 0 : i32
    %dma_wait3A_255 = tpu.memref_slice %arg2[%dma_wait3A_253, %dma_wait3A_254] : memref<20480x128xf32, #tpu.memory_space<hbm>> -> memref<20480x128xf32, #tpu.memory_space<hbm>>
    tpu.wait_indirect_dma semaphore(%arg22 : memref<!tpu.dma_semaphore, #tpu.memory_space<semaphore_mem>>) src(%dma_wait3A_255 : memref<20480x128xf32, #tpu.memory_space<hbm>>) dst(%arg16 : memref<128x128xf32, #tpu.memory_space<vmem>>)
    %scan3A_256 = arith.constant 0 : i32
    %scan3A_257 = arith.constant 0 : i32
    %scan3A_258 = arith.constant 128 : i32
    %scan3A_259 = arith.addi %scan3A_257, %scan3A_258 : i32
    %scan3A_260 = arith.constant 1 : i32
    scf.for %scan3A_508 = %scan3A_257 to %scan3A_259 step %scan3A_260  : i32 {
      %get3A = arith.index_cast %scan3A_508 : i32 to index
      %get3A_509 = arith.constant 0 : index
      %get3A_510 = tpu.vector_load %arg14[%get3A, %get3A_509] {strides = array<i32>} : memref<128x128xf32, #tpu.memory_space<vmem>>, vector<1x16xf32>,
      %get3A_511 = vector.shape_cast %get3A_510 : vector<1x16xf32> to vector<16xf32>
      %get3A_512 = arith.index_cast %scan3A_508 : i32 to index
      %get3A_513 = arith.constant 0 : index
      %get3A_514 = tpu.vector_load %arg15[%get3A_512, %get3A_513] {strides = array<i32>} : memref<128x128xf32, #tpu.memory_space<vmem>>, vector<1x16xf32>,
      %get3A_515 = vector.shape_cast %get3A_514 : vector<1x16xf32> to vector<16xf32>
      %add3A_516 = arith.addf %get3A_511, %get3A_515 : vector<16xf32>
      %get3A_517 = arith.index_cast %scan3A_508 : i32 to index
      %get3A_518 = arith.constant 0 : index
      %get3A_519 = tpu.vector_load %arg16[%get3A_517, %get3A_518] {strides = array<i32>} : memref<128x128xf32, #tpu.memory_space<vmem>>, vector<1x16xf32>,
      %get3A_520 = vector.shape_cast %get3A_519 : vector<1x16xf32> to vector<16xf32>
      %sub3A = arith.subf %add3A_516, %get3A_520 : vector<16xf32>
      %swap3A = arith.index_cast %scan3A_508 : i32 to index
      %swap3A_521 = arith.constant 0 : index
      %swap3A_522 = tpu.vector_load %arg14[%swap3A, %swap3A_521] {strides = array<i32>} : memref<128x128xf32, #tpu.memory_space<vmem>>, vector<1x16xf32>,
      %swap3A_523 = vector.shape_cast %swap3A_522 : vector<1x16xf32> to vector<16xf32>
      %swap3A_524 = vector.shape_cast %sub3A : vector<16xf32> to vector<1x16xf32>
      tpu.vector_store %arg14[%swap3A, %swap3A_521], %swap3A_524 {strides = array<i32>} : memref<128x128xf32, #tpu.memory_space<vmem>>, vector<1x16xf32>,
      %get3A_525 = arith.index_cast %scan3A_508 : i32 to index
      %get3A_526 = arith.constant 16 : index
      %get3A_527 = tpu.vector_load %arg14[%get3A_525, %get3A_526] {strides = array<i32>} : memref<128x128xf32, #tpu.memory_space<vmem>>, vector<1x16xf32>,
      %get3A_528 = vector.shape_cast %get3A_527 : vector<1x16xf32> to vector<16xf32>
      %get3A_529 = arith.index_cast %scan3A_508 : i32 to index
      %get3A_530 = arith.constant 16 : index
      %get3A_531 = tpu.vector_load %arg15[%get3A_529, %get3A_530] {strides = array<i32>} : memref<128x128xf32, #tpu.memory_space<vmem>>, vector<1x16xf32>,
      %get3A_532 = vector.shape_cast %get3A_531 : vector<1x16xf32> to vector<16xf32>
      %add3A_533 = arith.addf %get3A_528, %get3A_532 : vector<16xf32>
      %get3A_534 = arith.index_cast %scan3A_508 : i32 to index
      %get3A_535 = arith.constant 16 : index
      %get3A_536 = tpu.vector_load %arg16[%get3A_534, %get3A_535] {strides = array<i32>} : memref<128x128xf32, #tpu.memory_space<vmem>>, vector<1x16xf32>,
      %get3A_537 = vector.shape_cast %get3A_536 : vector<1x16xf32> to vector<16xf32>
      %sub3A_538 = arith.subf %add3A_533, %get3A_537 : vector<16xf32>
      %swap3A_539 = arith.index_cast %scan3A_508 : i32 to index
      %swap3A_540 = arith.constant 16 : index
      %swap3A_541 = tpu.vector_load %arg14[%swap3A_539, %swap3A_540] {strides = array<i32>} : memref<128x128xf32, #tpu.memory_space<vmem>>, vector<1x16xf32>,
      %swap3A_542 = vector.shape_cast %swap3A_541 : vector<1x16xf32> to vector<16xf32>
      %swap3A_543 = vector.shape_cast %sub3A_538 : vector<16xf32> to vector<1x16xf32>
      tpu.vector_store %arg14[%swap3A_539, %swap3A_540], %swap3A_543 {strides = array<i32>} : memref<128x128xf32, #tpu.memory_space<vmem>>, vector<1x16xf32>,
      %get3A_544 = arith.index_cast %scan3A_508 : i32 to index
      %get3A_545 = arith.constant 32 : index
      %get3A_546 = tpu.vector_load %arg14[%get3A_544, %get3A_545] {strides = array<i32>} : memref<128x128xf32, #tpu.memory_space<vmem>>, vector<1x16xf32>,
      %get3A_547 = vector.shape_cast %get3A_546 : vector<1x16xf32> to vector<16xf32>
      %get3A_548 = arith.index_cast %scan3A_508 : i32 to index
      %get3A_549 = arith.constant 32 : index
      %get3A_550 = tpu.vector_load %arg15[%get3A_548, %get3A_549] {strides = array<i32>} : memref<128x128xf32, #tpu.memory_space<vmem>>, vector<1x16xf32>,
      %get3A_551 = vector.shape_cast %get3A_550 : vector<1x16xf32> to vector<16xf32>
      %add3A_552 = arith.addf %get3A_547, %get3A_551 : vector<16xf32>
      %get3A_553 = arith.index_cast %scan3A_508 : i32 to index
      %get3A_554 = arith.constant 32 : index
      %get3A_555 = tpu.vector_load %arg16[%get3A_553, %get3A_554] {strides = array<i32>} : memref<128x128xf32, #tpu.memory_space<vmem>>, vector<1x16xf32>,
      %get3A_556 = vector.shape_cast %get3A_555 : vector<1x16xf32> to vector<16xf32>
      %sub3A_557 = arith.subf %add3A_552, %get3A_556 : vector<16xf32>
      %swap3A_558 = arith.index_cast %scan3A_508 : i32 to index
      %swap3A_559 = arith.constant 32 : index
      %swap3A_560 = tpu.vector_load %arg14[%swap3A_558, %swap3A_559] {strides = array<i32>} : memref<128x128xf32, #tpu.memory_space<vmem>>, vector<1x16xf32>,
      %swap3A_561 = vector.shape_cast %swap3A_560 : vector<1x16xf32> to vector<16xf32>
      %swap3A_562 = vector.shape_cast %sub3A_557 : vector<16xf32> to vector<1x16xf32>
      tpu.vector_store %arg14[%swap3A_558, %swap3A_559], %swap3A_562 {strides = array<i32>} : memref<128x128xf32, #tpu.memory_space<vmem>>, vector<1x16xf32>,
      %get3A_563 = arith.index_cast %scan3A_508 : i32 to index
      %get3A_564 = arith.constant 48 : index
      %get3A_565 = tpu.vector_load %arg14[%get3A_563, %get3A_564] {strides = array<i32>} : memref<128x128xf32, #tpu.memory_space<vmem>>, vector<1x16xf32>,
      %get3A_566 = vector.shape_cast %get3A_565 : vector<1x16xf32> to vector<16xf32>
      %get3A_567 = arith.index_cast %scan3A_508 : i32 to index
      %get3A_568 = arith.constant 48 : index
      %get3A_569 = tpu.vector_load %arg15[%get3A_567, %get3A_568] {strides = array<i32>} : memref<128x128xf32, #tpu.memory_space<vmem>>, vector<1x16xf32>,
      %get3A_570 = vector.shape_cast %get3A_569 : vector<1x16xf32> to vector<16xf32>
      %add3A_571 = arith.addf %get3A_566, %get3A_570 : vector<16xf32>
      %get3A_572 = arith.index_cast %scan3A_508 : i32 to index
      %get3A_573 = arith.constant 48 : index
      %get3A_574 = tpu.vector_load %arg16[%get3A_572, %get3A_573] {strides = array<i32>} : memref<128x128xf32, #tpu.memory_space<vmem>>, vector<1x16xf32>,
      %get3A_575 = vector.shape_cast %get3A_574 : vector<1x16xf32> to vector<16xf32>
      %sub3A_576 = arith.subf %add3A_571, %get3A_575 : vector<16xf32>
      %swap3A_577 = arith.index_cast %scan3A_508 : i32 to index
      %swap3A_578 = arith.constant 48 : index
      %swap3A_579 = tpu.vector_load %arg14[%swap3A_577, %swap3A_578] {strides = array<i32>} : memref<128x128xf32, #tpu.memory_space<vmem>>, vector<1x16xf32>,
      %swap3A_580 = vector.shape_cast %swap3A_579 : vector<1x16xf32> to vector<16xf32>
      %swap3A_581 = vector.shape_cast %sub3A_576 : vector<16xf32> to vector<1x16xf32>
      tpu.vector_store %arg14[%swap3A_577, %swap3A_578], %swap3A_581 {strides = array<i32>} : memref<128x128xf32, #tpu.memory_space<vmem>>, vector<1x16xf32>,
      %get3A_582 = arith.index_cast %scan3A_508 : i32 to index
      %get3A_583 = arith.constant 64 : index
      %get3A_584 = tpu.vector_load %arg14[%get3A_582, %get3A_583] {strides = array<i32>} : memref<128x128xf32, #tpu.memory_space<vmem>>, vector<1x16xf32>,
      %get3A_585 = vector.shape_cast %get3A_584 : vector<1x16xf32> to vector<16xf32>
      %get3A_586 = arith.index_cast %scan3A_508 : i32 to index
      %get3A_587 = arith.constant 64 : index
      %get3A_588 = tpu.vector_load %arg15[%get3A_586, %get3A_587] {strides = array<i32>} : memref<128x128xf32, #tpu.memory_space<vmem>>, vector<1x16xf32>,
      %get3A_589 = vector.shape_cast %get3A_588 : vector<1x16xf32> to vector<16xf32>
      %add3A_590 = arith.addf %get3A_585, %get3A_589 : vector<16xf32>
      %get3A_591 = arith.index_cast %scan3A_508 : i32 to index
      %get3A_592 = arith.constant 64 : index
      %get3A_593 = tpu.vector_load %arg16[%get3A_591, %get3A_592] {strides = array<i32>} : memref<128x128xf32, #tpu.memory_space<vmem>>, vector<1x16xf32>,
      %get3A_594 = vector.shape_cast %get3A_593 : vector<1x16xf32> to vector<16xf32>
      %sub3A_595 = arith.subf %add3A_590, %get3A_594 : vector<16xf32>
      %swap3A_596 = arith.index_cast %scan3A_508 : i32 to index
      %swap3A_597 = arith.constant 64 : index
      %swap3A_598 = tpu.vector_load %arg14[%swap3A_596, %swap3A_597] {strides = array<i32>} : memref<128x128xf32, #tpu.memory_space<vmem>>, vector<1x16xf32>,
      %swap3A_599 = vector.shape_cast %swap3A_598 : vector<1x16xf32> to vector<16xf32>
      %swap3A_600 = vector.shape_cast %sub3A_595 : vector<16xf32> to vector<1x16xf32>
      tpu.vector_store %arg14[%swap3A_596, %swap3A_597], %swap3A_600 {strides = array<i32>} : memref<128x128xf32, #tpu.memory_space<vmem>>, vector<1x16xf32>,
      %get3A_601 = arith.index_cast %scan3A_508 : i32 to index
      %get3A_602 = arith.constant 80 : index
      %get3A_603 = tpu.vector_load %arg14[%get3A_601, %get3A_602] {strides = array<i32>} : memref<128x128xf32, #tpu.memory_space<vmem>>, vector<1x16xf32>,
      %get3A_604 = vector.shape_cast %get3A_603 : vector<1x16xf32> to vector<16xf32>
      %get3A_605 = arith.index_cast %scan3A_508 : i32 to index
      %get3A_606 = arith.constant 80 : index
      %get3A_607 = tpu.vector_load %arg15[%get3A_605, %get3A_606] {strides = array<i32>} : memref<128x128xf32, #tpu.memory_space<vmem>>, vector<1x16xf32>,
      %get3A_608 = vector.shape_cast %get3A_607 : vector<1x16xf32> to vector<16xf32>
      %add3A_609 = arith.addf %get3A_604, %get3A_608 : vector<16xf32>
      %get3A_610 = arith.index_cast %scan3A_508 : i32 to index
      %get3A_611 = arith.constant 80 : index
      %get3A_612 = tpu.vector_load %arg16[%get3A_610, %get3A_611] {strides = array<i32>} : memref<128x128xf32, #tpu.memory_space<vmem>>, vector<1x16xf32>,
      %get3A_613 = vector.shape_cast %get3A_612 : vector<1x16xf32> to vector<16xf32>
      %sub3A_614 = arith.subf %add3A_609, %get3A_613 : vector<16xf32>
      %swap3A_615 = arith.index_cast %scan3A_508 : i32 to index
      %swap3A_616 = arith.constant 80 : index
      %swap3A_617 = tpu.vector_load %arg14[%swap3A_615, %swap3A_616] {strides = array<i32>} : memref<128x128xf32, #tpu.memory_space<vmem>>, vector<1x16xf32>,
      %swap3A_618 = vector.shape_cast %swap3A_617 : vector<1x16xf32> to vector<16xf32>
      %swap3A_619 = vector.shape_cast %sub3A_614 : vector<16xf32> to vector<1x16xf32>
      tpu.vector_store %arg14[%swap3A_615, %swap3A_616], %swap3A_619 {strides = array<i32>} : memref<128x128xf32, #tpu.memory_space<vmem>>, vector<1x16xf32>,
      %get3A_620 = arith.index_cast %scan3A_508 : i32 to index
      %get3A_621 = arith.constant 96 : index
      %get3A_622 = tpu.vector_load %arg14[%get3A_620, %get3A_621] {strides = array<i32>} : memref<128x128xf32, #tpu.memory_space<vmem>>, vector<1x16xf32>,
      %get3A_623 = vector.shape_cast %get3A_622 : vector<1x16xf32> to vector<16xf32>
      %get3A_624 = arith.index_cast %scan3A_508 : i32 to index
      %get3A_625 = arith.constant 96 : index
      %get3A_626 = tpu.vector_load %arg15[%get3A_624, %get3A_625] {strides = array<i32>} : memref<128x128xf32, #tpu.memory_space<vmem>>, vector<1x16xf32>,
      %get3A_627 = vector.shape_cast %get3A_626 : vector<1x16xf32> to vector<16xf32>
      %add3A_628 = arith.addf %get3A_623, %get3A_627 : vector<16xf32>
      %get3A_629 = arith.index_cast %scan3A_508 : i32 to index
      %get3A_630 = arith.constant 96 : index
      %get3A_631 = tpu.vector_load %arg16[%get3A_629, %get3A_630] {strides = array<i32>} : memref<128x128xf32, #tpu.memory_space<vmem>>, vector<1x16xf32>,
      %get3A_632 = vector.shape_cast %get3A_631 : vector<1x16xf32> to vector<16xf32>
      %sub3A_633 = arith.subf %add3A_628, %get3A_632 : vector<16xf32>
      %swap3A_634 = arith.index_cast %scan3A_508 : i32 to index
      %swap3A_635 = arith.constant 96 : index
      %swap3A_636 = tpu.vector_load %arg14[%swap3A_634, %swap3A_635] {strides = array<i32>} : memref<128x128xf32, #tpu.memory_space<vmem>>, vector<1x16xf32>,
      %swap3A_637 = vector.shape_cast %swap3A_636 : vector<1x16xf32> to vector<16xf32>
      %swap3A_638 = vector.shape_cast %sub3A_633 : vector<16xf32> to vector<1x16xf32>
      tpu.vector_store %arg14[%swap3A_634, %swap3A_635], %swap3A_638 {strides = array<i32>} : memref<128x128xf32, #tpu.memory_space<vmem>>, vector<1x16xf32>,
      %get3A_639 = arith.index_cast %scan3A_508 : i32 to index
      %get3A_640 = arith.constant 112 : index
      %get3A_641 = tpu.vector_load %arg14[%get3A_639, %get3A_640] {strides = array<i32>} : memref<128x128xf32, #tpu.memory_space<vmem>>, vector<1x16xf32>,
      %get3A_642 = vector.shape_cast %get3A_641 : vector<1x16xf32> to vector<16xf32>
      %get3A_643 = arith.index_cast %scan3A_508 : i32 to index
      %get3A_644 = arith.constant 112 : index
      %get3A_645 = tpu.vector_load %arg15[%get3A_643, %get3A_644] {strides = array<i32>} : memref<128x128xf32, #tpu.memory_space<vmem>>, vector<1x16xf32>,
      %get3A_646 = vector.shape_cast %get3A_645 : vector<1x16xf32> to vector<16xf32>
      %add3A_647 = arith.addf %get3A_642, %get3A_646 : vector<16xf32>
      %get3A_648 = arith.index_cast %scan3A_508 : i32 to index
      %get3A_649 = arith.constant 112 : index
      %get3A_650 = tpu.vector_load %arg16[%get3A_648, %get3A_649] {strides = array<i32>} : memref<128x128xf32, #tpu.memory_space<vmem>>, vector<1x16xf32>,
      %get3A_651 = vector.shape_cast %get3A_650 : vector<1x16xf32> to vector<16xf32>
      %sub3A_652 = arith.subf %add3A_647, %get3A_651 : vector<16xf32>
      %swap3A_653 = arith.index_cast %scan3A_508 : i32 to index
      %swap3A_654 = arith.constant 112 : index
      %swap3A_655 = tpu.vector_load %arg14[%swap3A_653, %swap3A_654] {strides = array<i32>} : memref<128x128xf32, #tpu.memory_space<vmem>>, vector<1x16xf32>,
      %swap3A_656 = vector.shape_cast %swap3A_655 : vector<1x16xf32> to vector<16xf32>
      %swap3A_657 = vector.shape_cast %sub3A_652 : vector<16xf32> to vector<1x16xf32>
      tpu.vector_store %arg14[%swap3A_653, %swap3A_654], %swap3A_657 {strides = array<i32>} : memref<128x128xf32, #tpu.memory_space<vmem>>, vector<1x16xf32>,
    }
    %scan3A_261 = arith.constant 128 : i32
    %mul3A_262 = arith.constant 16384 : i32
    %mul3A_263 = arith.muli %arg0, %mul3A_262 : i32
    %mul3A_264 = arith.constant 1024 : i32
    %mul3A_265 = arith.muli %arg1, %mul3A_264 : i32
    %add3A_266 = arith.addi %mul3A_263, %mul3A_265 : i32
    %add3A_267 = arith.constant 384 : i32
    %add3A_268 = arith.addi %add3A_266, %add3A_267 : i32
    %dma_start3A_269 = arith.constant 0 : i32
    %dma_start3A_270 = tpu.memref_slice %arg7[%add3A_268, %dma_start3A_269] : memref<32768x128xf32, #tpu.memory_space<hbm>> -> memref<128x128xf32, #tpu.memory_space<hbm>>
    %dma_start3A_271 = arith.constant 0 : i32
    %dma_start3A_272 = tpu.memref_slice %arg7[%add3A_268, %dma_start3A_271] : memref<32768x128xf32, #tpu.memory_space<hbm>> -> memref<128x128xf32, #tpu.memory_space<hbm>>
    tpu.enqueue_dma source(%arg14 : memref<128x128xf32, #tpu.memory_space<vmem>>) target(%dma_start3A_272 : memref<128x128xf32, #tpu.memory_space<hbm>>) target_semaphore(%arg24 : memref<!tpu.dma_semaphore, #tpu.memory_space<semaphore_mem>>)
    %dma_wait3A_273 = arith.constant 0 : i32
    %dma_wait3A_274 = tpu.memref_slice %arg7[%add3A_268, %dma_wait3A_273] : memref<32768x128xf32, #tpu.memory_space<hbm>> -> memref<128x128xf32, #tpu.memory_space<hbm>>
    %dma_wait3A_275 = arith.constant 0 : i32
    %dma_wait3A_276 = tpu.memref_slice %arg7[%add3A_268, %dma_wait3A_275] : memref<32768x128xf32, #tpu.memory_space<hbm>> -> memref<128x128xf32, #tpu.memory_space<hbm>>
    tpu.wait_dma2 semaphore(%arg24 : memref<!tpu.dma_semaphore, #tpu.memory_space<semaphore_mem>>) src(%arg14 : memref<128x128xf32, #tpu.memory_space<vmem>>) dst(%dma_wait3A_276 : memref<128x128xf32, #tpu.memory_space<hbm>>)
    %dma_start3A_277 = arith.constant 5 : i32
    %dma_start3A_278 = arith.constant 0 : i32
    %dma_start3A_279 = tpu.memref_slice %arg8[%dma_start3A_277, %dma_start3A_278] : memref<8x128xi32, #tpu.memory_space<vmem>> -> memref<1x128xi32, #tpu.memory_space<vmem>>
    %dma_start3A_280 = tpu.memref_squeeze %dma_start3A_279 : memref<1x128xi32, #tpu.memory_space<vmem>> -> memref<128xi32, #tpu.memory_space<vmem>>
    %dma_start3A_281 = arith.constant 0 : i32
    %dma_start3A_282 = arith.constant 0 : i32
    %dma_start3A_283 = tpu.memref_slice %arg2[%dma_start3A_281, %dma_start3A_282] : memref<20480x128xf32, #tpu.memory_space<hbm>> -> memref<20480x128xf32, #tpu.memory_space<hbm>>
    tpu.enqueue_indirect_dma source(%dma_start3A_283 : memref<20480x128xf32, #tpu.memory_space<hbm>>) target(%arg14 : memref<128x128xf32, #tpu.memory_space<vmem>>) offsets(%dma_start3A_280 : memref<128xi32, #tpu.memory_space<vmem>>) semaphore(%arg20 : memref<!tpu.dma_semaphore, #tpu.memory_space<semaphore_mem>>)
    %dma_start3A_284 = arith.constant 5 : i32
    %dma_start3A_285 = arith.constant 0 : i32
    %dma_start3A_286 = tpu.memref_slice %arg9[%dma_start3A_284, %dma_start3A_285] : memref<8x128xi32, #tpu.memory_space<vmem>> -> memref<1x128xi32, #tpu.memory_space<vmem>>
    %dma_start3A_287 = tpu.memref_squeeze %dma_start3A_286 : memref<1x128xi32, #tpu.memory_space<vmem>> -> memref<128xi32, #tpu.memory_space<vmem>>
    %dma_start3A_288 = arith.constant 0 : i32
    %dma_start3A_289 = arith.constant 0 : i32
    %dma_start3A_290 = tpu.memref_slice %arg3[%dma_start3A_288, %dma_start3A_289] : memref<400x128xf32, #tpu.memory_space<hbm>> -> memref<400x128xf32, #tpu.memory_space<hbm>>
    tpu.enqueue_indirect_dma source(%dma_start3A_290 : memref<400x128xf32, #tpu.memory_space<hbm>>) target(%arg15 : memref<128x128xf32, #tpu.memory_space<vmem>>) offsets(%dma_start3A_287 : memref<128xi32, #tpu.memory_space<vmem>>) semaphore(%arg21 : memref<!tpu.dma_semaphore, #tpu.memory_space<semaphore_mem>>)
    %dma_start3A_291 = arith.constant 5 : i32
    %dma_start3A_292 = arith.constant 0 : i32
    %dma_start3A_293 = tpu.memref_slice %arg10[%dma_start3A_291, %dma_start3A_292] : memref<8x128xi32, #tpu.memory_space<vmem>> -> memref<1x128xi32, #tpu.memory_space<vmem>>
    %dma_start3A_294 = tpu.memref_squeeze %dma_start3A_293 : memref<1x128xi32, #tpu.memory_space<vmem>> -> memref<128xi32, #tpu.memory_space<vmem>>
    %dma_start3A_295 = arith.constant 0 : i32
    %dma_start3A_296 = arith.constant 0 : i32
    %dma_start3A_297 = tpu.memref_slice %arg2[%dma_start3A_295, %dma_start3A_296] : memref<20480x128xf32, #tpu.memory_space<hbm>> -> memref<20480x128xf32, #tpu.memory_space<hbm>>
    tpu.enqueue_indirect_dma source(%dma_start3A_297 : memref<20480x128xf32, #tpu.memory_space<hbm>>) target(%arg16 : memref<128x128xf32, #tpu.memory_space<vmem>>) offsets(%dma_start3A_294 : memref<128xi32, #tpu.memory_space<vmem>>) semaphore(%arg22 : memref<!tpu.dma_semaphore, #tpu.memory_space<semaphore_mem>>)
    %dma_wait3A_298 = arith.constant 4 : i32
    %dma_wait3A_299 = arith.constant 0 : i32
    %dma_wait3A_300 = tpu.memref_slice %arg8[%dma_wait3A_298, %dma_wait3A_299] : memref<8x128xi32, #tpu.memory_space<vmem>> -> memref<1x128xi32, #tpu.memory_space<vmem>>
    %dma_wait3A_301 = tpu.memref_squeeze %dma_wait3A_300 : memref<1x128xi32, #tpu.memory_space<vmem>> -> memref<128xi32, #tpu.memory_space<vmem>>
    %dma_wait3A_302 = arith.constant 0 : i32
    %dma_wait3A_303 = arith.constant 0 : i32
    %dma_wait3A_304 = tpu.memref_slice %arg2[%dma_wait3A_302, %dma_wait3A_303] : memref<20480x128xf32, #tpu.memory_space<hbm>> -> memref<20480x128xf32, #tpu.memory_space<hbm>>
    tpu.wait_indirect_dma semaphore(%arg17 : memref<!tpu.dma_semaphore, #tpu.memory_space<semaphore_mem>>) src(%dma_wait3A_304 : memref<20480x128xf32, #tpu.memory_space<hbm>>) dst(%arg11 : memref<128x128xf32, #tpu.memory_space<vmem>>)
    %dma_wait3A_305 = arith.constant 4 : i32
    %dma_wait3A_306 = arith.constant 0 : i32
    %dma_wait3A_307 = tpu.memref_slice %arg9[%dma_wait3A_305, %dma_wait3A_306] : memref<8x128xi32, #tpu.memory_space<vmem>> -> memref<1x128xi32, #tpu.memory_space<vmem>>
    %dma_wait3A_308 = tpu.memref_squeeze %dma_wait3A_307 : memref<1x128xi32, #tpu.memory_space<vmem>> -> memref<128xi32, #tpu.memory_space<vmem>>
    %dma_wait3A_309 = arith.constant 0 : i32
    %dma_wait3A_310 = arith.constant 0 : i32
    %dma_wait3A_311 = tpu.memref_slice %arg3[%dma_wait3A_309, %dma_wait3A_310] : memref<400x128xf32, #tpu.memory_space<hbm>> -> memref<400x128xf32, #tpu.memory_space<hbm>>
    tpu.wait_indirect_dma semaphore(%arg18 : memref<!tpu.dma_semaphore, #tpu.memory_space<semaphore_mem>>) src(%dma_wait3A_311 : memref<400x128xf32, #tpu.memory_space<hbm>>) dst(%arg12 : memref<128x128xf32, #tpu.memory_space<vmem>>)
    %dma_wait3A_312 = arith.constant 4 : i32
    %dma_wait3A_313 = arith.constant 0 : i32
    %dma_wait3A_314 = tpu.memref_slice %arg10[%dma_wait3A_312, %dma_wait3A_313] : memref<8x128xi32, #tpu.memory_space<vmem>> -> memref<1x128xi32, #tpu.memory_space<vmem>>
    %dma_wait3A_315 = tpu.memref_squeeze %dma_wait3A_314 : memref<1x128xi32, #tpu.memory_space<vmem>> -> memref<128xi32, #tpu.memory_space<vmem>>
    %dma_wait3A_316 = arith.constant 0 : i32
    %dma_wait3A_317 = arith.constant 0 : i32
    %dma_wait3A_318 = tpu.memref_slice %arg2[%dma_wait3A_316, %dma_wait3A_317] : memref<20480x128xf32, #tpu.memory_space<hbm>> -> memref<20480x128xf32, #tpu.memory_space<hbm>>
    tpu.wait_indirect_dma semaphore(%arg19 : memref<!tpu.dma_semaphore, #tpu.memory_space<semaphore_mem>>) src(%dma_wait3A_318 : memref<20480x128xf32, #tpu.memory_space<hbm>>) dst(%arg13 : memref<128x128xf32, #tpu.memory_space<vmem>>)
    %scan3A_319 = arith.constant 0 : i32
    %scan3A_320 = arith.constant 0 : i32
    %scan3A_321 = arith.constant 128 : i32
    %scan3A_322 = arith.addi %scan3A_320, %scan3A_321 : i32
    %scan3A_323 = arith.constant 1 : i32
    scf.for %scan3A_508 = %scan3A_320 to %scan3A_322 step %scan3A_323  : i32 {
      %get3A = arith.index_cast %scan3A_508 : i32 to index
      %get3A_509 = arith.constant 0 : index
      %get3A_510 = tpu.vector_load %arg11[%get3A, %get3A_509] {strides = array<i32>} : memref<128x128xf32, #tpu.memory_space<vmem>>, vector<1x16xf32>,
      %get3A_511 = vector.shape_cast %get3A_510 : vector<1x16xf32> to vector<16xf32>
      %get3A_512 = arith.index_cast %scan3A_508 : i32 to index
      %get3A_513 = arith.constant 0 : index
      %get3A_514 = tpu.vector_load %arg12[%get3A_512, %get3A_513] {strides = array<i32>} : memref<128x128xf32, #tpu.memory_space<vmem>>, vector<1x16xf32>,
      %get3A_515 = vector.shape_cast %get3A_514 : vector<1x16xf32> to vector<16xf32>
      %add3A_516 = arith.addf %get3A_511, %get3A_515 : vector<16xf32>
      %get3A_517 = arith.index_cast %scan3A_508 : i32 to index
      %get3A_518 = arith.constant 0 : index
      %get3A_519 = tpu.vector_load %arg13[%get3A_517, %get3A_518] {strides = array<i32>} : memref<128x128xf32, #tpu.memory_space<vmem>>, vector<1x16xf32>,
      %get3A_520 = vector.shape_cast %get3A_519 : vector<1x16xf32> to vector<16xf32>
      %sub3A = arith.subf %add3A_516, %get3A_520 : vector<16xf32>
      %swap3A = arith.index_cast %scan3A_508 : i32 to index
      %swap3A_521 = arith.constant 0 : index
      %swap3A_522 = tpu.vector_load %arg11[%swap3A, %swap3A_521] {strides = array<i32>} : memref<128x128xf32, #tpu.memory_space<vmem>>, vector<1x16xf32>,
      %swap3A_523 = vector.shape_cast %swap3A_522 : vector<1x16xf32> to vector<16xf32>
      %swap3A_524 = vector.shape_cast %sub3A : vector<16xf32> to vector<1x16xf32>
      tpu.vector_store %arg11[%swap3A, %swap3A_521], %swap3A_524 {strides = array<i32>} : memref<128x128xf32, #tpu.memory_space<vmem>>, vector<1x16xf32>,
      %get3A_525 = arith.index_cast %scan3A_508 : i32 to index
      %get3A_526 = arith.constant 16 : index
      %get3A_527 = tpu.vector_load %arg11[%get3A_525, %get3A_526] {strides = array<i32>} : memref<128x128xf32, #tpu.memory_space<vmem>>, vector<1x16xf32>,
      %get3A_528 = vector.shape_cast %get3A_527 : vector<1x16xf32> to vector<16xf32>
      %get3A_529 = arith.index_cast %scan3A_508 : i32 to index
      %get3A_530 = arith.constant 16 : index
      %get3A_531 = tpu.vector_load %arg12[%get3A_529, %get3A_530] {strides = array<i32>} : memref<128x128xf32, #tpu.memory_space<vmem>>, vector<1x16xf32>,
      %get3A_532 = vector.shape_cast %get3A_531 : vector<1x16xf32> to vector<16xf32>
      %add3A_533 = arith.addf %get3A_528, %get3A_532 : vector<16xf32>
      %get3A_534 = arith.index_cast %scan3A_508 : i32 to index
      %get3A_535 = arith.constant 16 : index
      %get3A_536 = tpu.vector_load %arg13[%get3A_534, %get3A_535] {strides = array<i32>} : memref<128x128xf32, #tpu.memory_space<vmem>>, vector<1x16xf32>,
      %get3A_537 = vector.shape_cast %get3A_536 : vector<1x16xf32> to vector<16xf32>
      %sub3A_538 = arith.subf %add3A_533, %get3A_537 : vector<16xf32>
      %swap3A_539 = arith.index_cast %scan3A_508 : i32 to index
      %swap3A_540 = arith.constant 16 : index
      %swap3A_541 = tpu.vector_load %arg11[%swap3A_539, %swap3A_540] {strides = array<i32>} : memref<128x128xf32, #tpu.memory_space<vmem>>, vector<1x16xf32>,
      %swap3A_542 = vector.shape_cast %swap3A_541 : vector<1x16xf32> to vector<16xf32>
      %swap3A_543 = vector.shape_cast %sub3A_538 : vector<16xf32> to vector<1x16xf32>
      tpu.vector_store %arg11[%swap3A_539, %swap3A_540], %swap3A_543 {strides = array<i32>} : memref<128x128xf32, #tpu.memory_space<vmem>>, vector<1x16xf32>,
      %get3A_544 = arith.index_cast %scan3A_508 : i32 to index
      %get3A_545 = arith.constant 32 : index
      %get3A_546 = tpu.vector_load %arg11[%get3A_544, %get3A_545] {strides = array<i32>} : memref<128x128xf32, #tpu.memory_space<vmem>>, vector<1x16xf32>,
      %get3A_547 = vector.shape_cast %get3A_546 : vector<1x16xf32> to vector<16xf32>
      %get3A_548 = arith.index_cast %scan3A_508 : i32 to index
      %get3A_549 = arith.constant 32 : index
      %get3A_550 = tpu.vector_load %arg12[%get3A_548, %get3A_549] {strides = array<i32>} : memref<128x128xf32, #tpu.memory_space<vmem>>, vector<1x16xf32>,
      %get3A_551 = vector.shape_cast %get3A_550 : vector<1x16xf32> to vector<16xf32>
      %add3A_552 = arith.addf %get3A_547, %get3A_551 : vector<16xf32>
      %get3A_553 = arith.index_cast %scan3A_508 : i32 to index
      %get3A_554 = arith.constant 32 : index
      %get3A_555 = tpu.vector_load %arg13[%get3A_553, %get3A_554] {strides = array<i32>} : memref<128x128xf32, #tpu.memory_space<vmem>>, vector<1x16xf32>,
      %get3A_556 = vector.shape_cast %get3A_555 : vector<1x16xf32> to vector<16xf32>
      %sub3A_557 = arith.subf %add3A_552, %get3A_556 : vector<16xf32>
      %swap3A_558 = arith.index_cast %scan3A_508 : i32 to index
      %swap3A_559 = arith.constant 32 : index
      %swap3A_560 = tpu.vector_load %arg11[%swap3A_558, %swap3A_559] {strides = array<i32>} : memref<128x128xf32, #tpu.memory_space<vmem>>, vector<1x16xf32>,
      %swap3A_561 = vector.shape_cast %swap3A_560 : vector<1x16xf32> to vector<16xf32>
      %swap3A_562 = vector.shape_cast %sub3A_557 : vector<16xf32> to vector<1x16xf32>
      tpu.vector_store %arg11[%swap3A_558, %swap3A_559], %swap3A_562 {strides = array<i32>} : memref<128x128xf32, #tpu.memory_space<vmem>>, vector<1x16xf32>,
      %get3A_563 = arith.index_cast %scan3A_508 : i32 to index
      %get3A_564 = arith.constant 48 : index
      %get3A_565 = tpu.vector_load %arg11[%get3A_563, %get3A_564] {strides = array<i32>} : memref<128x128xf32, #tpu.memory_space<vmem>>, vector<1x16xf32>,
      %get3A_566 = vector.shape_cast %get3A_565 : vector<1x16xf32> to vector<16xf32>
      %get3A_567 = arith.index_cast %scan3A_508 : i32 to index
      %get3A_568 = arith.constant 48 : index
      %get3A_569 = tpu.vector_load %arg12[%get3A_567, %get3A_568] {strides = array<i32>} : memref<128x128xf32, #tpu.memory_space<vmem>>, vector<1x16xf32>,
      %get3A_570 = vector.shape_cast %get3A_569 : vector<1x16xf32> to vector<16xf32>
      %add3A_571 = arith.addf %get3A_566, %get3A_570 : vector<16xf32>
      %get3A_572 = arith.index_cast %scan3A_508 : i32 to index
      %get3A_573 = arith.constant 48 : index
      %get3A_574 = tpu.vector_load %arg13[%get3A_572, %get3A_573] {strides = array<i32>} : memref<128x128xf32, #tpu.memory_space<vmem>>, vector<1x16xf32>,
      %get3A_575 = vector.shape_cast %get3A_574 : vector<1x16xf32> to vector<16xf32>
      %sub3A_576 = arith.subf %add3A_571, %get3A_575 : vector<16xf32>
      %swap3A_577 = arith.index_cast %scan3A_508 : i32 to index
      %swap3A_578 = arith.constant 48 : index
      %swap3A_579 = tpu.vector_load %arg11[%swap3A_577, %swap3A_578] {strides = array<i32>} : memref<128x128xf32, #tpu.memory_space<vmem>>, vector<1x16xf32>,
      %swap3A_580 = vector.shape_cast %swap3A_579 : vector<1x16xf32> to vector<16xf32>
      %swap3A_581 = vector.shape_cast %sub3A_576 : vector<16xf32> to vector<1x16xf32>
      tpu.vector_store %arg11[%swap3A_577, %swap3A_578], %swap3A_581 {strides = array<i32>} : memref<128x128xf32, #tpu.memory_space<vmem>>, vector<1x16xf32>,
      %get3A_582 = arith.index_cast %scan3A_508 : i32 to index
      %get3A_583 = arith.constant 64 : index
      %get3A_584 = tpu.vector_load %arg11[%get3A_582, %get3A_583] {strides = array<i32>} : memref<128x128xf32, #tpu.memory_space<vmem>>, vector<1x16xf32>,
      %get3A_585 = vector.shape_cast %get3A_584 : vector<1x16xf32> to vector<16xf32>
      %get3A_586 = arith.index_cast %scan3A_508 : i32 to index
      %get3A_587 = arith.constant 64 : index
      %get3A_588 = tpu.vector_load %arg12[%get3A_586, %get3A_587] {strides = array<i32>} : memref<128x128xf32, #tpu.memory_space<vmem>>, vector<1x16xf32>,
      %get3A_589 = vector.shape_cast %get3A_588 : vector<1x16xf32> to vector<16xf32>
      %add3A_590 = arith.addf %get3A_585, %get3A_589 : vector<16xf32>
      %get3A_591 = arith.index_cast %scan3A_508 : i32 to index
      %get3A_592 = arith.constant 64 : index
      %get3A_593 = tpu.vector_load %arg13[%get3A_591, %get3A_592] {strides = array<i32>} : memref<128x128xf32, #tpu.memory_space<vmem>>, vector<1x16xf32>,
      %get3A_594 = vector.shape_cast %get3A_593 : vector<1x16xf32> to vector<16xf32>
      %sub3A_595 = arith.subf %add3A_590, %get3A_594 : vector<16xf32>
      %swap3A_596 = arith.index_cast %scan3A_508 : i32 to index
      %swap3A_597 = arith.constant 64 : index
      %swap3A_598 = tpu.vector_load %arg11[%swap3A_596, %swap3A_597] {strides = array<i32>} : memref<128x128xf32, #tpu.memory_space<vmem>>, vector<1x16xf32>,
      %swap3A_599 = vector.shape_cast %swap3A_598 : vector<1x16xf32> to vector<16xf32>
      %swap3A_600 = vector.shape_cast %sub3A_595 : vector<16xf32> to vector<1x16xf32>
      tpu.vector_store %arg11[%swap3A_596, %swap3A_597], %swap3A_600 {strides = array<i32>} : memref<128x128xf32, #tpu.memory_space<vmem>>, vector<1x16xf32>,
      %get3A_601 = arith.index_cast %scan3A_508 : i32 to index
      %get3A_602 = arith.constant 80 : index
      %get3A_603 = tpu.vector_load %arg11[%get3A_601, %get3A_602] {strides = array<i32>} : memref<128x128xf32, #tpu.memory_space<vmem>>, vector<1x16xf32>,
      %get3A_604 = vector.shape_cast %get3A_603 : vector<1x16xf32> to vector<16xf32>
      %get3A_605 = arith.index_cast %scan3A_508 : i32 to index
      %get3A_606 = arith.constant 80 : index
      %get3A_607 = tpu.vector_load %arg12[%get3A_605, %get3A_606] {strides = array<i32>} : memref<128x128xf32, #tpu.memory_space<vmem>>, vector<1x16xf32>,
      %get3A_608 = vector.shape_cast %get3A_607 : vector<1x16xf32> to vector<16xf32>
      %add3A_609 = arith.addf %get3A_604, %get3A_608 : vector<16xf32>
      %get3A_610 = arith.index_cast %scan3A_508 : i32 to index
      %get3A_611 = arith.constant 80 : index
      %get3A_612 = tpu.vector_load %arg13[%get3A_610, %get3A_611] {strides = array<i32>} : memref<128x128xf32, #tpu.memory_space<vmem>>, vector<1x16xf32>,
      %get3A_613 = vector.shape_cast %get3A_612 : vector<1x16xf32> to vector<16xf32>
      %sub3A_614 = arith.subf %add3A_609, %get3A_613 : vector<16xf32>
      %swap3A_615 = arith.index_cast %scan3A_508 : i32 to index
      %swap3A_616 = arith.constant 80 : index
      %swap3A_617 = tpu.vector_load %arg11[%swap3A_615, %swap3A_616] {strides = array<i32>} : memref<128x128xf32, #tpu.memory_space<vmem>>, vector<1x16xf32>,
      %swap3A_618 = vector.shape_cast %swap3A_617 : vector<1x16xf32> to vector<16xf32>
      %swap3A_619 = vector.shape_cast %sub3A_614 : vector<16xf32> to vector<1x16xf32>
      tpu.vector_store %arg11[%swap3A_615, %swap3A_616], %swap3A_619 {strides = array<i32>} : memref<128x128xf32, #tpu.memory_space<vmem>>, vector<1x16xf32>,
      %get3A_620 = arith.index_cast %scan3A_508 : i32 to index
      %get3A_621 = arith.constant 96 : index
      %get3A_622 = tpu.vector_load %arg11[%get3A_620, %get3A_621] {strides = array<i32>} : memref<128x128xf32, #tpu.memory_space<vmem>>, vector<1x16xf32>,
      %get3A_623 = vector.shape_cast %get3A_622 : vector<1x16xf32> to vector<16xf32>
      %get3A_624 = arith.index_cast %scan3A_508 : i32 to index
      %get3A_625 = arith.constant 96 : index
      %get3A_626 = tpu.vector_load %arg12[%get3A_624, %get3A_625] {strides = array<i32>} : memref<128x128xf32, #tpu.memory_space<vmem>>, vector<1x16xf32>,
      %get3A_627 = vector.shape_cast %get3A_626 : vector<1x16xf32> to vector<16xf32>
      %add3A_628 = arith.addf %get3A_623, %get3A_627 : vector<16xf32>
      %get3A_629 = arith.index_cast %scan3A_508 : i32 to index
      %get3A_630 = arith.constant 96 : index
      %get3A_631 = tpu.vector_load %arg13[%get3A_629, %get3A_630] {strides = array<i32>} : memref<128x128xf32, #tpu.memory_space<vmem>>, vector<1x16xf32>,
      %get3A_632 = vector.shape_cast %get3A_631 : vector<1x16xf32> to vector<16xf32>
      %sub3A_633 = arith.subf %add3A_628, %get3A_632 : vector<16xf32>
      %swap3A_634 = arith.index_cast %scan3A_508 : i32 to index
      %swap3A_635 = arith.constant 96 : index
      %swap3A_636 = tpu.vector_load %arg11[%swap3A_634, %swap3A_635] {strides = array<i32>} : memref<128x128xf32, #tpu.memory_space<vmem>>, vector<1x16xf32>,
      %swap3A_637 = vector.shape_cast %swap3A_636 : vector<1x16xf32> to vector<16xf32>
      %swap3A_638 = vector.shape_cast %sub3A_633 : vector<16xf32> to vector<1x16xf32>
      tpu.vector_store %arg11[%swap3A_634, %swap3A_635], %swap3A_638 {strides = array<i32>} : memref<128x128xf32, #tpu.memory_space<vmem>>, vector<1x16xf32>,
      %get3A_639 = arith.index_cast %scan3A_508 : i32 to index
      %get3A_640 = arith.constant 112 : index
      %get3A_641 = tpu.vector_load %arg11[%get3A_639, %get3A_640] {strides = array<i32>} : memref<128x128xf32, #tpu.memory_space<vmem>>, vector<1x16xf32>,
      %get3A_642 = vector.shape_cast %get3A_641 : vector<1x16xf32> to vector<16xf32>
      %get3A_643 = arith.index_cast %scan3A_508 : i32 to index
      %get3A_644 = arith.constant 112 : index
      %get3A_645 = tpu.vector_load %arg12[%get3A_643, %get3A_644] {strides = array<i32>} : memref<128x128xf32, #tpu.memory_space<vmem>>, vector<1x16xf32>,
      %get3A_646 = vector.shape_cast %get3A_645 : vector<1x16xf32> to vector<16xf32>
      %add3A_647 = arith.addf %get3A_642, %get3A_646 : vector<16xf32>
      %get3A_648 = arith.index_cast %scan3A_508 : i32 to index
      %get3A_649 = arith.constant 112 : index
      %get3A_650 = tpu.vector_load %arg13[%get3A_648, %get3A_649] {strides = array<i32>} : memref<128x128xf32, #tpu.memory_space<vmem>>, vector<1x16xf32>,
      %get3A_651 = vector.shape_cast %get3A_650 : vector<1x16xf32> to vector<16xf32>
      %sub3A_652 = arith.subf %add3A_647, %get3A_651 : vector<16xf32>
      %swap3A_653 = arith.index_cast %scan3A_508 : i32 to index
      %swap3A_654 = arith.constant 112 : index
      %swap3A_655 = tpu.vector_load %arg11[%swap3A_653, %swap3A_654] {strides = array<i32>} : memref<128x128xf32, #tpu.memory_space<vmem>>, vector<1x16xf32>,
      %swap3A_656 = vector.shape_cast %swap3A_655 : vector<1x16xf32> to vector<16xf32>
      %swap3A_657 = vector.shape_cast %sub3A_652 : vector<16xf32> to vector<1x16xf32>
      tpu.vector_store %arg11[%swap3A_653, %swap3A_654], %swap3A_657 {strides = array<i32>} : memref<128x128xf32, #tpu.memory_space<vmem>>, vector<1x16xf32>,
    }
    %scan3A_324 = arith.constant 128 : i32
    %mul3A_325 = arith.constant 16384 : i32
    %mul3A_326 = arith.muli %arg0, %mul3A_325 : i32
    %mul3A_327 = arith.constant 1024 : i32
    %mul3A_328 = arith.muli %arg1, %mul3A_327 : i32
    %add3A_329 = arith.addi %mul3A_326, %mul3A_328 : i32
    %add3A_330 = arith.constant 512 : i32
    %add3A_331 = arith.addi %add3A_329, %add3A_330 : i32
    %dma_start3A_332 = arith.constant 0 : i32
    %dma_start3A_333 = tpu.memref_slice %arg7[%add3A_331, %dma_start3A_332] : memref<32768x128xf32, #tpu.memory_space<hbm>> -> memref<128x128xf32, #tpu.memory_space<hbm>>
    %dma_start3A_334 = arith.constant 0 : i32
    %dma_start3A_335 = tpu.memref_slice %arg7[%add3A_331, %dma_start3A_334] : memref<32768x128xf32, #tpu.memory_space<hbm>> -> memref<128x128xf32, #tpu.memory_space<hbm>>
    tpu.enqueue_dma source(%arg11 : memref<128x128xf32, #tpu.memory_space<vmem>>) target(%dma_start3A_335 : memref<128x128xf32, #tpu.memory_space<hbm>>) target_semaphore(%arg23 : memref<!tpu.dma_semaphore, #tpu.memory_space<semaphore_mem>>)
    %dma_wait3A_336 = arith.constant 0 : i32
    %dma_wait3A_337 = tpu.memref_slice %arg7[%add3A_331, %dma_wait3A_336] : memref<32768x128xf32, #tpu.memory_space<hbm>> -> memref<128x128xf32, #tpu.memory_space<hbm>>
    %dma_wait3A_338 = arith.constant 0 : i32
    %dma_wait3A_339 = tpu.memref_slice %arg7[%add3A_331, %dma_wait3A_338] : memref<32768x128xf32, #tpu.memory_space<hbm>> -> memref<128x128xf32, #tpu.memory_space<hbm>>
    tpu.wait_dma2 semaphore(%arg23 : memref<!tpu.dma_semaphore, #tpu.memory_space<semaphore_mem>>) src(%arg11 : memref<128x128xf32, #tpu.memory_space<vmem>>) dst(%dma_wait3A_339 : memref<128x128xf32, #tpu.memory_space<hbm>>)
    %dma_start3A_340 = arith.constant 6 : i32
    %dma_start3A_341 = arith.constant 0 : i32
    %dma_start3A_342 = tpu.memref_slice %arg8[%dma_start3A_340, %dma_start3A_341] : memref<8x128xi32, #tpu.memory_space<vmem>> -> memref<1x128xi32, #tpu.memory_space<vmem>>
    %dma_start3A_343 = tpu.memref_squeeze %dma_start3A_342 : memref<1x128xi32, #tpu.memory_space<vmem>> -> memref<128xi32, #tpu.memory_space<vmem>>
    %dma_start3A_344 = arith.constant 0 : i32
    %dma_start3A_345 = arith.constant 0 : i32
    %dma_start3A_346 = tpu.memref_slice %arg2[%dma_start3A_344, %dma_start3A_345] : memref<20480x128xf32, #tpu.memory_space<hbm>> -> memref<20480x128xf32, #tpu.memory_space<hbm>>
    tpu.enqueue_indirect_dma source(%dma_start3A_346 : memref<20480x128xf32, #tpu.memory_space<hbm>>) target(%arg11 : memref<128x128xf32, #tpu.memory_space<vmem>>) offsets(%dma_start3A_343 : memref<128xi32, #tpu.memory_space<vmem>>) semaphore(%arg17 : memref<!tpu.dma_semaphore, #tpu.memory_space<semaphore_mem>>)
    %dma_start3A_347 = arith.constant 6 : i32
    %dma_start3A_348 = arith.constant 0 : i32
    %dma_start3A_349 = tpu.memref_slice %arg9[%dma_start3A_347, %dma_start3A_348] : memref<8x128xi32, #tpu.memory_space<vmem>> -> memref<1x128xi32, #tpu.memory_space<vmem>>
    %dma_start3A_350 = tpu.memref_squeeze %dma_start3A_349 : memref<1x128xi32, #tpu.memory_space<vmem>> -> memref<128xi32, #tpu.memory_space<vmem>>
    %dma_start3A_351 = arith.constant 0 : i32
    %dma_start3A_352 = arith.constant 0 : i32
    %dma_start3A_353 = tpu.memref_slice %arg3[%dma_start3A_351, %dma_start3A_352] : memref<400x128xf32, #tpu.memory_space<hbm>> -> memref<400x128xf32, #tpu.memory_space<hbm>>
    tpu.enqueue_indirect_dma source(%dma_start3A_353 : memref<400x128xf32, #tpu.memory_space<hbm>>) target(%arg12 : memref<128x128xf32, #tpu.memory_space<vmem>>) offsets(%dma_start3A_350 : memref<128xi32, #tpu.memory_space<vmem>>) semaphore(%arg18 : memref<!tpu.dma_semaphore, #tpu.memory_space<semaphore_mem>>)
    %dma_start3A_354 = arith.constant 6 : i32
    %dma_start3A_355 = arith.constant 0 : i32
    %dma_start3A_356 = tpu.memref_slice %arg10[%dma_start3A_354, %dma_start3A_355] : memref<8x128xi32, #tpu.memory_space<vmem>> -> memref<1x128xi32, #tpu.memory_space<vmem>>
    %dma_start3A_357 = tpu.memref_squeeze %dma_start3A_356 : memref<1x128xi32, #tpu.memory_space<vmem>> -> memref<128xi32, #tpu.memory_space<vmem>>
    %dma_start3A_358 = arith.constant 0 : i32
    %dma_start3A_359 = arith.constant 0 : i32
    %dma_start3A_360 = tpu.memref_slice %arg2[%dma_start3A_358, %dma_start3A_359] : memref<20480x128xf32, #tpu.memory_space<hbm>> -> memref<20480x128xf32, #tpu.memory_space<hbm>>
    tpu.enqueue_indirect_dma source(%dma_start3A_360 : memref<20480x128xf32, #tpu.memory_space<hbm>>) target(%arg13 : memref<128x128xf32, #tpu.memory_space<vmem>>) offsets(%dma_start3A_357 : memref<128xi32, #tpu.memory_space<vmem>>) semaphore(%arg19 : memref<!tpu.dma_semaphore, #tpu.memory_space<semaphore_mem>>)
    %dma_wait3A_361 = arith.constant 5 : i32
    %dma_wait3A_362 = arith.constant 0 : i32
    %dma_wait3A_363 = tpu.memref_slice %arg8[%dma_wait3A_361, %dma_wait3A_362] : memref<8x128xi32, #tpu.memory_space<vmem>> -> memref<1x128xi32, #tpu.memory_space<vmem>>
    %dma_wait3A_364 = tpu.memref_squeeze %dma_wait3A_363 : memref<1x128xi32, #tpu.memory_space<vmem>> -> memref<128xi32, #tpu.memory_space<vmem>>
    %dma_wait3A_365 = arith.constant 0 : i32
    %dma_wait3A_366 = arith.constant 0 : i32
    %dma_wait3A_367 = tpu.memref_slice %arg2[%dma_wait3A_365, %dma_wait3A_366] : memref<20480x128xf32, #tpu.memory_space<hbm>> -> memref<20480x128xf32, #tpu.memory_space<hbm>>
    tpu.wait_indirect_dma semaphore(%arg20 : memref<!tpu.dma_semaphore, #tpu.memory_space<semaphore_mem>>) src(%dma_wait3A_367 : memref<20480x128xf32, #tpu.memory_space<hbm>>) dst(%arg14 : memref<128x128xf32, #tpu.memory_space<vmem>>)
    %dma_wait3A_368 = arith.constant 5 : i32
    %dma_wait3A_369 = arith.constant 0 : i32
    %dma_wait3A_370 = tpu.memref_slice %arg9[%dma_wait3A_368, %dma_wait3A_369] : memref<8x128xi32, #tpu.memory_space<vmem>> -> memref<1x128xi32, #tpu.memory_space<vmem>>
    %dma_wait3A_371 = tpu.memref_squeeze %dma_wait3A_370 : memref<1x128xi32, #tpu.memory_space<vmem>> -> memref<128xi32, #tpu.memory_space<vmem>>
    %dma_wait3A_372 = arith.constant 0 : i32
    %dma_wait3A_373 = arith.constant 0 : i32
    %dma_wait3A_374 = tpu.memref_slice %arg3[%dma_wait3A_372, %dma_wait3A_373] : memref<400x128xf32, #tpu.memory_space<hbm>> -> memref<400x128xf32, #tpu.memory_space<hbm>>
    tpu.wait_indirect_dma semaphore(%arg21 : memref<!tpu.dma_semaphore, #tpu.memory_space<semaphore_mem>>) src(%dma_wait3A_374 : memref<400x128xf32, #tpu.memory_space<hbm>>) dst(%arg15 : memref<128x128xf32, #tpu.memory_space<vmem>>)
    %dma_wait3A_375 = arith.constant 5 : i32
    %dma_wait3A_376 = arith.constant 0 : i32
    %dma_wait3A_377 = tpu.memref_slice %arg10[%dma_wait3A_375, %dma_wait3A_376] : memref<8x128xi32, #tpu.memory_space<vmem>> -> memref<1x128xi32, #tpu.memory_space<vmem>>
    %dma_wait3A_378 = tpu.memref_squeeze %dma_wait3A_377 : memref<1x128xi32, #tpu.memory_space<vmem>> -> memref<128xi32, #tpu.memory_space<vmem>>
    %dma_wait3A_379 = arith.constant 0 : i32
    %dma_wait3A_380 = arith.constant 0 : i32
    %dma_wait3A_381 = tpu.memref_slice %arg2[%dma_wait3A_379, %dma_wait3A_380] : memref<20480x128xf32, #tpu.memory_space<hbm>> -> memref<20480x128xf32, #tpu.memory_space<hbm>>
    tpu.wait_indirect_dma semaphore(%arg22 : memref<!tpu.dma_semaphore, #tpu.memory_space<semaphore_mem>>) src(%dma_wait3A_381 : memref<20480x128xf32, #tpu.memory_space<hbm>>) dst(%arg16 : memref<128x128xf32, #tpu.memory_space<vmem>>)
    %scan3A_382 = arith.constant 0 : i32
    %scan3A_383 = arith.constant 0 : i32
    %scan3A_384 = arith.constant 128 : i32
    %scan3A_385 = arith.addi %scan3A_383, %scan3A_384 : i32
    %scan3A_386 = arith.constant 1 : i32
    scf.for %scan3A_508 = %scan3A_383 to %scan3A_385 step %scan3A_386  : i32 {
      %get3A = arith.index_cast %scan3A_508 : i32 to index
      %get3A_509 = arith.constant 0 : index
      %get3A_510 = tpu.vector_load %arg14[%get3A, %get3A_509] {strides = array<i32>} : memref<128x128xf32, #tpu.memory_space<vmem>>, vector<1x16xf32>,
      %get3A_511 = vector.shape_cast %get3A_510 : vector<1x16xf32> to vector<16xf32>
      %get3A_512 = arith.index_cast %scan3A_508 : i32 to index
      %get3A_513 = arith.constant 0 : index
      %get3A_514 = tpu.vector_load %arg15[%get3A_512, %get3A_513] {strides = array<i32>} : memref<128x128xf32, #tpu.memory_space<vmem>>, vector<1x16xf32>,
      %get3A_515 = vector.shape_cast %get3A_514 : vector<1x16xf32> to vector<16xf32>
      %add3A_516 = arith.addf %get3A_511, %get3A_515 : vector<16xf32>
      %get3A_517 = arith.index_cast %scan3A_508 : i32 to index
      %get3A_518 = arith.constant 0 : index
      %get3A_519 = tpu.vector_load %arg16[%get3A_517, %get3A_518] {strides = array<i32>} : memref<128x128xf32, #tpu.memory_space<vmem>>, vector<1x16xf32>,
      %get3A_520 = vector.shape_cast %get3A_519 : vector<1x16xf32> to vector<16xf32>
      %sub3A = arith.subf %add3A_516, %get3A_520 : vector<16xf32>
      %swap3A = arith.index_cast %scan3A_508 : i32 to index
      %swap3A_521 = arith.constant 0 : index
      %swap3A_522 = tpu.vector_load %arg14[%swap3A, %swap3A_521] {strides = array<i32>} : memref<128x128xf32, #tpu.memory_space<vmem>>, vector<1x16xf32>,
      %swap3A_523 = vector.shape_cast %swap3A_522 : vector<1x16xf32> to vector<16xf32>
      %swap3A_524 = vector.shape_cast %sub3A : vector<16xf32> to vector<1x16xf32>
      tpu.vector_store %arg14[%swap3A, %swap3A_521], %swap3A_524 {strides = array<i32>} : memref<128x128xf32, #tpu.memory_space<vmem>>, vector<1x16xf32>,
      %get3A_525 = arith.index_cast %scan3A_508 : i32 to index
      %get3A_526 = arith.constant 16 : index
      %get3A_527 = tpu.vector_load %arg14[%get3A_525, %get3A_526] {strides = array<i32>} : memref<128x128xf32, #tpu.memory_space<vmem>>, vector<1x16xf32>,
      %get3A_528 = vector.shape_cast %get3A_527 : vector<1x16xf32> to vector<16xf32>
      %get3A_529 = arith.index_cast %scan3A_508 : i32 to index
      %get3A_530 = arith.constant 16 : index
      %get3A_531 = tpu.vector_load %arg15[%get3A_529, %get3A_530] {strides = array<i32>} : memref<128x128xf32, #tpu.memory_space<vmem>>, vector<1x16xf32>,
      %get3A_532 = vector.shape_cast %get3A_531 : vector<1x16xf32> to vector<16xf32>
      %add3A_533 = arith.addf %get3A_528, %get3A_532 : vector<16xf32>
      %get3A_534 = arith.index_cast %scan3A_508 : i32 to index
      %get3A_535 = arith.constant 16 : index
      %get3A_536 = tpu.vector_load %arg16[%get3A_534, %get3A_535] {strides = array<i32>} : memref<128x128xf32, #tpu.memory_space<vmem>>, vector<1x16xf32>,
      %get3A_537 = vector.shape_cast %get3A_536 : vector<1x16xf32> to vector<16xf32>
      %sub3A_538 = arith.subf %add3A_533, %get3A_537 : vector<16xf32>
      %swap3A_539 = arith.index_cast %scan3A_508 : i32 to index
      %swap3A_540 = arith.constant 16 : index
      %swap3A_541 = tpu.vector_load %arg14[%swap3A_539, %swap3A_540] {strides = array<i32>} : memref<128x128xf32, #tpu.memory_space<vmem>>, vector<1x16xf32>,
      %swap3A_542 = vector.shape_cast %swap3A_541 : vector<1x16xf32> to vector<16xf32>
      %swap3A_543 = vector.shape_cast %sub3A_538 : vector<16xf32> to vector<1x16xf32>
      tpu.vector_store %arg14[%swap3A_539, %swap3A_540], %swap3A_543 {strides = array<i32>} : memref<128x128xf32, #tpu.memory_space<vmem>>, vector<1x16xf32>,
      %get3A_544 = arith.index_cast %scan3A_508 : i32 to index
      %get3A_545 = arith.constant 32 : index
      %get3A_546 = tpu.vector_load %arg14[%get3A_544, %get3A_545] {strides = array<i32>} : memref<128x128xf32, #tpu.memory_space<vmem>>, vector<1x16xf32>,
      %get3A_547 = vector.shape_cast %get3A_546 : vector<1x16xf32> to vector<16xf32>
      %get3A_548 = arith.index_cast %scan3A_508 : i32 to index
      %get3A_549 = arith.constant 32 : index
      %get3A_550 = tpu.vector_load %arg15[%get3A_548, %get3A_549] {strides = array<i32>} : memref<128x128xf32, #tpu.memory_space<vmem>>, vector<1x16xf32>,
      %get3A_551 = vector.shape_cast %get3A_550 : vector<1x16xf32> to vector<16xf32>
      %add3A_552 = arith.addf %get3A_547, %get3A_551 : vector<16xf32>
      %get3A_553 = arith.index_cast %scan3A_508 : i32 to index
      %get3A_554 = arith.constant 32 : index
      %get3A_555 = tpu.vector_load %arg16[%get3A_553, %get3A_554] {strides = array<i32>} : memref<128x128xf32, #tpu.memory_space<vmem>>, vector<1x16xf32>,
      %get3A_556 = vector.shape_cast %get3A_555 : vector<1x16xf32> to vector<16xf32>
      %sub3A_557 = arith.subf %add3A_552, %get3A_556 : vector<16xf32>
      %swap3A_558 = arith.index_cast %scan3A_508 : i32 to index
      %swap3A_559 = arith.constant 32 : index
      %swap3A_560 = tpu.vector_load %arg14[%swap3A_558, %swap3A_559] {strides = array<i32>} : memref<128x128xf32, #tpu.memory_space<vmem>>, vector<1x16xf32>,
      %swap3A_561 = vector.shape_cast %swap3A_560 : vector<1x16xf32> to vector<16xf32>
      %swap3A_562 = vector.shape_cast %sub3A_557 : vector<16xf32> to vector<1x16xf32>
      tpu.vector_store %arg14[%swap3A_558, %swap3A_559], %swap3A_562 {strides = array<i32>} : memref<128x128xf32, #tpu.memory_space<vmem>>, vector<1x16xf32>,
      %get3A_563 = arith.index_cast %scan3A_508 : i32 to index
      %get3A_564 = arith.constant 48 : index
      %get3A_565 = tpu.vector_load %arg14[%get3A_563, %get3A_564] {strides = array<i32>} : memref<128x128xf32, #tpu.memory_space<vmem>>, vector<1x16xf32>,
      %get3A_566 = vector.shape_cast %get3A_565 : vector<1x16xf32> to vector<16xf32>
      %get3A_567 = arith.index_cast %scan3A_508 : i32 to index
      %get3A_568 = arith.constant 48 : index
      %get3A_569 = tpu.vector_load %arg15[%get3A_567, %get3A_568] {strides = array<i32>} : memref<128x128xf32, #tpu.memory_space<vmem>>, vector<1x16xf32>,
      %get3A_570 = vector.shape_cast %get3A_569 : vector<1x16xf32> to vector<16xf32>
      %add3A_571 = arith.addf %get3A_566, %get3A_570 : vector<16xf32>
      %get3A_572 = arith.index_cast %scan3A_508 : i32 to index
      %get3A_573 = arith.constant 48 : index
      %get3A_574 = tpu.vector_load %arg16[%get3A_572, %get3A_573] {strides = array<i32>} : memref<128x128xf32, #tpu.memory_space<vmem>>, vector<1x16xf32>,
      %get3A_575 = vector.shape_cast %get3A_574 : vector<1x16xf32> to vector<16xf32>
      %sub3A_576 = arith.subf %add3A_571, %get3A_575 : vector<16xf32>
      %swap3A_577 = arith.index_cast %scan3A_508 : i32 to index
      %swap3A_578 = arith.constant 48 : index
      %swap3A_579 = tpu.vector_load %arg14[%swap3A_577, %swap3A_578] {strides = array<i32>} : memref<128x128xf32, #tpu.memory_space<vmem>>, vector<1x16xf32>,
      %swap3A_580 = vector.shape_cast %swap3A_579 : vector<1x16xf32> to vector<16xf32>
      %swap3A_581 = vector.shape_cast %sub3A_576 : vector<16xf32> to vector<1x16xf32>
      tpu.vector_store %arg14[%swap3A_577, %swap3A_578], %swap3A_581 {strides = array<i32>} : memref<128x128xf32, #tpu.memory_space<vmem>>, vector<1x16xf32>,
      %get3A_582 = arith.index_cast %scan3A_508 : i32 to index
      %get3A_583 = arith.constant 64 : index
      %get3A_584 = tpu.vector_load %arg14[%get3A_582, %get3A_583] {strides = array<i32>} : memref<128x128xf32, #tpu.memory_space<vmem>>, vector<1x16xf32>,
      %get3A_585 = vector.shape_cast %get3A_584 : vector<1x16xf32> to vector<16xf32>
      %get3A_586 = arith.index_cast %scan3A_508 : i32 to index
      %get3A_587 = arith.constant 64 : index
      %get3A_588 = tpu.vector_load %arg15[%get3A_586, %get3A_587] {strides = array<i32>} : memref<128x128xf32, #tpu.memory_space<vmem>>, vector<1x16xf32>,
      %get3A_589 = vector.shape_cast %get3A_588 : vector<1x16xf32> to vector<16xf32>
      %add3A_590 = arith.addf %get3A_585, %get3A_589 : vector<16xf32>
      %get3A_591 = arith.index_cast %scan3A_508 : i32 to index
      %get3A_592 = arith.constant 64 : index
      %get3A_593 = tpu.vector_load %arg16[%get3A_591, %get3A_592] {strides = array<i32>} : memref<128x128xf32, #tpu.memory_space<vmem>>, vector<1x16xf32>,
      %get3A_594 = vector.shape_cast %get3A_593 : vector<1x16xf32> to vector<16xf32>
      %sub3A_595 = arith.subf %add3A_590, %get3A_594 : vector<16xf32>
      %swap3A_596 = arith.index_cast %scan3A_508 : i32 to index
      %swap3A_597 = arith.constant 64 : index
      %swap3A_598 = tpu.vector_load %arg14[%swap3A_596, %swap3A_597] {strides = array<i32>} : memref<128x128xf32, #tpu.memory_space<vmem>>, vector<1x16xf32>,
      %swap3A_599 = vector.shape_cast %swap3A_598 : vector<1x16xf32> to vector<16xf32>
      %swap3A_600 = vector.shape_cast %sub3A_595 : vector<16xf32> to vector<1x16xf32>
      tpu.vector_store %arg14[%swap3A_596, %swap3A_597], %swap3A_600 {strides = array<i32>} : memref<128x128xf32, #tpu.memory_space<vmem>>, vector<1x16xf32>,
      %get3A_601 = arith.index_cast %scan3A_508 : i32 to index
      %get3A_602 = arith.constant 80 : index
      %get3A_603 = tpu.vector_load %arg14[%get3A_601, %get3A_602] {strides = array<i32>} : memref<128x128xf32, #tpu.memory_space<vmem>>, vector<1x16xf32>,
      %get3A_604 = vector.shape_cast %get3A_603 : vector<1x16xf32> to vector<16xf32>
      %get3A_605 = arith.index_cast %scan3A_508 : i32 to index
      %get3A_606 = arith.constant 80 : index
      %get3A_607 = tpu.vector_load %arg15[%get3A_605, %get3A_606] {strides = array<i32>} : memref<128x128xf32, #tpu.memory_space<vmem>>, vector<1x16xf32>,
      %get3A_608 = vector.shape_cast %get3A_607 : vector<1x16xf32> to vector<16xf32>
      %add3A_609 = arith.addf %get3A_604, %get3A_608 : vector<16xf32>
      %get3A_610 = arith.index_cast %scan3A_508 : i32 to index
      %get3A_611 = arith.constant 80 : index
      %get3A_612 = tpu.vector_load %arg16[%get3A_610, %get3A_611] {strides = array<i32>} : memref<128x128xf32, #tpu.memory_space<vmem>>, vector<1x16xf32>,
      %get3A_613 = vector.shape_cast %get3A_612 : vector<1x16xf32> to vector<16xf32>
      %sub3A_614 = arith.subf %add3A_609, %get3A_613 : vector<16xf32>
      %swap3A_615 = arith.index_cast %scan3A_508 : i32 to index
      %swap3A_616 = arith.constant 80 : index
      %swap3A_617 = tpu.vector_load %arg14[%swap3A_615, %swap3A_616] {strides = array<i32>} : memref<128x128xf32, #tpu.memory_space<vmem>>, vector<1x16xf32>,
      %swap3A_618 = vector.shape_cast %swap3A_617 : vector<1x16xf32> to vector<16xf32>
      %swap3A_619 = vector.shape_cast %sub3A_614 : vector<16xf32> to vector<1x16xf32>
      tpu.vector_store %arg14[%swap3A_615, %swap3A_616], %swap3A_619 {strides = array<i32>} : memref<128x128xf32, #tpu.memory_space<vmem>>, vector<1x16xf32>,
      %get3A_620 = arith.index_cast %scan3A_508 : i32 to index
      %get3A_621 = arith.constant 96 : index
      %get3A_622 = tpu.vector_load %arg14[%get3A_620, %get3A_621] {strides = array<i32>} : memref<128x128xf32, #tpu.memory_space<vmem>>, vector<1x16xf32>,
      %get3A_623 = vector.shape_cast %get3A_622 : vector<1x16xf32> to vector<16xf32>
      %get3A_624 = arith.index_cast %scan3A_508 : i32 to index
      %get3A_625 = arith.constant 96 : index
      %get3A_626 = tpu.vector_load %arg15[%get3A_624, %get3A_625] {strides = array<i32>} : memref<128x128xf32, #tpu.memory_space<vmem>>, vector<1x16xf32>,
      %get3A_627 = vector.shape_cast %get3A_626 : vector<1x16xf32> to vector<16xf32>
      %add3A_628 = arith.addf %get3A_623, %get3A_627 : vector<16xf32>
      %get3A_629 = arith.index_cast %scan3A_508 : i32 to index
      %get3A_630 = arith.constant 96 : index
      %get3A_631 = tpu.vector_load %arg16[%get3A_629, %get3A_630] {strides = array<i32>} : memref<128x128xf32, #tpu.memory_space<vmem>>, vector<1x16xf32>,
      %get3A_632 = vector.shape_cast %get3A_631 : vector<1x16xf32> to vector<16xf32>
      %sub3A_633 = arith.subf %add3A_628, %get3A_632 : vector<16xf32>
      %swap3A_634 = arith.index_cast %scan3A_508 : i32 to index
      %swap3A_635 = arith.constant 96 : index
      %swap3A_636 = tpu.vector_load %arg14[%swap3A_634, %swap3A_635] {strides = array<i32>} : memref<128x128xf32, #tpu.memory_space<vmem>>, vector<1x16xf32>,
      %swap3A_637 = vector.shape_cast %swap3A_636 : vector<1x16xf32> to vector<16xf32>
      %swap3A_638 = vector.shape_cast %sub3A_633 : vector<16xf32> to vector<1x16xf32>
      tpu.vector_store %arg14[%swap3A_634, %swap3A_635], %swap3A_638 {strides = array<i32>} : memref<128x128xf32, #tpu.memory_space<vmem>>, vector<1x16xf32>,
      %get3A_639 = arith.index_cast %scan3A_508 : i32 to index
      %get3A_640 = arith.constant 112 : index
      %get3A_641 = tpu.vector_load %arg14[%get3A_639, %get3A_640] {strides = array<i32>} : memref<128x128xf32, #tpu.memory_space<vmem>>, vector<1x16xf32>,
      %get3A_642 = vector.shape_cast %get3A_641 : vector<1x16xf32> to vector<16xf32>
      %get3A_643 = arith.index_cast %scan3A_508 : i32 to index
      %get3A_644 = arith.constant 112 : index
      %get3A_645 = tpu.vector_load %arg15[%get3A_643, %get3A_644] {strides = array<i32>} : memref<128x128xf32, #tpu.memory_space<vmem>>, vector<1x16xf32>,
      %get3A_646 = vector.shape_cast %get3A_645 : vector<1x16xf32> to vector<16xf32>
      %add3A_647 = arith.addf %get3A_642, %get3A_646 : vector<16xf32>
      %get3A_648 = arith.index_cast %scan3A_508 : i32 to index
      %get3A_649 = arith.constant 112 : index
      %get3A_650 = tpu.vector_load %arg16[%get3A_648, %get3A_649] {strides = array<i32>} : memref<128x128xf32, #tpu.memory_space<vmem>>, vector<1x16xf32>,
      %get3A_651 = vector.shape_cast %get3A_650 : vector<1x16xf32> to vector<16xf32>
      %sub3A_652 = arith.subf %add3A_647, %get3A_651 : vector<16xf32>
      %swap3A_653 = arith.index_cast %scan3A_508 : i32 to index
      %swap3A_654 = arith.constant 112 : index
      %swap3A_655 = tpu.vector_load %arg14[%swap3A_653, %swap3A_654] {strides = array<i32>} : memref<128x128xf32, #tpu.memory_space<vmem>>, vector<1x16xf32>,
      %swap3A_656 = vector.shape_cast %swap3A_655 : vector<1x16xf32> to vector<16xf32>
      %swap3A_657 = vector.shape_cast %sub3A_652 : vector<16xf32> to vector<1x16xf32>
      tpu.vector_store %arg14[%swap3A_653, %swap3A_654], %swap3A_657 {strides = array<i32>} : memref<128x128xf32, #tpu.memory_space<vmem>>, vector<1x16xf32>,
    }
    %scan3A_387 = arith.constant 128 : i32
    %mul3A_388 = arith.constant 16384 : i32
    %mul3A_389 = arith.muli %arg0, %mul3A_388 : i32
    %mul3A_390 = arith.constant 1024 : i32
    %mul3A_391 = arith.muli %arg1, %mul3A_390 : i32
    %add3A_392 = arith.addi %mul3A_389, %mul3A_391 : i32
    %add3A_393 = arith.constant 640 : i32
    %add3A_394 = arith.addi %add3A_392, %add3A_393 : i32
    %dma_start3A_395 = arith.constant 0 : i32
    %dma_start3A_396 = tpu.memref_slice %arg7[%add3A_394, %dma_start3A_395] : memref<32768x128xf32, #tpu.memory_space<hbm>> -> memref<128x128xf32, #tpu.memory_space<hbm>>
    %dma_start3A_397 = arith.constant 0 : i32
    %dma_start3A_398 = tpu.memref_slice %arg7[%add3A_394, %dma_start3A_397] : memref<32768x128xf32, #tpu.memory_space<hbm>> -> memref<128x128xf32, #tpu.memory_space<hbm>>
    tpu.enqueue_dma source(%arg14 : memref<128x128xf32, #tpu.memory_space<vmem>>) target(%dma_start3A_398 : memref<128x128xf32, #tpu.memory_space<hbm>>) target_semaphore(%arg24 : memref<!tpu.dma_semaphore, #tpu.memory_space<semaphore_mem>>)
    %dma_wait3A_399 = arith.constant 0 : i32
    %dma_wait3A_400 = tpu.memref_slice %arg7[%add3A_394, %dma_wait3A_399] : memref<32768x128xf32, #tpu.memory_space<hbm>> -> memref<128x128xf32, #tpu.memory_space<hbm>>
    %dma_wait3A_401 = arith.constant 0 : i32
    %dma_wait3A_402 = tpu.memref_slice %arg7[%add3A_394, %dma_wait3A_401] : memref<32768x128xf32, #tpu.memory_space<hbm>> -> memref<128x128xf32, #tpu.memory_space<hbm>>
    tpu.wait_dma2 semaphore(%arg24 : memref<!tpu.dma_semaphore, #tpu.memory_space<semaphore_mem>>) src(%arg14 : memref<128x128xf32, #tpu.memory_space<vmem>>) dst(%dma_wait3A_402 : memref<128x128xf32, #tpu.memory_space<hbm>>)
    %dma_start3A_403 = arith.constant 7 : i32
    %dma_start3A_404 = arith.constant 0 : i32
    %dma_start3A_405 = tpu.memref_slice %arg8[%dma_start3A_403, %dma_start3A_404] : memref<8x128xi32, #tpu.memory_space<vmem>> -> memref<1x128xi32, #tpu.memory_space<vmem>>
    %dma_start3A_406 = tpu.memref_squeeze %dma_start3A_405 : memref<1x128xi32, #tpu.memory_space<vmem>> -> memref<128xi32, #tpu.memory_space<vmem>>
    %dma_start3A_407 = arith.constant 0 : i32
    %dma_start3A_408 = arith.constant 0 : i32
    %dma_start3A_409 = tpu.memref_slice %arg2[%dma_start3A_407, %dma_start3A_408] : memref<20480x128xf32, #tpu.memory_space<hbm>> -> memref<20480x128xf32, #tpu.memory_space<hbm>>
    tpu.enqueue_indirect_dma source(%dma_start3A_409 : memref<20480x128xf32, #tpu.memory_space<hbm>>) target(%arg14 : memref<128x128xf32, #tpu.memory_space<vmem>>) offsets(%dma_start3A_406 : memref<128xi32, #tpu.memory_space<vmem>>) semaphore(%arg20 : memref<!tpu.dma_semaphore, #tpu.memory_space<semaphore_mem>>)
    %dma_start3A_410 = arith.constant 7 : i32
    %dma_start3A_411 = arith.constant 0 : i32
    %dma_start3A_412 = tpu.memref_slice %arg9[%dma_start3A_410, %dma_start3A_411] : memref<8x128xi32, #tpu.memory_space<vmem>> -> memref<1x128xi32, #tpu.memory_space<vmem>>
    %dma_start3A_413 = tpu.memref_squeeze %dma_start3A_412 : memref<1x128xi32, #tpu.memory_space<vmem>> -> memref<128xi32, #tpu.memory_space<vmem>>
    %dma_start3A_414 = arith.constant 0 : i32
    %dma_start3A_415 = arith.constant 0 : i32
    %dma_start3A_416 = tpu.memref_slice %arg3[%dma_start3A_414, %dma_start3A_415] : memref<400x128xf32, #tpu.memory_space<hbm>> -> memref<400x128xf32, #tpu.memory_space<hbm>>
    tpu.enqueue_indirect_dma source(%dma_start3A_416 : memref<400x128xf32, #tpu.memory_space<hbm>>) target(%arg15 : memref<128x128xf32, #tpu.memory_space<vmem>>) offsets(%dma_start3A_413 : memref<128xi32, #tpu.memory_space<vmem>>) semaphore(%arg21 : memref<!tpu.dma_semaphore, #tpu.memory_space<semaphore_mem>>)
    %dma_start3A_417 = arith.constant 7 : i32
    %dma_start3A_418 = arith.constant 0 : i32
    %dma_start3A_419 = tpu.memref_slice %arg10[%dma_start3A_417, %dma_start3A_418] : memref<8x128xi32, #tpu.memory_space<vmem>> -> memref<1x128xi32, #tpu.memory_space<vmem>>
    %dma_start3A_420 = tpu.memref_squeeze %dma_start3A_419 : memref<1x128xi32, #tpu.memory_space<vmem>> -> memref<128xi32, #tpu.memory_space<vmem>>
    %dma_start3A_421 = arith.constant 0 : i32
    %dma_start3A_422 = arith.constant 0 : i32
    %dma_start3A_423 = tpu.memref_slice %arg2[%dma_start3A_421, %dma_start3A_422] : memref<20480x128xf32, #tpu.memory_space<hbm>> -> memref<20480x128xf32, #tpu.memory_space<hbm>>
    tpu.enqueue_indirect_dma source(%dma_start3A_423 : memref<20480x128xf32, #tpu.memory_space<hbm>>) target(%arg16 : memref<128x128xf32, #tpu.memory_space<vmem>>) offsets(%dma_start3A_420 : memref<128xi32, #tpu.memory_space<vmem>>) semaphore(%arg22 : memref<!tpu.dma_semaphore, #tpu.memory_space<semaphore_mem>>)
    %dma_wait3A_424 = arith.constant 6 : i32
    %dma_wait3A_425 = arith.constant 0 : i32
    %dma_wait3A_426 = tpu.memref_slice %arg8[%dma_wait3A_424, %dma_wait3A_425] : memref<8x128xi32, #tpu.memory_space<vmem>> -> memref<1x128xi32, #tpu.memory_space<vmem>>
    %dma_wait3A_427 = tpu.memref_squeeze %dma_wait3A_426 : memref<1x128xi32, #tpu.memory_space<vmem>> -> memref<128xi32, #tpu.memory_space<vmem>>
    %dma_wait3A_428 = arith.constant 0 : i32
    %dma_wait3A_429 = arith.constant 0 : i32
    %dma_wait3A_430 = tpu.memref_slice %arg2[%dma_wait3A_428, %dma_wait3A_429] : memref<20480x128xf32, #tpu.memory_space<hbm>> -> memref<20480x128xf32, #tpu.memory_space<hbm>>
    tpu.wait_indirect_dma semaphore(%arg17 : memref<!tpu.dma_semaphore, #tpu.memory_space<semaphore_mem>>) src(%dma_wait3A_430 : memref<20480x128xf32, #tpu.memory_space<hbm>>) dst(%arg11 : memref<128x128xf32, #tpu.memory_space<vmem>>)
    %dma_wait3A_431 = arith.constant 6 : i32
    %dma_wait3A_432 = arith.constant 0 : i32
    %dma_wait3A_433 = tpu.memref_slice %arg9[%dma_wait3A_431, %dma_wait3A_432] : memref<8x128xi32, #tpu.memory_space<vmem>> -> memref<1x128xi32, #tpu.memory_space<vmem>>
    %dma_wait3A_434 = tpu.memref_squeeze %dma_wait3A_433 : memref<1x128xi32, #tpu.memory_space<vmem>> -> memref<128xi32, #tpu.memory_space<vmem>>
    %dma_wait3A_435 = arith.constant 0 : i32
    %dma_wait3A_436 = arith.constant 0 : i32
    %dma_wait3A_437 = tpu.memref_slice %arg3[%dma_wait3A_435, %dma_wait3A_436] : memref<400x128xf32, #tpu.memory_space<hbm>> -> memref<400x128xf32, #tpu.memory_space<hbm>>
    tpu.wait_indirect_dma semaphore(%arg18 : memref<!tpu.dma_semaphore, #tpu.memory_space<semaphore_mem>>) src(%dma_wait3A_437 : memref<400x128xf32, #tpu.memory_space<hbm>>) dst(%arg12 : memref<128x128xf32, #tpu.memory_space<vmem>>)
    %dma_wait3A_438 = arith.constant 6 : i32
    %dma_wait3A_439 = arith.constant 0 : i32
    %dma_wait3A_440 = tpu.memref_slice %arg10[%dma_wait3A_438, %dma_wait3A_439] : memref<8x128xi32, #tpu.memory_space<vmem>> -> memref<1x128xi32, #tpu.memory_space<vmem>>
    %dma_wait3A_441 = tpu.memref_squeeze %dma_wait3A_440 : memref<1x128xi32, #tpu.memory_space<vmem>> -> memref<128xi32, #tpu.memory_space<vmem>>
    %dma_wait3A_442 = arith.constant 0 : i32
    %dma_wait3A_443 = arith.constant 0 : i32
    %dma_wait3A_444 = tpu.memref_slice %arg2[%dma_wait3A_442, %dma_wait3A_443] : memref<20480x128xf32, #tpu.memory_space<hbm>> -> memref<20480x128xf32, #tpu.memory_space<hbm>>
    tpu.wait_indirect_dma semaphore(%arg19 : memref<!tpu.dma_semaphore, #tpu.memory_space<semaphore_mem>>) src(%dma_wait3A_444 : memref<20480x128xf32, #tpu.memory_space<hbm>>) dst(%arg13 : memref<128x128xf32, #tpu.memory_space<vmem>>)
    %scan3A_445 = arith.constant 0 : i32
    %scan3A_446 = arith.constant 0 : i32
    %scan3A_447 = arith.constant 128 : i32
    %scan3A_448 = arith.addi %scan3A_446, %scan3A_447 : i32
    %scan3A_449 = arith.constant 1 : i32
    scf.for %scan3A_508 = %scan3A_446 to %scan3A_448 step %scan3A_449  : i32 {
      %get3A = arith.index_cast %scan3A_508 : i32 to index
      %get3A_509 = arith.constant 0 : index
      %get3A_510 = tpu.vector_load %arg11[%get3A, %get3A_509] {strides = array<i32>} : memref<128x128xf32, #tpu.memory_space<vmem>>, vector<1x16xf32>,
      %get3A_511 = vector.shape_cast %get3A_510 : vector<1x16xf32> to vector<16xf32>
      %get3A_512 = arith.index_cast %scan3A_508 : i32 to index
      %get3A_513 = arith.constant 0 : index
      %get3A_514 = tpu.vector_load %arg12[%get3A_512, %get3A_513] {strides = array<i32>} : memref<128x128xf32, #tpu.memory_space<vmem>>, vector<1x16xf32>,
      %get3A_515 = vector.shape_cast %get3A_514 : vector<1x16xf32> to vector<16xf32>
      %add3A_516 = arith.addf %get3A_511, %get3A_515 : vector<16xf32>
      %get3A_517 = arith.index_cast %scan3A_508 : i32 to index
      %get3A_518 = arith.constant 0 : index
      %get3A_519 = tpu.vector_load %arg13[%get3A_517, %get3A_518] {strides = array<i32>} : memref<128x128xf32, #tpu.memory_space<vmem>>, vector<1x16xf32>,
      %get3A_520 = vector.shape_cast %get3A_519 : vector<1x16xf32> to vector<16xf32>
      %sub3A = arith.subf %add3A_516, %get3A_520 : vector<16xf32>
      %swap3A = arith.index_cast %scan3A_508 : i32 to index
      %swap3A_521 = arith.constant 0 : index
      %swap3A_522 = tpu.vector_load %arg11[%swap3A, %swap3A_521] {strides = array<i32>} : memref<128x128xf32, #tpu.memory_space<vmem>>, vector<1x16xf32>,
      %swap3A_523 = vector.shape_cast %swap3A_522 : vector<1x16xf32> to vector<16xf32>
      %swap3A_524 = vector.shape_cast %sub3A : vector<16xf32> to vector<1x16xf32>
      tpu.vector_store %arg11[%swap3A, %swap3A_521], %swap3A_524 {strides = array<i32>} : memref<128x128xf32, #tpu.memory_space<vmem>>, vector<1x16xf32>,
      %get3A_525 = arith.index_cast %scan3A_508 : i32 to index
      %get3A_526 = arith.constant 16 : index
      %get3A_527 = tpu.vector_load %arg11[%get3A_525, %get3A_526] {strides = array<i32>} : memref<128x128xf32, #tpu.memory_space<vmem>>, vector<1x16xf32>,
      %get3A_528 = vector.shape_cast %get3A_527 : vector<1x16xf32> to vector<16xf32>
      %get3A_529 = arith.index_cast %scan3A_508 : i32 to index
      %get3A_530 = arith.constant 16 : index
      %get3A_531 = tpu.vector_load %arg12[%get3A_529, %get3A_530] {strides = array<i32>} : memref<128x128xf32, #tpu.memory_space<vmem>>, vector<1x16xf32>,
      %get3A_532 = vector.shape_cast %get3A_531 : vector<1x16xf32> to vector<16xf32>
      %add3A_533 = arith.addf %get3A_528, %get3A_532 : vector<16xf32>
      %get3A_534 = arith.index_cast %scan3A_508 : i32 to index
      %get3A_535 = arith.constant 16 : index
      %get3A_536 = tpu.vector_load %arg13[%get3A_534, %get3A_535] {strides = array<i32>} : memref<128x128xf32, #tpu.memory_space<vmem>>, vector<1x16xf32>,
      %get3A_537 = vector.shape_cast %get3A_536 : vector<1x16xf32> to vector<16xf32>
      %sub3A_538 = arith.subf %add3A_533, %get3A_537 : vector<16xf32>
      %swap3A_539 = arith.index_cast %scan3A_508 : i32 to index
      %swap3A_540 = arith.constant 16 : index
      %swap3A_541 = tpu.vector_load %arg11[%swap3A_539, %swap3A_540] {strides = array<i32>} : memref<128x128xf32, #tpu.memory_space<vmem>>, vector<1x16xf32>,
      %swap3A_542 = vector.shape_cast %swap3A_541 : vector<1x16xf32> to vector<16xf32>
      %swap3A_543 = vector.shape_cast %sub3A_538 : vector<16xf32> to vector<1x16xf32>
      tpu.vector_store %arg11[%swap3A_539, %swap3A_540], %swap3A_543 {strides = array<i32>} : memref<128x128xf32, #tpu.memory_space<vmem>>, vector<1x16xf32>,
      %get3A_544 = arith.index_cast %scan3A_508 : i32 to index
      %get3A_545 = arith.constant 32 : index
      %get3A_546 = tpu.vector_load %arg11[%get3A_544, %get3A_545] {strides = array<i32>} : memref<128x128xf32, #tpu.memory_space<vmem>>, vector<1x16xf32>,
      %get3A_547 = vector.shape_cast %get3A_546 : vector<1x16xf32> to vector<16xf32>
      %get3A_548 = arith.index_cast %scan3A_508 : i32 to index
      %get3A_549 = arith.constant 32 : index
      %get3A_550 = tpu.vector_load %arg12[%get3A_548, %get3A_549] {strides = array<i32>} : memref<128x128xf32, #tpu.memory_space<vmem>>, vector<1x16xf32>,
      %get3A_551 = vector.shape_cast %get3A_550 : vector<1x16xf32> to vector<16xf32>
      %add3A_552 = arith.addf %get3A_547, %get3A_551 : vector<16xf32>
      %get3A_553 = arith.index_cast %scan3A_508 : i32 to index
      %get3A_554 = arith.constant 32 : index
      %get3A_555 = tpu.vector_load %arg13[%get3A_553, %get3A_554] {strides = array<i32>} : memref<128x128xf32, #tpu.memory_space<vmem>>, vector<1x16xf32>,
      %get3A_556 = vector.shape_cast %get3A_555 : vector<1x16xf32> to vector<16xf32>
      %sub3A_557 = arith.subf %add3A_552, %get3A_556 : vector<16xf32>
      %swap3A_558 = arith.index_cast %scan3A_508 : i32 to index
      %swap3A_559 = arith.constant 32 : index
      %swap3A_560 = tpu.vector_load %arg11[%swap3A_558, %swap3A_559] {strides = array<i32>} : memref<128x128xf32, #tpu.memory_space<vmem>>, vector<1x16xf32>,
      %swap3A_561 = vector.shape_cast %swap3A_560 : vector<1x16xf32> to vector<16xf32>
      %swap3A_562 = vector.shape_cast %sub3A_557 : vector<16xf32> to vector<1x16xf32>
      tpu.vector_store %arg11[%swap3A_558, %swap3A_559], %swap3A_562 {strides = array<i32>} : memref<128x128xf32, #tpu.memory_space<vmem>>, vector<1x16xf32>,
      %get3A_563 = arith.index_cast %scan3A_508 : i32 to index
      %get3A_564 = arith.constant 48 : index
      %get3A_565 = tpu.vector_load %arg11[%get3A_563, %get3A_564] {strides = array<i32>} : memref<128x128xf32, #tpu.memory_space<vmem>>, vector<1x16xf32>,
      %get3A_566 = vector.shape_cast %get3A_565 : vector<1x16xf32> to vector<16xf32>
      %get3A_567 = arith.index_cast %scan3A_508 : i32 to index
      %get3A_568 = arith.constant 48 : index
      %get3A_569 = tpu.vector_load %arg12[%get3A_567, %get3A_568] {strides = array<i32>} : memref<128x128xf32, #tpu.memory_space<vmem>>, vector<1x16xf32>,
      %get3A_570 = vector.shape_cast %get3A_569 : vector<1x16xf32> to vector<16xf32>
      %add3A_571 = arith.addf %get3A_566, %get3A_570 : vector<16xf32>
      %get3A_572 = arith.index_cast %scan3A_508 : i32 to index
      %get3A_573 = arith.constant 48 : index
      %get3A_574 = tpu.vector_load %arg13[%get3A_572, %get3A_573] {strides = array<i32>} : memref<128x128xf32, #tpu.memory_space<vmem>>, vector<1x16xf32>,
      %get3A_575 = vector.shape_cast %get3A_574 : vector<1x16xf32> to vector<16xf32>
      %sub3A_576 = arith.subf %add3A_571, %get3A_575 : vector<16xf32>
      %swap3A_577 = arith.index_cast %scan3A_508 : i32 to index
      %swap3A_578 = arith.constant 48 : index
      %swap3A_579 = tpu.vector_load %arg11[%swap3A_577, %swap3A_578] {strides = array<i32>} : memref<128x128xf32, #tpu.memory_space<vmem>>, vector<1x16xf32>,
      %swap3A_580 = vector.shape_cast %swap3A_579 : vector<1x16xf32> to vector<16xf32>
      %swap3A_581 = vector.shape_cast %sub3A_576 : vector<16xf32> to vector<1x16xf32>
      tpu.vector_store %arg11[%swap3A_577, %swap3A_578], %swap3A_581 {strides = array<i32>} : memref<128x128xf32, #tpu.memory_space<vmem>>, vector<1x16xf32>,
      %get3A_582 = arith.index_cast %scan3A_508 : i32 to index
      %get3A_583 = arith.constant 64 : index
      %get3A_584 = tpu.vector_load %arg11[%get3A_582, %get3A_583] {strides = array<i32>} : memref<128x128xf32, #tpu.memory_space<vmem>>, vector<1x16xf32>,
      %get3A_585 = vector.shape_cast %get3A_584 : vector<1x16xf32> to vector<16xf32>
      %get3A_586 = arith.index_cast %scan3A_508 : i32 to index
      %get3A_587 = arith.constant 64 : index
      %get3A_588 = tpu.vector_load %arg12[%get3A_586, %get3A_587] {strides = array<i32>} : memref<128x128xf32, #tpu.memory_space<vmem>>, vector<1x16xf32>,
      %get3A_589 = vector.shape_cast %get3A_588 : vector<1x16xf32> to vector<16xf32>
      %add3A_590 = arith.addf %get3A_585, %get3A_589 : vector<16xf32>
      %get3A_591 = arith.index_cast %scan3A_508 : i32 to index
      %get3A_592 = arith.constant 64 : index
      %get3A_593 = tpu.vector_load %arg13[%get3A_591, %get3A_592] {strides = array<i32>} : memref<128x128xf32, #tpu.memory_space<vmem>>, vector<1x16xf32>,
      %get3A_594 = vector.shape_cast %get3A_593 : vector<1x16xf32> to vector<16xf32>
      %sub3A_595 = arith.subf %add3A_590, %get3A_594 : vector<16xf32>
      %swap3A_596 = arith.index_cast %scan3A_508 : i32 to index
      %swap3A_597 = arith.constant 64 : index
      %swap3A_598 = tpu.vector_load %arg11[%swap3A_596, %swap3A_597] {strides = array<i32>} : memref<128x128xf32, #tpu.memory_space<vmem>>, vector<1x16xf32>,
      %swap3A_599 = vector.shape_cast %swap3A_598 : vector<1x16xf32> to vector<16xf32>
      %swap3A_600 = vector.shape_cast %sub3A_595 : vector<16xf32> to vector<1x16xf32>
      tpu.vector_store %arg11[%swap3A_596, %swap3A_597], %swap3A_600 {strides = array<i32>} : memref<128x128xf32, #tpu.memory_space<vmem>>, vector<1x16xf32>,
      %get3A_601 = arith.index_cast %scan3A_508 : i32 to index
      %get3A_602 = arith.constant 80 : index
      %get3A_603 = tpu.vector_load %arg11[%get3A_601, %get3A_602] {strides = array<i32>} : memref<128x128xf32, #tpu.memory_space<vmem>>, vector<1x16xf32>,
      %get3A_604 = vector.shape_cast %get3A_603 : vector<1x16xf32> to vector<16xf32>
      %get3A_605 = arith.index_cast %scan3A_508 : i32 to index
      %get3A_606 = arith.constant 80 : index
      %get3A_607 = tpu.vector_load %arg12[%get3A_605, %get3A_606] {strides = array<i32>} : memref<128x128xf32, #tpu.memory_space<vmem>>, vector<1x16xf32>,
      %get3A_608 = vector.shape_cast %get3A_607 : vector<1x16xf32> to vector<16xf32>
      %add3A_609 = arith.addf %get3A_604, %get3A_608 : vector<16xf32>
      %get3A_610 = arith.index_cast %scan3A_508 : i32 to index
      %get3A_611 = arith.constant 80 : index
      %get3A_612 = tpu.vector_load %arg13[%get3A_610, %get3A_611] {strides = array<i32>} : memref<128x128xf32, #tpu.memory_space<vmem>>, vector<1x16xf32>,
      %get3A_613 = vector.shape_cast %get3A_612 : vector<1x16xf32> to vector<16xf32>
      %sub3A_614 = arith.subf %add3A_609, %get3A_613 : vector<16xf32>
      %swap3A_615 = arith.index_cast %scan3A_508 : i32 to index
      %swap3A_616 = arith.constant 80 : index
      %swap3A_617 = tpu.vector_load %arg11[%swap3A_615, %swap3A_616] {strides = array<i32>} : memref<128x128xf32, #tpu.memory_space<vmem>>, vector<1x16xf32>,
      %swap3A_618 = vector.shape_cast %swap3A_617 : vector<1x16xf32> to vector<16xf32>
      %swap3A_619 = vector.shape_cast %sub3A_614 : vector<16xf32> to vector<1x16xf32>
      tpu.vector_store %arg11[%swap3A_615, %swap3A_616], %swap3A_619 {strides = array<i32>} : memref<128x128xf32, #tpu.memory_space<vmem>>, vector<1x16xf32>,
      %get3A_620 = arith.index_cast %scan3A_508 : i32 to index
      %get3A_621 = arith.constant 96 : index
      %get3A_622 = tpu.vector_load %arg11[%get3A_620, %get3A_621] {strides = array<i32>} : memref<128x128xf32, #tpu.memory_space<vmem>>, vector<1x16xf32>,
      %get3A_623 = vector.shape_cast %get3A_622 : vector<1x16xf32> to vector<16xf32>
      %get3A_624 = arith.index_cast %scan3A_508 : i32 to index
      %get3A_625 = arith.constant 96 : index
      %get3A_626 = tpu.vector_load %arg12[%get3A_624, %get3A_625] {strides = array<i32>} : memref<128x128xf32, #tpu.memory_space<vmem>>, vector<1x16xf32>,
      %get3A_627 = vector.shape_cast %get3A_626 : vector<1x16xf32> to vector<16xf32>
      %add3A_628 = arith.addf %get3A_623, %get3A_627 : vector<16xf32>
      %get3A_629 = arith.index_cast %scan3A_508 : i32 to index
      %get3A_630 = arith.constant 96 : index
      %get3A_631 = tpu.vector_load %arg13[%get3A_629, %get3A_630] {strides = array<i32>} : memref<128x128xf32, #tpu.memory_space<vmem>>, vector<1x16xf32>,
      %get3A_632 = vector.shape_cast %get3A_631 : vector<1x16xf32> to vector<16xf32>
      %sub3A_633 = arith.subf %add3A_628, %get3A_632 : vector<16xf32>
      %swap3A_634 = arith.index_cast %scan3A_508 : i32 to index
      %swap3A_635 = arith.constant 96 : index
      %swap3A_636 = tpu.vector_load %arg11[%swap3A_634, %swap3A_635] {strides = array<i32>} : memref<128x128xf32, #tpu.memory_space<vmem>>, vector<1x16xf32>,
      %swap3A_637 = vector.shape_cast %swap3A_636 : vector<1x16xf32> to vector<16xf32>
      %swap3A_638 = vector.shape_cast %sub3A_633 : vector<16xf32> to vector<1x16xf32>
      tpu.vector_store %arg11[%swap3A_634, %swap3A_635], %swap3A_638 {strides = array<i32>} : memref<128x128xf32, #tpu.memory_space<vmem>>, vector<1x16xf32>,
      %get3A_639 = arith.index_cast %scan3A_508 : i32 to index
      %get3A_640 = arith.constant 112 : index
      %get3A_641 = tpu.vector_load %arg11[%get3A_639, %get3A_640] {strides = array<i32>} : memref<128x128xf32, #tpu.memory_space<vmem>>, vector<1x16xf32>,
      %get3A_642 = vector.shape_cast %get3A_641 : vector<1x16xf32> to vector<16xf32>
      %get3A_643 = arith.index_cast %scan3A_508 : i32 to index
      %get3A_644 = arith.constant 112 : index
      %get3A_645 = tpu.vector_load %arg12[%get3A_643, %get3A_644] {strides = array<i32>} : memref<128x128xf32, #tpu.memory_space<vmem>>, vector<1x16xf32>,
      %get3A_646 = vector.shape_cast %get3A_645 : vector<1x16xf32> to vector<16xf32>
      %add3A_647 = arith.addf %get3A_642, %get3A_646 : vector<16xf32>
      %get3A_648 = arith.index_cast %scan3A_508 : i32 to index
      %get3A_649 = arith.constant 112 : index
      %get3A_650 = tpu.vector_load %arg13[%get3A_648, %get3A_649] {strides = array<i32>} : memref<128x128xf32, #tpu.memory_space<vmem>>, vector<1x16xf32>,
      %get3A_651 = vector.shape_cast %get3A_650 : vector<1x16xf32> to vector<16xf32>
      %sub3A_652 = arith.subf %add3A_647, %get3A_651 : vector<16xf32>
      %swap3A_653 = arith.index_cast %scan3A_508 : i32 to index
      %swap3A_654 = arith.constant 112 : index
      %swap3A_655 = tpu.vector_load %arg11[%swap3A_653, %swap3A_654] {strides = array<i32>} : memref<128x128xf32, #tpu.memory_space<vmem>>, vector<1x16xf32>,
      %swap3A_656 = vector.shape_cast %swap3A_655 : vector<1x16xf32> to vector<16xf32>
      %swap3A_657 = vector.shape_cast %sub3A_652 : vector<16xf32> to vector<1x16xf32>
      tpu.vector_store %arg11[%swap3A_653, %swap3A_654], %swap3A_657 {strides = array<i32>} : memref<128x128xf32, #tpu.memory_space<vmem>>, vector<1x16xf32>,
    }
    %scan3A_450 = arith.constant 128 : i32
    %mul3A_451 = arith.constant 16384 : i32
    %mul3A_452 = arith.muli %arg0, %mul3A_451 : i32
    %mul3A_453 = arith.constant 1024 : i32
    %mul3A_454 = arith.muli %arg1, %mul3A_453 : i32
    %add3A_455 = arith.addi %mul3A_452, %mul3A_454 : i32
    %add3A_456 = arith.constant 768 : i32
    %add3A_457 = arith.addi %add3A_455, %add3A_456 : i32
    %dma_start3A_458 = arith.constant 0 : i32
    %dma_start3A_459 = tpu.memref_slice %arg7[%add3A_457, %dma_start3A_458] : memref<32768x128xf32, #tpu.memory_space<hbm>> -> memref<128x128xf32, #tpu.memory_space<hbm>>
    %dma_start3A_460 = arith.constant 0 : i32
    %dma_start3A_461 = tpu.memref_slice %arg7[%add3A_457, %dma_start3A_460] : memref<32768x128xf32, #tpu.memory_space<hbm>> -> memref<128x128xf32, #tpu.memory_space<hbm>>
    tpu.enqueue_dma source(%arg11 : memref<128x128xf32, #tpu.memory_space<vmem>>) target(%dma_start3A_461 : memref<128x128xf32, #tpu.memory_space<hbm>>) target_semaphore(%arg23 : memref<!tpu.dma_semaphore, #tpu.memory_space<semaphore_mem>>)
    %dma_wait3A_462 = arith.constant 7 : i32
    %dma_wait3A_463 = arith.constant 0 : i32
    %dma_wait3A_464 = tpu.memref_slice %arg8[%dma_wait3A_462, %dma_wait3A_463] : memref<8x128xi32, #tpu.memory_space<vmem>> -> memref<1x128xi32, #tpu.memory_space<vmem>>
    %dma_wait3A_465 = tpu.memref_squeeze %dma_wait3A_464 : memref<1x128xi32, #tpu.memory_space<vmem>> -> memref<128xi32, #tpu.memory_space<vmem>>
    %dma_wait3A_466 = arith.constant 0 : i32
    %dma_wait3A_467 = arith.constant 0 : i32
    %dma_wait3A_468 = tpu.memref_slice %arg2[%dma_wait3A_466, %dma_wait3A_467] : memref<20480x128xf32, #tpu.memory_space<hbm>> -> memref<20480x128xf32, #tpu.memory_space<hbm>>
    tpu.wait_indirect_dma semaphore(%arg20 : memref<!tpu.dma_semaphore, #tpu.memory_space<semaphore_mem>>) src(%dma_wait3A_468 : memref<20480x128xf32, #tpu.memory_space<hbm>>) dst(%arg14 : memref<128x128xf32, #tpu.memory_space<vmem>>)
    %dma_wait3A_469 = arith.constant 7 : i32
    %dma_wait3A_470 = arith.constant 0 : i32
    %dma_wait3A_471 = tpu.memref_slice %arg9[%dma_wait3A_469, %dma_wait3A_470] : memref<8x128xi32, #tpu.memory_space<vmem>> -> memref<1x128xi32, #tpu.memory_space<vmem>>
    %dma_wait3A_472 = tpu.memref_squeeze %dma_wait3A_471 : memref<1x128xi32, #tpu.memory_space<vmem>> -> memref<128xi32, #tpu.memory_space<vmem>>
    %dma_wait3A_473 = arith.constant 0 : i32
    %dma_wait3A_474 = arith.constant 0 : i32
    %dma_wait3A_475 = tpu.memref_slice %arg3[%dma_wait3A_473, %dma_wait3A_474] : memref<400x128xf32, #tpu.memory_space<hbm>> -> memref<400x128xf32, #tpu.memory_space<hbm>>
    tpu.wait_indirect_dma semaphore(%arg21 : memref<!tpu.dma_semaphore, #tpu.memory_space<semaphore_mem>>) src(%dma_wait3A_475 : memref<400x128xf32, #tpu.memory_space<hbm>>) dst(%arg15 : memref<128x128xf32, #tpu.memory_space<vmem>>)
    %dma_wait3A_476 = arith.constant 7 : i32
    %dma_wait3A_477 = arith.constant 0 : i32
    %dma_wait3A_478 = tpu.memref_slice %arg10[%dma_wait3A_476, %dma_wait3A_477] : memref<8x128xi32, #tpu.memory_space<vmem>> -> memref<1x128xi32, #tpu.memory_space<vmem>>
    %dma_wait3A_479 = tpu.memref_squeeze %dma_wait3A_478 : memref<1x128xi32, #tpu.memory_space<vmem>> -> memref<128xi32, #tpu.memory_space<vmem>>
    %dma_wait3A_480 = arith.constant 0 : i32
    %dma_wait3A_481 = arith.constant 0 : i32
    %dma_wait3A_482 = tpu.memref_slice %arg2[%dma_wait3A_480, %dma_wait3A_481] : memref<20480x128xf32, #tpu.memory_space<hbm>> -> memref<20480x128xf32, #tpu.memory_space<hbm>>
    tpu.wait_indirect_dma semaphore(%arg22 : memref<!tpu.dma_semaphore, #tpu.memory_space<semaphore_mem>>) src(%dma_wait3A_482 : memref<20480x128xf32, #tpu.memory_space<hbm>>) dst(%arg16 : memref<128x128xf32, #tpu.memory_space<vmem>>)
    %scan3A_483 = arith.constant 0 : i32
    %scan3A_484 = arith.constant 0 : i32
    %scan3A_485 = arith.constant 128 : i32
    %scan3A_486 = arith.addi %scan3A_484, %scan3A_485 : i32
    %scan3A_487 = arith.constant 1 : i32
    scf.for %scan3A_508 = %scan3A_484 to %scan3A_486 step %scan3A_487  : i32 {
      %get3A = arith.index_cast %scan3A_508 : i32 to index
      %get3A_509 = arith.constant 0 : index
      %get3A_510 = tpu.vector_load %arg14[%get3A, %get3A_509] {strides = array<i32>} : memref<128x128xf32, #tpu.memory_space<vmem>>, vector<1x16xf32>,
      %get3A_511 = vector.shape_cast %get3A_510 : vector<1x16xf32> to vector<16xf32>
      %get3A_512 = arith.index_cast %scan3A_508 : i32 to index
      %get3A_513 = arith.constant 0 : index
      %get3A_514 = tpu.vector_load %arg15[%get3A_512, %get3A_513] {strides = array<i32>} : memref<128x128xf32, #tpu.memory_space<vmem>>, vector<1x16xf32>,
      %get3A_515 = vector.shape_cast %get3A_514 : vector<1x16xf32> to vector<16xf32>
      %add3A_516 = arith.addf %get3A_511, %get3A_515 : vector<16xf32>
      %get3A_517 = arith.index_cast %scan3A_508 : i32 to index
      %get3A_518 = arith.constant 0 : index
      %get3A_519 = tpu.vector_load %arg16[%get3A_517, %get3A_518] {strides = array<i32>} : memref<128x128xf32, #tpu.memory_space<vmem>>, vector<1x16xf32>,
      %get3A_520 = vector.shape_cast %get3A_519 : vector<1x16xf32> to vector<16xf32>
      %sub3A = arith.subf %add3A_516, %get3A_520 : vector<16xf32>
      %swap3A = arith.index_cast %scan3A_508 : i32 to index
      %swap3A_521 = arith.constant 0 : index
      %swap3A_522 = tpu.vector_load %arg14[%swap3A, %swap3A_521] {strides = array<i32>} : memref<128x128xf32, #tpu.memory_space<vmem>>, vector<1x16xf32>,
      %swap3A_523 = vector.shape_cast %swap3A_522 : vector<1x16xf32> to vector<16xf32>
      %swap3A_524 = vector.shape_cast %sub3A : vector<16xf32> to vector<1x16xf32>
      tpu.vector_store %arg14[%swap3A, %swap3A_521], %swap3A_524 {strides = array<i32>} : memref<128x128xf32, #tpu.memory_space<vmem>>, vector<1x16xf32>,
      %get3A_525 = arith.index_cast %scan3A_508 : i32 to index
      %get3A_526 = arith.constant 16 : index
      %get3A_527 = tpu.vector_load %arg14[%get3A_525, %get3A_526] {strides = array<i32>} : memref<128x128xf32, #tpu.memory_space<vmem>>, vector<1x16xf32>,
      %get3A_528 = vector.shape_cast %get3A_527 : vector<1x16xf32> to vector<16xf32>
      %get3A_529 = arith.index_cast %scan3A_508 : i32 to index
      %get3A_530 = arith.constant 16 : index
      %get3A_531 = tpu.vector_load %arg15[%get3A_529, %get3A_530] {strides = array<i32>} : memref<128x128xf32, #tpu.memory_space<vmem>>, vector<1x16xf32>,
      %get3A_532 = vector.shape_cast %get3A_531 : vector<1x16xf32> to vector<16xf32>
      %add3A_533 = arith.addf %get3A_528, %get3A_532 : vector<16xf32>
      %get3A_534 = arith.index_cast %scan3A_508 : i32 to index
      %get3A_535 = arith.constant 16 : index
      %get3A_536 = tpu.vector_load %arg16[%get3A_534, %get3A_535] {strides = array<i32>} : memref<128x128xf32, #tpu.memory_space<vmem>>, vector<1x16xf32>,
      %get3A_537 = vector.shape_cast %get3A_536 : vector<1x16xf32> to vector<16xf32>
      %sub3A_538 = arith.subf %add3A_533, %get3A_537 : vector<16xf32>
      %swap3A_539 = arith.index_cast %scan3A_508 : i32 to index
      %swap3A_540 = arith.constant 16 : index
      %swap3A_541 = tpu.vector_load %arg14[%swap3A_539, %swap3A_540] {strides = array<i32>} : memref<128x128xf32, #tpu.memory_space<vmem>>, vector<1x16xf32>,
      %swap3A_542 = vector.shape_cast %swap3A_541 : vector<1x16xf32> to vector<16xf32>
      %swap3A_543 = vector.shape_cast %sub3A_538 : vector<16xf32> to vector<1x16xf32>
      tpu.vector_store %arg14[%swap3A_539, %swap3A_540], %swap3A_543 {strides = array<i32>} : memref<128x128xf32, #tpu.memory_space<vmem>>, vector<1x16xf32>,
      %get3A_544 = arith.index_cast %scan3A_508 : i32 to index
      %get3A_545 = arith.constant 32 : index
      %get3A_546 = tpu.vector_load %arg14[%get3A_544, %get3A_545] {strides = array<i32>} : memref<128x128xf32, #tpu.memory_space<vmem>>, vector<1x16xf32>,
      %get3A_547 = vector.shape_cast %get3A_546 : vector<1x16xf32> to vector<16xf32>
      %get3A_548 = arith.index_cast %scan3A_508 : i32 to index
      %get3A_549 = arith.constant 32 : index
      %get3A_550 = tpu.vector_load %arg15[%get3A_548, %get3A_549] {strides = array<i32>} : memref<128x128xf32, #tpu.memory_space<vmem>>, vector<1x16xf32>,
      %get3A_551 = vector.shape_cast %get3A_550 : vector<1x16xf32> to vector<16xf32>
      %add3A_552 = arith.addf %get3A_547, %get3A_551 : vector<16xf32>
      %get3A_553 = arith.index_cast %scan3A_508 : i32 to index
      %get3A_554 = arith.constant 32 : index
      %get3A_555 = tpu.vector_load %arg16[%get3A_553, %get3A_554] {strides = array<i32>} : memref<128x128xf32, #tpu.memory_space<vmem>>, vector<1x16xf32>,
      %get3A_556 = vector.shape_cast %get3A_555 : vector<1x16xf32> to vector<16xf32>
      %sub3A_557 = arith.subf %add3A_552, %get3A_556 : vector<16xf32>
      %swap3A_558 = arith.index_cast %scan3A_508 : i32 to index
      %swap3A_559 = arith.constant 32 : index
      %swap3A_560 = tpu.vector_load %arg14[%swap3A_558, %swap3A_559] {strides = array<i32>} : memref<128x128xf32, #tpu.memory_space<vmem>>, vector<1x16xf32>,
      %swap3A_561 = vector.shape_cast %swap3A_560 : vector<1x16xf32> to vector<16xf32>
      %swap3A_562 = vector.shape_cast %sub3A_557 : vector<16xf32> to vector<1x16xf32>
      tpu.vector_store %arg14[%swap3A_558, %swap3A_559], %swap3A_562 {strides = array<i32>} : memref<128x128xf32, #tpu.memory_space<vmem>>, vector<1x16xf32>,
      %get3A_563 = arith.index_cast %scan3A_508 : i32 to index
      %get3A_564 = arith.constant 48 : index
      %get3A_565 = tpu.vector_load %arg14[%get3A_563, %get3A_564] {strides = array<i32>} : memref<128x128xf32, #tpu.memory_space<vmem>>, vector<1x16xf32>,
      %get3A_566 = vector.shape_cast %get3A_565 : vector<1x16xf32> to vector<16xf32>
      %get3A_567 = arith.index_cast %scan3A_508 : i32 to index
      %get3A_568 = arith.constant 48 : index
      %get3A_569 = tpu.vector_load %arg15[%get3A_567, %get3A_568] {strides = array<i32>} : memref<128x128xf32, #tpu.memory_space<vmem>>, vector<1x16xf32>,
      %get3A_570 = vector.shape_cast %get3A_569 : vector<1x16xf32> to vector<16xf32>
      %add3A_571 = arith.addf %get3A_566, %get3A_570 : vector<16xf32>
      %get3A_572 = arith.index_cast %scan3A_508 : i32 to index
      %get3A_573 = arith.constant 48 : index
      %get3A_574 = tpu.vector_load %arg16[%get3A_572, %get3A_573] {strides = array<i32>} : memref<128x128xf32, #tpu.memory_space<vmem>>, vector<1x16xf32>,
      %get3A_575 = vector.shape_cast %get3A_574 : vector<1x16xf32> to vector<16xf32>
      %sub3A_576 = arith.subf %add3A_571, %get3A_575 : vector<16xf32>
      %swap3A_577 = arith.index_cast %scan3A_508 : i32 to index
      %swap3A_578 = arith.constant 48 : index
      %swap3A_579 = tpu.vector_load %arg14[%swap3A_577, %swap3A_578] {strides = array<i32>} : memref<128x128xf32, #tpu.memory_space<vmem>>, vector<1x16xf32>,
      %swap3A_580 = vector.shape_cast %swap3A_579 : vector<1x16xf32> to vector<16xf32>
      %swap3A_581 = vector.shape_cast %sub3A_576 : vector<16xf32> to vector<1x16xf32>
      tpu.vector_store %arg14[%swap3A_577, %swap3A_578], %swap3A_581 {strides = array<i32>} : memref<128x128xf32, #tpu.memory_space<vmem>>, vector<1x16xf32>,
      %get3A_582 = arith.index_cast %scan3A_508 : i32 to index
      %get3A_583 = arith.constant 64 : index
      %get3A_584 = tpu.vector_load %arg14[%get3A_582, %get3A_583] {strides = array<i32>} : memref<128x128xf32, #tpu.memory_space<vmem>>, vector<1x16xf32>,
      %get3A_585 = vector.shape_cast %get3A_584 : vector<1x16xf32> to vector<16xf32>
      %get3A_586 = arith.index_cast %scan3A_508 : i32 to index
      %get3A_587 = arith.constant 64 : index
      %get3A_588 = tpu.vector_load %arg15[%get3A_586, %get3A_587] {strides = array<i32>} : memref<128x128xf32, #tpu.memory_space<vmem>>, vector<1x16xf32>,
      %get3A_589 = vector.shape_cast %get3A_588 : vector<1x16xf32> to vector<16xf32>
      %add3A_590 = arith.addf %get3A_585, %get3A_589 : vector<16xf32>
      %get3A_591 = arith.index_cast %scan3A_508 : i32 to index
      %get3A_592 = arith.constant 64 : index
      %get3A_593 = tpu.vector_load %arg16[%get3A_591, %get3A_592] {strides = array<i32>} : memref<128x128xf32, #tpu.memory_space<vmem>>, vector<1x16xf32>,
      %get3A_594 = vector.shape_cast %get3A_593 : vector<1x16xf32> to vector<16xf32>
      %sub3A_595 = arith.subf %add3A_590, %get3A_594 : vector<16xf32>
      %swap3A_596 = arith.index_cast %scan3A_508 : i32 to index
      %swap3A_597 = arith.constant 64 : index
      %swap3A_598 = tpu.vector_load %arg14[%swap3A_596, %swap3A_597] {strides = array<i32>} : memref<128x128xf32, #tpu.memory_space<vmem>>, vector<1x16xf32>,
      %swap3A_599 = vector.shape_cast %swap3A_598 : vector<1x16xf32> to vector<16xf32>
      %swap3A_600 = vector.shape_cast %sub3A_595 : vector<16xf32> to vector<1x16xf32>
      tpu.vector_store %arg14[%swap3A_596, %swap3A_597], %swap3A_600 {strides = array<i32>} : memref<128x128xf32, #tpu.memory_space<vmem>>, vector<1x16xf32>,
      %get3A_601 = arith.index_cast %scan3A_508 : i32 to index
      %get3A_602 = arith.constant 80 : index
      %get3A_603 = tpu.vector_load %arg14[%get3A_601, %get3A_602] {strides = array<i32>} : memref<128x128xf32, #tpu.memory_space<vmem>>, vector<1x16xf32>,
      %get3A_604 = vector.shape_cast %get3A_603 : vector<1x16xf32> to vector<16xf32>
      %get3A_605 = arith.index_cast %scan3A_508 : i32 to index
      %get3A_606 = arith.constant 80 : index
      %get3A_607 = tpu.vector_load %arg15[%get3A_605, %get3A_606] {strides = array<i32>} : memref<128x128xf32, #tpu.memory_space<vmem>>, vector<1x16xf32>,
      %get3A_608 = vector.shape_cast %get3A_607 : vector<1x16xf32> to vector<16xf32>
      %add3A_609 = arith.addf %get3A_604, %get3A_608 : vector<16xf32>
      %get3A_610 = arith.index_cast %scan3A_508 : i32 to index
      %get3A_611 = arith.constant 80 : index
      %get3A_612 = tpu.vector_load %arg16[%get3A_610, %get3A_611] {strides = array<i32>} : memref<128x128xf32, #tpu.memory_space<vmem>>, vector<1x16xf32>,
      %get3A_613 = vector.shape_cast %get3A_612 : vector<1x16xf32> to vector<16xf32>
      %sub3A_614 = arith.subf %add3A_609, %get3A_613 : vector<16xf32>
      %swap3A_615 = arith.index_cast %scan3A_508 : i32 to index
      %swap3A_616 = arith.constant 80 : index
      %swap3A_617 = tpu.vector_load %arg14[%swap3A_615, %swap3A_616] {strides = array<i32>} : memref<128x128xf32, #tpu.memory_space<vmem>>, vector<1x16xf32>,
      %swap3A_618 = vector.shape_cast %swap3A_617 : vector<1x16xf32> to vector<16xf32>
      %swap3A_619 = vector.shape_cast %sub3A_614 : vector<16xf32> to vector<1x16xf32>
      tpu.vector_store %arg14[%swap3A_615, %swap3A_616], %swap3A_619 {strides = array<i32>} : memref<128x128xf32, #tpu.memory_space<vmem>>, vector<1x16xf32>,
      %get3A_620 = arith.index_cast %scan3A_508 : i32 to index
      %get3A_621 = arith.constant 96 : index
      %get3A_622 = tpu.vector_load %arg14[%get3A_620, %get3A_621] {strides = array<i32>} : memref<128x128xf32, #tpu.memory_space<vmem>>, vector<1x16xf32>,
      %get3A_623 = vector.shape_cast %get3A_622 : vector<1x16xf32> to vector<16xf32>
      %get3A_624 = arith.index_cast %scan3A_508 : i32 to index
      %get3A_625 = arith.constant 96 : index
      %get3A_626 = tpu.vector_load %arg15[%get3A_624, %get3A_625] {strides = array<i32>} : memref<128x128xf32, #tpu.memory_space<vmem>>, vector<1x16xf32>,
      %get3A_627 = vector.shape_cast %get3A_626 : vector<1x16xf32> to vector<16xf32>
      %add3A_628 = arith.addf %get3A_623, %get3A_627 : vector<16xf32>
      %get3A_629 = arith.index_cast %scan3A_508 : i32 to index
      %get3A_630 = arith.constant 96 : index
      %get3A_631 = tpu.vector_load %arg16[%get3A_629, %get3A_630] {strides = array<i32>} : memref<128x128xf32, #tpu.memory_space<vmem>>, vector<1x16xf32>,
      %get3A_632 = vector.shape_cast %get3A_631 : vector<1x16xf32> to vector<16xf32>
      %sub3A_633 = arith.subf %add3A_628, %get3A_632 : vector<16xf32>
      %swap3A_634 = arith.index_cast %scan3A_508 : i32 to index
      %swap3A_635 = arith.constant 96 : index
      %swap3A_636 = tpu.vector_load %arg14[%swap3A_634, %swap3A_635] {strides = array<i32>} : memref<128x128xf32, #tpu.memory_space<vmem>>, vector<1x16xf32>,
      %swap3A_637 = vector.shape_cast %swap3A_636 : vector<1x16xf32> to vector<16xf32>
      %swap3A_638 = vector.shape_cast %sub3A_633 : vector<16xf32> to vector<1x16xf32>
      tpu.vector_store %arg14[%swap3A_634, %swap3A_635], %swap3A_638 {strides = array<i32>} : memref<128x128xf32, #tpu.memory_space<vmem>>, vector<1x16xf32>,
      %get3A_639 = arith.index_cast %scan3A_508 : i32 to index
      %get3A_640 = arith.constant 112 : index
      %get3A_641 = tpu.vector_load %arg14[%get3A_639, %get3A_640] {strides = array<i32>} : memref<128x128xf32, #tpu.memory_space<vmem>>, vector<1x16xf32>,
      %get3A_642 = vector.shape_cast %get3A_641 : vector<1x16xf32> to vector<16xf32>
      %get3A_643 = arith.index_cast %scan3A_508 : i32 to index
      %get3A_644 = arith.constant 112 : index
      %get3A_645 = tpu.vector_load %arg15[%get3A_643, %get3A_644] {strides = array<i32>} : memref<128x128xf32, #tpu.memory_space<vmem>>, vector<1x16xf32>,
      %get3A_646 = vector.shape_cast %get3A_645 : vector<1x16xf32> to vector<16xf32>
      %add3A_647 = arith.addf %get3A_642, %get3A_646 : vector<16xf32>
      %get3A_648 = arith.index_cast %scan3A_508 : i32 to index
      %get3A_649 = arith.constant 112 : index
      %get3A_650 = tpu.vector_load %arg16[%get3A_648, %get3A_649] {strides = array<i32>} : memref<128x128xf32, #tpu.memory_space<vmem>>, vector<1x16xf32>,
      %get3A_651 = vector.shape_cast %get3A_650 : vector<1x16xf32> to vector<16xf32>
      %sub3A_652 = arith.subf %add3A_647, %get3A_651 : vector<16xf32>
      %swap3A_653 = arith.index_cast %scan3A_508 : i32 to index
      %swap3A_654 = arith.constant 112 : index
      %swap3A_655 = tpu.vector_load %arg14[%swap3A_653, %swap3A_654] {strides = array<i32>} : memref<128x128xf32, #tpu.memory_space<vmem>>, vector<1x16xf32>,
      %swap3A_656 = vector.shape_cast %swap3A_655 : vector<1x16xf32> to vector<16xf32>
      %swap3A_657 = vector.shape_cast %sub3A_652 : vector<16xf32> to vector<1x16xf32>
      tpu.vector_store %arg14[%swap3A_653, %swap3A_654], %swap3A_657 {strides = array<i32>} : memref<128x128xf32, #tpu.memory_space<vmem>>, vector<1x16xf32>,
    }
    %scan3A_488 = arith.constant 128 : i32
    %mul3A_489 = arith.constant 16384 : i32
    %mul3A_490 = arith.muli %arg0, %mul3A_489 : i32
    %mul3A_491 = arith.constant 1024 : i32
    %mul3A_492 = arith.muli %arg1, %mul3A_491 : i32
    %add3A_493 = arith.addi %mul3A_490, %mul3A_492 : i32
    %add3A_494 = arith.constant 896 : i32
    %add3A_495 = arith.addi %add3A_493, %add3A_494 : i32
    %dma_start3A_496 = arith.constant 0 : i32
    %dma_start3A_497 = tpu.memref_slice %arg7[%add3A_495, %dma_start3A_496] : memref<32768x128xf32, #tpu.memory_space<hbm>> -> memref<128x128xf32, #tpu.memory_space<hbm>>
    %dma_start3A_498 = arith.constant 0 : i32
    %dma_start3A_499 = tpu.memref_slice %arg7[%add3A_495, %dma_start3A_498] : memref<32768x128xf32, #tpu.memory_space<hbm>> -> memref<128x128xf32, #tpu.memory_space<hbm>>
    tpu.enqueue_dma source(%arg14 : memref<128x128xf32, #tpu.memory_space<vmem>>) target(%dma_start3A_499 : memref<128x128xf32, #tpu.memory_space<hbm>>) target_semaphore(%arg24 : memref<!tpu.dma_semaphore, #tpu.memory_space<semaphore_mem>>)
    %dma_wait3A_500 = arith.constant 0 : i32
    %dma_wait3A_501 = tpu.memref_slice %arg7[%add3A_457, %dma_wait3A_500] : memref<32768x128xf32, #tpu.memory_space<hbm>> -> memref<128x128xf32, #tpu.memory_space<hbm>>
    %dma_wait3A_502 = arith.constant 0 : i32
    %dma_wait3A_503 = tpu.memref_slice %arg7[%add3A_457, %dma_wait3A_502] : memref<32768x128xf32, #tpu.memory_space<hbm>> -> memref<128x128xf32, #tpu.memory_space<hbm>>
    tpu.wait_dma2 semaphore(%arg23 : memref<!tpu.dma_semaphore, #tpu.memory_space<semaphore_mem>>) src(%arg11 : memref<128x128xf32, #tpu.memory_space<vmem>>) dst(%dma_wait3A_503 : memref<128x128xf32, #tpu.memory_space<hbm>>)
    %dma_wait3A_504 = arith.constant 0 : i32
    %dma_wait3A_505 = tpu.memref_slice %arg7[%add3A_495, %dma_wait3A_504] : memref<32768x128xf32, #tpu.memory_space<hbm>> -> memref<128x128xf32, #tpu.memory_space<hbm>>
    %dma_wait3A_506 = arith.constant 0 : i32
    %dma_wait3A_507 = tpu.memref_slice %arg7[%add3A_495, %dma_wait3A_506] : memref<32768x128xf32, #tpu.memory_space<hbm>> -> memref<128x128xf32, #tpu.memory_space<hbm>>
    tpu.wait_dma2 semaphore(%arg24 : memref<!tpu.dma_semaphore, #tpu.memory_space<semaphore_mem>>) src(%arg14 : memref<128x128xf32, #tpu.memory_space<vmem>>) dst(%dma_wait3A_507 : memref<128x128xf32, #tpu.memory_space<hbm>>)
    return
  }
}

#map = affine_map<(d0, d1) -> (0, 0)>
#map1 = affine_map<(d0, d1) -> (0, 0, 0)>
module attributes {stable_mosaic.version = 14 : i64} {
  func.func @_agg_body(%arg0: i32, %arg1: i32, %arg2: memref<60000x128xf32, #tpu.memory_space<hbm>>, %arg3: memref<1200x128xf32, #tpu.memory_space<hbm>>, %arg4: memref<640x16x32xi32, #tpu.memory_space<hbm>>, %arg5: memref<640x16x32xi32, #tpu.memory_space<hbm>>, %arg6: memref<320x16x32xi32, #tpu.memory_space<hbm>>, %arg7: memref<640x128xf32, #tpu.memory_space<hbm>>, %arg8: memref<20480x128xf32, #tpu.memory_space<hbm>>, %arg9: memref<16x32xi32, #tpu.memory_space<vmem>>, %arg10: memref<16x32xi32, #tpu.memory_space<vmem>>, %arg11: memref<16x32xi32, #tpu.memory_space<vmem>>, %arg12: memref<32x128xf32, #tpu.memory_space<vmem>>, %arg13: memref<32x128xf32, #tpu.memory_space<vmem>>, %arg14: memref<32x128xf32, #tpu.memory_space<vmem>>, %arg15: memref<32x128xf32, #tpu.memory_space<vmem>>, %arg16: memref<32x128xf32, #tpu.memory_space<vmem>>, %arg17: memref<32x128xf32, #tpu.memory_space<vmem>>, %arg18: memref<32x128xf32, #tpu.memory_space<vmem>>, %arg19: memref<32x128xf32, #tpu.memory_space<vmem>>, %arg20: memref<64x128xf32, #tpu.memory_space<vmem>>, %arg21: memref<10240x128xf32, #tpu.memory_space<vmem_shared>>, %arg22: memref<!tpu.dma_semaphore, #tpu.memory_space<semaphore_mem>>, %arg23: memref<!tpu.dma_semaphore, #tpu.memory_space<semaphore_mem>>, %arg24: memref<!tpu.dma_semaphore, #tpu.memory_space<semaphore_mem>>, %arg25: memref<!tpu.dma_semaphore, #tpu.memory_space<semaphore_mem>>, %arg26: memref<!tpu.dma_semaphore, #tpu.memory_space<semaphore_mem>>, %arg27: memref<!tpu.dma_semaphore, #tpu.memory_space<semaphore_mem>>, %arg28: memref<!tpu.dma_semaphore, #tpu.memory_space<semaphore_mem>>, %arg29: memref<!tpu.dma_semaphore, #tpu.memory_space<semaphore_mem>>, %arg30: memref<!tpu.dma_semaphore, #tpu.memory_space<semaphore_mem>>, %arg31: memref<!tpu.dma_semaphore, #tpu.memory_space<semaphore_mem>>, %arg32: memref<!tpu.dma_semaphore, #tpu.memory_space<semaphore_mem>>, %arg33: memref<!tpu.dma_semaphore, #tpu.memory_space<semaphore_mem>>, %arg34: memref<!tpu.dma_semaphore, #tpu.memory_space<semaphore_mem>>, %arg35: memref<!tpu.dma_semaphore, #tpu.memory_space<semaphore_mem>>, %arg36: memref<!tpu.dma_semaphore, #tpu.memory_space<semaphore_mem>>, %arg37: memref<!tpu.dma_semaphore, #tpu.memory_space<semaphore_mem>>) attributes {dimension_semantics = [#tpu.dimension_semantics<core_parallel>, #tpu.dimension_semantics<subcore_parallel>], iteration_bounds = array<i64: 2, 16>, scalar_prefetch = 0 : i64, scratch_operands = 29 : i64, tpu.core_type = #tpu.core_type<sc_vector_subcore>, window_params = [{transform_indices = #map}, {transform_indices = #map}, {transform_indices = #map1}, {transform_indices = #map1}, {transform_indices = #map1}, {transform_indices = #map}, {transform_indices = #map}]} {
    %mul3A = arith.constant 640 : i32
    %mul3A_0 = arith.muli %arg1, %mul3A : i32
    "tpu.region"() ({
      %run_scoped3A = tpu.sem_alloc : memref<!tpu.dma_semaphore, #tpu.memory_space<semaphore_mem>>
      %dma_start3A = arith.constant 0 : i32
      %dma_start3A_13 = tpu.memref_slice %arg21[%mul3A_0, %dma_start3A] : memref<10240x128xf32, #tpu.memory_space<vmem_shared>> -> memref<640x128xf32, #tpu.memory_space<vmem_shared>>
      tpu.enqueue_dma source(%arg7 : memref<640x128xf32, #tpu.memory_space<hbm>>) target(%dma_start3A_13 : memref<640x128xf32, #tpu.memory_space<vmem_shared>>) target_semaphore(%run_scoped3A : memref<!tpu.dma_semaphore, #tpu.memory_space<semaphore_mem>>)
      %dma_wait3A = arith.constant 0 : i32
      %dma_wait3A_14 = tpu.memref_slice %arg21[%mul3A_0, %dma_wait3A] : memref<10240x128xf32, #tpu.memory_space<vmem_shared>> -> memref<640x128xf32, #tpu.memory_space<vmem_shared>>
      tpu.wait_dma2 semaphore(%run_scoped3A : memref<!tpu.dma_semaphore, #tpu.memory_space<semaphore_mem>>) src(%arg7 : memref<640x128xf32, #tpu.memory_space<hbm>>) dst(%dma_wait3A_14 : memref<640x128xf32, #tpu.memory_space<vmem_shared>>)
      tpu.yield
    }) : () -> ()
    %barrier3A = arith.constant 0 : index
    tpu.barrier barrier_id(%barrier3A)
    %scan3A = arith.constant 0 : i32
    %scan3A_1 = arith.constant 0 : i32
    %scan3A_2 = arith.constant 20 : i32
    %scan3A_3 = arith.addi %scan3A_1, %scan3A_2 : i32
    %scan3A_4 = arith.constant 1 : i32
    scf.for %scan3A_13 = %scan3A_1 to %scan3A_3 step %scan3A_4  : i32 {
      %mul3A_14 = arith.constant 16 : i32
      %mul3A_15 = arith.muli %arg0, %mul3A_14 : i32
      %add3A = arith.addi %mul3A_15, %arg1 : i32
      %mul3A_16 = arith.constant 20 : i32
      %mul3A_17 = arith.muli %add3A, %mul3A_16 : i32
      %add3A_18 = arith.addi %mul3A_17, %scan3A_13 : i32
      "tpu.region"() ({
        %run_scoped3A = tpu.sem_alloc : memref<!tpu.dma_semaphore, #tpu.memory_space<semaphore_mem>>
        %dma_start3A_922 = arith.constant 0 : i32
        %dma_start3A_923 = arith.constant 0 : i32
        %dma_start3A_924 = tpu.memref_slice %arg4[%add3A_18, %dma_start3A_922, %dma_start3A_923] : memref<640x16x32xi32, #tpu.memory_space<hbm>> -> memref<1x16x32xi32, #tpu.memory_space<hbm>>
        %dma_start3A_925 = tpu.memref_squeeze %dma_start3A_924 : memref<1x16x32xi32, #tpu.memory_space<hbm>> -> memref<16x32xi32, #tpu.memory_space<hbm>>
        %dma_start3A_926 = arith.constant 0 : i32
        %dma_start3A_927 = arith.constant 0 : i32
        %dma_start3A_928 = tpu.memref_slice %arg4[%add3A_18, %dma_start3A_926, %dma_start3A_927] : memref<640x16x32xi32, #tpu.memory_space<hbm>> -> memref<1x16x32xi32, #tpu.memory_space<hbm>>
        %dma_start3A_929 = tpu.memref_squeeze %dma_start3A_928 : memref<1x16x32xi32, #tpu.memory_space<hbm>> -> memref<16x32xi32, #tpu.memory_space<hbm>>
        tpu.enqueue_dma source(%dma_start3A_929 : memref<16x32xi32, #tpu.memory_space<hbm>>) target(%arg9 : memref<16x32xi32, #tpu.memory_space<vmem>>) target_semaphore(%run_scoped3A : memref<!tpu.dma_semaphore, #tpu.memory_space<semaphore_mem>>)
        %dma_wait3A_930 = arith.constant 0 : i32
        %dma_wait3A_931 = arith.constant 0 : i32
        %dma_wait3A_932 = tpu.memref_slice %arg4[%add3A_18, %dma_wait3A_930, %dma_wait3A_931] : memref<640x16x32xi32, #tpu.memory_space<hbm>> -> memref<1x16x32xi32, #tpu.memory_space<hbm>>
        %dma_wait3A_933 = tpu.memref_squeeze %dma_wait3A_932 : memref<1x16x32xi32, #tpu.memory_space<hbm>> -> memref<16x32xi32, #tpu.memory_space<hbm>>
        %dma_wait3A_934 = arith.constant 0 : i32
        %dma_wait3A_935 = arith.constant 0 : i32
        %dma_wait3A_936 = tpu.memref_slice %arg4[%add3A_18, %dma_wait3A_934, %dma_wait3A_935] : memref<640x16x32xi32, #tpu.memory_space<hbm>> -> memref<1x16x32xi32, #tpu.memory_space<hbm>>
        %dma_wait3A_937 = tpu.memref_squeeze %dma_wait3A_936 : memref<1x16x32xi32, #tpu.memory_space<hbm>> -> memref<16x32xi32, #tpu.memory_space<hbm>>
        tpu.wait_dma2 semaphore(%run_scoped3A : memref<!tpu.dma_semaphore, #tpu.memory_space<semaphore_mem>>) src(%dma_wait3A_937 : memref<16x32xi32, #tpu.memory_space<hbm>>) dst(%arg9 : memref<16x32xi32, #tpu.memory_space<vmem>>)
        tpu.yield
      }) : () -> ()
      %mul3A_19 = arith.constant 16 : i32
      %mul3A_20 = arith.muli %arg0, %mul3A_19 : i32
      %add3A_21 = arith.addi %mul3A_20, %arg1 : i32
      %mul3A_22 = arith.constant 20 : i32
      %mul3A_23 = arith.muli %add3A_21, %mul3A_22 : i32
      %add3A_24 = arith.addi %mul3A_23, %scan3A_13 : i32
      "tpu.region"() ({
        %run_scoped3A = tpu.sem_alloc : memref<!tpu.dma_semaphore, #tpu.memory_space<semaphore_mem>>
        %dma_start3A_922 = arith.constant 0 : i32
        %dma_start3A_923 = arith.constant 0 : i32
        %dma_start3A_924 = tpu.memref_slice %arg5[%add3A_24, %dma_start3A_922, %dma_start3A_923] : memref<640x16x32xi32, #tpu.memory_space<hbm>> -> memref<1x16x32xi32, #tpu.memory_space<hbm>>
        %dma_start3A_925 = tpu.memref_squeeze %dma_start3A_924 : memref<1x16x32xi32, #tpu.memory_space<hbm>> -> memref<16x32xi32, #tpu.memory_space<hbm>>
        %dma_start3A_926 = arith.constant 0 : i32
        %dma_start3A_927 = arith.constant 0 : i32
        %dma_start3A_928 = tpu.memref_slice %arg5[%add3A_24, %dma_start3A_926, %dma_start3A_927] : memref<640x16x32xi32, #tpu.memory_space<hbm>> -> memref<1x16x32xi32, #tpu.memory_space<hbm>>
        %dma_start3A_929 = tpu.memref_squeeze %dma_start3A_928 : memref<1x16x32xi32, #tpu.memory_space<hbm>> -> memref<16x32xi32, #tpu.memory_space<hbm>>
        tpu.enqueue_dma source(%dma_start3A_929 : memref<16x32xi32, #tpu.memory_space<hbm>>) target(%arg10 : memref<16x32xi32, #tpu.memory_space<vmem>>) target_semaphore(%run_scoped3A : memref<!tpu.dma_semaphore, #tpu.memory_space<semaphore_mem>>)
        %dma_wait3A_930 = arith.constant 0 : i32
        %dma_wait3A_931 = arith.constant 0 : i32
        %dma_wait3A_932 = tpu.memref_slice %arg5[%add3A_24, %dma_wait3A_930, %dma_wait3A_931] : memref<640x16x32xi32, #tpu.memory_space<hbm>> -> memref<1x16x32xi32, #tpu.memory_space<hbm>>
        %dma_wait3A_933 = tpu.memref_squeeze %dma_wait3A_932 : memref<1x16x32xi32, #tpu.memory_space<hbm>> -> memref<16x32xi32, #tpu.memory_space<hbm>>
        %dma_wait3A_934 = arith.constant 0 : i32
        %dma_wait3A_935 = arith.constant 0 : i32
        %dma_wait3A_936 = tpu.memref_slice %arg5[%add3A_24, %dma_wait3A_934, %dma_wait3A_935] : memref<640x16x32xi32, #tpu.memory_space<hbm>> -> memref<1x16x32xi32, #tpu.memory_space<hbm>>
        %dma_wait3A_937 = tpu.memref_squeeze %dma_wait3A_936 : memref<1x16x32xi32, #tpu.memory_space<hbm>> -> memref<16x32xi32, #tpu.memory_space<hbm>>
        tpu.wait_dma2 semaphore(%run_scoped3A : memref<!tpu.dma_semaphore, #tpu.memory_space<semaphore_mem>>) src(%dma_wait3A_937 : memref<16x32xi32, #tpu.memory_space<hbm>>) dst(%arg10 : memref<16x32xi32, #tpu.memory_space<vmem>>)
        tpu.yield
      }) : () -> ()
      %mul3A_25 = arith.constant 20 : i32
      %mul3A_26 = arith.muli %arg1, %mul3A_25 : i32
      %add3A_27 = arith.addi %mul3A_26, %scan3A_13 : i32
      "tpu.region"() ({
        %run_scoped3A = tpu.sem_alloc : memref<!tpu.dma_semaphore, #tpu.memory_space<semaphore_mem>>
        %dma_start3A_922 = arith.constant 0 : i32
        %dma_start3A_923 = arith.constant 0 : i32
        %dma_start3A_924 = tpu.memref_slice %arg6[%add3A_27, %dma_start3A_922, %dma_start3A_923] : memref<320x16x32xi32, #tpu.memory_space<hbm>> -> memref<1x16x32xi32, #tpu.memory_space<hbm>>
        %dma_start3A_925 = tpu.memref_squeeze %dma_start3A_924 : memref<1x16x32xi32, #tpu.memory_space<hbm>> -> memref<16x32xi32, #tpu.memory_space<hbm>>
        %dma_start3A_926 = arith.constant 0 : i32
        %dma_start3A_927 = arith.constant 0 : i32
        %dma_start3A_928 = tpu.memref_slice %arg6[%add3A_27, %dma_start3A_926, %dma_start3A_927] : memref<320x16x32xi32, #tpu.memory_space<hbm>> -> memref<1x16x32xi32, #tpu.memory_space<hbm>>
        %dma_start3A_929 = tpu.memref_squeeze %dma_start3A_928 : memref<1x16x32xi32, #tpu.memory_space<hbm>> -> memref<16x32xi32, #tpu.memory_space<hbm>>
        tpu.enqueue_dma source(%dma_start3A_929 : memref<16x32xi32, #tpu.memory_space<hbm>>) target(%arg11 : memref<16x32xi32, #tpu.memory_space<vmem>>) target_semaphore(%run_scoped3A : memref<!tpu.dma_semaphore, #tpu.memory_space<semaphore_mem>>)
        %dma_wait3A_930 = arith.constant 0 : i32
        %dma_wait3A_931 = arith.constant 0 : i32
        %dma_wait3A_932 = tpu.memref_slice %arg6[%add3A_27, %dma_wait3A_930, %dma_wait3A_931] : memref<320x16x32xi32, #tpu.memory_space<hbm>> -> memref<1x16x32xi32, #tpu.memory_space<hbm>>
        %dma_wait3A_933 = tpu.memref_squeeze %dma_wait3A_932 : memref<1x16x32xi32, #tpu.memory_space<hbm>> -> memref<16x32xi32, #tpu.memory_space<hbm>>
        %dma_wait3A_934 = arith.constant 0 : i32
        %dma_wait3A_935 = arith.constant 0 : i32
        %dma_wait3A_936 = tpu.memref_slice %arg6[%add3A_27, %dma_wait3A_934, %dma_wait3A_935] : memref<320x16x32xi32, #tpu.memory_space<hbm>> -> memref<1x16x32xi32, #tpu.memory_space<hbm>>
        %dma_wait3A_937 = tpu.memref_squeeze %dma_wait3A_936 : memref<1x16x32xi32, #tpu.memory_space<hbm>> -> memref<16x32xi32, #tpu.memory_space<hbm>>
        tpu.wait_dma2 semaphore(%run_scoped3A : memref<!tpu.dma_semaphore, #tpu.memory_space<semaphore_mem>>) src(%dma_wait3A_937 : memref<16x32xi32, #tpu.memory_space<hbm>>) dst(%arg11 : memref<16x32xi32, #tpu.memory_space<vmem>>)
        tpu.yield
      }) : () -> ()
      %dma_start3A = arith.constant 0 : i32
      %dma_start3A_28 = arith.constant 0 : i32
      %dma_start3A_29 = tpu.memref_slice %arg9[%dma_start3A, %dma_start3A_28] : memref<16x32xi32, #tpu.memory_space<vmem>> -> memref<1x32xi32, #tpu.memory_space<vmem>>
      %dma_start3A_30 = tpu.memref_squeeze %dma_start3A_29 : memref<1x32xi32, #tpu.memory_space<vmem>> -> memref<32xi32, #tpu.memory_space<vmem>>
      %dma_start3A_31 = arith.constant 0 : i32
      %dma_start3A_32 = arith.constant 0 : i32
      %dma_start3A_33 = tpu.memref_slice %arg2[%dma_start3A_31, %dma_start3A_32] : memref<60000x128xf32, #tpu.memory_space<hbm>> -> memref<60000x128xf32, #tpu.memory_space<hbm>>
      tpu.enqueue_indirect_dma source(%dma_start3A_33 : memref<60000x128xf32, #tpu.memory_space<hbm>>) target(%arg12 : memref<32x128xf32, #tpu.memory_space<vmem>>) offsets(%dma_start3A_30 : memref<32xi32, #tpu.memory_space<vmem>>) semaphore(%arg22 : memref<!tpu.dma_semaphore, #tpu.memory_space<semaphore_mem>>)
      %dma_start3A_34 = arith.constant 0 : i32
      %dma_start3A_35 = arith.constant 0 : i32
      %dma_start3A_36 = tpu.memref_slice %arg10[%dma_start3A_34, %dma_start3A_35] : memref<16x32xi32, #tpu.memory_space<vmem>> -> memref<1x32xi32, #tpu.memory_space<vmem>>
      %dma_start3A_37 = tpu.memref_squeeze %dma_start3A_36 : memref<1x32xi32, #tpu.memory_space<vmem>> -> memref<32xi32, #tpu.memory_space<vmem>>
      %dma_start3A_38 = arith.constant 0 : i32
      %dma_start3A_39 = arith.constant 0 : i32
      %dma_start3A_40 = tpu.memref_slice %arg3[%dma_start3A_38, %dma_start3A_39] : memref<1200x128xf32, #tpu.memory_space<hbm>> -> memref<1200x128xf32, #tpu.memory_space<hbm>>
      tpu.enqueue_indirect_dma source(%dma_start3A_40 : memref<1200x128xf32, #tpu.memory_space<hbm>>) target(%arg16 : memref<32x128xf32, #tpu.memory_space<vmem>>) offsets(%dma_start3A_37 : memref<32xi32, #tpu.memory_space<vmem>>) semaphore(%arg26 : memref<!tpu.dma_semaphore, #tpu.memory_space<semaphore_mem>>)
      %dma_start3A_41 = arith.constant 1 : i32
      %dma_start3A_42 = arith.constant 0 : i32
      %dma_start3A_43 = tpu.memref_slice %arg9[%dma_start3A_41, %dma_start3A_42] : memref<16x32xi32, #tpu.memory_space<vmem>> -> memref<1x32xi32, #tpu.memory_space<vmem>>
      %dma_start3A_44 = tpu.memref_squeeze %dma_start3A_43 : memref<1x32xi32, #tpu.memory_space<vmem>> -> memref<32xi32, #tpu.memory_space<vmem>>
      %dma_start3A_45 = arith.constant 0 : i32
      %dma_start3A_46 = arith.constant 0 : i32
      %dma_start3A_47 = tpu.memref_slice %arg2[%dma_start3A_45, %dma_start3A_46] : memref<60000x128xf32, #tpu.memory_space<hbm>> -> memref<60000x128xf32, #tpu.memory_space<hbm>>
      tpu.enqueue_indirect_dma source(%dma_start3A_47 : memref<60000x128xf32, #tpu.memory_space<hbm>>) target(%arg13 : memref<32x128xf32, #tpu.memory_space<vmem>>) offsets(%dma_start3A_44 : memref<32xi32, #tpu.memory_space<vmem>>) semaphore(%arg23 : memref<!tpu.dma_semaphore, #tpu.memory_space<semaphore_mem>>)
      %dma_start3A_48 = arith.constant 1 : i32
      %dma_start3A_49 = arith.constant 0 : i32
      %dma_start3A_50 = tpu.memref_slice %arg10[%dma_start3A_48, %dma_start3A_49] : memref<16x32xi32, #tpu.memory_space<vmem>> -> memref<1x32xi32, #tpu.memory_space<vmem>>
      %dma_start3A_51 = tpu.memref_squeeze %dma_start3A_50 : memref<1x32xi32, #tpu.memory_space<vmem>> -> memref<32xi32, #tpu.memory_space<vmem>>
      %dma_start3A_52 = arith.constant 0 : i32
      %dma_start3A_53 = arith.constant 0 : i32
      %dma_start3A_54 = tpu.memref_slice %arg3[%dma_start3A_52, %dma_start3A_53] : memref<1200x128xf32, #tpu.memory_space<hbm>> -> memref<1200x128xf32, #tpu.memory_space<hbm>>
      tpu.enqueue_indirect_dma source(%dma_start3A_54 : memref<1200x128xf32, #tpu.memory_space<hbm>>) target(%arg17 : memref<32x128xf32, #tpu.memory_space<vmem>>) offsets(%dma_start3A_51 : memref<32xi32, #tpu.memory_space<vmem>>) semaphore(%arg27 : memref<!tpu.dma_semaphore, #tpu.memory_space<semaphore_mem>>)
      %dma_start3A_55 = arith.constant 2 : i32
      %dma_start3A_56 = arith.constant 0 : i32
      %dma_start3A_57 = tpu.memref_slice %arg9[%dma_start3A_55, %dma_start3A_56] : memref<16x32xi32, #tpu.memory_space<vmem>> -> memref<1x32xi32, #tpu.memory_space<vmem>>
      %dma_start3A_58 = tpu.memref_squeeze %dma_start3A_57 : memref<1x32xi32, #tpu.memory_space<vmem>> -> memref<32xi32, #tpu.memory_space<vmem>>
      %dma_start3A_59 = arith.constant 0 : i32
      %dma_start3A_60 = arith.constant 0 : i32
      %dma_start3A_61 = tpu.memref_slice %arg2[%dma_start3A_59, %dma_start3A_60] : memref<60000x128xf32, #tpu.memory_space<hbm>> -> memref<60000x128xf32, #tpu.memory_space<hbm>>
      tpu.enqueue_indirect_dma source(%dma_start3A_61 : memref<60000x128xf32, #tpu.memory_space<hbm>>) target(%arg14 : memref<32x128xf32, #tpu.memory_space<vmem>>) offsets(%dma_start3A_58 : memref<32xi32, #tpu.memory_space<vmem>>) semaphore(%arg24 : memref<!tpu.dma_semaphore, #tpu.memory_space<semaphore_mem>>)
      %dma_start3A_62 = arith.constant 2 : i32
      %dma_start3A_63 = arith.constant 0 : i32
      %dma_start3A_64 = tpu.memref_slice %arg10[%dma_start3A_62, %dma_start3A_63] : memref<16x32xi32, #tpu.memory_space<vmem>> -> memref<1x32xi32, #tpu.memory_space<vmem>>
      %dma_start3A_65 = tpu.memref_squeeze %dma_start3A_64 : memref<1x32xi32, #tpu.memory_space<vmem>> -> memref<32xi32, #tpu.memory_space<vmem>>
      %dma_start3A_66 = arith.constant 0 : i32
      %dma_start3A_67 = arith.constant 0 : i32
      %dma_start3A_68 = tpu.memref_slice %arg3[%dma_start3A_66, %dma_start3A_67] : memref<1200x128xf32, #tpu.memory_space<hbm>> -> memref<1200x128xf32, #tpu.memory_space<hbm>>
      tpu.enqueue_indirect_dma source(%dma_start3A_68 : memref<1200x128xf32, #tpu.memory_space<hbm>>) target(%arg18 : memref<32x128xf32, #tpu.memory_space<vmem>>) offsets(%dma_start3A_65 : memref<32xi32, #tpu.memory_space<vmem>>) semaphore(%arg28 : memref<!tpu.dma_semaphore, #tpu.memory_space<semaphore_mem>>)
      %dma_wait3A = arith.constant 0 : i32
      %dma_wait3A_69 = arith.constant 0 : i32
      %dma_wait3A_70 = tpu.memref_slice %arg9[%dma_wait3A, %dma_wait3A_69] : memref<16x32xi32, #tpu.memory_space<vmem>> -> memref<1x32xi32, #tpu.memory_space<vmem>>
      %dma_wait3A_71 = tpu.memref_squeeze %dma_wait3A_70 : memref<1x32xi32, #tpu.memory_space<vmem>> -> memref<32xi32, #tpu.memory_space<vmem>>
      %dma_wait3A_72 = arith.constant 0 : i32
      %dma_wait3A_73 = arith.constant 0 : i32
      %dma_wait3A_74 = tpu.memref_slice %arg2[%dma_wait3A_72, %dma_wait3A_73] : memref<60000x128xf32, #tpu.memory_space<hbm>> -> memref<60000x128xf32, #tpu.memory_space<hbm>>
      tpu.wait_indirect_dma semaphore(%arg22 : memref<!tpu.dma_semaphore, #tpu.memory_space<semaphore_mem>>) src(%dma_wait3A_74 : memref<60000x128xf32, #tpu.memory_space<hbm>>) dst(%arg12 : memref<32x128xf32, #tpu.memory_space<vmem>>)
      %dma_start3A_75 = arith.constant 0 : i32
      %dma_start3A_76 = arith.constant 0 : i32
      %dma_start3A_77 = tpu.memref_slice %arg11[%dma_start3A_75, %dma_start3A_76] : memref<16x32xi32, #tpu.memory_space<vmem>> -> memref<1x32xi32, #tpu.memory_space<vmem>>
      %dma_start3A_78 = tpu.memref_squeeze %dma_start3A_77 : memref<1x32xi32, #tpu.memory_space<vmem>> -> memref<32xi32, #tpu.memory_space<vmem>>
      %dma_start3A_79 = arith.constant 0 : i32
      %dma_start3A_80 = arith.constant 0 : i32
      %dma_start3A_81 = tpu.memref_slice %arg21[%dma_start3A_79, %dma_start3A_80] : memref<10240x128xf32, #tpu.memory_space<vmem_shared>> -> memref<10240x128xf32, #tpu.memory_space<vmem_shared>>
      tpu.enqueue_indirect_dma source(%arg12 : memref<32x128xf32, #tpu.memory_space<vmem>>) target(%dma_start3A_81 : memref<10240x128xf32, #tpu.memory_space<vmem_shared>>) offsets(%dma_start3A_78 : memref<32xi32, #tpu.memory_space<vmem>>) semaphore(%arg30 : memref<!tpu.dma_semaphore, #tpu.memory_space<semaphore_mem>>) {add = true}
      %dma_wait3A_82 = arith.constant 0 : i32
      %dma_wait3A_83 = arith.constant 0 : i32
      %dma_wait3A_84 = tpu.memref_slice %arg10[%dma_wait3A_82, %dma_wait3A_83] : memref<16x32xi32, #tpu.memory_space<vmem>> -> memref<1x32xi32, #tpu.memory_space<vmem>>
      %dma_wait3A_85 = tpu.memref_squeeze %dma_wait3A_84 : memref<1x32xi32, #tpu.memory_space<vmem>> -> memref<32xi32, #tpu.memory_space<vmem>>
      %dma_wait3A_86 = arith.constant 0 : i32
      %dma_wait3A_87 = arith.constant 0 : i32
      %dma_wait3A_88 = tpu.memref_slice %arg3[%dma_wait3A_86, %dma_wait3A_87] : memref<1200x128xf32, #tpu.memory_space<hbm>> -> memref<1200x128xf32, #tpu.memory_space<hbm>>
      tpu.wait_indirect_dma semaphore(%arg26 : memref<!tpu.dma_semaphore, #tpu.memory_space<semaphore_mem>>) src(%dma_wait3A_88 : memref<1200x128xf32, #tpu.memory_space<hbm>>) dst(%arg16 : memref<32x128xf32, #tpu.memory_space<vmem>>)
      %dma_start3A_89 = arith.constant 0 : i32
      %dma_start3A_90 = arith.constant 0 : i32
      %dma_start3A_91 = tpu.memref_slice %arg11[%dma_start3A_89, %dma_start3A_90] : memref<16x32xi32, #tpu.memory_space<vmem>> -> memref<1x32xi32, #tpu.memory_space<vmem>>
      %dma_start3A_92 = tpu.memref_squeeze %dma_start3A_91 : memref<1x32xi32, #tpu.memory_space<vmem>> -> memref<32xi32, #tpu.memory_space<vmem>>
      %dma_start3A_93 = arith.constant 0 : i32
      %dma_start3A_94 = arith.constant 0 : i32
      %dma_start3A_95 = tpu.memref_slice %arg21[%dma_start3A_93, %dma_start3A_94] : memref<10240x128xf32, #tpu.memory_space<vmem_shared>> -> memref<10240x128xf32, #tpu.memory_space<vmem_shared>>
      tpu.enqueue_indirect_dma source(%arg16 : memref<32x128xf32, #tpu.memory_space<vmem>>) target(%dma_start3A_95 : memref<10240x128xf32, #tpu.memory_space<vmem_shared>>) offsets(%dma_start3A_92 : memref<32xi32, #tpu.memory_space<vmem>>) semaphore(%arg34 : memref<!tpu.dma_semaphore, #tpu.memory_space<semaphore_mem>>) {add = true}
      %dma_start3A_96 = arith.constant 3 : i32
      %dma_start3A_97 = arith.constant 0 : i32
      %dma_start3A_98 = tpu.memref_slice %arg9[%dma_start3A_96, %dma_start3A_97] : memref<16x32xi32, #tpu.memory_space<vmem>> -> memref<1x32xi32, #tpu.memory_space<vmem>>
      %dma_start3A_99 = tpu.memref_squeeze %dma_start3A_98 : memref<1x32xi32, #tpu.memory_space<vmem>> -> memref<32xi32, #tpu.memory_space<vmem>>
      %dma_start3A_100 = arith.constant 0 : i32
      %dma_start3A_101 = arith.constant 0 : i32
      %dma_start3A_102 = tpu.memref_slice %arg2[%dma_start3A_100, %dma_start3A_101] : memref<60000x128xf32, #tpu.memory_space<hbm>> -> memref<60000x128xf32, #tpu.memory_space<hbm>>
      tpu.enqueue_indirect_dma source(%dma_start3A_102 : memref<60000x128xf32, #tpu.memory_space<hbm>>) target(%arg15 : memref<32x128xf32, #tpu.memory_space<vmem>>) offsets(%dma_start3A_99 : memref<32xi32, #tpu.memory_space<vmem>>) semaphore(%arg25 : memref<!tpu.dma_semaphore, #tpu.memory_space<semaphore_mem>>)
      %dma_start3A_103 = arith.constant 3 : i32
      %dma_start3A_104 = arith.constant 0 : i32
      %dma_start3A_105 = tpu.memref_slice %arg10[%dma_start3A_103, %dma_start3A_104] : memref<16x32xi32, #tpu.memory_space<vmem>> -> memref<1x32xi32, #tpu.memory_space<vmem>>
      %dma_start3A_106 = tpu.memref_squeeze %dma_start3A_105 : memref<1x32xi32, #tpu.memory_space<vmem>> -> memref<32xi32, #tpu.memory_space<vmem>>
      %dma_start3A_107 = arith.constant 0 : i32
      %dma_start3A_108 = arith.constant 0 : i32
      %dma_start3A_109 = tpu.memref_slice %arg3[%dma_start3A_107, %dma_start3A_108] : memref<1200x128xf32, #tpu.memory_space<hbm>> -> memref<1200x128xf32, #tpu.memory_space<hbm>>
      tpu.enqueue_indirect_dma source(%dma_start3A_109 : memref<1200x128xf32, #tpu.memory_space<hbm>>) target(%arg19 : memref<32x128xf32, #tpu.memory_space<vmem>>) offsets(%dma_start3A_106 : memref<32xi32, #tpu.memory_space<vmem>>) semaphore(%arg29 : memref<!tpu.dma_semaphore, #tpu.memory_space<semaphore_mem>>)
      %dma_wait3A_110 = arith.constant 1 : i32
      %dma_wait3A_111 = arith.constant 0 : i32
      %dma_wait3A_112 = tpu.memref_slice %arg9[%dma_wait3A_110, %dma_wait3A_111] : memref<16x32xi32, #tpu.memory_space<vmem>> -> memref<1x32xi32, #tpu.memory_space<vmem>>
      %dma_wait3A_113 = tpu.memref_squeeze %dma_wait3A_112 : memref<1x32xi32, #tpu.memory_space<vmem>> -> memref<32xi32, #tpu.memory_space<vmem>>
      %dma_wait3A_114 = arith.constant 0 : i32
      %dma_wait3A_115 = arith.constant 0 : i32
      %dma_wait3A_116 = tpu.memref_slice %arg2[%dma_wait3A_114, %dma_wait3A_115] : memref<60000x128xf32, #tpu.memory_space<hbm>> -> memref<60000x128xf32, #tpu.memory_space<hbm>>
      tpu.wait_indirect_dma semaphore(%arg23 : memref<!tpu.dma_semaphore, #tpu.memory_space<semaphore_mem>>) src(%dma_wait3A_116 : memref<60000x128xf32, #tpu.memory_space<hbm>>) dst(%arg13 : memref<32x128xf32, #tpu.memory_space<vmem>>)
      %dma_start3A_117 = arith.constant 1 : i32
      %dma_start3A_118 = arith.constant 0 : i32
      %dma_start3A_119 = tpu.memref_slice %arg11[%dma_start3A_117, %dma_start3A_118] : memref<16x32xi32, #tpu.memory_space<vmem>> -> memref<1x32xi32, #tpu.memory_space<vmem>>
      %dma_start3A_120 = tpu.memref_squeeze %dma_start3A_119 : memref<1x32xi32, #tpu.memory_space<vmem>> -> memref<32xi32, #tpu.memory_space<vmem>>
      %dma_start3A_121 = arith.constant 0 : i32
      %dma_start3A_122 = arith.constant 0 : i32
      %dma_start3A_123 = tpu.memref_slice %arg21[%dma_start3A_121, %dma_start3A_122] : memref<10240x128xf32, #tpu.memory_space<vmem_shared>> -> memref<10240x128xf32, #tpu.memory_space<vmem_shared>>
      tpu.enqueue_indirect_dma source(%arg13 : memref<32x128xf32, #tpu.memory_space<vmem>>) target(%dma_start3A_123 : memref<10240x128xf32, #tpu.memory_space<vmem_shared>>) offsets(%dma_start3A_120 : memref<32xi32, #tpu.memory_space<vmem>>) semaphore(%arg31 : memref<!tpu.dma_semaphore, #tpu.memory_space<semaphore_mem>>) {add = true}
      %dma_wait3A_124 = arith.constant 1 : i32
      %dma_wait3A_125 = arith.constant 0 : i32
      %dma_wait3A_126 = tpu.memref_slice %arg10[%dma_wait3A_124, %dma_wait3A_125] : memref<16x32xi32, #tpu.memory_space<vmem>> -> memref<1x32xi32, #tpu.memory_space<vmem>>
      %dma_wait3A_127 = tpu.memref_squeeze %dma_wait3A_126 : memref<1x32xi32, #tpu.memory_space<vmem>> -> memref<32xi32, #tpu.memory_space<vmem>>
      %dma_wait3A_128 = arith.constant 0 : i32
      %dma_wait3A_129 = arith.constant 0 : i32
      %dma_wait3A_130 = tpu.memref_slice %arg3[%dma_wait3A_128, %dma_wait3A_129] : memref<1200x128xf32, #tpu.memory_space<hbm>> -> memref<1200x128xf32, #tpu.memory_space<hbm>>
      tpu.wait_indirect_dma semaphore(%arg27 : memref<!tpu.dma_semaphore, #tpu.memory_space<semaphore_mem>>) src(%dma_wait3A_130 : memref<1200x128xf32, #tpu.memory_space<hbm>>) dst(%arg17 : memref<32x128xf32, #tpu.memory_space<vmem>>)
      %dma_start3A_131 = arith.constant 1 : i32
      %dma_start3A_132 = arith.constant 0 : i32
      %dma_start3A_133 = tpu.memref_slice %arg11[%dma_start3A_131, %dma_start3A_132] : memref<16x32xi32, #tpu.memory_space<vmem>> -> memref<1x32xi32, #tpu.memory_space<vmem>>
      %dma_start3A_134 = tpu.memref_squeeze %dma_start3A_133 : memref<1x32xi32, #tpu.memory_space<vmem>> -> memref<32xi32, #tpu.memory_space<vmem>>
      %dma_start3A_135 = arith.constant 0 : i32
      %dma_start3A_136 = arith.constant 0 : i32
      %dma_start3A_137 = tpu.memref_slice %arg21[%dma_start3A_135, %dma_start3A_136] : memref<10240x128xf32, #tpu.memory_space<vmem_shared>> -> memref<10240x128xf32, #tpu.memory_space<vmem_shared>>
      tpu.enqueue_indirect_dma source(%arg17 : memref<32x128xf32, #tpu.memory_space<vmem>>) target(%dma_start3A_137 : memref<10240x128xf32, #tpu.memory_space<vmem_shared>>) offsets(%dma_start3A_134 : memref<32xi32, #tpu.memory_space<vmem>>) semaphore(%arg35 : memref<!tpu.dma_semaphore, #tpu.memory_space<semaphore_mem>>) {add = true}
      %dma_wait3A_138 = arith.constant 0 : i32
      %dma_wait3A_139 = arith.constant 0 : i32
      %dma_wait3A_140 = tpu.memref_slice %arg11[%dma_wait3A_138, %dma_wait3A_139] : memref<16x32xi32, #tpu.memory_space<vmem>> -> memref<1x32xi32, #tpu.memory_space<vmem>>
      %dma_wait3A_141 = tpu.memref_squeeze %dma_wait3A_140 : memref<1x32xi32, #tpu.memory_space<vmem>> -> memref<32xi32, #tpu.memory_space<vmem>>
      %dma_wait3A_142 = arith.constant 0 : i32
      %dma_wait3A_143 = arith.constant 0 : i32
      %dma_wait3A_144 = tpu.memref_slice %arg21[%dma_wait3A_142, %dma_wait3A_143] : memref<10240x128xf32, #tpu.memory_space<vmem_shared>> -> memref<10240x128xf32, #tpu.memory_space<vmem_shared>>
      tpu.wait_indirect_dma semaphore(%arg30 : memref<!tpu.dma_semaphore, #tpu.memory_space<semaphore_mem>>) src(%arg12 : memref<32x128xf32, #tpu.memory_space<vmem>>) dst(%dma_wait3A_144 : memref<10240x128xf32, #tpu.memory_space<vmem_shared>>)
      %dma_wait3A_145 = arith.constant 0 : i32
      %dma_wait3A_146 = arith.constant 0 : i32
      %dma_wait3A_147 = tpu.memref_slice %arg11[%dma_wait3A_145, %dma_wait3A_146] : memref<16x32xi32, #tpu.memory_space<vmem>> -> memref<1x32xi32, #tpu.memory_space<vmem>>
      %dma_wait3A_148 = tpu.memref_squeeze %dma_wait3A_147 : memref<1x32xi32, #tpu.memory_space<vmem>> -> memref<32xi32, #tpu.memory_space<vmem>>
      %dma_wait3A_149 = arith.constant 0 : i32
      %dma_wait3A_150 = arith.constant 0 : i32
      %dma_wait3A_151 = tpu.memref_slice %arg21[%dma_wait3A_149, %dma_wait3A_150] : memref<10240x128xf32, #tpu.memory_space<vmem_shared>> -> memref<10240x128xf32, #tpu.memory_space<vmem_shared>>
      tpu.wait_indirect_dma semaphore(%arg34 : memref<!tpu.dma_semaphore, #tpu.memory_space<semaphore_mem>>) src(%arg16 : memref<32x128xf32, #tpu.memory_space<vmem>>) dst(%dma_wait3A_151 : memref<10240x128xf32, #tpu.memory_space<vmem_shared>>)
      %dma_start3A_152 = arith.constant 4 : i32
      %dma_start3A_153 = arith.constant 0 : i32
      %dma_start3A_154 = tpu.memref_slice %arg9[%dma_start3A_152, %dma_start3A_153] : memref<16x32xi32, #tpu.memory_space<vmem>> -> memref<1x32xi32, #tpu.memory_space<vmem>>
      %dma_start3A_155 = tpu.memref_squeeze %dma_start3A_154 : memref<1x32xi32, #tpu.memory_space<vmem>> -> memref<32xi32, #tpu.memory_space<vmem>>
      %dma_start3A_156 = arith.constant 0 : i32
      %dma_start3A_157 = arith.constant 0 : i32
      %dma_start3A_158 = tpu.memref_slice %arg2[%dma_start3A_156, %dma_start3A_157] : memref<60000x128xf32, #tpu.memory_space<hbm>> -> memref<60000x128xf32, #tpu.memory_space<hbm>>
      tpu.enqueue_indirect_dma source(%dma_start3A_158 : memref<60000x128xf32, #tpu.memory_space<hbm>>) target(%arg12 : memref<32x128xf32, #tpu.memory_space<vmem>>) offsets(%dma_start3A_155 : memref<32xi32, #tpu.memory_space<vmem>>) semaphore(%arg22 : memref<!tpu.dma_semaphore, #tpu.memory_space<semaphore_mem>>)
      %dma_start3A_159 = arith.constant 4 : i32
      %dma_start3A_160 = arith.constant 0 : i32
      %dma_start3A_161 = tpu.memref_slice %arg10[%dma_start3A_159, %dma_start3A_160] : memref<16x32xi32, #tpu.memory_space<vmem>> -> memref<1x32xi32, #tpu.memory_space<vmem>>
      %dma_start3A_162 = tpu.memref_squeeze %dma_start3A_161 : memref<1x32xi32, #tpu.memory_space<vmem>> -> memref<32xi32, #tpu.memory_space<vmem>>
      %dma_start3A_163 = arith.constant 0 : i32
      %dma_start3A_164 = arith.constant 0 : i32
      %dma_start3A_165 = tpu.memref_slice %arg3[%dma_start3A_163, %dma_start3A_164] : memref<1200x128xf32, #tpu.memory_space<hbm>> -> memref<1200x128xf32, #tpu.memory_space<hbm>>
      tpu.enqueue_indirect_dma source(%dma_start3A_165 : memref<1200x128xf32, #tpu.memory_space<hbm>>) target(%arg16 : memref<32x128xf32, #tpu.memory_space<vmem>>) offsets(%dma_start3A_162 : memref<32xi32, #tpu.memory_space<vmem>>) semaphore(%arg26 : memref<!tpu.dma_semaphore, #tpu.memory_space<semaphore_mem>>)
      %dma_wait3A_166 = arith.constant 2 : i32
      %dma_wait3A_167 = arith.constant 0 : i32
      %dma_wait3A_168 = tpu.memref_slice %arg9[%dma_wait3A_166, %dma_wait3A_167] : memref<16x32xi32, #tpu.memory_space<vmem>> -> memref<1x32xi32, #tpu.memory_space<vmem>>
      %dma_wait3A_169 = tpu.memref_squeeze %dma_wait3A_168 : memref<1x32xi32, #tpu.memory_space<vmem>> -> memref<32xi32, #tpu.memory_space<vmem>>
      %dma_wait3A_170 = arith.constant 0 : i32
      %dma_wait3A_171 = arith.constant 0 : i32
      %dma_wait3A_172 = tpu.memref_slice %arg2[%dma_wait3A_170, %dma_wait3A_171] : memref<60000x128xf32, #tpu.memory_space<hbm>> -> memref<60000x128xf32, #tpu.memory_space<hbm>>
      tpu.wait_indirect_dma semaphore(%arg24 : memref<!tpu.dma_semaphore, #tpu.memory_space<semaphore_mem>>) src(%dma_wait3A_172 : memref<60000x128xf32, #tpu.memory_space<hbm>>) dst(%arg14 : memref<32x128xf32, #tpu.memory_space<vmem>>)
      %dma_start3A_173 = arith.constant 2 : i32
      %dma_start3A_174 = arith.constant 0 : i32
      %dma_start3A_175 = tpu.memref_slice %arg11[%dma_start3A_173, %dma_start3A_174] : memref<16x32xi32, #tpu.memory_space<vmem>> -> memref<1x32xi32, #tpu.memory_space<vmem>>
      %dma_start3A_176 = tpu.memref_squeeze %dma_start3A_175 : memref<1x32xi32, #tpu.memory_space<vmem>> -> memref<32xi32, #tpu.memory_space<vmem>>
      %dma_start3A_177 = arith.constant 0 : i32
      %dma_start3A_178 = arith.constant 0 : i32
      %dma_start3A_179 = tpu.memref_slice %arg21[%dma_start3A_177, %dma_start3A_178] : memref<10240x128xf32, #tpu.memory_space<vmem_shared>> -> memref<10240x128xf32, #tpu.memory_space<vmem_shared>>
      tpu.enqueue_indirect_dma source(%arg14 : memref<32x128xf32, #tpu.memory_space<vmem>>) target(%dma_start3A_179 : memref<10240x128xf32, #tpu.memory_space<vmem_shared>>) offsets(%dma_start3A_176 : memref<32xi32, #tpu.memory_space<vmem>>) semaphore(%arg32 : memref<!tpu.dma_semaphore, #tpu.memory_space<semaphore_mem>>) {add = true}
      %dma_wait3A_180 = arith.constant 2 : i32
      %dma_wait3A_181 = arith.constant 0 : i32
      %dma_wait3A_182 = tpu.memref_slice %arg10[%dma_wait3A_180, %dma_wait3A_181] : memref<16x32xi32, #tpu.memory_space<vmem>> -> memref<1x32xi32, #tpu.memory_space<vmem>>
      %dma_wait3A_183 = tpu.memref_squeeze %dma_wait3A_182 : memref<1x32xi32, #tpu.memory_space<vmem>> -> memref<32xi32, #tpu.memory_space<vmem>>
      %dma_wait3A_184 = arith.constant 0 : i32
      %dma_wait3A_185 = arith.constant 0 : i32
      %dma_wait3A_186 = tpu.memref_slice %arg3[%dma_wait3A_184, %dma_wait3A_185] : memref<1200x128xf32, #tpu.memory_space<hbm>> -> memref<1200x128xf32, #tpu.memory_space<hbm>>
      tpu.wait_indirect_dma semaphore(%arg28 : memref<!tpu.dma_semaphore, #tpu.memory_space<semaphore_mem>>) src(%dma_wait3A_186 : memref<1200x128xf32, #tpu.memory_space<hbm>>) dst(%arg18 : memref<32x128xf32, #tpu.memory_space<vmem>>)
      %dma_start3A_187 = arith.constant 2 : i32
      %dma_start3A_188 = arith.constant 0 : i32
      %dma_start3A_189 = tpu.memref_slice %arg11[%dma_start3A_187, %dma_start3A_188] : memref<16x32xi32, #tpu.memory_space<vmem>> -> memref<1x32xi32, #tpu.memory_space<vmem>>
      %dma_start3A_190 = tpu.memref_squeeze %dma_start3A_189 : memref<1x32xi32, #tpu.memory_space<vmem>> -> memref<32xi32, #tpu.memory_space<vmem>>
      %dma_start3A_191 = arith.constant 0 : i32
      %dma_start3A_192 = arith.constant 0 : i32
      %dma_start3A_193 = tpu.memref_slice %arg21[%dma_start3A_191, %dma_start3A_192] : memref<10240x128xf32, #tpu.memory_space<vmem_shared>> -> memref<10240x128xf32, #tpu.memory_space<vmem_shared>>
      tpu.enqueue_indirect_dma source(%arg18 : memref<32x128xf32, #tpu.memory_space<vmem>>) target(%dma_start3A_193 : memref<10240x128xf32, #tpu.memory_space<vmem_shared>>) offsets(%dma_start3A_190 : memref<32xi32, #tpu.memory_space<vmem>>) semaphore(%arg36 : memref<!tpu.dma_semaphore, #tpu.memory_space<semaphore_mem>>) {add = true}
      %dma_wait3A_194 = arith.constant 1 : i32
      %dma_wait3A_195 = arith.constant 0 : i32
      %dma_wait3A_196 = tpu.memref_slice %arg11[%dma_wait3A_194, %dma_wait3A_195] : memref<16x32xi32, #tpu.memory_space<vmem>> -> memref<1x32xi32, #tpu.memory_space<vmem>>
      %dma_wait3A_197 = tpu.memref_squeeze %dma_wait3A_196 : memref<1x32xi32, #tpu.memory_space<vmem>> -> memref<32xi32, #tpu.memory_space<vmem>>
      %dma_wait3A_198 = arith.constant 0 : i32
      %dma_wait3A_199 = arith.constant 0 : i32
      %dma_wait3A_200 = tpu.memref_slice %arg21[%dma_wait3A_198, %dma_wait3A_199] : memref<10240x128xf32, #tpu.memory_space<vmem_shared>> -> memref<10240x128xf32, #tpu.memory_space<vmem_shared>>
      tpu.wait_indirect_dma semaphore(%arg31 : memref<!tpu.dma_semaphore, #tpu.memory_space<semaphore_mem>>) src(%arg13 : memref<32x128xf32, #tpu.memory_space<vmem>>) dst(%dma_wait3A_200 : memref<10240x128xf32, #tpu.memory_space<vmem_shared>>)
      %dma_wait3A_201 = arith.constant 1 : i32
      %dma_wait3A_202 = arith.constant 0 : i32
      %dma_wait3A_203 = tpu.memref_slice %arg11[%dma_wait3A_201, %dma_wait3A_202] : memref<16x32xi32, #tpu.memory_space<vmem>> -> memref<1x32xi32, #tpu.memory_space<vmem>>
      %dma_wait3A_204 = tpu.memref_squeeze %dma_wait3A_203 : memref<1x32xi32, #tpu.memory_space<vmem>> -> memref<32xi32, #tpu.memory_space<vmem>>
      %dma_wait3A_205 = arith.constant 0 : i32
      %dma_wait3A_206 = arith.constant 0 : i32
      %dma_wait3A_207 = tpu.memref_slice %arg21[%dma_wait3A_205, %dma_wait3A_206] : memref<10240x128xf32, #tpu.memory_space<vmem_shared>> -> memref<10240x128xf32, #tpu.memory_space<vmem_shared>>
      tpu.wait_indirect_dma semaphore(%arg35 : memref<!tpu.dma_semaphore, #tpu.memory_space<semaphore_mem>>) src(%arg17 : memref<32x128xf32, #tpu.memory_space<vmem>>) dst(%dma_wait3A_207 : memref<10240x128xf32, #tpu.memory_space<vmem_shared>>)
      %dma_start3A_208 = arith.constant 5 : i32
      %dma_start3A_209 = arith.constant 0 : i32
      %dma_start3A_210 = tpu.memref_slice %arg9[%dma_start3A_208, %dma_start3A_209] : memref<16x32xi32, #tpu.memory_space<vmem>> -> memref<1x32xi32, #tpu.memory_space<vmem>>
      %dma_start3A_211 = tpu.memref_squeeze %dma_start3A_210 : memref<1x32xi32, #tpu.memory_space<vmem>> -> memref<32xi32, #tpu.memory_space<vmem>>
      %dma_start3A_212 = arith.constant 0 : i32
      %dma_start3A_213 = arith.constant 0 : i32
      %dma_start3A_214 = tpu.memref_slice %arg2[%dma_start3A_212, %dma_start3A_213] : memref<60000x128xf32, #tpu.memory_space<hbm>> -> memref<60000x128xf32, #tpu.memory_space<hbm>>
      tpu.enqueue_indirect_dma source(%dma_start3A_214 : memref<60000x128xf32, #tpu.memory_space<hbm>>) target(%arg13 : memref<32x128xf32, #tpu.memory_space<vmem>>) offsets(%dma_start3A_211 : memref<32xi32, #tpu.memory_space<vmem>>) semaphore(%arg23 : memref<!tpu.dma_semaphore, #tpu.memory_space<semaphore_mem>>)
      %dma_start3A_215 = arith.constant 5 : i32
      %dma_start3A_216 = arith.constant 0 : i32
      %dma_start3A_217 = tpu.memref_slice %arg10[%dma_start3A_215, %dma_start3A_216] : memref<16x32xi32, #tpu.memory_space<vmem>> -> memref<1x32xi32, #tpu.memory_space<vmem>>
      %dma_start3A_218 = tpu.memref_squeeze %dma_start3A_217 : memref<1x32xi32, #tpu.memory_space<vmem>> -> memref<32xi32, #tpu.memory_space<vmem>>
      %dma_start3A_219 = arith.constant 0 : i32
      %dma_start3A_220 = arith.constant 0 : i32
      %dma_start3A_221 = tpu.memref_slice %arg3[%dma_start3A_219, %dma_start3A_220] : memref<1200x128xf32, #tpu.memory_space<hbm>> -> memref<1200x128xf32, #tpu.memory_space<hbm>>
      tpu.enqueue_indirect_dma source(%dma_start3A_221 : memref<1200x128xf32, #tpu.memory_space<hbm>>) target(%arg17 : memref<32x128xf32, #tpu.memory_space<vmem>>) offsets(%dma_start3A_218 : memref<32xi32, #tpu.memory_space<vmem>>) semaphore(%arg27 : memref<!tpu.dma_semaphore, #tpu.memory_space<semaphore_mem>>)
      %dma_wait3A_222 = arith.constant 3 : i32
      %dma_wait3A_223 = arith.constant 0 : i32
      %dma_wait3A_224 = tpu.memref_slice %arg9[%dma_wait3A_222, %dma_wait3A_223] : memref<16x32xi32, #tpu.memory_space<vmem>> -> memref<1x32xi32, #tpu.memory_space<vmem>>
      %dma_wait3A_225 = tpu.memref_squeeze %dma_wait3A_224 : memref<1x32xi32, #tpu.memory_space<vmem>> -> memref<32xi32, #tpu.memory_space<vmem>>
      %dma_wait3A_226 = arith.constant 0 : i32
      %dma_wait3A_227 = arith.constant 0 : i32
      %dma_wait3A_228 = tpu.memref_slice %arg2[%dma_wait3A_226, %dma_wait3A_227] : memref<60000x128xf32, #tpu.memory_space<hbm>> -> memref<60000x128xf32, #tpu.memory_space<hbm>>
      tpu.wait_indirect_dma semaphore(%arg25 : memref<!tpu.dma_semaphore, #tpu.memory_space<semaphore_mem>>) src(%dma_wait3A_228 : memref<60000x128xf32, #tpu.memory_space<hbm>>) dst(%arg15 : memref<32x128xf32, #tpu.memory_space<vmem>>)
      %dma_start3A_229 = arith.constant 3 : i32
      %dma_start3A_230 = arith.constant 0 : i32
      %dma_start3A_231 = tpu.memref_slice %arg11[%dma_start3A_229, %dma_start3A_230] : memref<16x32xi32, #tpu.memory_space<vmem>> -> memref<1x32xi32, #tpu.memory_space<vmem>>
      %dma_start3A_232 = tpu.memref_squeeze %dma_start3A_231 : memref<1x32xi32, #tpu.memory_space<vmem>> -> memref<32xi32, #tpu.memory_space<vmem>>
      %dma_start3A_233 = arith.constant 0 : i32
      %dma_start3A_234 = arith.constant 0 : i32
      %dma_start3A_235 = tpu.memref_slice %arg21[%dma_start3A_233, %dma_start3A_234] : memref<10240x128xf32, #tpu.memory_space<vmem_shared>> -> memref<10240x128xf32, #tpu.memory_space<vmem_shared>>
      tpu.enqueue_indirect_dma source(%arg15 : memref<32x128xf32, #tpu.memory_space<vmem>>) target(%dma_start3A_235 : memref<10240x128xf32, #tpu.memory_space<vmem_shared>>) offsets(%dma_start3A_232 : memref<32xi32, #tpu.memory_space<vmem>>) semaphore(%arg33 : memref<!tpu.dma_semaphore, #tpu.memory_space<semaphore_mem>>) {add = true}
      %dma_wait3A_236 = arith.constant 3 : i32
      %dma_wait3A_237 = arith.constant 0 : i32
      %dma_wait3A_238 = tpu.memref_slice %arg10[%dma_wait3A_236, %dma_wait3A_237] : memref<16x32xi32, #tpu.memory_space<vmem>> -> memref<1x32xi32, #tpu.memory_space<vmem>>
      %dma_wait3A_239 = tpu.memref_squeeze %dma_wait3A_238 : memref<1x32xi32, #tpu.memory_space<vmem>> -> memref<32xi32, #tpu.memory_space<vmem>>
      %dma_wait3A_240 = arith.constant 0 : i32
      %dma_wait3A_241 = arith.constant 0 : i32
      %dma_wait3A_242 = tpu.memref_slice %arg3[%dma_wait3A_240, %dma_wait3A_241] : memref<1200x128xf32, #tpu.memory_space<hbm>> -> memref<1200x128xf32, #tpu.memory_space<hbm>>
      tpu.wait_indirect_dma semaphore(%arg29 : memref<!tpu.dma_semaphore, #tpu.memory_space<semaphore_mem>>) src(%dma_wait3A_242 : memref<1200x128xf32, #tpu.memory_space<hbm>>) dst(%arg19 : memref<32x128xf32, #tpu.memory_space<vmem>>)
      %dma_start3A_243 = arith.constant 3 : i32
      %dma_start3A_244 = arith.constant 0 : i32
      %dma_start3A_245 = tpu.memref_slice %arg11[%dma_start3A_243, %dma_start3A_244] : memref<16x32xi32, #tpu.memory_space<vmem>> -> memref<1x32xi32, #tpu.memory_space<vmem>>
      %dma_start3A_246 = tpu.memref_squeeze %dma_start3A_245 : memref<1x32xi32, #tpu.memory_space<vmem>> -> memref<32xi32, #tpu.memory_space<vmem>>
      %dma_start3A_247 = arith.constant 0 : i32
      %dma_start3A_248 = arith.constant 0 : i32
      %dma_start3A_249 = tpu.memref_slice %arg21[%dma_start3A_247, %dma_start3A_248] : memref<10240x128xf32, #tpu.memory_space<vmem_shared>> -> memref<10240x128xf32, #tpu.memory_space<vmem_shared>>
      tpu.enqueue_indirect_dma source(%arg19 : memref<32x128xf32, #tpu.memory_space<vmem>>) target(%dma_start3A_249 : memref<10240x128xf32, #tpu.memory_space<vmem_shared>>) offsets(%dma_start3A_246 : memref<32xi32, #tpu.memory_space<vmem>>) semaphore(%arg37 : memref<!tpu.dma_semaphore, #tpu.memory_space<semaphore_mem>>) {add = true}
      %dma_wait3A_250 = arith.constant 2 : i32
      %dma_wait3A_251 = arith.constant 0 : i32
      %dma_wait3A_252 = tpu.memref_slice %arg11[%dma_wait3A_250, %dma_wait3A_251] : memref<16x32xi32, #tpu.memory_space<vmem>> -> memref<1x32xi32, #tpu.memory_space<vmem>>
      %dma_wait3A_253 = tpu.memref_squeeze %dma_wait3A_252 : memref<1x32xi32, #tpu.memory_space<vmem>> -> memref<32xi32, #tpu.memory_space<vmem>>
      %dma_wait3A_254 = arith.constant 0 : i32
      %dma_wait3A_255 = arith.constant 0 : i32
      %dma_wait3A_256 = tpu.memref_slice %arg21[%dma_wait3A_254, %dma_wait3A_255] : memref<10240x128xf32, #tpu.memory_space<vmem_shared>> -> memref<10240x128xf32, #tpu.memory_space<vmem_shared>>
      tpu.wait_indirect_dma semaphore(%arg32 : memref<!tpu.dma_semaphore, #tpu.memory_space<semaphore_mem>>) src(%arg14 : memref<32x128xf32, #tpu.memory_space<vmem>>) dst(%dma_wait3A_256 : memref<10240x128xf32, #tpu.memory_space<vmem_shared>>)
      %dma_wait3A_257 = arith.constant 2 : i32
      %dma_wait3A_258 = arith.constant 0 : i32
      %dma_wait3A_259 = tpu.memref_slice %arg11[%dma_wait3A_257, %dma_wait3A_258] : memref<16x32xi32, #tpu.memory_space<vmem>> -> memref<1x32xi32, #tpu.memory_space<vmem>>
      %dma_wait3A_260 = tpu.memref_squeeze %dma_wait3A_259 : memref<1x32xi32, #tpu.memory_space<vmem>> -> memref<32xi32, #tpu.memory_space<vmem>>
      %dma_wait3A_261 = arith.constant 0 : i32
      %dma_wait3A_262 = arith.constant 0 : i32
      %dma_wait3A_263 = tpu.memref_slice %arg21[%dma_wait3A_261, %dma_wait3A_262] : memref<10240x128xf32, #tpu.memory_space<vmem_shared>> -> memref<10240x128xf32, #tpu.memory_space<vmem_shared>>
      tpu.wait_indirect_dma semaphore(%arg36 : memref<!tpu.dma_semaphore, #tpu.memory_space<semaphore_mem>>) src(%arg18 : memref<32x128xf32, #tpu.memory_space<vmem>>) dst(%dma_wait3A_263 : memref<10240x128xf32, #tpu.memory_space<vmem_shared>>)
      %dma_start3A_264 = arith.constant 6 : i32
      %dma_start3A_265 = arith.constant 0 : i32
      %dma_start3A_266 = tpu.memref_slice %arg9[%dma_start3A_264, %dma_start3A_265] : memref<16x32xi32, #tpu.memory_space<vmem>> -> memref<1x32xi32, #tpu.memory_space<vmem>>
      %dma_start3A_267 = tpu.memref_squeeze %dma_start3A_266 : memref<1x32xi32, #tpu.memory_space<vmem>> -> memref<32xi32, #tpu.memory_space<vmem>>
      %dma_start3A_268 = arith.constant 0 : i32
      %dma_start3A_269 = arith.constant 0 : i32
      %dma_start3A_270 = tpu.memref_slice %arg2[%dma_start3A_268, %dma_start3A_269] : memref<60000x128xf32, #tpu.memory_space<hbm>> -> memref<60000x128xf32, #tpu.memory_space<hbm>>
      tpu.enqueue_indirect_dma source(%dma_start3A_270 : memref<60000x128xf32, #tpu.memory_space<hbm>>) target(%arg14 : memref<32x128xf32, #tpu.memory_space<vmem>>) offsets(%dma_start3A_267 : memref<32xi32, #tpu.memory_space<vmem>>) semaphore(%arg24 : memref<!tpu.dma_semaphore, #tpu.memory_space<semaphore_mem>>)
      %dma_start3A_271 = arith.constant 6 : i32
      %dma_start3A_272 = arith.constant 0 : i32
      %dma_start3A_273 = tpu.memref_slice %arg10[%dma_start3A_271, %dma_start3A_272] : memref<16x32xi32, #tpu.memory_space<vmem>> -> memref<1x32xi32, #tpu.memory_space<vmem>>
      %dma_start3A_274 = tpu.memref_squeeze %dma_start3A_273 : memref<1x32xi32, #tpu.memory_space<vmem>> -> memref<32xi32, #tpu.memory_space<vmem>>
      %dma_start3A_275 = arith.constant 0 : i32
      %dma_start3A_276 = arith.constant 0 : i32
      %dma_start3A_277 = tpu.memref_slice %arg3[%dma_start3A_275, %dma_start3A_276] : memref<1200x128xf32, #tpu.memory_space<hbm>> -> memref<1200x128xf32, #tpu.memory_space<hbm>>
      tpu.enqueue_indirect_dma source(%dma_start3A_277 : memref<1200x128xf32, #tpu.memory_space<hbm>>) target(%arg18 : memref<32x128xf32, #tpu.memory_space<vmem>>) offsets(%dma_start3A_274 : memref<32xi32, #tpu.memory_space<vmem>>) semaphore(%arg28 : memref<!tpu.dma_semaphore, #tpu.memory_space<semaphore_mem>>)
      %dma_wait3A_278 = arith.constant 4 : i32
      %dma_wait3A_279 = arith.constant 0 : i32
      %dma_wait3A_280 = tpu.memref_slice %arg9[%dma_wait3A_278, %dma_wait3A_279] : memref<16x32xi32, #tpu.memory_space<vmem>> -> memref<1x32xi32, #tpu.memory_space<vmem>>
      %dma_wait3A_281 = tpu.memref_squeeze %dma_wait3A_280 : memref<1x32xi32, #tpu.memory_space<vmem>> -> memref<32xi32, #tpu.memory_space<vmem>>
      %dma_wait3A_282 = arith.constant 0 : i32
      %dma_wait3A_283 = arith.constant 0 : i32
      %dma_wait3A_284 = tpu.memref_slice %arg2[%dma_wait3A_282, %dma_wait3A_283] : memref<60000x128xf32, #tpu.memory_space<hbm>> -> memref<60000x128xf32, #tpu.memory_space<hbm>>
      tpu.wait_indirect_dma semaphore(%arg22 : memref<!tpu.dma_semaphore, #tpu.memory_space<semaphore_mem>>) src(%dma_wait3A_284 : memref<60000x128xf32, #tpu.memory_space<hbm>>) dst(%arg12 : memref<32x128xf32, #tpu.memory_space<vmem>>)
      %dma_start3A_285 = arith.constant 4 : i32
      %dma_start3A_286 = arith.constant 0 : i32
      %dma_start3A_287 = tpu.memref_slice %arg11[%dma_start3A_285, %dma_start3A_286] : memref<16x32xi32, #tpu.memory_space<vmem>> -> memref<1x32xi32, #tpu.memory_space<vmem>>
      %dma_start3A_288 = tpu.memref_squeeze %dma_start3A_287 : memref<1x32xi32, #tpu.memory_space<vmem>> -> memref<32xi32, #tpu.memory_space<vmem>>
      %dma_start3A_289 = arith.constant 0 : i32
      %dma_start3A_290 = arith.constant 0 : i32
      %dma_start3A_291 = tpu.memref_slice %arg21[%dma_start3A_289, %dma_start3A_290] : memref<10240x128xf32, #tpu.memory_space<vmem_shared>> -> memref<10240x128xf32, #tpu.memory_space<vmem_shared>>
      tpu.enqueue_indirect_dma source(%arg12 : memref<32x128xf32, #tpu.memory_space<vmem>>) target(%dma_start3A_291 : memref<10240x128xf32, #tpu.memory_space<vmem_shared>>) offsets(%dma_start3A_288 : memref<32xi32, #tpu.memory_space<vmem>>) semaphore(%arg30 : memref<!tpu.dma_semaphore, #tpu.memory_space<semaphore_mem>>) {add = true}
      %dma_wait3A_292 = arith.constant 4 : i32
      %dma_wait3A_293 = arith.constant 0 : i32
      %dma_wait3A_294 = tpu.memref_slice %arg10[%dma_wait3A_292, %dma_wait3A_293] : memref<16x32xi32, #tpu.memory_space<vmem>> -> memref<1x32xi32, #tpu.memory_space<vmem>>
      %dma_wait3A_295 = tpu.memref_squeeze %dma_wait3A_294 : memref<1x32xi32, #tpu.memory_space<vmem>> -> memref<32xi32, #tpu.memory_space<vmem>>
      %dma_wait3A_296 = arith.constant 0 : i32
      %dma_wait3A_297 = arith.constant 0 : i32
      %dma_wait3A_298 = tpu.memref_slice %arg3[%dma_wait3A_296, %dma_wait3A_297] : memref<1200x128xf32, #tpu.memory_space<hbm>> -> memref<1200x128xf32, #tpu.memory_space<hbm>>
      tpu.wait_indirect_dma semaphore(%arg26 : memref<!tpu.dma_semaphore, #tpu.memory_space<semaphore_mem>>) src(%dma_wait3A_298 : memref<1200x128xf32, #tpu.memory_space<hbm>>) dst(%arg16 : memref<32x128xf32, #tpu.memory_space<vmem>>)
      %dma_start3A_299 = arith.constant 4 : i32
      %dma_start3A_300 = arith.constant 0 : i32
      %dma_start3A_301 = tpu.memref_slice %arg11[%dma_start3A_299, %dma_start3A_300] : memref<16x32xi32, #tpu.memory_space<vmem>> -> memref<1x32xi32, #tpu.memory_space<vmem>>
      %dma_start3A_302 = tpu.memref_squeeze %dma_start3A_301 : memref<1x32xi32, #tpu.memory_space<vmem>> -> memref<32xi32, #tpu.memory_space<vmem>>
      %dma_start3A_303 = arith.constant 0 : i32
      %dma_start3A_304 = arith.constant 0 : i32
      %dma_start3A_305 = tpu.memref_slice %arg21[%dma_start3A_303, %dma_start3A_304] : memref<10240x128xf32, #tpu.memory_space<vmem_shared>> -> memref<10240x128xf32, #tpu.memory_space<vmem_shared>>
      tpu.enqueue_indirect_dma source(%arg16 : memref<32x128xf32, #tpu.memory_space<vmem>>) target(%dma_start3A_305 : memref<10240x128xf32, #tpu.memory_space<vmem_shared>>) offsets(%dma_start3A_302 : memref<32xi32, #tpu.memory_space<vmem>>) semaphore(%arg34 : memref<!tpu.dma_semaphore, #tpu.memory_space<semaphore_mem>>) {add = true}
      %dma_wait3A_306 = arith.constant 3 : i32
      %dma_wait3A_307 = arith.constant 0 : i32
      %dma_wait3A_308 = tpu.memref_slice %arg11[%dma_wait3A_306, %dma_wait3A_307] : memref<16x32xi32, #tpu.memory_space<vmem>> -> memref<1x32xi32, #tpu.memory_space<vmem>>
      %dma_wait3A_309 = tpu.memref_squeeze %dma_wait3A_308 : memref<1x32xi32, #tpu.memory_space<vmem>> -> memref<32xi32, #tpu.memory_space<vmem>>
      %dma_wait3A_310 = arith.constant 0 : i32
      %dma_wait3A_311 = arith.constant 0 : i32
      %dma_wait3A_312 = tpu.memref_slice %arg21[%dma_wait3A_310, %dma_wait3A_311] : memref<10240x128xf32, #tpu.memory_space<vmem_shared>> -> memref<10240x128xf32, #tpu.memory_space<vmem_shared>>
      tpu.wait_indirect_dma semaphore(%arg33 : memref<!tpu.dma_semaphore, #tpu.memory_space<semaphore_mem>>) src(%arg15 : memref<32x128xf32, #tpu.memory_space<vmem>>) dst(%dma_wait3A_312 : memref<10240x128xf32, #tpu.memory_space<vmem_shared>>)
      %dma_wait3A_313 = arith.constant 3 : i32
      %dma_wait3A_314 = arith.constant 0 : i32
      %dma_wait3A_315 = tpu.memref_slice %arg11[%dma_wait3A_313, %dma_wait3A_314] : memref<16x32xi32, #tpu.memory_space<vmem>> -> memref<1x32xi32, #tpu.memory_space<vmem>>
      %dma_wait3A_316 = tpu.memref_squeeze %dma_wait3A_315 : memref<1x32xi32, #tpu.memory_space<vmem>> -> memref<32xi32, #tpu.memory_space<vmem>>
      %dma_wait3A_317 = arith.constant 0 : i32
      %dma_wait3A_318 = arith.constant 0 : i32
      %dma_wait3A_319 = tpu.memref_slice %arg21[%dma_wait3A_317, %dma_wait3A_318] : memref<10240x128xf32, #tpu.memory_space<vmem_shared>> -> memref<10240x128xf32, #tpu.memory_space<vmem_shared>>
      tpu.wait_indirect_dma semaphore(%arg37 : memref<!tpu.dma_semaphore, #tpu.memory_space<semaphore_mem>>) src(%arg19 : memref<32x128xf32, #tpu.memory_space<vmem>>) dst(%dma_wait3A_319 : memref<10240x128xf32, #tpu.memory_space<vmem_shared>>)
      %dma_start3A_320 = arith.constant 7 : i32
      %dma_start3A_321 = arith.constant 0 : i32
      %dma_start3A_322 = tpu.memref_slice %arg9[%dma_start3A_320, %dma_start3A_321] : memref<16x32xi32, #tpu.memory_space<vmem>> -> memref<1x32xi32, #tpu.memory_space<vmem>>
      %dma_start3A_323 = tpu.memref_squeeze %dma_start3A_322 : memref<1x32xi32, #tpu.memory_space<vmem>> -> memref<32xi32, #tpu.memory_space<vmem>>
      %dma_start3A_324 = arith.constant 0 : i32
      %dma_start3A_325 = arith.constant 0 : i32
      %dma_start3A_326 = tpu.memref_slice %arg2[%dma_start3A_324, %dma_start3A_325] : memref<60000x128xf32, #tpu.memory_space<hbm>> -> memref<60000x128xf32, #tpu.memory_space<hbm>>
      tpu.enqueue_indirect_dma source(%dma_start3A_326 : memref<60000x128xf32, #tpu.memory_space<hbm>>) target(%arg15 : memref<32x128xf32, #tpu.memory_space<vmem>>) offsets(%dma_start3A_323 : memref<32xi32, #tpu.memory_space<vmem>>) semaphore(%arg25 : memref<!tpu.dma_semaphore, #tpu.memory_space<semaphore_mem>>)
      %dma_start3A_327 = arith.constant 7 : i32
      %dma_start3A_328 = arith.constant 0 : i32
      %dma_start3A_329 = tpu.memref_slice %arg10[%dma_start3A_327, %dma_start3A_328] : memref<16x32xi32, #tpu.memory_space<vmem>> -> memref<1x32xi32, #tpu.memory_space<vmem>>
      %dma_start3A_330 = tpu.memref_squeeze %dma_start3A_329 : memref<1x32xi32, #tpu.memory_space<vmem>> -> memref<32xi32, #tpu.memory_space<vmem>>
      %dma_start3A_331 = arith.constant 0 : i32
      %dma_start3A_332 = arith.constant 0 : i32
      %dma_start3A_333 = tpu.memref_slice %arg3[%dma_start3A_331, %dma_start3A_332] : memref<1200x128xf32, #tpu.memory_space<hbm>> -> memref<1200x128xf32, #tpu.memory_space<hbm>>
      tpu.enqueue_indirect_dma source(%dma_start3A_333 : memref<1200x128xf32, #tpu.memory_space<hbm>>) target(%arg19 : memref<32x128xf32, #tpu.memory_space<vmem>>) offsets(%dma_start3A_330 : memref<32xi32, #tpu.memory_space<vmem>>) semaphore(%arg29 : memref<!tpu.dma_semaphore, #tpu.memory_space<semaphore_mem>>)
      %dma_wait3A_334 = arith.constant 5 : i32
      %dma_wait3A_335 = arith.constant 0 : i32
      %dma_wait3A_336 = tpu.memref_slice %arg9[%dma_wait3A_334, %dma_wait3A_335] : memref<16x32xi32, #tpu.memory_space<vmem>> -> memref<1x32xi32, #tpu.memory_space<vmem>>
      %dma_wait3A_337 = tpu.memref_squeeze %dma_wait3A_336 : memref<1x32xi32, #tpu.memory_space<vmem>> -> memref<32xi32, #tpu.memory_space<vmem>>
      %dma_wait3A_338 = arith.constant 0 : i32
      %dma_wait3A_339 = arith.constant 0 : i32
      %dma_wait3A_340 = tpu.memref_slice %arg2[%dma_wait3A_338, %dma_wait3A_339] : memref<60000x128xf32, #tpu.memory_space<hbm>> -> memref<60000x128xf32, #tpu.memory_space<hbm>>
      tpu.wait_indirect_dma semaphore(%arg23 : memref<!tpu.dma_semaphore, #tpu.memory_space<semaphore_mem>>) src(%dma_wait3A_340 : memref<60000x128xf32, #tpu.memory_space<hbm>>) dst(%arg13 : memref<32x128xf32, #tpu.memory_space<vmem>>)
      %dma_start3A_341 = arith.constant 5 : i32
      %dma_start3A_342 = arith.constant 0 : i32
      %dma_start3A_343 = tpu.memref_slice %arg11[%dma_start3A_341, %dma_start3A_342] : memref<16x32xi32, #tpu.memory_space<vmem>> -> memref<1x32xi32, #tpu.memory_space<vmem>>
      %dma_start3A_344 = tpu.memref_squeeze %dma_start3A_343 : memref<1x32xi32, #tpu.memory_space<vmem>> -> memref<32xi32, #tpu.memory_space<vmem>>
      %dma_start3A_345 = arith.constant 0 : i32
      %dma_start3A_346 = arith.constant 0 : i32
      %dma_start3A_347 = tpu.memref_slice %arg21[%dma_start3A_345, %dma_start3A_346] : memref<10240x128xf32, #tpu.memory_space<vmem_shared>> -> memref<10240x128xf32, #tpu.memory_space<vmem_shared>>
      tpu.enqueue_indirect_dma source(%arg13 : memref<32x128xf32, #tpu.memory_space<vmem>>) target(%dma_start3A_347 : memref<10240x128xf32, #tpu.memory_space<vmem_shared>>) offsets(%dma_start3A_344 : memref<32xi32, #tpu.memory_space<vmem>>) semaphore(%arg31 : memref<!tpu.dma_semaphore, #tpu.memory_space<semaphore_mem>>) {add = true}
      %dma_wait3A_348 = arith.constant 5 : i32
      %dma_wait3A_349 = arith.constant 0 : i32
      %dma_wait3A_350 = tpu.memref_slice %arg10[%dma_wait3A_348, %dma_wait3A_349] : memref<16x32xi32, #tpu.memory_space<vmem>> -> memref<1x32xi32, #tpu.memory_space<vmem>>
      %dma_wait3A_351 = tpu.memref_squeeze %dma_wait3A_350 : memref<1x32xi32, #tpu.memory_space<vmem>> -> memref<32xi32, #tpu.memory_space<vmem>>
      %dma_wait3A_352 = arith.constant 0 : i32
      %dma_wait3A_353 = arith.constant 0 : i32
      %dma_wait3A_354 = tpu.memref_slice %arg3[%dma_wait3A_352, %dma_wait3A_353] : memref<1200x128xf32, #tpu.memory_space<hbm>> -> memref<1200x128xf32, #tpu.memory_space<hbm>>
      tpu.wait_indirect_dma semaphore(%arg27 : memref<!tpu.dma_semaphore, #tpu.memory_space<semaphore_mem>>) src(%dma_wait3A_354 : memref<1200x128xf32, #tpu.memory_space<hbm>>) dst(%arg17 : memref<32x128xf32, #tpu.memory_space<vmem>>)
      %dma_start3A_355 = arith.constant 5 : i32
      %dma_start3A_356 = arith.constant 0 : i32
      %dma_start3A_357 = tpu.memref_slice %arg11[%dma_start3A_355, %dma_start3A_356] : memref<16x32xi32, #tpu.memory_space<vmem>> -> memref<1x32xi32, #tpu.memory_space<vmem>>
      %dma_start3A_358 = tpu.memref_squeeze %dma_start3A_357 : memref<1x32xi32, #tpu.memory_space<vmem>> -> memref<32xi32, #tpu.memory_space<vmem>>
      %dma_start3A_359 = arith.constant 0 : i32
      %dma_start3A_360 = arith.constant 0 : i32
      %dma_start3A_361 = tpu.memref_slice %arg21[%dma_start3A_359, %dma_start3A_360] : memref<10240x128xf32, #tpu.memory_space<vmem_shared>> -> memref<10240x128xf32, #tpu.memory_space<vmem_shared>>
      tpu.enqueue_indirect_dma source(%arg17 : memref<32x128xf32, #tpu.memory_space<vmem>>) target(%dma_start3A_361 : memref<10240x128xf32, #tpu.memory_space<vmem_shared>>) offsets(%dma_start3A_358 : memref<32xi32, #tpu.memory_space<vmem>>) semaphore(%arg35 : memref<!tpu.dma_semaphore, #tpu.memory_space<semaphore_mem>>) {add = true}
      %dma_wait3A_362 = arith.constant 4 : i32
      %dma_wait3A_363 = arith.constant 0 : i32
      %dma_wait3A_364 = tpu.memref_slice %arg11[%dma_wait3A_362, %dma_wait3A_363] : memref<16x32xi32, #tpu.memory_space<vmem>> -> memref<1x32xi32, #tpu.memory_space<vmem>>
      %dma_wait3A_365 = tpu.memref_squeeze %dma_wait3A_364 : memref<1x32xi32, #tpu.memory_space<vmem>> -> memref<32xi32, #tpu.memory_space<vmem>>
      %dma_wait3A_366 = arith.constant 0 : i32
      %dma_wait3A_367 = arith.constant 0 : i32
      %dma_wait3A_368 = tpu.memref_slice %arg21[%dma_wait3A_366, %dma_wait3A_367] : memref<10240x128xf32, #tpu.memory_space<vmem_shared>> -> memref<10240x128xf32, #tpu.memory_space<vmem_shared>>
      tpu.wait_indirect_dma semaphore(%arg30 : memref<!tpu.dma_semaphore, #tpu.memory_space<semaphore_mem>>) src(%arg12 : memref<32x128xf32, #tpu.memory_space<vmem>>) dst(%dma_wait3A_368 : memref<10240x128xf32, #tpu.memory_space<vmem_shared>>)
      %dma_wait3A_369 = arith.constant 4 : i32
      %dma_wait3A_370 = arith.constant 0 : i32
      %dma_wait3A_371 = tpu.memref_slice %arg11[%dma_wait3A_369, %dma_wait3A_370] : memref<16x32xi32, #tpu.memory_space<vmem>> -> memref<1x32xi32, #tpu.memory_space<vmem>>
      %dma_wait3A_372 = tpu.memref_squeeze %dma_wait3A_371 : memref<1x32xi32, #tpu.memory_space<vmem>> -> memref<32xi32, #tpu.memory_space<vmem>>
      %dma_wait3A_373 = arith.constant 0 : i32
      %dma_wait3A_374 = arith.constant 0 : i32
      %dma_wait3A_375 = tpu.memref_slice %arg21[%dma_wait3A_373, %dma_wait3A_374] : memref<10240x128xf32, #tpu.memory_space<vmem_shared>> -> memref<10240x128xf32, #tpu.memory_space<vmem_shared>>
      tpu.wait_indirect_dma semaphore(%arg34 : memref<!tpu.dma_semaphore, #tpu.memory_space<semaphore_mem>>) src(%arg16 : memref<32x128xf32, #tpu.memory_space<vmem>>) dst(%dma_wait3A_375 : memref<10240x128xf32, #tpu.memory_space<vmem_shared>>)
      %dma_start3A_376 = arith.constant 8 : i32
      %dma_start3A_377 = arith.constant 0 : i32
      %dma_start3A_378 = tpu.memref_slice %arg9[%dma_start3A_376, %dma_start3A_377] : memref<16x32xi32, #tpu.memory_space<vmem>> -> memref<1x32xi32, #tpu.memory_space<vmem>>
      %dma_start3A_379 = tpu.memref_squeeze %dma_start3A_378 : memref<1x32xi32, #tpu.memory_space<vmem>> -> memref<32xi32, #tpu.memory_space<vmem>>
      %dma_start3A_380 = arith.constant 0 : i32
      %dma_start3A_381 = arith.constant 0 : i32
      %dma_start3A_382 = tpu.memref_slice %arg2[%dma_start3A_380, %dma_start3A_381] : memref<60000x128xf32, #tpu.memory_space<hbm>> -> memref<60000x128xf32, #tpu.memory_space<hbm>>
      tpu.enqueue_indirect_dma source(%dma_start3A_382 : memref<60000x128xf32, #tpu.memory_space<hbm>>) target(%arg12 : memref<32x128xf32, #tpu.memory_space<vmem>>) offsets(%dma_start3A_379 : memref<32xi32, #tpu.memory_space<vmem>>) semaphore(%arg22 : memref<!tpu.dma_semaphore, #tpu.memory_space<semaphore_mem>>)
      %dma_start3A_383 = arith.constant 8 : i32
      %dma_start3A_384 = arith.constant 0 : i32
      %dma_start3A_385 = tpu.memref_slice %arg10[%dma_start3A_383, %dma_start3A_384] : memref<16x32xi32, #tpu.memory_space<vmem>> -> memref<1x32xi32, #tpu.memory_space<vmem>>
      %dma_start3A_386 = tpu.memref_squeeze %dma_start3A_385 : memref<1x32xi32, #tpu.memory_space<vmem>> -> memref<32xi32, #tpu.memory_space<vmem>>
      %dma_start3A_387 = arith.constant 0 : i32
      %dma_start3A_388 = arith.constant 0 : i32
      %dma_start3A_389 = tpu.memref_slice %arg3[%dma_start3A_387, %dma_start3A_388] : memref<1200x128xf32, #tpu.memory_space<hbm>> -> memref<1200x128xf32, #tpu.memory_space<hbm>>
      tpu.enqueue_indirect_dma source(%dma_start3A_389 : memref<1200x128xf32, #tpu.memory_space<hbm>>) target(%arg16 : memref<32x128xf32, #tpu.memory_space<vmem>>) offsets(%dma_start3A_386 : memref<32xi32, #tpu.memory_space<vmem>>) semaphore(%arg26 : memref<!tpu.dma_semaphore, #tpu.memory_space<semaphore_mem>>)
      %dma_wait3A_390 = arith.constant 6 : i32
      %dma_wait3A_391 = arith.constant 0 : i32
      %dma_wait3A_392 = tpu.memref_slice %arg9[%dma_wait3A_390, %dma_wait3A_391] : memref<16x32xi32, #tpu.memory_space<vmem>> -> memref<1x32xi32, #tpu.memory_space<vmem>>
      %dma_wait3A_393 = tpu.memref_squeeze %dma_wait3A_392 : memref<1x32xi32, #tpu.memory_space<vmem>> -> memref<32xi32, #tpu.memory_space<vmem>>
      %dma_wait3A_394 = arith.constant 0 : i32
      %dma_wait3A_395 = arith.constant 0 : i32
      %dma_wait3A_396 = tpu.memref_slice %arg2[%dma_wait3A_394, %dma_wait3A_395] : memref<60000x128xf32, #tpu.memory_space<hbm>> -> memref<60000x128xf32, #tpu.memory_space<hbm>>
      tpu.wait_indirect_dma semaphore(%arg24 : memref<!tpu.dma_semaphore, #tpu.memory_space<semaphore_mem>>) src(%dma_wait3A_396 : memref<60000x128xf32, #tpu.memory_space<hbm>>) dst(%arg14 : memref<32x128xf32, #tpu.memory_space<vmem>>)
      %dma_start3A_397 = arith.constant 6 : i32
      %dma_start3A_398 = arith.constant 0 : i32
      %dma_start3A_399 = tpu.memref_slice %arg11[%dma_start3A_397, %dma_start3A_398] : memref<16x32xi32, #tpu.memory_space<vmem>> -> memref<1x32xi32, #tpu.memory_space<vmem>>
      %dma_start3A_400 = tpu.memref_squeeze %dma_start3A_399 : memref<1x32xi32, #tpu.memory_space<vmem>> -> memref<32xi32, #tpu.memory_space<vmem>>
      %dma_start3A_401 = arith.constant 0 : i32
      %dma_start3A_402 = arith.constant 0 : i32
      %dma_start3A_403 = tpu.memref_slice %arg21[%dma_start3A_401, %dma_start3A_402] : memref<10240x128xf32, #tpu.memory_space<vmem_shared>> -> memref<10240x128xf32, #tpu.memory_space<vmem_shared>>
      tpu.enqueue_indirect_dma source(%arg14 : memref<32x128xf32, #tpu.memory_space<vmem>>) target(%dma_start3A_403 : memref<10240x128xf32, #tpu.memory_space<vmem_shared>>) offsets(%dma_start3A_400 : memref<32xi32, #tpu.memory_space<vmem>>) semaphore(%arg32 : memref<!tpu.dma_semaphore, #tpu.memory_space<semaphore_mem>>) {add = true}
      %dma_wait3A_404 = arith.constant 6 : i32
      %dma_wait3A_405 = arith.constant 0 : i32
      %dma_wait3A_406 = tpu.memref_slice %arg10[%dma_wait3A_404, %dma_wait3A_405] : memref<16x32xi32, #tpu.memory_space<vmem>> -> memref<1x32xi32, #tpu.memory_space<vmem>>
      %dma_wait3A_407 = tpu.memref_squeeze %dma_wait3A_406 : memref<1x32xi32, #tpu.memory_space<vmem>> -> memref<32xi32, #tpu.memory_space<vmem>>
      %dma_wait3A_408 = arith.constant 0 : i32
      %dma_wait3A_409 = arith.constant 0 : i32
      %dma_wait3A_410 = tpu.memref_slice %arg3[%dma_wait3A_408, %dma_wait3A_409] : memref<1200x128xf32, #tpu.memory_space<hbm>> -> memref<1200x128xf32, #tpu.memory_space<hbm>>
      tpu.wait_indirect_dma semaphore(%arg28 : memref<!tpu.dma_semaphore, #tpu.memory_space<semaphore_mem>>) src(%dma_wait3A_410 : memref<1200x128xf32, #tpu.memory_space<hbm>>) dst(%arg18 : memref<32x128xf32, #tpu.memory_space<vmem>>)
      %dma_start3A_411 = arith.constant 6 : i32
      %dma_start3A_412 = arith.constant 0 : i32
      %dma_start3A_413 = tpu.memref_slice %arg11[%dma_start3A_411, %dma_start3A_412] : memref<16x32xi32, #tpu.memory_space<vmem>> -> memref<1x32xi32, #tpu.memory_space<vmem>>
      %dma_start3A_414 = tpu.memref_squeeze %dma_start3A_413 : memref<1x32xi32, #tpu.memory_space<vmem>> -> memref<32xi32, #tpu.memory_space<vmem>>
      %dma_start3A_415 = arith.constant 0 : i32
      %dma_start3A_416 = arith.constant 0 : i32
      %dma_start3A_417 = tpu.memref_slice %arg21[%dma_start3A_415, %dma_start3A_416] : memref<10240x128xf32, #tpu.memory_space<vmem_shared>> -> memref<10240x128xf32, #tpu.memory_space<vmem_shared>>
      tpu.enqueue_indirect_dma source(%arg18 : memref<32x128xf32, #tpu.memory_space<vmem>>) target(%dma_start3A_417 : memref<10240x128xf32, #tpu.memory_space<vmem_shared>>) offsets(%dma_start3A_414 : memref<32xi32, #tpu.memory_space<vmem>>) semaphore(%arg36 : memref<!tpu.dma_semaphore, #tpu.memory_space<semaphore_mem>>) {add = true}
      %dma_wait3A_418 = arith.constant 5 : i32
      %dma_wait3A_419 = arith.constant 0 : i32
      %dma_wait3A_420 = tpu.memref_slice %arg11[%dma_wait3A_418, %dma_wait3A_419] : memref<16x32xi32, #tpu.memory_space<vmem>> -> memref<1x32xi32, #tpu.memory_space<vmem>>
      %dma_wait3A_421 = tpu.memref_squeeze %dma_wait3A_420 : memref<1x32xi32, #tpu.memory_space<vmem>> -> memref<32xi32, #tpu.memory_space<vmem>>
      %dma_wait3A_422 = arith.constant 0 : i32
      %dma_wait3A_423 = arith.constant 0 : i32
      %dma_wait3A_424 = tpu.memref_slice %arg21[%dma_wait3A_422, %dma_wait3A_423] : memref<10240x128xf32, #tpu.memory_space<vmem_shared>> -> memref<10240x128xf32, #tpu.memory_space<vmem_shared>>
      tpu.wait_indirect_dma semaphore(%arg31 : memref<!tpu.dma_semaphore, #tpu.memory_space<semaphore_mem>>) src(%arg13 : memref<32x128xf32, #tpu.memory_space<vmem>>) dst(%dma_wait3A_424 : memref<10240x128xf32, #tpu.memory_space<vmem_shared>>)
      %dma_wait3A_425 = arith.constant 5 : i32
      %dma_wait3A_426 = arith.constant 0 : i32
      %dma_wait3A_427 = tpu.memref_slice %arg11[%dma_wait3A_425, %dma_wait3A_426] : memref<16x32xi32, #tpu.memory_space<vmem>> -> memref<1x32xi32, #tpu.memory_space<vmem>>
      %dma_wait3A_428 = tpu.memref_squeeze %dma_wait3A_427 : memref<1x32xi32, #tpu.memory_space<vmem>> -> memref<32xi32, #tpu.memory_space<vmem>>
      %dma_wait3A_429 = arith.constant 0 : i32
      %dma_wait3A_430 = arith.constant 0 : i32
      %dma_wait3A_431 = tpu.memref_slice %arg21[%dma_wait3A_429, %dma_wait3A_430] : memref<10240x128xf32, #tpu.memory_space<vmem_shared>> -> memref<10240x128xf32, #tpu.memory_space<vmem_shared>>
      tpu.wait_indirect_dma semaphore(%arg35 : memref<!tpu.dma_semaphore, #tpu.memory_space<semaphore_mem>>) src(%arg17 : memref<32x128xf32, #tpu.memory_space<vmem>>) dst(%dma_wait3A_431 : memref<10240x128xf32, #tpu.memory_space<vmem_shared>>)
      %dma_start3A_432 = arith.constant 9 : i32
      %dma_start3A_433 = arith.constant 0 : i32
      %dma_start3A_434 = tpu.memref_slice %arg9[%dma_start3A_432, %dma_start3A_433] : memref<16x32xi32, #tpu.memory_space<vmem>> -> memref<1x32xi32, #tpu.memory_space<vmem>>
      %dma_start3A_435 = tpu.memref_squeeze %dma_start3A_434 : memref<1x32xi32, #tpu.memory_space<vmem>> -> memref<32xi32, #tpu.memory_space<vmem>>
      %dma_start3A_436 = arith.constant 0 : i32
      %dma_start3A_437 = arith.constant 0 : i32
      %dma_start3A_438 = tpu.memref_slice %arg2[%dma_start3A_436, %dma_start3A_437] : memref<60000x128xf32, #tpu.memory_space<hbm>> -> memref<60000x128xf32, #tpu.memory_space<hbm>>
      tpu.enqueue_indirect_dma source(%dma_start3A_438 : memref<60000x128xf32, #tpu.memory_space<hbm>>) target(%arg13 : memref<32x128xf32, #tpu.memory_space<vmem>>) offsets(%dma_start3A_435 : memref<32xi32, #tpu.memory_space<vmem>>) semaphore(%arg23 : memref<!tpu.dma_semaphore, #tpu.memory_space<semaphore_mem>>)
      %dma_start3A_439 = arith.constant 9 : i32
      %dma_start3A_440 = arith.constant 0 : i32
      %dma_start3A_441 = tpu.memref_slice %arg10[%dma_start3A_439, %dma_start3A_440] : memref<16x32xi32, #tpu.memory_space<vmem>> -> memref<1x32xi32, #tpu.memory_space<vmem>>
      %dma_start3A_442 = tpu.memref_squeeze %dma_start3A_441 : memref<1x32xi32, #tpu.memory_space<vmem>> -> memref<32xi32, #tpu.memory_space<vmem>>
      %dma_start3A_443 = arith.constant 0 : i32
      %dma_start3A_444 = arith.constant 0 : i32
      %dma_start3A_445 = tpu.memref_slice %arg3[%dma_start3A_443, %dma_start3A_444] : memref<1200x128xf32, #tpu.memory_space<hbm>> -> memref<1200x128xf32, #tpu.memory_space<hbm>>
      tpu.enqueue_indirect_dma source(%dma_start3A_445 : memref<1200x128xf32, #tpu.memory_space<hbm>>) target(%arg17 : memref<32x128xf32, #tpu.memory_space<vmem>>) offsets(%dma_start3A_442 : memref<32xi32, #tpu.memory_space<vmem>>) semaphore(%arg27 : memref<!tpu.dma_semaphore, #tpu.memory_space<semaphore_mem>>)
      %dma_wait3A_446 = arith.constant 7 : i32
      %dma_wait3A_447 = arith.constant 0 : i32
      %dma_wait3A_448 = tpu.memref_slice %arg9[%dma_wait3A_446, %dma_wait3A_447] : memref<16x32xi32, #tpu.memory_space<vmem>> -> memref<1x32xi32, #tpu.memory_space<vmem>>
      %dma_wait3A_449 = tpu.memref_squeeze %dma_wait3A_448 : memref<1x32xi32, #tpu.memory_space<vmem>> -> memref<32xi32, #tpu.memory_space<vmem>>
      %dma_wait3A_450 = arith.constant 0 : i32
      %dma_wait3A_451 = arith.constant 0 : i32
      %dma_wait3A_452 = tpu.memref_slice %arg2[%dma_wait3A_450, %dma_wait3A_451] : memref<60000x128xf32, #tpu.memory_space<hbm>> -> memref<60000x128xf32, #tpu.memory_space<hbm>>
      tpu.wait_indirect_dma semaphore(%arg25 : memref<!tpu.dma_semaphore, #tpu.memory_space<semaphore_mem>>) src(%dma_wait3A_452 : memref<60000x128xf32, #tpu.memory_space<hbm>>) dst(%arg15 : memref<32x128xf32, #tpu.memory_space<vmem>>)
      %dma_start3A_453 = arith.constant 7 : i32
      %dma_start3A_454 = arith.constant 0 : i32
      %dma_start3A_455 = tpu.memref_slice %arg11[%dma_start3A_453, %dma_start3A_454] : memref<16x32xi32, #tpu.memory_space<vmem>> -> memref<1x32xi32, #tpu.memory_space<vmem>>
      %dma_start3A_456 = tpu.memref_squeeze %dma_start3A_455 : memref<1x32xi32, #tpu.memory_space<vmem>> -> memref<32xi32, #tpu.memory_space<vmem>>
      %dma_start3A_457 = arith.constant 0 : i32
      %dma_start3A_458 = arith.constant 0 : i32
      %dma_start3A_459 = tpu.memref_slice %arg21[%dma_start3A_457, %dma_start3A_458] : memref<10240x128xf32, #tpu.memory_space<vmem_shared>> -> memref<10240x128xf32, #tpu.memory_space<vmem_shared>>
      tpu.enqueue_indirect_dma source(%arg15 : memref<32x128xf32, #tpu.memory_space<vmem>>) target(%dma_start3A_459 : memref<10240x128xf32, #tpu.memory_space<vmem_shared>>) offsets(%dma_start3A_456 : memref<32xi32, #tpu.memory_space<vmem>>) semaphore(%arg33 : memref<!tpu.dma_semaphore, #tpu.memory_space<semaphore_mem>>) {add = true}
      %dma_wait3A_460 = arith.constant 7 : i32
      %dma_wait3A_461 = arith.constant 0 : i32
      %dma_wait3A_462 = tpu.memref_slice %arg10[%dma_wait3A_460, %dma_wait3A_461] : memref<16x32xi32, #tpu.memory_space<vmem>> -> memref<1x32xi32, #tpu.memory_space<vmem>>
      %dma_wait3A_463 = tpu.memref_squeeze %dma_wait3A_462 : memref<1x32xi32, #tpu.memory_space<vmem>> -> memref<32xi32, #tpu.memory_space<vmem>>
      %dma_wait3A_464 = arith.constant 0 : i32
      %dma_wait3A_465 = arith.constant 0 : i32
      %dma_wait3A_466 = tpu.memref_slice %arg3[%dma_wait3A_464, %dma_wait3A_465] : memref<1200x128xf32, #tpu.memory_space<hbm>> -> memref<1200x128xf32, #tpu.memory_space<hbm>>
      tpu.wait_indirect_dma semaphore(%arg29 : memref<!tpu.dma_semaphore, #tpu.memory_space<semaphore_mem>>) src(%dma_wait3A_466 : memref<1200x128xf32, #tpu.memory_space<hbm>>) dst(%arg19 : memref<32x128xf32, #tpu.memory_space<vmem>>)
      %dma_start3A_467 = arith.constant 7 : i32
      %dma_start3A_468 = arith.constant 0 : i32
      %dma_start3A_469 = tpu.memref_slice %arg11[%dma_start3A_467, %dma_start3A_468] : memref<16x32xi32, #tpu.memory_space<vmem>> -> memref<1x32xi32, #tpu.memory_space<vmem>>
      %dma_start3A_470 = tpu.memref_squeeze %dma_start3A_469 : memref<1x32xi32, #tpu.memory_space<vmem>> -> memref<32xi32, #tpu.memory_space<vmem>>
      %dma_start3A_471 = arith.constant 0 : i32
      %dma_start3A_472 = arith.constant 0 : i32
      %dma_start3A_473 = tpu.memref_slice %arg21[%dma_start3A_471, %dma_start3A_472] : memref<10240x128xf32, #tpu.memory_space<vmem_shared>> -> memref<10240x128xf32, #tpu.memory_space<vmem_shared>>
      tpu.enqueue_indirect_dma source(%arg19 : memref<32x128xf32, #tpu.memory_space<vmem>>) target(%dma_start3A_473 : memref<10240x128xf32, #tpu.memory_space<vmem_shared>>) offsets(%dma_start3A_470 : memref<32xi32, #tpu.memory_space<vmem>>) semaphore(%arg37 : memref<!tpu.dma_semaphore, #tpu.memory_space<semaphore_mem>>) {add = true}
      %dma_wait3A_474 = arith.constant 6 : i32
      %dma_wait3A_475 = arith.constant 0 : i32
      %dma_wait3A_476 = tpu.memref_slice %arg11[%dma_wait3A_474, %dma_wait3A_475] : memref<16x32xi32, #tpu.memory_space<vmem>> -> memref<1x32xi32, #tpu.memory_space<vmem>>
      %dma_wait3A_477 = tpu.memref_squeeze %dma_wait3A_476 : memref<1x32xi32, #tpu.memory_space<vmem>> -> memref<32xi32, #tpu.memory_space<vmem>>
      %dma_wait3A_478 = arith.constant 0 : i32
      %dma_wait3A_479 = arith.constant 0 : i32
      %dma_wait3A_480 = tpu.memref_slice %arg21[%dma_wait3A_478, %dma_wait3A_479] : memref<10240x128xf32, #tpu.memory_space<vmem_shared>> -> memref<10240x128xf32, #tpu.memory_space<vmem_shared>>
      tpu.wait_indirect_dma semaphore(%arg32 : memref<!tpu.dma_semaphore, #tpu.memory_space<semaphore_mem>>) src(%arg14 : memref<32x128xf32, #tpu.memory_space<vmem>>) dst(%dma_wait3A_480 : memref<10240x128xf32, #tpu.memory_space<vmem_shared>>)
      %dma_wait3A_481 = arith.constant 6 : i32
      %dma_wait3A_482 = arith.constant 0 : i32
      %dma_wait3A_483 = tpu.memref_slice %arg11[%dma_wait3A_481, %dma_wait3A_482] : memref<16x32xi32, #tpu.memory_space<vmem>> -> memref<1x32xi32, #tpu.memory_space<vmem>>
      %dma_wait3A_484 = tpu.memref_squeeze %dma_wait3A_483 : memref<1x32xi32, #tpu.memory_space<vmem>> -> memref<32xi32, #tpu.memory_space<vmem>>
      %dma_wait3A_485 = arith.constant 0 : i32
      %dma_wait3A_486 = arith.constant 0 : i32
      %dma_wait3A_487 = tpu.memref_slice %arg21[%dma_wait3A_485, %dma_wait3A_486] : memref<10240x128xf32, #tpu.memory_space<vmem_shared>> -> memref<10240x128xf32, #tpu.memory_space<vmem_shared>>
      tpu.wait_indirect_dma semaphore(%arg36 : memref<!tpu.dma_semaphore, #tpu.memory_space<semaphore_mem>>) src(%arg18 : memref<32x128xf32, #tpu.memory_space<vmem>>) dst(%dma_wait3A_487 : memref<10240x128xf32, #tpu.memory_space<vmem_shared>>)
      %dma_start3A_488 = arith.constant 10 : i32
      %dma_start3A_489 = arith.constant 0 : i32
      %dma_start3A_490 = tpu.memref_slice %arg9[%dma_start3A_488, %dma_start3A_489] : memref<16x32xi32, #tpu.memory_space<vmem>> -> memref<1x32xi32, #tpu.memory_space<vmem>>
      %dma_start3A_491 = tpu.memref_squeeze %dma_start3A_490 : memref<1x32xi32, #tpu.memory_space<vmem>> -> memref<32xi32, #tpu.memory_space<vmem>>
      %dma_start3A_492 = arith.constant 0 : i32
      %dma_start3A_493 = arith.constant 0 : i32
      %dma_start3A_494 = tpu.memref_slice %arg2[%dma_start3A_492, %dma_start3A_493] : memref<60000x128xf32, #tpu.memory_space<hbm>> -> memref<60000x128xf32, #tpu.memory_space<hbm>>
      tpu.enqueue_indirect_dma source(%dma_start3A_494 : memref<60000x128xf32, #tpu.memory_space<hbm>>) target(%arg14 : memref<32x128xf32, #tpu.memory_space<vmem>>) offsets(%dma_start3A_491 : memref<32xi32, #tpu.memory_space<vmem>>) semaphore(%arg24 : memref<!tpu.dma_semaphore, #tpu.memory_space<semaphore_mem>>)
      %dma_start3A_495 = arith.constant 10 : i32
      %dma_start3A_496 = arith.constant 0 : i32
      %dma_start3A_497 = tpu.memref_slice %arg10[%dma_start3A_495, %dma_start3A_496] : memref<16x32xi32, #tpu.memory_space<vmem>> -> memref<1x32xi32, #tpu.memory_space<vmem>>
      %dma_start3A_498 = tpu.memref_squeeze %dma_start3A_497 : memref<1x32xi32, #tpu.memory_space<vmem>> -> memref<32xi32, #tpu.memory_space<vmem>>
      %dma_start3A_499 = arith.constant 0 : i32
      %dma_start3A_500 = arith.constant 0 : i32
      %dma_start3A_501 = tpu.memref_slice %arg3[%dma_start3A_499, %dma_start3A_500] : memref<1200x128xf32, #tpu.memory_space<hbm>> -> memref<1200x128xf32, #tpu.memory_space<hbm>>
      tpu.enqueue_indirect_dma source(%dma_start3A_501 : memref<1200x128xf32, #tpu.memory_space<hbm>>) target(%arg18 : memref<32x128xf32, #tpu.memory_space<vmem>>) offsets(%dma_start3A_498 : memref<32xi32, #tpu.memory_space<vmem>>) semaphore(%arg28 : memref<!tpu.dma_semaphore, #tpu.memory_space<semaphore_mem>>)
      %dma_wait3A_502 = arith.constant 8 : i32
      %dma_wait3A_503 = arith.constant 0 : i32
      %dma_wait3A_504 = tpu.memref_slice %arg9[%dma_wait3A_502, %dma_wait3A_503] : memref<16x32xi32, #tpu.memory_space<vmem>> -> memref<1x32xi32, #tpu.memory_space<vmem>>
      %dma_wait3A_505 = tpu.memref_squeeze %dma_wait3A_504 : memref<1x32xi32, #tpu.memory_space<vmem>> -> memref<32xi32, #tpu.memory_space<vmem>>
      %dma_wait3A_506 = arith.constant 0 : i32
      %dma_wait3A_507 = arith.constant 0 : i32
      %dma_wait3A_508 = tpu.memref_slice %arg2[%dma_wait3A_506, %dma_wait3A_507] : memref<60000x128xf32, #tpu.memory_space<hbm>> -> memref<60000x128xf32, #tpu.memory_space<hbm>>
      tpu.wait_indirect_dma semaphore(%arg22 : memref<!tpu.dma_semaphore, #tpu.memory_space<semaphore_mem>>) src(%dma_wait3A_508 : memref<60000x128xf32, #tpu.memory_space<hbm>>) dst(%arg12 : memref<32x128xf32, #tpu.memory_space<vmem>>)
      %dma_start3A_509 = arith.constant 8 : i32
      %dma_start3A_510 = arith.constant 0 : i32
      %dma_start3A_511 = tpu.memref_slice %arg11[%dma_start3A_509, %dma_start3A_510] : memref<16x32xi32, #tpu.memory_space<vmem>> -> memref<1x32xi32, #tpu.memory_space<vmem>>
      %dma_start3A_512 = tpu.memref_squeeze %dma_start3A_511 : memref<1x32xi32, #tpu.memory_space<vmem>> -> memref<32xi32, #tpu.memory_space<vmem>>
      %dma_start3A_513 = arith.constant 0 : i32
      %dma_start3A_514 = arith.constant 0 : i32
      %dma_start3A_515 = tpu.memref_slice %arg21[%dma_start3A_513, %dma_start3A_514] : memref<10240x128xf32, #tpu.memory_space<vmem_shared>> -> memref<10240x128xf32, #tpu.memory_space<vmem_shared>>
      tpu.enqueue_indirect_dma source(%arg12 : memref<32x128xf32, #tpu.memory_space<vmem>>) target(%dma_start3A_515 : memref<10240x128xf32, #tpu.memory_space<vmem_shared>>) offsets(%dma_start3A_512 : memref<32xi32, #tpu.memory_space<vmem>>) semaphore(%arg30 : memref<!tpu.dma_semaphore, #tpu.memory_space<semaphore_mem>>) {add = true}
      %dma_wait3A_516 = arith.constant 8 : i32
      %dma_wait3A_517 = arith.constant 0 : i32
      %dma_wait3A_518 = tpu.memref_slice %arg10[%dma_wait3A_516, %dma_wait3A_517] : memref<16x32xi32, #tpu.memory_space<vmem>> -> memref<1x32xi32, #tpu.memory_space<vmem>>
      %dma_wait3A_519 = tpu.memref_squeeze %dma_wait3A_518 : memref<1x32xi32, #tpu.memory_space<vmem>> -> memref<32xi32, #tpu.memory_space<vmem>>
      %dma_wait3A_520 = arith.constant 0 : i32
      %dma_wait3A_521 = arith.constant 0 : i32
      %dma_wait3A_522 = tpu.memref_slice %arg3[%dma_wait3A_520, %dma_wait3A_521] : memref<1200x128xf32, #tpu.memory_space<hbm>> -> memref<1200x128xf32, #tpu.memory_space<hbm>>
      tpu.wait_indirect_dma semaphore(%arg26 : memref<!tpu.dma_semaphore, #tpu.memory_space<semaphore_mem>>) src(%dma_wait3A_522 : memref<1200x128xf32, #tpu.memory_space<hbm>>) dst(%arg16 : memref<32x128xf32, #tpu.memory_space<vmem>>)
      %dma_start3A_523 = arith.constant 8 : i32
      %dma_start3A_524 = arith.constant 0 : i32
      %dma_start3A_525 = tpu.memref_slice %arg11[%dma_start3A_523, %dma_start3A_524] : memref<16x32xi32, #tpu.memory_space<vmem>> -> memref<1x32xi32, #tpu.memory_space<vmem>>
      %dma_start3A_526 = tpu.memref_squeeze %dma_start3A_525 : memref<1x32xi32, #tpu.memory_space<vmem>> -> memref<32xi32, #tpu.memory_space<vmem>>
      %dma_start3A_527 = arith.constant 0 : i32
      %dma_start3A_528 = arith.constant 0 : i32
      %dma_start3A_529 = tpu.memref_slice %arg21[%dma_start3A_527, %dma_start3A_528] : memref<10240x128xf32, #tpu.memory_space<vmem_shared>> -> memref<10240x128xf32, #tpu.memory_space<vmem_shared>>
      tpu.enqueue_indirect_dma source(%arg16 : memref<32x128xf32, #tpu.memory_space<vmem>>) target(%dma_start3A_529 : memref<10240x128xf32, #tpu.memory_space<vmem_shared>>) offsets(%dma_start3A_526 : memref<32xi32, #tpu.memory_space<vmem>>) semaphore(%arg34 : memref<!tpu.dma_semaphore, #tpu.memory_space<semaphore_mem>>) {add = true}
      %dma_wait3A_530 = arith.constant 7 : i32
      %dma_wait3A_531 = arith.constant 0 : i32
      %dma_wait3A_532 = tpu.memref_slice %arg11[%dma_wait3A_530, %dma_wait3A_531] : memref<16x32xi32, #tpu.memory_space<vmem>> -> memref<1x32xi32, #tpu.memory_space<vmem>>
      %dma_wait3A_533 = tpu.memref_squeeze %dma_wait3A_532 : memref<1x32xi32, #tpu.memory_space<vmem>> -> memref<32xi32, #tpu.memory_space<vmem>>
      %dma_wait3A_534 = arith.constant 0 : i32
      %dma_wait3A_535 = arith.constant 0 : i32
      %dma_wait3A_536 = tpu.memref_slice %arg21[%dma_wait3A_534, %dma_wait3A_535] : memref<10240x128xf32, #tpu.memory_space<vmem_shared>> -> memref<10240x128xf32, #tpu.memory_space<vmem_shared>>
      tpu.wait_indirect_dma semaphore(%arg33 : memref<!tpu.dma_semaphore, #tpu.memory_space<semaphore_mem>>) src(%arg15 : memref<32x128xf32, #tpu.memory_space<vmem>>) dst(%dma_wait3A_536 : memref<10240x128xf32, #tpu.memory_space<vmem_shared>>)
      %dma_wait3A_537 = arith.constant 7 : i32
      %dma_wait3A_538 = arith.constant 0 : i32
      %dma_wait3A_539 = tpu.memref_slice %arg11[%dma_wait3A_537, %dma_wait3A_538] : memref<16x32xi32, #tpu.memory_space<vmem>> -> memref<1x32xi32, #tpu.memory_space<vmem>>
      %dma_wait3A_540 = tpu.memref_squeeze %dma_wait3A_539 : memref<1x32xi32, #tpu.memory_space<vmem>> -> memref<32xi32, #tpu.memory_space<vmem>>
      %dma_wait3A_541 = arith.constant 0 : i32
      %dma_wait3A_542 = arith.constant 0 : i32
      %dma_wait3A_543 = tpu.memref_slice %arg21[%dma_wait3A_541, %dma_wait3A_542] : memref<10240x128xf32, #tpu.memory_space<vmem_shared>> -> memref<10240x128xf32, #tpu.memory_space<vmem_shared>>
      tpu.wait_indirect_dma semaphore(%arg37 : memref<!tpu.dma_semaphore, #tpu.memory_space<semaphore_mem>>) src(%arg19 : memref<32x128xf32, #tpu.memory_space<vmem>>) dst(%dma_wait3A_543 : memref<10240x128xf32, #tpu.memory_space<vmem_shared>>)
      %dma_start3A_544 = arith.constant 11 : i32
      %dma_start3A_545 = arith.constant 0 : i32
      %dma_start3A_546 = tpu.memref_slice %arg9[%dma_start3A_544, %dma_start3A_545] : memref<16x32xi32, #tpu.memory_space<vmem>> -> memref<1x32xi32, #tpu.memory_space<vmem>>
      %dma_start3A_547 = tpu.memref_squeeze %dma_start3A_546 : memref<1x32xi32, #tpu.memory_space<vmem>> -> memref<32xi32, #tpu.memory_space<vmem>>
      %dma_start3A_548 = arith.constant 0 : i32
      %dma_start3A_549 = arith.constant 0 : i32
      %dma_start3A_550 = tpu.memref_slice %arg2[%dma_start3A_548, %dma_start3A_549] : memref<60000x128xf32, #tpu.memory_space<hbm>> -> memref<60000x128xf32, #tpu.memory_space<hbm>>
      tpu.enqueue_indirect_dma source(%dma_start3A_550 : memref<60000x128xf32, #tpu.memory_space<hbm>>) target(%arg15 : memref<32x128xf32, #tpu.memory_space<vmem>>) offsets(%dma_start3A_547 : memref<32xi32, #tpu.memory_space<vmem>>) semaphore(%arg25 : memref<!tpu.dma_semaphore, #tpu.memory_space<semaphore_mem>>)
      %dma_start3A_551 = arith.constant 11 : i32
      %dma_start3A_552 = arith.constant 0 : i32
      %dma_start3A_553 = tpu.memref_slice %arg10[%dma_start3A_551, %dma_start3A_552] : memref<16x32xi32, #tpu.memory_space<vmem>> -> memref<1x32xi32, #tpu.memory_space<vmem>>
      %dma_start3A_554 = tpu.memref_squeeze %dma_start3A_553 : memref<1x32xi32, #tpu.memory_space<vmem>> -> memref<32xi32, #tpu.memory_space<vmem>>
      %dma_start3A_555 = arith.constant 0 : i32
      %dma_start3A_556 = arith.constant 0 : i32
      %dma_start3A_557 = tpu.memref_slice %arg3[%dma_start3A_555, %dma_start3A_556] : memref<1200x128xf32, #tpu.memory_space<hbm>> -> memref<1200x128xf32, #tpu.memory_space<hbm>>
      tpu.enqueue_indirect_dma source(%dma_start3A_557 : memref<1200x128xf32, #tpu.memory_space<hbm>>) target(%arg19 : memref<32x128xf32, #tpu.memory_space<vmem>>) offsets(%dma_start3A_554 : memref<32xi32, #tpu.memory_space<vmem>>) semaphore(%arg29 : memref<!tpu.dma_semaphore, #tpu.memory_space<semaphore_mem>>)
      %dma_wait3A_558 = arith.constant 9 : i32
      %dma_wait3A_559 = arith.constant 0 : i32
      %dma_wait3A_560 = tpu.memref_slice %arg9[%dma_wait3A_558, %dma_wait3A_559] : memref<16x32xi32, #tpu.memory_space<vmem>> -> memref<1x32xi32, #tpu.memory_space<vmem>>
      %dma_wait3A_561 = tpu.memref_squeeze %dma_wait3A_560 : memref<1x32xi32, #tpu.memory_space<vmem>> -> memref<32xi32, #tpu.memory_space<vmem>>
      %dma_wait3A_562 = arith.constant 0 : i32
      %dma_wait3A_563 = arith.constant 0 : i32
      %dma_wait3A_564 = tpu.memref_slice %arg2[%dma_wait3A_562, %dma_wait3A_563] : memref<60000x128xf32, #tpu.memory_space<hbm>> -> memref<60000x128xf32, #tpu.memory_space<hbm>>
      tpu.wait_indirect_dma semaphore(%arg23 : memref<!tpu.dma_semaphore, #tpu.memory_space<semaphore_mem>>) src(%dma_wait3A_564 : memref<60000x128xf32, #tpu.memory_space<hbm>>) dst(%arg13 : memref<32x128xf32, #tpu.memory_space<vmem>>)
      %dma_start3A_565 = arith.constant 9 : i32
      %dma_start3A_566 = arith.constant 0 : i32
      %dma_start3A_567 = tpu.memref_slice %arg11[%dma_start3A_565, %dma_start3A_566] : memref<16x32xi32, #tpu.memory_space<vmem>> -> memref<1x32xi32, #tpu.memory_space<vmem>>
      %dma_start3A_568 = tpu.memref_squeeze %dma_start3A_567 : memref<1x32xi32, #tpu.memory_space<vmem>> -> memref<32xi32, #tpu.memory_space<vmem>>
      %dma_start3A_569 = arith.constant 0 : i32
      %dma_start3A_570 = arith.constant 0 : i32
      %dma_start3A_571 = tpu.memref_slice %arg21[%dma_start3A_569, %dma_start3A_570] : memref<10240x128xf32, #tpu.memory_space<vmem_shared>> -> memref<10240x128xf32, #tpu.memory_space<vmem_shared>>
      tpu.enqueue_indirect_dma source(%arg13 : memref<32x128xf32, #tpu.memory_space<vmem>>) target(%dma_start3A_571 : memref<10240x128xf32, #tpu.memory_space<vmem_shared>>) offsets(%dma_start3A_568 : memref<32xi32, #tpu.memory_space<vmem>>) semaphore(%arg31 : memref<!tpu.dma_semaphore, #tpu.memory_space<semaphore_mem>>) {add = true}
      %dma_wait3A_572 = arith.constant 9 : i32
      %dma_wait3A_573 = arith.constant 0 : i32
      %dma_wait3A_574 = tpu.memref_slice %arg10[%dma_wait3A_572, %dma_wait3A_573] : memref<16x32xi32, #tpu.memory_space<vmem>> -> memref<1x32xi32, #tpu.memory_space<vmem>>
      %dma_wait3A_575 = tpu.memref_squeeze %dma_wait3A_574 : memref<1x32xi32, #tpu.memory_space<vmem>> -> memref<32xi32, #tpu.memory_space<vmem>>
      %dma_wait3A_576 = arith.constant 0 : i32
      %dma_wait3A_577 = arith.constant 0 : i32
      %dma_wait3A_578 = tpu.memref_slice %arg3[%dma_wait3A_576, %dma_wait3A_577] : memref<1200x128xf32, #tpu.memory_space<hbm>> -> memref<1200x128xf32, #tpu.memory_space<hbm>>
      tpu.wait_indirect_dma semaphore(%arg27 : memref<!tpu.dma_semaphore, #tpu.memory_space<semaphore_mem>>) src(%dma_wait3A_578 : memref<1200x128xf32, #tpu.memory_space<hbm>>) dst(%arg17 : memref<32x128xf32, #tpu.memory_space<vmem>>)
      %dma_start3A_579 = arith.constant 9 : i32
      %dma_start3A_580 = arith.constant 0 : i32
      %dma_start3A_581 = tpu.memref_slice %arg11[%dma_start3A_579, %dma_start3A_580] : memref<16x32xi32, #tpu.memory_space<vmem>> -> memref<1x32xi32, #tpu.memory_space<vmem>>
      %dma_start3A_582 = tpu.memref_squeeze %dma_start3A_581 : memref<1x32xi32, #tpu.memory_space<vmem>> -> memref<32xi32, #tpu.memory_space<vmem>>
      %dma_start3A_583 = arith.constant 0 : i32
      %dma_start3A_584 = arith.constant 0 : i32
      %dma_start3A_585 = tpu.memref_slice %arg21[%dma_start3A_583, %dma_start3A_584] : memref<10240x128xf32, #tpu.memory_space<vmem_shared>> -> memref<10240x128xf32, #tpu.memory_space<vmem_shared>>
      tpu.enqueue_indirect_dma source(%arg17 : memref<32x128xf32, #tpu.memory_space<vmem>>) target(%dma_start3A_585 : memref<10240x128xf32, #tpu.memory_space<vmem_shared>>) offsets(%dma_start3A_582 : memref<32xi32, #tpu.memory_space<vmem>>) semaphore(%arg35 : memref<!tpu.dma_semaphore, #tpu.memory_space<semaphore_mem>>) {add = true}
      %dma_wait3A_586 = arith.constant 8 : i32
      %dma_wait3A_587 = arith.constant 0 : i32
      %dma_wait3A_588 = tpu.memref_slice %arg11[%dma_wait3A_586, %dma_wait3A_587] : memref<16x32xi32, #tpu.memory_space<vmem>> -> memref<1x32xi32, #tpu.memory_space<vmem>>
      %dma_wait3A_589 = tpu.memref_squeeze %dma_wait3A_588 : memref<1x32xi32, #tpu.memory_space<vmem>> -> memref<32xi32, #tpu.memory_space<vmem>>
      %dma_wait3A_590 = arith.constant 0 : i32
      %dma_wait3A_591 = arith.constant 0 : i32
      %dma_wait3A_592 = tpu.memref_slice %arg21[%dma_wait3A_590, %dma_wait3A_591] : memref<10240x128xf32, #tpu.memory_space<vmem_shared>> -> memref<10240x128xf32, #tpu.memory_space<vmem_shared>>
      tpu.wait_indirect_dma semaphore(%arg30 : memref<!tpu.dma_semaphore, #tpu.memory_space<semaphore_mem>>) src(%arg12 : memref<32x128xf32, #tpu.memory_space<vmem>>) dst(%dma_wait3A_592 : memref<10240x128xf32, #tpu.memory_space<vmem_shared>>)
      %dma_wait3A_593 = arith.constant 8 : i32
      %dma_wait3A_594 = arith.constant 0 : i32
      %dma_wait3A_595 = tpu.memref_slice %arg11[%dma_wait3A_593, %dma_wait3A_594] : memref<16x32xi32, #tpu.memory_space<vmem>> -> memref<1x32xi32, #tpu.memory_space<vmem>>
      %dma_wait3A_596 = tpu.memref_squeeze %dma_wait3A_595 : memref<1x32xi32, #tpu.memory_space<vmem>> -> memref<32xi32, #tpu.memory_space<vmem>>
      %dma_wait3A_597 = arith.constant 0 : i32
      %dma_wait3A_598 = arith.constant 0 : i32
      %dma_wait3A_599 = tpu.memref_slice %arg21[%dma_wait3A_597, %dma_wait3A_598] : memref<10240x128xf32, #tpu.memory_space<vmem_shared>> -> memref<10240x128xf32, #tpu.memory_space<vmem_shared>>
      tpu.wait_indirect_dma semaphore(%arg34 : memref<!tpu.dma_semaphore, #tpu.memory_space<semaphore_mem>>) src(%arg16 : memref<32x128xf32, #tpu.memory_space<vmem>>) dst(%dma_wait3A_599 : memref<10240x128xf32, #tpu.memory_space<vmem_shared>>)
      %dma_start3A_600 = arith.constant 12 : i32
      %dma_start3A_601 = arith.constant 0 : i32
      %dma_start3A_602 = tpu.memref_slice %arg9[%dma_start3A_600, %dma_start3A_601] : memref<16x32xi32, #tpu.memory_space<vmem>> -> memref<1x32xi32, #tpu.memory_space<vmem>>
      %dma_start3A_603 = tpu.memref_squeeze %dma_start3A_602 : memref<1x32xi32, #tpu.memory_space<vmem>> -> memref<32xi32, #tpu.memory_space<vmem>>
      %dma_start3A_604 = arith.constant 0 : i32
      %dma_start3A_605 = arith.constant 0 : i32
      %dma_start3A_606 = tpu.memref_slice %arg2[%dma_start3A_604, %dma_start3A_605] : memref<60000x128xf32, #tpu.memory_space<hbm>> -> memref<60000x128xf32, #tpu.memory_space<hbm>>
      tpu.enqueue_indirect_dma source(%dma_start3A_606 : memref<60000x128xf32, #tpu.memory_space<hbm>>) target(%arg12 : memref<32x128xf32, #tpu.memory_space<vmem>>) offsets(%dma_start3A_603 : memref<32xi32, #tpu.memory_space<vmem>>) semaphore(%arg22 : memref<!tpu.dma_semaphore, #tpu.memory_space<semaphore_mem>>)
      %dma_start3A_607 = arith.constant 12 : i32
      %dma_start3A_608 = arith.constant 0 : i32
      %dma_start3A_609 = tpu.memref_slice %arg10[%dma_start3A_607, %dma_start3A_608] : memref<16x32xi32, #tpu.memory_space<vmem>> -> memref<1x32xi32, #tpu.memory_space<vmem>>
      %dma_start3A_610 = tpu.memref_squeeze %dma_start3A_609 : memref<1x32xi32, #tpu.memory_space<vmem>> -> memref<32xi32, #tpu.memory_space<vmem>>
      %dma_start3A_611 = arith.constant 0 : i32
      %dma_start3A_612 = arith.constant 0 : i32
      %dma_start3A_613 = tpu.memref_slice %arg3[%dma_start3A_611, %dma_start3A_612] : memref<1200x128xf32, #tpu.memory_space<hbm>> -> memref<1200x128xf32, #tpu.memory_space<hbm>>
      tpu.enqueue_indirect_dma source(%dma_start3A_613 : memref<1200x128xf32, #tpu.memory_space<hbm>>) target(%arg16 : memref<32x128xf32, #tpu.memory_space<vmem>>) offsets(%dma_start3A_610 : memref<32xi32, #tpu.memory_space<vmem>>) semaphore(%arg26 : memref<!tpu.dma_semaphore, #tpu.memory_space<semaphore_mem>>)
      %dma_wait3A_614 = arith.constant 10 : i32
      %dma_wait3A_615 = arith.constant 0 : i32
      %dma_wait3A_616 = tpu.memref_slice %arg9[%dma_wait3A_614, %dma_wait3A_615] : memref<16x32xi32, #tpu.memory_space<vmem>> -> memref<1x32xi32, #tpu.memory_space<vmem>>
      %dma_wait3A_617 = tpu.memref_squeeze %dma_wait3A_616 : memref<1x32xi32, #tpu.memory_space<vmem>> -> memref<32xi32, #tpu.memory_space<vmem>>
      %dma_wait3A_618 = arith.constant 0 : i32
      %dma_wait3A_619 = arith.constant 0 : i32
      %dma_wait3A_620 = tpu.memref_slice %arg2[%dma_wait3A_618, %dma_wait3A_619] : memref<60000x128xf32, #tpu.memory_space<hbm>> -> memref<60000x128xf32, #tpu.memory_space<hbm>>
      tpu.wait_indirect_dma semaphore(%arg24 : memref<!tpu.dma_semaphore, #tpu.memory_space<semaphore_mem>>) src(%dma_wait3A_620 : memref<60000x128xf32, #tpu.memory_space<hbm>>) dst(%arg14 : memref<32x128xf32, #tpu.memory_space<vmem>>)
      %dma_start3A_621 = arith.constant 10 : i32
      %dma_start3A_622 = arith.constant 0 : i32
      %dma_start3A_623 = tpu.memref_slice %arg11[%dma_start3A_621, %dma_start3A_622] : memref<16x32xi32, #tpu.memory_space<vmem>> -> memref<1x32xi32, #tpu.memory_space<vmem>>
      %dma_start3A_624 = tpu.memref_squeeze %dma_start3A_623 : memref<1x32xi32, #tpu.memory_space<vmem>> -> memref<32xi32, #tpu.memory_space<vmem>>
      %dma_start3A_625 = arith.constant 0 : i32
      %dma_start3A_626 = arith.constant 0 : i32
      %dma_start3A_627 = tpu.memref_slice %arg21[%dma_start3A_625, %dma_start3A_626] : memref<10240x128xf32, #tpu.memory_space<vmem_shared>> -> memref<10240x128xf32, #tpu.memory_space<vmem_shared>>
      tpu.enqueue_indirect_dma source(%arg14 : memref<32x128xf32, #tpu.memory_space<vmem>>) target(%dma_start3A_627 : memref<10240x128xf32, #tpu.memory_space<vmem_shared>>) offsets(%dma_start3A_624 : memref<32xi32, #tpu.memory_space<vmem>>) semaphore(%arg32 : memref<!tpu.dma_semaphore, #tpu.memory_space<semaphore_mem>>) {add = true}
      %dma_wait3A_628 = arith.constant 10 : i32
      %dma_wait3A_629 = arith.constant 0 : i32
      %dma_wait3A_630 = tpu.memref_slice %arg10[%dma_wait3A_628, %dma_wait3A_629] : memref<16x32xi32, #tpu.memory_space<vmem>> -> memref<1x32xi32, #tpu.memory_space<vmem>>
      %dma_wait3A_631 = tpu.memref_squeeze %dma_wait3A_630 : memref<1x32xi32, #tpu.memory_space<vmem>> -> memref<32xi32, #tpu.memory_space<vmem>>
      %dma_wait3A_632 = arith.constant 0 : i32
      %dma_wait3A_633 = arith.constant 0 : i32
      %dma_wait3A_634 = tpu.memref_slice %arg3[%dma_wait3A_632, %dma_wait3A_633] : memref<1200x128xf32, #tpu.memory_space<hbm>> -> memref<1200x128xf32, #tpu.memory_space<hbm>>
      tpu.wait_indirect_dma semaphore(%arg28 : memref<!tpu.dma_semaphore, #tpu.memory_space<semaphore_mem>>) src(%dma_wait3A_634 : memref<1200x128xf32, #tpu.memory_space<hbm>>) dst(%arg18 : memref<32x128xf32, #tpu.memory_space<vmem>>)
      %dma_start3A_635 = arith.constant 10 : i32
      %dma_start3A_636 = arith.constant 0 : i32
      %dma_start3A_637 = tpu.memref_slice %arg11[%dma_start3A_635, %dma_start3A_636] : memref<16x32xi32, #tpu.memory_space<vmem>> -> memref<1x32xi32, #tpu.memory_space<vmem>>
      %dma_start3A_638 = tpu.memref_squeeze %dma_start3A_637 : memref<1x32xi32, #tpu.memory_space<vmem>> -> memref<32xi32, #tpu.memory_space<vmem>>
      %dma_start3A_639 = arith.constant 0 : i32
      %dma_start3A_640 = arith.constant 0 : i32
      %dma_start3A_641 = tpu.memref_slice %arg21[%dma_start3A_639, %dma_start3A_640] : memref<10240x128xf32, #tpu.memory_space<vmem_shared>> -> memref<10240x128xf32, #tpu.memory_space<vmem_shared>>
      tpu.enqueue_indirect_dma source(%arg18 : memref<32x128xf32, #tpu.memory_space<vmem>>) target(%dma_start3A_641 : memref<10240x128xf32, #tpu.memory_space<vmem_shared>>) offsets(%dma_start3A_638 : memref<32xi32, #tpu.memory_space<vmem>>) semaphore(%arg36 : memref<!tpu.dma_semaphore, #tpu.memory_space<semaphore_mem>>) {add = true}
      %dma_wait3A_642 = arith.constant 9 : i32
      %dma_wait3A_643 = arith.constant 0 : i32
      %dma_wait3A_644 = tpu.memref_slice %arg11[%dma_wait3A_642, %dma_wait3A_643] : memref<16x32xi32, #tpu.memory_space<vmem>> -> memref<1x32xi32, #tpu.memory_space<vmem>>
      %dma_wait3A_645 = tpu.memref_squeeze %dma_wait3A_644 : memref<1x32xi32, #tpu.memory_space<vmem>> -> memref<32xi32, #tpu.memory_space<vmem>>
      %dma_wait3A_646 = arith.constant 0 : i32
      %dma_wait3A_647 = arith.constant 0 : i32
      %dma_wait3A_648 = tpu.memref_slice %arg21[%dma_wait3A_646, %dma_wait3A_647] : memref<10240x128xf32, #tpu.memory_space<vmem_shared>> -> memref<10240x128xf32, #tpu.memory_space<vmem_shared>>
      tpu.wait_indirect_dma semaphore(%arg31 : memref<!tpu.dma_semaphore, #tpu.memory_space<semaphore_mem>>) src(%arg13 : memref<32x128xf32, #tpu.memory_space<vmem>>) dst(%dma_wait3A_648 : memref<10240x128xf32, #tpu.memory_space<vmem_shared>>)
      %dma_wait3A_649 = arith.constant 9 : i32
      %dma_wait3A_650 = arith.constant 0 : i32
      %dma_wait3A_651 = tpu.memref_slice %arg11[%dma_wait3A_649, %dma_wait3A_650] : memref<16x32xi32, #tpu.memory_space<vmem>> -> memref<1x32xi32, #tpu.memory_space<vmem>>
      %dma_wait3A_652 = tpu.memref_squeeze %dma_wait3A_651 : memref<1x32xi32, #tpu.memory_space<vmem>> -> memref<32xi32, #tpu.memory_space<vmem>>
      %dma_wait3A_653 = arith.constant 0 : i32
      %dma_wait3A_654 = arith.constant 0 : i32
      %dma_wait3A_655 = tpu.memref_slice %arg21[%dma_wait3A_653, %dma_wait3A_654] : memref<10240x128xf32, #tpu.memory_space<vmem_shared>> -> memref<10240x128xf32, #tpu.memory_space<vmem_shared>>
      tpu.wait_indirect_dma semaphore(%arg35 : memref<!tpu.dma_semaphore, #tpu.memory_space<semaphore_mem>>) src(%arg17 : memref<32x128xf32, #tpu.memory_space<vmem>>) dst(%dma_wait3A_655 : memref<10240x128xf32, #tpu.memory_space<vmem_shared>>)
      %dma_start3A_656 = arith.constant 13 : i32
      %dma_start3A_657 = arith.constant 0 : i32
      %dma_start3A_658 = tpu.memref_slice %arg9[%dma_start3A_656, %dma_start3A_657] : memref<16x32xi32, #tpu.memory_space<vmem>> -> memref<1x32xi32, #tpu.memory_space<vmem>>
      %dma_start3A_659 = tpu.memref_squeeze %dma_start3A_658 : memref<1x32xi32, #tpu.memory_space<vmem>> -> memref<32xi32, #tpu.memory_space<vmem>>
      %dma_start3A_660 = arith.constant 0 : i32
      %dma_start3A_661 = arith.constant 0 : i32
      %dma_start3A_662 = tpu.memref_slice %arg2[%dma_start3A_660, %dma_start3A_661] : memref<60000x128xf32, #tpu.memory_space<hbm>> -> memref<60000x128xf32, #tpu.memory_space<hbm>>
      tpu.enqueue_indirect_dma source(%dma_start3A_662 : memref<60000x128xf32, #tpu.memory_space<hbm>>) target(%arg13 : memref<32x128xf32, #tpu.memory_space<vmem>>) offsets(%dma_start3A_659 : memref<32xi32, #tpu.memory_space<vmem>>) semaphore(%arg23 : memref<!tpu.dma_semaphore, #tpu.memory_space<semaphore_mem>>)
      %dma_start3A_663 = arith.constant 13 : i32
      %dma_start3A_664 = arith.constant 0 : i32
      %dma_start3A_665 = tpu.memref_slice %arg10[%dma_start3A_663, %dma_start3A_664] : memref<16x32xi32, #tpu.memory_space<vmem>> -> memref<1x32xi32, #tpu.memory_space<vmem>>
      %dma_start3A_666 = tpu.memref_squeeze %dma_start3A_665 : memref<1x32xi32, #tpu.memory_space<vmem>> -> memref<32xi32, #tpu.memory_space<vmem>>
      %dma_start3A_667 = arith.constant 0 : i32
      %dma_start3A_668 = arith.constant 0 : i32
      %dma_start3A_669 = tpu.memref_slice %arg3[%dma_start3A_667, %dma_start3A_668] : memref<1200x128xf32, #tpu.memory_space<hbm>> -> memref<1200x128xf32, #tpu.memory_space<hbm>>
      tpu.enqueue_indirect_dma source(%dma_start3A_669 : memref<1200x128xf32, #tpu.memory_space<hbm>>) target(%arg17 : memref<32x128xf32, #tpu.memory_space<vmem>>) offsets(%dma_start3A_666 : memref<32xi32, #tpu.memory_space<vmem>>) semaphore(%arg27 : memref<!tpu.dma_semaphore, #tpu.memory_space<semaphore_mem>>)
      %dma_wait3A_670 = arith.constant 11 : i32
      %dma_wait3A_671 = arith.constant 0 : i32
      %dma_wait3A_672 = tpu.memref_slice %arg9[%dma_wait3A_670, %dma_wait3A_671] : memref<16x32xi32, #tpu.memory_space<vmem>> -> memref<1x32xi32, #tpu.memory_space<vmem>>
      %dma_wait3A_673 = tpu.memref_squeeze %dma_wait3A_672 : memref<1x32xi32, #tpu.memory_space<vmem>> -> memref<32xi32, #tpu.memory_space<vmem>>
      %dma_wait3A_674 = arith.constant 0 : i32
      %dma_wait3A_675 = arith.constant 0 : i32
      %dma_wait3A_676 = tpu.memref_slice %arg2[%dma_wait3A_674, %dma_wait3A_675] : memref<60000x128xf32, #tpu.memory_space<hbm>> -> memref<60000x128xf32, #tpu.memory_space<hbm>>
      tpu.wait_indirect_dma semaphore(%arg25 : memref<!tpu.dma_semaphore, #tpu.memory_space<semaphore_mem>>) src(%dma_wait3A_676 : memref<60000x128xf32, #tpu.memory_space<hbm>>) dst(%arg15 : memref<32x128xf32, #tpu.memory_space<vmem>>)
      %dma_start3A_677 = arith.constant 11 : i32
      %dma_start3A_678 = arith.constant 0 : i32
      %dma_start3A_679 = tpu.memref_slice %arg11[%dma_start3A_677, %dma_start3A_678] : memref<16x32xi32, #tpu.memory_space<vmem>> -> memref<1x32xi32, #tpu.memory_space<vmem>>
      %dma_start3A_680 = tpu.memref_squeeze %dma_start3A_679 : memref<1x32xi32, #tpu.memory_space<vmem>> -> memref<32xi32, #tpu.memory_space<vmem>>
      %dma_start3A_681 = arith.constant 0 : i32
      %dma_start3A_682 = arith.constant 0 : i32
      %dma_start3A_683 = tpu.memref_slice %arg21[%dma_start3A_681, %dma_start3A_682] : memref<10240x128xf32, #tpu.memory_space<vmem_shared>> -> memref<10240x128xf32, #tpu.memory_space<vmem_shared>>
      tpu.enqueue_indirect_dma source(%arg15 : memref<32x128xf32, #tpu.memory_space<vmem>>) target(%dma_start3A_683 : memref<10240x128xf32, #tpu.memory_space<vmem_shared>>) offsets(%dma_start3A_680 : memref<32xi32, #tpu.memory_space<vmem>>) semaphore(%arg33 : memref<!tpu.dma_semaphore, #tpu.memory_space<semaphore_mem>>) {add = true}
      %dma_wait3A_684 = arith.constant 11 : i32
      %dma_wait3A_685 = arith.constant 0 : i32
      %dma_wait3A_686 = tpu.memref_slice %arg10[%dma_wait3A_684, %dma_wait3A_685] : memref<16x32xi32, #tpu.memory_space<vmem>> -> memref<1x32xi32, #tpu.memory_space<vmem>>
      %dma_wait3A_687 = tpu.memref_squeeze %dma_wait3A_686 : memref<1x32xi32, #tpu.memory_space<vmem>> -> memref<32xi32, #tpu.memory_space<vmem>>
      %dma_wait3A_688 = arith.constant 0 : i32
      %dma_wait3A_689 = arith.constant 0 : i32
      %dma_wait3A_690 = tpu.memref_slice %arg3[%dma_wait3A_688, %dma_wait3A_689] : memref<1200x128xf32, #tpu.memory_space<hbm>> -> memref<1200x128xf32, #tpu.memory_space<hbm>>
      tpu.wait_indirect_dma semaphore(%arg29 : memref<!tpu.dma_semaphore, #tpu.memory_space<semaphore_mem>>) src(%dma_wait3A_690 : memref<1200x128xf32, #tpu.memory_space<hbm>>) dst(%arg19 : memref<32x128xf32, #tpu.memory_space<vmem>>)
      %dma_start3A_691 = arith.constant 11 : i32
      %dma_start3A_692 = arith.constant 0 : i32
      %dma_start3A_693 = tpu.memref_slice %arg11[%dma_start3A_691, %dma_start3A_692] : memref<16x32xi32, #tpu.memory_space<vmem>> -> memref<1x32xi32, #tpu.memory_space<vmem>>
      %dma_start3A_694 = tpu.memref_squeeze %dma_start3A_693 : memref<1x32xi32, #tpu.memory_space<vmem>> -> memref<32xi32, #tpu.memory_space<vmem>>
      %dma_start3A_695 = arith.constant 0 : i32
      %dma_start3A_696 = arith.constant 0 : i32
      %dma_start3A_697 = tpu.memref_slice %arg21[%dma_start3A_695, %dma_start3A_696] : memref<10240x128xf32, #tpu.memory_space<vmem_shared>> -> memref<10240x128xf32, #tpu.memory_space<vmem_shared>>
      tpu.enqueue_indirect_dma source(%arg19 : memref<32x128xf32, #tpu.memory_space<vmem>>) target(%dma_start3A_697 : memref<10240x128xf32, #tpu.memory_space<vmem_shared>>) offsets(%dma_start3A_694 : memref<32xi32, #tpu.memory_space<vmem>>) semaphore(%arg37 : memref<!tpu.dma_semaphore, #tpu.memory_space<semaphore_mem>>) {add = true}
      %dma_wait3A_698 = arith.constant 10 : i32
      %dma_wait3A_699 = arith.constant 0 : i32
      %dma_wait3A_700 = tpu.memref_slice %arg11[%dma_wait3A_698, %dma_wait3A_699] : memref<16x32xi32, #tpu.memory_space<vmem>> -> memref<1x32xi32, #tpu.memory_space<vmem>>
      %dma_wait3A_701 = tpu.memref_squeeze %dma_wait3A_700 : memref<1x32xi32, #tpu.memory_space<vmem>> -> memref<32xi32, #tpu.memory_space<vmem>>
      %dma_wait3A_702 = arith.constant 0 : i32
      %dma_wait3A_703 = arith.constant 0 : i32
      %dma_wait3A_704 = tpu.memref_slice %arg21[%dma_wait3A_702, %dma_wait3A_703] : memref<10240x128xf32, #tpu.memory_space<vmem_shared>> -> memref<10240x128xf32, #tpu.memory_space<vmem_shared>>
      tpu.wait_indirect_dma semaphore(%arg32 : memref<!tpu.dma_semaphore, #tpu.memory_space<semaphore_mem>>) src(%arg14 : memref<32x128xf32, #tpu.memory_space<vmem>>) dst(%dma_wait3A_704 : memref<10240x128xf32, #tpu.memory_space<vmem_shared>>)
      %dma_wait3A_705 = arith.constant 10 : i32
      %dma_wait3A_706 = arith.constant 0 : i32
      %dma_wait3A_707 = tpu.memref_slice %arg11[%dma_wait3A_705, %dma_wait3A_706] : memref<16x32xi32, #tpu.memory_space<vmem>> -> memref<1x32xi32, #tpu.memory_space<vmem>>
      %dma_wait3A_708 = tpu.memref_squeeze %dma_wait3A_707 : memref<1x32xi32, #tpu.memory_space<vmem>> -> memref<32xi32, #tpu.memory_space<vmem>>
      %dma_wait3A_709 = arith.constant 0 : i32
      %dma_wait3A_710 = arith.constant 0 : i32
      %dma_wait3A_711 = tpu.memref_slice %arg21[%dma_wait3A_709, %dma_wait3A_710] : memref<10240x128xf32, #tpu.memory_space<vmem_shared>> -> memref<10240x128xf32, #tpu.memory_space<vmem_shared>>
      tpu.wait_indirect_dma semaphore(%arg36 : memref<!tpu.dma_semaphore, #tpu.memory_space<semaphore_mem>>) src(%arg18 : memref<32x128xf32, #tpu.memory_space<vmem>>) dst(%dma_wait3A_711 : memref<10240x128xf32, #tpu.memory_space<vmem_shared>>)
      %dma_start3A_712 = arith.constant 14 : i32
      %dma_start3A_713 = arith.constant 0 : i32
      %dma_start3A_714 = tpu.memref_slice %arg9[%dma_start3A_712, %dma_start3A_713] : memref<16x32xi32, #tpu.memory_space<vmem>> -> memref<1x32xi32, #tpu.memory_space<vmem>>
      %dma_start3A_715 = tpu.memref_squeeze %dma_start3A_714 : memref<1x32xi32, #tpu.memory_space<vmem>> -> memref<32xi32, #tpu.memory_space<vmem>>
      %dma_start3A_716 = arith.constant 0 : i32
      %dma_start3A_717 = arith.constant 0 : i32
      %dma_start3A_718 = tpu.memref_slice %arg2[%dma_start3A_716, %dma_start3A_717] : memref<60000x128xf32, #tpu.memory_space<hbm>> -> memref<60000x128xf32, #tpu.memory_space<hbm>>
      tpu.enqueue_indirect_dma source(%dma_start3A_718 : memref<60000x128xf32, #tpu.memory_space<hbm>>) target(%arg14 : memref<32x128xf32, #tpu.memory_space<vmem>>) offsets(%dma_start3A_715 : memref<32xi32, #tpu.memory_space<vmem>>) semaphore(%arg24 : memref<!tpu.dma_semaphore, #tpu.memory_space<semaphore_mem>>)
      %dma_start3A_719 = arith.constant 14 : i32
      %dma_start3A_720 = arith.constant 0 : i32
      %dma_start3A_721 = tpu.memref_slice %arg10[%dma_start3A_719, %dma_start3A_720] : memref<16x32xi32, #tpu.memory_space<vmem>> -> memref<1x32xi32, #tpu.memory_space<vmem>>
      %dma_start3A_722 = tpu.memref_squeeze %dma_start3A_721 : memref<1x32xi32, #tpu.memory_space<vmem>> -> memref<32xi32, #tpu.memory_space<vmem>>
      %dma_start3A_723 = arith.constant 0 : i32
      %dma_start3A_724 = arith.constant 0 : i32
      %dma_start3A_725 = tpu.memref_slice %arg3[%dma_start3A_723, %dma_start3A_724] : memref<1200x128xf32, #tpu.memory_space<hbm>> -> memref<1200x128xf32, #tpu.memory_space<hbm>>
      tpu.enqueue_indirect_dma source(%dma_start3A_725 : memref<1200x128xf32, #tpu.memory_space<hbm>>) target(%arg18 : memref<32x128xf32, #tpu.memory_space<vmem>>) offsets(%dma_start3A_722 : memref<32xi32, #tpu.memory_space<vmem>>) semaphore(%arg28 : memref<!tpu.dma_semaphore, #tpu.memory_space<semaphore_mem>>)
      %dma_wait3A_726 = arith.constant 12 : i32
      %dma_wait3A_727 = arith.constant 0 : i32
      %dma_wait3A_728 = tpu.memref_slice %arg9[%dma_wait3A_726, %dma_wait3A_727] : memref<16x32xi32, #tpu.memory_space<vmem>> -> memref<1x32xi32, #tpu.memory_space<vmem>>
      %dma_wait3A_729 = tpu.memref_squeeze %dma_wait3A_728 : memref<1x32xi32, #tpu.memory_space<vmem>> -> memref<32xi32, #tpu.memory_space<vmem>>
      %dma_wait3A_730 = arith.constant 0 : i32
      %dma_wait3A_731 = arith.constant 0 : i32
      %dma_wait3A_732 = tpu.memref_slice %arg2[%dma_wait3A_730, %dma_wait3A_731] : memref<60000x128xf32, #tpu.memory_space<hbm>> -> memref<60000x128xf32, #tpu.memory_space<hbm>>
      tpu.wait_indirect_dma semaphore(%arg22 : memref<!tpu.dma_semaphore, #tpu.memory_space<semaphore_mem>>) src(%dma_wait3A_732 : memref<60000x128xf32, #tpu.memory_space<hbm>>) dst(%arg12 : memref<32x128xf32, #tpu.memory_space<vmem>>)
      %dma_start3A_733 = arith.constant 12 : i32
      %dma_start3A_734 = arith.constant 0 : i32
      %dma_start3A_735 = tpu.memref_slice %arg11[%dma_start3A_733, %dma_start3A_734] : memref<16x32xi32, #tpu.memory_space<vmem>> -> memref<1x32xi32, #tpu.memory_space<vmem>>
      %dma_start3A_736 = tpu.memref_squeeze %dma_start3A_735 : memref<1x32xi32, #tpu.memory_space<vmem>> -> memref<32xi32, #tpu.memory_space<vmem>>
      %dma_start3A_737 = arith.constant 0 : i32
      %dma_start3A_738 = arith.constant 0 : i32
      %dma_start3A_739 = tpu.memref_slice %arg21[%dma_start3A_737, %dma_start3A_738] : memref<10240x128xf32, #tpu.memory_space<vmem_shared>> -> memref<10240x128xf32, #tpu.memory_space<vmem_shared>>
      tpu.enqueue_indirect_dma source(%arg12 : memref<32x128xf32, #tpu.memory_space<vmem>>) target(%dma_start3A_739 : memref<10240x128xf32, #tpu.memory_space<vmem_shared>>) offsets(%dma_start3A_736 : memref<32xi32, #tpu.memory_space<vmem>>) semaphore(%arg30 : memref<!tpu.dma_semaphore, #tpu.memory_space<semaphore_mem>>) {add = true}
      %dma_wait3A_740 = arith.constant 12 : i32
      %dma_wait3A_741 = arith.constant 0 : i32
      %dma_wait3A_742 = tpu.memref_slice %arg10[%dma_wait3A_740, %dma_wait3A_741] : memref<16x32xi32, #tpu.memory_space<vmem>> -> memref<1x32xi32, #tpu.memory_space<vmem>>
      %dma_wait3A_743 = tpu.memref_squeeze %dma_wait3A_742 : memref<1x32xi32, #tpu.memory_space<vmem>> -> memref<32xi32, #tpu.memory_space<vmem>>
      %dma_wait3A_744 = arith.constant 0 : i32
      %dma_wait3A_745 = arith.constant 0 : i32
      %dma_wait3A_746 = tpu.memref_slice %arg3[%dma_wait3A_744, %dma_wait3A_745] : memref<1200x128xf32, #tpu.memory_space<hbm>> -> memref<1200x128xf32, #tpu.memory_space<hbm>>
      tpu.wait_indirect_dma semaphore(%arg26 : memref<!tpu.dma_semaphore, #tpu.memory_space<semaphore_mem>>) src(%dma_wait3A_746 : memref<1200x128xf32, #tpu.memory_space<hbm>>) dst(%arg16 : memref<32x128xf32, #tpu.memory_space<vmem>>)
      %dma_start3A_747 = arith.constant 12 : i32
      %dma_start3A_748 = arith.constant 0 : i32
      %dma_start3A_749 = tpu.memref_slice %arg11[%dma_start3A_747, %dma_start3A_748] : memref<16x32xi32, #tpu.memory_space<vmem>> -> memref<1x32xi32, #tpu.memory_space<vmem>>
      %dma_start3A_750 = tpu.memref_squeeze %dma_start3A_749 : memref<1x32xi32, #tpu.memory_space<vmem>> -> memref<32xi32, #tpu.memory_space<vmem>>
      %dma_start3A_751 = arith.constant 0 : i32
      %dma_start3A_752 = arith.constant 0 : i32
      %dma_start3A_753 = tpu.memref_slice %arg21[%dma_start3A_751, %dma_start3A_752] : memref<10240x128xf32, #tpu.memory_space<vmem_shared>> -> memref<10240x128xf32, #tpu.memory_space<vmem_shared>>
      tpu.enqueue_indirect_dma source(%arg16 : memref<32x128xf32, #tpu.memory_space<vmem>>) target(%dma_start3A_753 : memref<10240x128xf32, #tpu.memory_space<vmem_shared>>) offsets(%dma_start3A_750 : memref<32xi32, #tpu.memory_space<vmem>>) semaphore(%arg34 : memref<!tpu.dma_semaphore, #tpu.memory_space<semaphore_mem>>) {add = true}
      %dma_wait3A_754 = arith.constant 11 : i32
      %dma_wait3A_755 = arith.constant 0 : i32
      %dma_wait3A_756 = tpu.memref_slice %arg11[%dma_wait3A_754, %dma_wait3A_755] : memref<16x32xi32, #tpu.memory_space<vmem>> -> memref<1x32xi32, #tpu.memory_space<vmem>>
      %dma_wait3A_757 = tpu.memref_squeeze %dma_wait3A_756 : memref<1x32xi32, #tpu.memory_space<vmem>> -> memref<32xi32, #tpu.memory_space<vmem>>
      %dma_wait3A_758 = arith.constant 0 : i32
      %dma_wait3A_759 = arith.constant 0 : i32
      %dma_wait3A_760 = tpu.memref_slice %arg21[%dma_wait3A_758, %dma_wait3A_759] : memref<10240x128xf32, #tpu.memory_space<vmem_shared>> -> memref<10240x128xf32, #tpu.memory_space<vmem_shared>>
      tpu.wait_indirect_dma semaphore(%arg33 : memref<!tpu.dma_semaphore, #tpu.memory_space<semaphore_mem>>) src(%arg15 : memref<32x128xf32, #tpu.memory_space<vmem>>) dst(%dma_wait3A_760 : memref<10240x128xf32, #tpu.memory_space<vmem_shared>>)
      %dma_wait3A_761 = arith.constant 11 : i32
      %dma_wait3A_762 = arith.constant 0 : i32
      %dma_wait3A_763 = tpu.memref_slice %arg11[%dma_wait3A_761, %dma_wait3A_762] : memref<16x32xi32, #tpu.memory_space<vmem>> -> memref<1x32xi32, #tpu.memory_space<vmem>>
      %dma_wait3A_764 = tpu.memref_squeeze %dma_wait3A_763 : memref<1x32xi32, #tpu.memory_space<vmem>> -> memref<32xi32, #tpu.memory_space<vmem>>
      %dma_wait3A_765 = arith.constant 0 : i32
      %dma_wait3A_766 = arith.constant 0 : i32
      %dma_wait3A_767 = tpu.memref_slice %arg21[%dma_wait3A_765, %dma_wait3A_766] : memref<10240x128xf32, #tpu.memory_space<vmem_shared>> -> memref<10240x128xf32, #tpu.memory_space<vmem_shared>>
      tpu.wait_indirect_dma semaphore(%arg37 : memref<!tpu.dma_semaphore, #tpu.memory_space<semaphore_mem>>) src(%arg19 : memref<32x128xf32, #tpu.memory_space<vmem>>) dst(%dma_wait3A_767 : memref<10240x128xf32, #tpu.memory_space<vmem_shared>>)
      %dma_start3A_768 = arith.constant 15 : i32
      %dma_start3A_769 = arith.constant 0 : i32
      %dma_start3A_770 = tpu.memref_slice %arg9[%dma_start3A_768, %dma_start3A_769] : memref<16x32xi32, #tpu.memory_space<vmem>> -> memref<1x32xi32, #tpu.memory_space<vmem>>
      %dma_start3A_771 = tpu.memref_squeeze %dma_start3A_770 : memref<1x32xi32, #tpu.memory_space<vmem>> -> memref<32xi32, #tpu.memory_space<vmem>>
      %dma_start3A_772 = arith.constant 0 : i32
      %dma_start3A_773 = arith.constant 0 : i32
      %dma_start3A_774 = tpu.memref_slice %arg2[%dma_start3A_772, %dma_start3A_773] : memref<60000x128xf32, #tpu.memory_space<hbm>> -> memref<60000x128xf32, #tpu.memory_space<hbm>>
      tpu.enqueue_indirect_dma source(%dma_start3A_774 : memref<60000x128xf32, #tpu.memory_space<hbm>>) target(%arg15 : memref<32x128xf32, #tpu.memory_space<vmem>>) offsets(%dma_start3A_771 : memref<32xi32, #tpu.memory_space<vmem>>) semaphore(%arg25 : memref<!tpu.dma_semaphore, #tpu.memory_space<semaphore_mem>>)
      %dma_start3A_775 = arith.constant 15 : i32
      %dma_start3A_776 = arith.constant 0 : i32
      %dma_start3A_777 = tpu.memref_slice %arg10[%dma_start3A_775, %dma_start3A_776] : memref<16x32xi32, #tpu.memory_space<vmem>> -> memref<1x32xi32, #tpu.memory_space<vmem>>
      %dma_start3A_778 = tpu.memref_squeeze %dma_start3A_777 : memref<1x32xi32, #tpu.memory_space<vmem>> -> memref<32xi32, #tpu.memory_space<vmem>>
      %dma_start3A_779 = arith.constant 0 : i32
      %dma_start3A_780 = arith.constant 0 : i32
      %dma_start3A_781 = tpu.memref_slice %arg3[%dma_start3A_779, %dma_start3A_780] : memref<1200x128xf32, #tpu.memory_space<hbm>> -> memref<1200x128xf32, #tpu.memory_space<hbm>>
      tpu.enqueue_indirect_dma source(%dma_start3A_781 : memref<1200x128xf32, #tpu.memory_space<hbm>>) target(%arg19 : memref<32x128xf32, #tpu.memory_space<vmem>>) offsets(%dma_start3A_778 : memref<32xi32, #tpu.memory_space<vmem>>) semaphore(%arg29 : memref<!tpu.dma_semaphore, #tpu.memory_space<semaphore_mem>>)
      %dma_wait3A_782 = arith.constant 13 : i32
      %dma_wait3A_783 = arith.constant 0 : i32
      %dma_wait3A_784 = tpu.memref_slice %arg9[%dma_wait3A_782, %dma_wait3A_783] : memref<16x32xi32, #tpu.memory_space<vmem>> -> memref<1x32xi32, #tpu.memory_space<vmem>>
      %dma_wait3A_785 = tpu.memref_squeeze %dma_wait3A_784 : memref<1x32xi32, #tpu.memory_space<vmem>> -> memref<32xi32, #tpu.memory_space<vmem>>
      %dma_wait3A_786 = arith.constant 0 : i32
      %dma_wait3A_787 = arith.constant 0 : i32
      %dma_wait3A_788 = tpu.memref_slice %arg2[%dma_wait3A_786, %dma_wait3A_787] : memref<60000x128xf32, #tpu.memory_space<hbm>> -> memref<60000x128xf32, #tpu.memory_space<hbm>>
      tpu.wait_indirect_dma semaphore(%arg23 : memref<!tpu.dma_semaphore, #tpu.memory_space<semaphore_mem>>) src(%dma_wait3A_788 : memref<60000x128xf32, #tpu.memory_space<hbm>>) dst(%arg13 : memref<32x128xf32, #tpu.memory_space<vmem>>)
      %dma_start3A_789 = arith.constant 13 : i32
      %dma_start3A_790 = arith.constant 0 : i32
      %dma_start3A_791 = tpu.memref_slice %arg11[%dma_start3A_789, %dma_start3A_790] : memref<16x32xi32, #tpu.memory_space<vmem>> -> memref<1x32xi32, #tpu.memory_space<vmem>>
      %dma_start3A_792 = tpu.memref_squeeze %dma_start3A_791 : memref<1x32xi32, #tpu.memory_space<vmem>> -> memref<32xi32, #tpu.memory_space<vmem>>
      %dma_start3A_793 = arith.constant 0 : i32
      %dma_start3A_794 = arith.constant 0 : i32
      %dma_start3A_795 = tpu.memref_slice %arg21[%dma_start3A_793, %dma_start3A_794] : memref<10240x128xf32, #tpu.memory_space<vmem_shared>> -> memref<10240x128xf32, #tpu.memory_space<vmem_shared>>
      tpu.enqueue_indirect_dma source(%arg13 : memref<32x128xf32, #tpu.memory_space<vmem>>) target(%dma_start3A_795 : memref<10240x128xf32, #tpu.memory_space<vmem_shared>>) offsets(%dma_start3A_792 : memref<32xi32, #tpu.memory_space<vmem>>) semaphore(%arg31 : memref<!tpu.dma_semaphore, #tpu.memory_space<semaphore_mem>>) {add = true}
      %dma_wait3A_796 = arith.constant 13 : i32
      %dma_wait3A_797 = arith.constant 0 : i32
      %dma_wait3A_798 = tpu.memref_slice %arg10[%dma_wait3A_796, %dma_wait3A_797] : memref<16x32xi32, #tpu.memory_space<vmem>> -> memref<1x32xi32, #tpu.memory_space<vmem>>
      %dma_wait3A_799 = tpu.memref_squeeze %dma_wait3A_798 : memref<1x32xi32, #tpu.memory_space<vmem>> -> memref<32xi32, #tpu.memory_space<vmem>>
      %dma_wait3A_800 = arith.constant 0 : i32
      %dma_wait3A_801 = arith.constant 0 : i32
      %dma_wait3A_802 = tpu.memref_slice %arg3[%dma_wait3A_800, %dma_wait3A_801] : memref<1200x128xf32, #tpu.memory_space<hbm>> -> memref<1200x128xf32, #tpu.memory_space<hbm>>
      tpu.wait_indirect_dma semaphore(%arg27 : memref<!tpu.dma_semaphore, #tpu.memory_space<semaphore_mem>>) src(%dma_wait3A_802 : memref<1200x128xf32, #tpu.memory_space<hbm>>) dst(%arg17 : memref<32x128xf32, #tpu.memory_space<vmem>>)
      %dma_start3A_803 = arith.constant 13 : i32
      %dma_start3A_804 = arith.constant 0 : i32
      %dma_start3A_805 = tpu.memref_slice %arg11[%dma_start3A_803, %dma_start3A_804] : memref<16x32xi32, #tpu.memory_space<vmem>> -> memref<1x32xi32, #tpu.memory_space<vmem>>
      %dma_start3A_806 = tpu.memref_squeeze %dma_start3A_805 : memref<1x32xi32, #tpu.memory_space<vmem>> -> memref<32xi32, #tpu.memory_space<vmem>>
      %dma_start3A_807 = arith.constant 0 : i32
      %dma_start3A_808 = arith.constant 0 : i32
      %dma_start3A_809 = tpu.memref_slice %arg21[%dma_start3A_807, %dma_start3A_808] : memref<10240x128xf32, #tpu.memory_space<vmem_shared>> -> memref<10240x128xf32, #tpu.memory_space<vmem_shared>>
      tpu.enqueue_indirect_dma source(%arg17 : memref<32x128xf32, #tpu.memory_space<vmem>>) target(%dma_start3A_809 : memref<10240x128xf32, #tpu.memory_space<vmem_shared>>) offsets(%dma_start3A_806 : memref<32xi32, #tpu.memory_space<vmem>>) semaphore(%arg35 : memref<!tpu.dma_semaphore, #tpu.memory_space<semaphore_mem>>) {add = true}
      %dma_wait3A_810 = arith.constant 14 : i32
      %dma_wait3A_811 = arith.constant 0 : i32
      %dma_wait3A_812 = tpu.memref_slice %arg9[%dma_wait3A_810, %dma_wait3A_811] : memref<16x32xi32, #tpu.memory_space<vmem>> -> memref<1x32xi32, #tpu.memory_space<vmem>>
      %dma_wait3A_813 = tpu.memref_squeeze %dma_wait3A_812 : memref<1x32xi32, #tpu.memory_space<vmem>> -> memref<32xi32, #tpu.memory_space<vmem>>
      %dma_wait3A_814 = arith.constant 0 : i32
      %dma_wait3A_815 = arith.constant 0 : i32
      %dma_wait3A_816 = tpu.memref_slice %arg2[%dma_wait3A_814, %dma_wait3A_815] : memref<60000x128xf32, #tpu.memory_space<hbm>> -> memref<60000x128xf32, #tpu.memory_space<hbm>>
      tpu.wait_indirect_dma semaphore(%arg24 : memref<!tpu.dma_semaphore, #tpu.memory_space<semaphore_mem>>) src(%dma_wait3A_816 : memref<60000x128xf32, #tpu.memory_space<hbm>>) dst(%arg14 : memref<32x128xf32, #tpu.memory_space<vmem>>)
      %dma_start3A_817 = arith.constant 14 : i32
      %dma_start3A_818 = arith.constant 0 : i32
      %dma_start3A_819 = tpu.memref_slice %arg11[%dma_start3A_817, %dma_start3A_818] : memref<16x32xi32, #tpu.memory_space<vmem>> -> memref<1x32xi32, #tpu.memory_space<vmem>>
      %dma_start3A_820 = tpu.memref_squeeze %dma_start3A_819 : memref<1x32xi32, #tpu.memory_space<vmem>> -> memref<32xi32, #tpu.memory_space<vmem>>
      %dma_start3A_821 = arith.constant 0 : i32
      %dma_start3A_822 = arith.constant 0 : i32
      %dma_start3A_823 = tpu.memref_slice %arg21[%dma_start3A_821, %dma_start3A_822] : memref<10240x128xf32, #tpu.memory_space<vmem_shared>> -> memref<10240x128xf32, #tpu.memory_space<vmem_shared>>
      tpu.enqueue_indirect_dma source(%arg14 : memref<32x128xf32, #tpu.memory_space<vmem>>) target(%dma_start3A_823 : memref<10240x128xf32, #tpu.memory_space<vmem_shared>>) offsets(%dma_start3A_820 : memref<32xi32, #tpu.memory_space<vmem>>) semaphore(%arg32 : memref<!tpu.dma_semaphore, #tpu.memory_space<semaphore_mem>>) {add = true}
      %dma_wait3A_824 = arith.constant 14 : i32
      %dma_wait3A_825 = arith.constant 0 : i32
      %dma_wait3A_826 = tpu.memref_slice %arg10[%dma_wait3A_824, %dma_wait3A_825] : memref<16x32xi32, #tpu.memory_space<vmem>> -> memref<1x32xi32, #tpu.memory_space<vmem>>
      %dma_wait3A_827 = tpu.memref_squeeze %dma_wait3A_826 : memref<1x32xi32, #tpu.memory_space<vmem>> -> memref<32xi32, #tpu.memory_space<vmem>>
      %dma_wait3A_828 = arith.constant 0 : i32
      %dma_wait3A_829 = arith.constant 0 : i32
      %dma_wait3A_830 = tpu.memref_slice %arg3[%dma_wait3A_828, %dma_wait3A_829] : memref<1200x128xf32, #tpu.memory_space<hbm>> -> memref<1200x128xf32, #tpu.memory_space<hbm>>
      tpu.wait_indirect_dma semaphore(%arg28 : memref<!tpu.dma_semaphore, #tpu.memory_space<semaphore_mem>>) src(%dma_wait3A_830 : memref<1200x128xf32, #tpu.memory_space<hbm>>) dst(%arg18 : memref<32x128xf32, #tpu.memory_space<vmem>>)
      %dma_start3A_831 = arith.constant 14 : i32
      %dma_start3A_832 = arith.constant 0 : i32
      %dma_start3A_833 = tpu.memref_slice %arg11[%dma_start3A_831, %dma_start3A_832] : memref<16x32xi32, #tpu.memory_space<vmem>> -> memref<1x32xi32, #tpu.memory_space<vmem>>
      %dma_start3A_834 = tpu.memref_squeeze %dma_start3A_833 : memref<1x32xi32, #tpu.memory_space<vmem>> -> memref<32xi32, #tpu.memory_space<vmem>>
      %dma_start3A_835 = arith.constant 0 : i32
      %dma_start3A_836 = arith.constant 0 : i32
      %dma_start3A_837 = tpu.memref_slice %arg21[%dma_start3A_835, %dma_start3A_836] : memref<10240x128xf32, #tpu.memory_space<vmem_shared>> -> memref<10240x128xf32, #tpu.memory_space<vmem_shared>>
      tpu.enqueue_indirect_dma source(%arg18 : memref<32x128xf32, #tpu.memory_space<vmem>>) target(%dma_start3A_837 : memref<10240x128xf32, #tpu.memory_space<vmem_shared>>) offsets(%dma_start3A_834 : memref<32xi32, #tpu.memory_space<vmem>>) semaphore(%arg36 : memref<!tpu.dma_semaphore, #tpu.memory_space<semaphore_mem>>) {add = true}
      %dma_wait3A_838 = arith.constant 15 : i32
      %dma_wait3A_839 = arith.constant 0 : i32
      %dma_wait3A_840 = tpu.memref_slice %arg9[%dma_wait3A_838, %dma_wait3A_839] : memref<16x32xi32, #tpu.memory_space<vmem>> -> memref<1x32xi32, #tpu.memory_space<vmem>>
      %dma_wait3A_841 = tpu.memref_squeeze %dma_wait3A_840 : memref<1x32xi32, #tpu.memory_space<vmem>> -> memref<32xi32, #tpu.memory_space<vmem>>
      %dma_wait3A_842 = arith.constant 0 : i32
      %dma_wait3A_843 = arith.constant 0 : i32
      %dma_wait3A_844 = tpu.memref_slice %arg2[%dma_wait3A_842, %dma_wait3A_843] : memref<60000x128xf32, #tpu.memory_space<hbm>> -> memref<60000x128xf32, #tpu.memory_space<hbm>>
      tpu.wait_indirect_dma semaphore(%arg25 : memref<!tpu.dma_semaphore, #tpu.memory_space<semaphore_mem>>) src(%dma_wait3A_844 : memref<60000x128xf32, #tpu.memory_space<hbm>>) dst(%arg15 : memref<32x128xf32, #tpu.memory_space<vmem>>)
      %dma_start3A_845 = arith.constant 15 : i32
      %dma_start3A_846 = arith.constant 0 : i32
      %dma_start3A_847 = tpu.memref_slice %arg11[%dma_start3A_845, %dma_start3A_846] : memref<16x32xi32, #tpu.memory_space<vmem>> -> memref<1x32xi32, #tpu.memory_space<vmem>>
      %dma_start3A_848 = tpu.memref_squeeze %dma_start3A_847 : memref<1x32xi32, #tpu.memory_space<vmem>> -> memref<32xi32, #tpu.memory_space<vmem>>
      %dma_start3A_849 = arith.constant 0 : i32
      %dma_start3A_850 = arith.constant 0 : i32
      %dma_start3A_851 = tpu.memref_slice %arg21[%dma_start3A_849, %dma_start3A_850] : memref<10240x128xf32, #tpu.memory_space<vmem_shared>> -> memref<10240x128xf32, #tpu.memory_space<vmem_shared>>
      tpu.enqueue_indirect_dma source(%arg15 : memref<32x128xf32, #tpu.memory_space<vmem>>) target(%dma_start3A_851 : memref<10240x128xf32, #tpu.memory_space<vmem_shared>>) offsets(%dma_start3A_848 : memref<32xi32, #tpu.memory_space<vmem>>) semaphore(%arg33 : memref<!tpu.dma_semaphore, #tpu.memory_space<semaphore_mem>>) {add = true}
      %dma_wait3A_852 = arith.constant 15 : i32
      %dma_wait3A_853 = arith.constant 0 : i32
      %dma_wait3A_854 = tpu.memref_slice %arg10[%dma_wait3A_852, %dma_wait3A_853] : memref<16x32xi32, #tpu.memory_space<vmem>> -> memref<1x32xi32, #tpu.memory_space<vmem>>
      %dma_wait3A_855 = tpu.memref_squeeze %dma_wait3A_854 : memref<1x32xi32, #tpu.memory_space<vmem>> -> memref<32xi32, #tpu.memory_space<vmem>>
      %dma_wait3A_856 = arith.constant 0 : i32
      %dma_wait3A_857 = arith.constant 0 : i32
      %dma_wait3A_858 = tpu.memref_slice %arg3[%dma_wait3A_856, %dma_wait3A_857] : memref<1200x128xf32, #tpu.memory_space<hbm>> -> memref<1200x128xf32, #tpu.memory_space<hbm>>
      tpu.wait_indirect_dma semaphore(%arg29 : memref<!tpu.dma_semaphore, #tpu.memory_space<semaphore_mem>>) src(%dma_wait3A_858 : memref<1200x128xf32, #tpu.memory_space<hbm>>) dst(%arg19 : memref<32x128xf32, #tpu.memory_space<vmem>>)
      %dma_start3A_859 = arith.constant 15 : i32
      %dma_start3A_860 = arith.constant 0 : i32
      %dma_start3A_861 = tpu.memref_slice %arg11[%dma_start3A_859, %dma_start3A_860] : memref<16x32xi32, #tpu.memory_space<vmem>> -> memref<1x32xi32, #tpu.memory_space<vmem>>
      %dma_start3A_862 = tpu.memref_squeeze %dma_start3A_861 : memref<1x32xi32, #tpu.memory_space<vmem>> -> memref<32xi32, #tpu.memory_space<vmem>>
      %dma_start3A_863 = arith.constant 0 : i32
      %dma_start3A_864 = arith.constant 0 : i32
      %dma_start3A_865 = tpu.memref_slice %arg21[%dma_start3A_863, %dma_start3A_864] : memref<10240x128xf32, #tpu.memory_space<vmem_shared>> -> memref<10240x128xf32, #tpu.memory_space<vmem_shared>>
      tpu.enqueue_indirect_dma source(%arg19 : memref<32x128xf32, #tpu.memory_space<vmem>>) target(%dma_start3A_865 : memref<10240x128xf32, #tpu.memory_space<vmem_shared>>) offsets(%dma_start3A_862 : memref<32xi32, #tpu.memory_space<vmem>>) semaphore(%arg37 : memref<!tpu.dma_semaphore, #tpu.memory_space<semaphore_mem>>) {add = true}
      %dma_wait3A_866 = arith.constant 12 : i32
      %dma_wait3A_867 = arith.constant 0 : i32
      %dma_wait3A_868 = tpu.memref_slice %arg11[%dma_wait3A_866, %dma_wait3A_867] : memref<16x32xi32, #tpu.memory_space<vmem>> -> memref<1x32xi32, #tpu.memory_space<vmem>>
      %dma_wait3A_869 = tpu.memref_squeeze %dma_wait3A_868 : memref<1x32xi32, #tpu.memory_space<vmem>> -> memref<32xi32, #tpu.memory_space<vmem>>
      %dma_wait3A_870 = arith.constant 0 : i32
      %dma_wait3A_871 = arith.constant 0 : i32
      %dma_wait3A_872 = tpu.memref_slice %arg21[%dma_wait3A_870, %dma_wait3A_871] : memref<10240x128xf32, #tpu.memory_space<vmem_shared>> -> memref<10240x128xf32, #tpu.memory_space<vmem_shared>>
      tpu.wait_indirect_dma semaphore(%arg30 : memref<!tpu.dma_semaphore, #tpu.memory_space<semaphore_mem>>) src(%arg12 : memref<32x128xf32, #tpu.memory_space<vmem>>) dst(%dma_wait3A_872 : memref<10240x128xf32, #tpu.memory_space<vmem_shared>>)
      %dma_wait3A_873 = arith.constant 12 : i32
      %dma_wait3A_874 = arith.constant 0 : i32
      %dma_wait3A_875 = tpu.memref_slice %arg11[%dma_wait3A_873, %dma_wait3A_874] : memref<16x32xi32, #tpu.memory_space<vmem>> -> memref<1x32xi32, #tpu.memory_space<vmem>>
      %dma_wait3A_876 = tpu.memref_squeeze %dma_wait3A_875 : memref<1x32xi32, #tpu.memory_space<vmem>> -> memref<32xi32, #tpu.memory_space<vmem>>
      %dma_wait3A_877 = arith.constant 0 : i32
      %dma_wait3A_878 = arith.constant 0 : i32
      %dma_wait3A_879 = tpu.memref_slice %arg21[%dma_wait3A_877, %dma_wait3A_878] : memref<10240x128xf32, #tpu.memory_space<vmem_shared>> -> memref<10240x128xf32, #tpu.memory_space<vmem_shared>>
      tpu.wait_indirect_dma semaphore(%arg34 : memref<!tpu.dma_semaphore, #tpu.memory_space<semaphore_mem>>) src(%arg16 : memref<32x128xf32, #tpu.memory_space<vmem>>) dst(%dma_wait3A_879 : memref<10240x128xf32, #tpu.memory_space<vmem_shared>>)
      %dma_wait3A_880 = arith.constant 13 : i32
      %dma_wait3A_881 = arith.constant 0 : i32
      %dma_wait3A_882 = tpu.memref_slice %arg11[%dma_wait3A_880, %dma_wait3A_881] : memref<16x32xi32, #tpu.memory_space<vmem>> -> memref<1x32xi32, #tpu.memory_space<vmem>>
      %dma_wait3A_883 = tpu.memref_squeeze %dma_wait3A_882 : memref<1x32xi32, #tpu.memory_space<vmem>> -> memref<32xi32, #tpu.memory_space<vmem>>
      %dma_wait3A_884 = arith.constant 0 : i32
      %dma_wait3A_885 = arith.constant 0 : i32
      %dma_wait3A_886 = tpu.memref_slice %arg21[%dma_wait3A_884, %dma_wait3A_885] : memref<10240x128xf32, #tpu.memory_space<vmem_shared>> -> memref<10240x128xf32, #tpu.memory_space<vmem_shared>>
      tpu.wait_indirect_dma semaphore(%arg31 : memref<!tpu.dma_semaphore, #tpu.memory_space<semaphore_mem>>) src(%arg13 : memref<32x128xf32, #tpu.memory_space<vmem>>) dst(%dma_wait3A_886 : memref<10240x128xf32, #tpu.memory_space<vmem_shared>>)
      %dma_wait3A_887 = arith.constant 13 : i32
      %dma_wait3A_888 = arith.constant 0 : i32
      %dma_wait3A_889 = tpu.memref_slice %arg11[%dma_wait3A_887, %dma_wait3A_888] : memref<16x32xi32, #tpu.memory_space<vmem>> -> memref<1x32xi32, #tpu.memory_space<vmem>>
      %dma_wait3A_890 = tpu.memref_squeeze %dma_wait3A_889 : memref<1x32xi32, #tpu.memory_space<vmem>> -> memref<32xi32, #tpu.memory_space<vmem>>
      %dma_wait3A_891 = arith.constant 0 : i32
      %dma_wait3A_892 = arith.constant 0 : i32
      %dma_wait3A_893 = tpu.memref_slice %arg21[%dma_wait3A_891, %dma_wait3A_892] : memref<10240x128xf32, #tpu.memory_space<vmem_shared>> -> memref<10240x128xf32, #tpu.memory_space<vmem_shared>>
      tpu.wait_indirect_dma semaphore(%arg35 : memref<!tpu.dma_semaphore, #tpu.memory_space<semaphore_mem>>) src(%arg17 : memref<32x128xf32, #tpu.memory_space<vmem>>) dst(%dma_wait3A_893 : memref<10240x128xf32, #tpu.memory_space<vmem_shared>>)
      %dma_wait3A_894 = arith.constant 14 : i32
      %dma_wait3A_895 = arith.constant 0 : i32
      %dma_wait3A_896 = tpu.memref_slice %arg11[%dma_wait3A_894, %dma_wait3A_895] : memref<16x32xi32, #tpu.memory_space<vmem>> -> memref<1x32xi32, #tpu.memory_space<vmem>>
      %dma_wait3A_897 = tpu.memref_squeeze %dma_wait3A_896 : memref<1x32xi32, #tpu.memory_space<vmem>> -> memref<32xi32, #tpu.memory_space<vmem>>
      %dma_wait3A_898 = arith.constant 0 : i32
      %dma_wait3A_899 = arith.constant 0 : i32
      %dma_wait3A_900 = tpu.memref_slice %arg21[%dma_wait3A_898, %dma_wait3A_899] : memref<10240x128xf32, #tpu.memory_space<vmem_shared>> -> memref<10240x128xf32, #tpu.memory_space<vmem_shared>>
      tpu.wait_indirect_dma semaphore(%arg32 : memref<!tpu.dma_semaphore, #tpu.memory_space<semaphore_mem>>) src(%arg14 : memref<32x128xf32, #tpu.memory_space<vmem>>) dst(%dma_wait3A_900 : memref<10240x128xf32, #tpu.memory_space<vmem_shared>>)
      %dma_wait3A_901 = arith.constant 14 : i32
      %dma_wait3A_902 = arith.constant 0 : i32
      %dma_wait3A_903 = tpu.memref_slice %arg11[%dma_wait3A_901, %dma_wait3A_902] : memref<16x32xi32, #tpu.memory_space<vmem>> -> memref<1x32xi32, #tpu.memory_space<vmem>>
      %dma_wait3A_904 = tpu.memref_squeeze %dma_wait3A_903 : memref<1x32xi32, #tpu.memory_space<vmem>> -> memref<32xi32, #tpu.memory_space<vmem>>
      %dma_wait3A_905 = arith.constant 0 : i32
      %dma_wait3A_906 = arith.constant 0 : i32
      %dma_wait3A_907 = tpu.memref_slice %arg21[%dma_wait3A_905, %dma_wait3A_906] : memref<10240x128xf32, #tpu.memory_space<vmem_shared>> -> memref<10240x128xf32, #tpu.memory_space<vmem_shared>>
      tpu.wait_indirect_dma semaphore(%arg36 : memref<!tpu.dma_semaphore, #tpu.memory_space<semaphore_mem>>) src(%arg18 : memref<32x128xf32, #tpu.memory_space<vmem>>) dst(%dma_wait3A_907 : memref<10240x128xf32, #tpu.memory_space<vmem_shared>>)
      %dma_wait3A_908 = arith.constant 15 : i32
      %dma_wait3A_909 = arith.constant 0 : i32
      %dma_wait3A_910 = tpu.memref_slice %arg11[%dma_wait3A_908, %dma_wait3A_909] : memref<16x32xi32, #tpu.memory_space<vmem>> -> memref<1x32xi32, #tpu.memory_space<vmem>>
      %dma_wait3A_911 = tpu.memref_squeeze %dma_wait3A_910 : memref<1x32xi32, #tpu.memory_space<vmem>> -> memref<32xi32, #tpu.memory_space<vmem>>
      %dma_wait3A_912 = arith.constant 0 : i32
      %dma_wait3A_913 = arith.constant 0 : i32
      %dma_wait3A_914 = tpu.memref_slice %arg21[%dma_wait3A_912, %dma_wait3A_913] : memref<10240x128xf32, #tpu.memory_space<vmem_shared>> -> memref<10240x128xf32, #tpu.memory_space<vmem_shared>>
      tpu.wait_indirect_dma semaphore(%arg33 : memref<!tpu.dma_semaphore, #tpu.memory_space<semaphore_mem>>) src(%arg15 : memref<32x128xf32, #tpu.memory_space<vmem>>) dst(%dma_wait3A_914 : memref<10240x128xf32, #tpu.memory_space<vmem_shared>>)
      %dma_wait3A_915 = arith.constant 15 : i32
      %dma_wait3A_916 = arith.constant 0 : i32
      %dma_wait3A_917 = tpu.memref_slice %arg11[%dma_wait3A_915, %dma_wait3A_916] : memref<16x32xi32, #tpu.memory_space<vmem>> -> memref<1x32xi32, #tpu.memory_space<vmem>>
      %dma_wait3A_918 = tpu.memref_squeeze %dma_wait3A_917 : memref<1x32xi32, #tpu.memory_space<vmem>> -> memref<32xi32, #tpu.memory_space<vmem>>
      %dma_wait3A_919 = arith.constant 0 : i32
      %dma_wait3A_920 = arith.constant 0 : i32
      %dma_wait3A_921 = tpu.memref_slice %arg21[%dma_wait3A_919, %dma_wait3A_920] : memref<10240x128xf32, #tpu.memory_space<vmem_shared>> -> memref<10240x128xf32, #tpu.memory_space<vmem_shared>>
      tpu.wait_indirect_dma semaphore(%arg37 : memref<!tpu.dma_semaphore, #tpu.memory_space<semaphore_mem>>) src(%arg19 : memref<32x128xf32, #tpu.memory_space<vmem>>) dst(%dma_wait3A_921 : memref<10240x128xf32, #tpu.memory_space<vmem_shared>>)
    }
    %scan3A_5 = arith.constant 20 : i32
    %barrier3A_6 = arith.constant 0 : index
    tpu.barrier barrier_id(%barrier3A_6)
    %scan3A_7 = arith.constant 0 : i32
    %scan3A_8 = arith.constant 0 : i32
    %scan3A_9 = arith.constant 10 : i32
    %scan3A_10 = arith.addi %scan3A_8, %scan3A_9 : i32
    %scan3A_11 = arith.constant 1 : i32
    scf.for %scan3A_13 = %scan3A_8 to %scan3A_10 step %scan3A_11  : i32 {
      %mul3A_14 = arith.constant 640 : i32
      %mul3A_15 = arith.muli %arg1, %mul3A_14 : i32
      %mul3A_16 = arith.constant 64 : i32
      %mul3A_17 = arith.muli %scan3A_13, %mul3A_16 : i32
      %add3A = arith.addi %mul3A_15, %mul3A_17 : i32
      "tpu.region"() ({
        %run_scoped3A = tpu.sem_alloc : memref<!tpu.dma_semaphore, #tpu.memory_space<semaphore_mem>>
        %dma_start3A = arith.constant 0 : i32
        %dma_start3A_27 = tpu.memref_slice %arg21[%add3A, %dma_start3A] : memref<10240x128xf32, #tpu.memory_space<vmem_shared>> -> memref<64x128xf32, #tpu.memory_space<vmem_shared>>
        %dma_start3A_28 = arith.constant 0 : i32
        %dma_start3A_29 = tpu.memref_slice %arg21[%add3A, %dma_start3A_28] : memref<10240x128xf32, #tpu.memory_space<vmem_shared>> -> memref<64x128xf32, #tpu.memory_space<vmem_shared>>
        tpu.enqueue_dma source(%dma_start3A_29 : memref<64x128xf32, #tpu.memory_space<vmem_shared>>) target(%arg20 : memref<64x128xf32, #tpu.memory_space<vmem>>) target_semaphore(%run_scoped3A : memref<!tpu.dma_semaphore, #tpu.memory_space<semaphore_mem>>)
        %dma_wait3A = arith.constant 0 : i32
        %dma_wait3A_30 = tpu.memref_slice %arg21[%add3A, %dma_wait3A] : memref<10240x128xf32, #tpu.memory_space<vmem_shared>> -> memref<64x128xf32, #tpu.memory_space<vmem_shared>>
        %dma_wait3A_31 = arith.constant 0 : i32
        %dma_wait3A_32 = tpu.memref_slice %arg21[%add3A, %dma_wait3A_31] : memref<10240x128xf32, #tpu.memory_space<vmem_shared>> -> memref<64x128xf32, #tpu.memory_space<vmem_shared>>
        tpu.wait_dma2 semaphore(%run_scoped3A : memref<!tpu.dma_semaphore, #tpu.memory_space<semaphore_mem>>) src(%dma_wait3A_32 : memref<64x128xf32, #tpu.memory_space<vmem_shared>>) dst(%arg20 : memref<64x128xf32, #tpu.memory_space<vmem>>)
        tpu.yield
      }) : () -> ()
      %scan3A_18 = arith.constant 0 : i32
      %scan3A_19 = arith.constant 0 : i32
      %scan3A_20 = arith.constant 64 : i32
      %scan3A_21 = arith.addi %scan3A_19, %scan3A_20 : i32
      %scan3A_22 = arith.constant 1 : i32
      scf.for %scan3A_27 = %scan3A_19 to %scan3A_21 step %scan3A_22  : i32 {
        %get3A = arith.index_cast %scan3A_27 : i32 to index
        %get3A_28 = arith.constant 0 : index
        %get3A_29 = tpu.vector_load %arg20[%get3A, %get3A_28] {strides = array<i32>} : memref<64x128xf32, #tpu.memory_space<vmem>>, vector<1x16xf32>,
        %get3A_30 = vector.shape_cast %get3A_29 : vector<1x16xf32> to vector<16xf32>
        %max3A = arith.constant 0.000000e+00 : f32
        %max3A_31 = vector.broadcast %max3A : f32 to vector<16xf32>
        %max3A_32 = arith.maximumf %get3A_30, %max3A_31 : vector<16xf32>
        %min3A = arith.constant 0.000000e+00 : f32
        %min3A_33 = vector.broadcast %min3A : f32 to vector<16xf32>
        %min3A_34 = arith.minimumf %get3A_30, %min3A_33 : vector<16xf32>
        %mul3A_35 = arith.constant 0.00999999977 : f32
        %mul3A_36 = vector.broadcast %mul3A_35 : f32 to vector<16xf32>
        %mul3A_37 = arith.mulf %mul3A_36, %min3A_34 : vector<16xf32>
        %add3A_38 = arith.addf %max3A_32, %mul3A_37 : vector<16xf32>
        %swap3A = arith.index_cast %scan3A_27 : i32 to index
        %swap3A_39 = arith.constant 0 : index
        %swap3A_40 = tpu.vector_load %arg20[%swap3A, %swap3A_39] {strides = array<i32>} : memref<64x128xf32, #tpu.memory_space<vmem>>, vector<1x16xf32>,
        %swap3A_41 = vector.shape_cast %swap3A_40 : vector<1x16xf32> to vector<16xf32>
        %swap3A_42 = vector.shape_cast %add3A_38 : vector<16xf32> to vector<1x16xf32>
        tpu.vector_store %arg20[%swap3A, %swap3A_39], %swap3A_42 {strides = array<i32>} : memref<64x128xf32, #tpu.memory_space<vmem>>, vector<1x16xf32>,
        %get3A_43 = arith.index_cast %scan3A_27 : i32 to index
        %get3A_44 = arith.constant 16 : index
        %get3A_45 = tpu.vector_load %arg20[%get3A_43, %get3A_44] {strides = array<i32>} : memref<64x128xf32, #tpu.memory_space<vmem>>, vector<1x16xf32>,
        %get3A_46 = vector.shape_cast %get3A_45 : vector<1x16xf32> to vector<16xf32>
        %max3A_47 = arith.constant 0.000000e+00 : f32
        %max3A_48 = vector.broadcast %max3A_47 : f32 to vector<16xf32>
        %max3A_49 = arith.maximumf %get3A_46, %max3A_48 : vector<16xf32>
        %min3A_50 = arith.constant 0.000000e+00 : f32
        %min3A_51 = vector.broadcast %min3A_50 : f32 to vector<16xf32>
        %min3A_52 = arith.minimumf %get3A_46, %min3A_51 : vector<16xf32>
        %mul3A_53 = arith.constant 0.00999999977 : f32
        %mul3A_54 = vector.broadcast %mul3A_53 : f32 to vector<16xf32>
        %mul3A_55 = arith.mulf %mul3A_54, %min3A_52 : vector<16xf32>
        %add3A_56 = arith.addf %max3A_49, %mul3A_55 : vector<16xf32>
        %swap3A_57 = arith.index_cast %scan3A_27 : i32 to index
        %swap3A_58 = arith.constant 16 : index
        %swap3A_59 = tpu.vector_load %arg20[%swap3A_57, %swap3A_58] {strides = array<i32>} : memref<64x128xf32, #tpu.memory_space<vmem>>, vector<1x16xf32>,
        %swap3A_60 = vector.shape_cast %swap3A_59 : vector<1x16xf32> to vector<16xf32>
        %swap3A_61 = vector.shape_cast %add3A_56 : vector<16xf32> to vector<1x16xf32>
        tpu.vector_store %arg20[%swap3A_57, %swap3A_58], %swap3A_61 {strides = array<i32>} : memref<64x128xf32, #tpu.memory_space<vmem>>, vector<1x16xf32>,
        %get3A_62 = arith.index_cast %scan3A_27 : i32 to index
        %get3A_63 = arith.constant 32 : index
        %get3A_64 = tpu.vector_load %arg20[%get3A_62, %get3A_63] {strides = array<i32>} : memref<64x128xf32, #tpu.memory_space<vmem>>, vector<1x16xf32>,
        %get3A_65 = vector.shape_cast %get3A_64 : vector<1x16xf32> to vector<16xf32>
        %max3A_66 = arith.constant 0.000000e+00 : f32
        %max3A_67 = vector.broadcast %max3A_66 : f32 to vector<16xf32>
        %max3A_68 = arith.maximumf %get3A_65, %max3A_67 : vector<16xf32>
        %min3A_69 = arith.constant 0.000000e+00 : f32
        %min3A_70 = vector.broadcast %min3A_69 : f32 to vector<16xf32>
        %min3A_71 = arith.minimumf %get3A_65, %min3A_70 : vector<16xf32>
        %mul3A_72 = arith.constant 0.00999999977 : f32
        %mul3A_73 = vector.broadcast %mul3A_72 : f32 to vector<16xf32>
        %mul3A_74 = arith.mulf %mul3A_73, %min3A_71 : vector<16xf32>
        %add3A_75 = arith.addf %max3A_68, %mul3A_74 : vector<16xf32>
        %swap3A_76 = arith.index_cast %scan3A_27 : i32 to index
        %swap3A_77 = arith.constant 32 : index
        %swap3A_78 = tpu.vector_load %arg20[%swap3A_76, %swap3A_77] {strides = array<i32>} : memref<64x128xf32, #tpu.memory_space<vmem>>, vector<1x16xf32>,
        %swap3A_79 = vector.shape_cast %swap3A_78 : vector<1x16xf32> to vector<16xf32>
        %swap3A_80 = vector.shape_cast %add3A_75 : vector<16xf32> to vector<1x16xf32>
        tpu.vector_store %arg20[%swap3A_76, %swap3A_77], %swap3A_80 {strides = array<i32>} : memref<64x128xf32, #tpu.memory_space<vmem>>, vector<1x16xf32>,
        %get3A_81 = arith.index_cast %scan3A_27 : i32 to index
        %get3A_82 = arith.constant 48 : index
        %get3A_83 = tpu.vector_load %arg20[%get3A_81, %get3A_82] {strides = array<i32>} : memref<64x128xf32, #tpu.memory_space<vmem>>, vector<1x16xf32>,
        %get3A_84 = vector.shape_cast %get3A_83 : vector<1x16xf32> to vector<16xf32>
        %max3A_85 = arith.constant 0.000000e+00 : f32
        %max3A_86 = vector.broadcast %max3A_85 : f32 to vector<16xf32>
        %max3A_87 = arith.maximumf %get3A_84, %max3A_86 : vector<16xf32>
        %min3A_88 = arith.constant 0.000000e+00 : f32
        %min3A_89 = vector.broadcast %min3A_88 : f32 to vector<16xf32>
        %min3A_90 = arith.minimumf %get3A_84, %min3A_89 : vector<16xf32>
        %mul3A_91 = arith.constant 0.00999999977 : f32
        %mul3A_92 = vector.broadcast %mul3A_91 : f32 to vector<16xf32>
        %mul3A_93 = arith.mulf %mul3A_92, %min3A_90 : vector<16xf32>
        %add3A_94 = arith.addf %max3A_87, %mul3A_93 : vector<16xf32>
        %swap3A_95 = arith.index_cast %scan3A_27 : i32 to index
        %swap3A_96 = arith.constant 48 : index
        %swap3A_97 = tpu.vector_load %arg20[%swap3A_95, %swap3A_96] {strides = array<i32>} : memref<64x128xf32, #tpu.memory_space<vmem>>, vector<1x16xf32>,
        %swap3A_98 = vector.shape_cast %swap3A_97 : vector<1x16xf32> to vector<16xf32>
        %swap3A_99 = vector.shape_cast %add3A_94 : vector<16xf32> to vector<1x16xf32>
        tpu.vector_store %arg20[%swap3A_95, %swap3A_96], %swap3A_99 {strides = array<i32>} : memref<64x128xf32, #tpu.memory_space<vmem>>, vector<1x16xf32>,
        %get3A_100 = arith.index_cast %scan3A_27 : i32 to index
        %get3A_101 = arith.constant 64 : index
        %get3A_102 = tpu.vector_load %arg20[%get3A_100, %get3A_101] {strides = array<i32>} : memref<64x128xf32, #tpu.memory_space<vmem>>, vector<1x16xf32>,
        %get3A_103 = vector.shape_cast %get3A_102 : vector<1x16xf32> to vector<16xf32>
        %max3A_104 = arith.constant 0.000000e+00 : f32
        %max3A_105 = vector.broadcast %max3A_104 : f32 to vector<16xf32>
        %max3A_106 = arith.maximumf %get3A_103, %max3A_105 : vector<16xf32>
        %min3A_107 = arith.constant 0.000000e+00 : f32
        %min3A_108 = vector.broadcast %min3A_107 : f32 to vector<16xf32>
        %min3A_109 = arith.minimumf %get3A_103, %min3A_108 : vector<16xf32>
        %mul3A_110 = arith.constant 0.00999999977 : f32
        %mul3A_111 = vector.broadcast %mul3A_110 : f32 to vector<16xf32>
        %mul3A_112 = arith.mulf %mul3A_111, %min3A_109 : vector<16xf32>
        %add3A_113 = arith.addf %max3A_106, %mul3A_112 : vector<16xf32>
        %swap3A_114 = arith.index_cast %scan3A_27 : i32 to index
        %swap3A_115 = arith.constant 64 : index
        %swap3A_116 = tpu.vector_load %arg20[%swap3A_114, %swap3A_115] {strides = array<i32>} : memref<64x128xf32, #tpu.memory_space<vmem>>, vector<1x16xf32>,
        %swap3A_117 = vector.shape_cast %swap3A_116 : vector<1x16xf32> to vector<16xf32>
        %swap3A_118 = vector.shape_cast %add3A_113 : vector<16xf32> to vector<1x16xf32>
        tpu.vector_store %arg20[%swap3A_114, %swap3A_115], %swap3A_118 {strides = array<i32>} : memref<64x128xf32, #tpu.memory_space<vmem>>, vector<1x16xf32>,
        %get3A_119 = arith.index_cast %scan3A_27 : i32 to index
        %get3A_120 = arith.constant 80 : index
        %get3A_121 = tpu.vector_load %arg20[%get3A_119, %get3A_120] {strides = array<i32>} : memref<64x128xf32, #tpu.memory_space<vmem>>, vector<1x16xf32>,
        %get3A_122 = vector.shape_cast %get3A_121 : vector<1x16xf32> to vector<16xf32>
        %max3A_123 = arith.constant 0.000000e+00 : f32
        %max3A_124 = vector.broadcast %max3A_123 : f32 to vector<16xf32>
        %max3A_125 = arith.maximumf %get3A_122, %max3A_124 : vector<16xf32>
        %min3A_126 = arith.constant 0.000000e+00 : f32
        %min3A_127 = vector.broadcast %min3A_126 : f32 to vector<16xf32>
        %min3A_128 = arith.minimumf %get3A_122, %min3A_127 : vector<16xf32>
        %mul3A_129 = arith.constant 0.00999999977 : f32
        %mul3A_130 = vector.broadcast %mul3A_129 : f32 to vector<16xf32>
        %mul3A_131 = arith.mulf %mul3A_130, %min3A_128 : vector<16xf32>
        %add3A_132 = arith.addf %max3A_125, %mul3A_131 : vector<16xf32>
        %swap3A_133 = arith.index_cast %scan3A_27 : i32 to index
        %swap3A_134 = arith.constant 80 : index
        %swap3A_135 = tpu.vector_load %arg20[%swap3A_133, %swap3A_134] {strides = array<i32>} : memref<64x128xf32, #tpu.memory_space<vmem>>, vector<1x16xf32>,
        %swap3A_136 = vector.shape_cast %swap3A_135 : vector<1x16xf32> to vector<16xf32>
        %swap3A_137 = vector.shape_cast %add3A_132 : vector<16xf32> to vector<1x16xf32>
        tpu.vector_store %arg20[%swap3A_133, %swap3A_134], %swap3A_137 {strides = array<i32>} : memref<64x128xf32, #tpu.memory_space<vmem>>, vector<1x16xf32>,
        %get3A_138 = arith.index_cast %scan3A_27 : i32 to index
        %get3A_139 = arith.constant 96 : index
        %get3A_140 = tpu.vector_load %arg20[%get3A_138, %get3A_139] {strides = array<i32>} : memref<64x128xf32, #tpu.memory_space<vmem>>, vector<1x16xf32>,
        %get3A_141 = vector.shape_cast %get3A_140 : vector<1x16xf32> to vector<16xf32>
        %max3A_142 = arith.constant 0.000000e+00 : f32
        %max3A_143 = vector.broadcast %max3A_142 : f32 to vector<16xf32>
        %max3A_144 = arith.maximumf %get3A_141, %max3A_143 : vector<16xf32>
        %min3A_145 = arith.constant 0.000000e+00 : f32
        %min3A_146 = vector.broadcast %min3A_145 : f32 to vector<16xf32>
        %min3A_147 = arith.minimumf %get3A_141, %min3A_146 : vector<16xf32>
        %mul3A_148 = arith.constant 0.00999999977 : f32
        %mul3A_149 = vector.broadcast %mul3A_148 : f32 to vector<16xf32>
        %mul3A_150 = arith.mulf %mul3A_149, %min3A_147 : vector<16xf32>
        %add3A_151 = arith.addf %max3A_144, %mul3A_150 : vector<16xf32>
        %swap3A_152 = arith.index_cast %scan3A_27 : i32 to index
        %swap3A_153 = arith.constant 96 : index
        %swap3A_154 = tpu.vector_load %arg20[%swap3A_152, %swap3A_153] {strides = array<i32>} : memref<64x128xf32, #tpu.memory_space<vmem>>, vector<1x16xf32>,
        %swap3A_155 = vector.shape_cast %swap3A_154 : vector<1x16xf32> to vector<16xf32>
        %swap3A_156 = vector.shape_cast %add3A_151 : vector<16xf32> to vector<1x16xf32>
        tpu.vector_store %arg20[%swap3A_152, %swap3A_153], %swap3A_156 {strides = array<i32>} : memref<64x128xf32, #tpu.memory_space<vmem>>, vector<1x16xf32>,
        %get3A_157 = arith.index_cast %scan3A_27 : i32 to index
        %get3A_158 = arith.constant 112 : index
        %get3A_159 = tpu.vector_load %arg20[%get3A_157, %get3A_158] {strides = array<i32>} : memref<64x128xf32, #tpu.memory_space<vmem>>, vector<1x16xf32>,
        %get3A_160 = vector.shape_cast %get3A_159 : vector<1x16xf32> to vector<16xf32>
        %max3A_161 = arith.constant 0.000000e+00 : f32
        %max3A_162 = vector.broadcast %max3A_161 : f32 to vector<16xf32>
        %max3A_163 = arith.maximumf %get3A_160, %max3A_162 : vector<16xf32>
        %min3A_164 = arith.constant 0.000000e+00 : f32
        %min3A_165 = vector.broadcast %min3A_164 : f32 to vector<16xf32>
        %min3A_166 = arith.minimumf %get3A_160, %min3A_165 : vector<16xf32>
        %mul3A_167 = arith.constant 0.00999999977 : f32
        %mul3A_168 = vector.broadcast %mul3A_167 : f32 to vector<16xf32>
        %mul3A_169 = arith.mulf %mul3A_168, %min3A_166 : vector<16xf32>
        %add3A_170 = arith.addf %max3A_163, %mul3A_169 : vector<16xf32>
        %swap3A_171 = arith.index_cast %scan3A_27 : i32 to index
        %swap3A_172 = arith.constant 112 : index
        %swap3A_173 = tpu.vector_load %arg20[%swap3A_171, %swap3A_172] {strides = array<i32>} : memref<64x128xf32, #tpu.memory_space<vmem>>, vector<1x16xf32>,
        %swap3A_174 = vector.shape_cast %swap3A_173 : vector<1x16xf32> to vector<16xf32>
        %swap3A_175 = vector.shape_cast %add3A_170 : vector<16xf32> to vector<1x16xf32>
        tpu.vector_store %arg20[%swap3A_171, %swap3A_172], %swap3A_175 {strides = array<i32>} : memref<64x128xf32, #tpu.memory_space<vmem>>, vector<1x16xf32>,
      }
      %scan3A_23 = arith.constant 64 : i32
      %mul3A_24 = arith.constant 10240 : i32
      %mul3A_25 = arith.muli %arg0, %mul3A_24 : i32
      %add3A_26 = arith.addi %mul3A_25, %add3A : i32
      "tpu.region"() ({
        %run_scoped3A = tpu.sem_alloc : memref<!tpu.dma_semaphore, #tpu.memory_space<semaphore_mem>>
        %dma_start3A = arith.constant 0 : i32
        %dma_start3A_27 = tpu.memref_slice %arg8[%add3A_26, %dma_start3A] : memref<20480x128xf32, #tpu.memory_space<hbm>> -> memref<64x128xf32, #tpu.memory_space<hbm>>
        %dma_start3A_28 = arith.constant 0 : i32
        %dma_start3A_29 = tpu.memref_slice %arg8[%add3A_26, %dma_start3A_28] : memref<20480x128xf32, #tpu.memory_space<hbm>> -> memref<64x128xf32, #tpu.memory_space<hbm>>
        tpu.enqueue_dma source(%arg20 : memref<64x128xf32, #tpu.memory_space<vmem>>) target(%dma_start3A_29 : memref<64x128xf32, #tpu.memory_space<hbm>>) target_semaphore(%run_scoped3A : memref<!tpu.dma_semaphore, #tpu.memory_space<semaphore_mem>>)
        %dma_wait3A = arith.constant 0 : i32
        %dma_wait3A_30 = tpu.memref_slice %arg8[%add3A_26, %dma_wait3A] : memref<20480x128xf32, #tpu.memory_space<hbm>> -> memref<64x128xf32, #tpu.memory_space<hbm>>
        %dma_wait3A_31 = arith.constant 0 : i32
        %dma_wait3A_32 = tpu.memref_slice %arg8[%add3A_26, %dma_wait3A_31] : memref<20480x128xf32, #tpu.memory_space<hbm>> -> memref<64x128xf32, #tpu.memory_space<hbm>>
        tpu.wait_dma2 semaphore(%run_scoped3A : memref<!tpu.dma_semaphore, #tpu.memory_space<semaphore_mem>>) src(%arg20 : memref<64x128xf32, #tpu.memory_space<vmem>>) dst(%dma_wait3A_32 : memref<64x128xf32, #tpu.memory_space<hbm>>)
        tpu.yield
      }) : () -> ()
    }
    %scan3A_12 = arith.constant 10 : i32
    return
  }
}

module attributes {stable_mosaic.version = 14 : i64} {
  func.func @_y_body(%arg0: i32, %arg1: i32, %arg2: memref<1000x256xf32, #tpu.memory_space<vmem>>, %arg3: memref<1x256x256xf32, #tpu.memory_space<vmem>>, %arg4: memref<2x1x1000x128xf32, #tpu.memory_space<vmem>>) attributes {dimension_semantics = [#tpu.dimension_semantics<arbitrary>, #tpu.dimension_semantics<arbitrary>], iteration_bounds = array<i64: 3, 10>, scalar_prefetch = 0 : i64, scratch_operands = 0 : i64, tpu.core_type = #tpu.core_type<tc>, window_params = [{transform_indices = @transform_0, window_bounds = array<i64: 1000, 256>}, {transform_indices = @transform_1, window_bounds = array<i64: 1, 256, 256>}, {transform_indices = @transform_2, window_bounds = array<i64: 2, 1, 1000, 128>}]} {
    %get3A = arith.constant 0 : index
    %get3A_0 = arith.constant 0 : index
    %get3A_1 = vector.load %arg2[%get3A, %get3A_0] : memref<1000x256xf32, #tpu.memory_space<vmem>>, vector<1000x256xf32>
    %get3A_2 = arith.constant 0 : index
    %get3A_3 = arith.constant 0 : index
    %get3A_4 = arith.constant 0 : index
    %get3A_5 = vector.load %arg3[%get3A_2, %get3A_3, %get3A_4] : memref<1x256x256xf32, #tpu.memory_space<vmem>>, vector<1x256x256xf32>
    %get3A_6 = vector.shape_cast %get3A_5 : vector<1x256x256xf32> to vector<256x256xf32>
    %dot_general3A = arith.constant dense<0.000000e+00> : vector<1000x256xf32>
    %dot_general3A_7 = tpu.matmul %get3A_1, %get3A_6, %dot_general3A {dimension_numbers = #tpu.dot_dimension_numbers<[1], [0], [0], [1], [0, 0, 1, 1], [], []>, transpose_lhs_hint = false} : vector<1000x256xf32>, vector<256x256xf32>, vector<1000x256xf32> -> vector<1000x256xf32>
    %slice3A = vector.extract_strided_slice %dot_general3A_7 {offsets = [0, 0], sizes = [1000, 128], strides = [1, 1]} : vector<1000x256xf32> to vector<1000x128xf32>
    %swap3A = arith.constant 0 : index
    %swap3A_8 = arith.constant 0 : index
    %swap3A_9 = arith.constant 0 : index
    %swap3A_10 = arith.constant 0 : index
    %swap3A_11 = vector.load %arg4[%swap3A, %swap3A_8, %swap3A_9, %swap3A_10] : memref<2x1x1000x128xf32, #tpu.memory_space<vmem>>, vector<1x1x1000x128xf32>
    %swap3A_12 = vector.shape_cast %swap3A_11 : vector<1x1x1000x128xf32> to vector<1000x128xf32>
    %swap3A_13 = vector.shape_cast %slice3A : vector<1000x128xf32> to vector<1x1x1000x128xf32>
    tpu.vector_store %arg4[%swap3A, %swap3A_8, %swap3A_9, %swap3A_10], %swap3A_13 {strides = array<i32>} : memref<2x1x1000x128xf32, #tpu.memory_space<vmem>>, vector<1x1x1000x128xf32>,
    %slice3A_14 = vector.extract_strided_slice %dot_general3A_7 {offsets = [0, 128], sizes = [1000, 128], strides = [1, 1]} : vector<1000x256xf32> to vector<1000x128xf32>
    %swap3A_15 = arith.constant 1 : index
    %swap3A_16 = arith.constant 0 : index
    %swap3A_17 = arith.constant 0 : index
    %swap3A_18 = arith.constant 0 : index
    %swap3A_19 = vector.load %arg4[%swap3A_15, %swap3A_16, %swap3A_17, %swap3A_18] : memref<2x1x1000x128xf32, #tpu.memory_space<vmem>>, vector<1x1x1000x128xf32>
    %swap3A_20 = vector.shape_cast %swap3A_19 : vector<1x1x1000x128xf32> to vector<1000x128xf32>
    %swap3A_21 = vector.shape_cast %slice3A_14 : vector<1000x128xf32> to vector<1x1x1000x128xf32>
    tpu.vector_store %arg4[%swap3A_15, %swap3A_16, %swap3A_17, %swap3A_18], %swap3A_21 {strides = array<i32>} : memref<2x1x1000x128xf32, #tpu.memory_space<vmem>>, vector<1x1x1000x128xf32>,
    return
  }
  func.func @transform_0(%arg0: i32, %arg1: i32) -> (i32, i32) {
    %c0_i32 = arith.constant 0 : i32
    %c0_i32_0 = arith.constant 0 : i32
    return %arg1, %c0_i32 : i32, i32
  }
  func.func @transform_1(%arg0: i32, %arg1: i32) -> (i32, i32, i32) {
    %c0_i32 = arith.constant 0 : i32
    %c0_i32_0 = arith.constant 0 : i32
    %c0_i32_1 = arith.constant 0 : i32
    return %arg0, %c0_i32, %c0_i32_0 : i32, i32, i32
  }
  func.func @transform_2(%arg0: i32, %arg1: i32) -> (i32, i32, i32, i32) {
    %c0_i32 = arith.constant 0 : i32
    %c0_i32_0 = arith.constant 0 : i32
    %c0_i32_1 = arith.constant 0 : i32
    return %c0_i32, %arg0, %arg1, %c0_i32_0 : i32, i32, i32, i32
  }
}

module attributes {stable_mosaic.version = 14 : i64} {
  func.func @_rel_body(%arg0: memref<200x50xf32, #tpu.memory_space<vmem>>, %arg1: memref<50x256xf32, #tpu.memory_space<vmem>>, %arg2: memref<3x256x256xf32, #tpu.memory_space<vmem>>, %arg3: memref<256x256xf32, #tpu.memory_space<vmem>>, %arg4: memref<2x600x128xf32, #tpu.memory_space<vmem>>, %arg5: memref<2x200x128xf32, #tpu.memory_space<vmem>>) attributes {dimension_semantics = [], scalar_prefetch = 0 : i64, scratch_operands = 0 : i64, tpu.core_type = #tpu.core_type<tc>} {
    %get3A = arith.constant 0 : index
    %get3A_0 = arith.constant 0 : index
    %get3A_1 = vector.load %arg0[%get3A, %get3A_0] : memref<200x50xf32, #tpu.memory_space<vmem>>, vector<200x50xf32>
    %get3A_2 = arith.constant 0 : index
    %get3A_3 = arith.constant 0 : index
    %get3A_4 = vector.load %arg1[%get3A_2, %get3A_3] : memref<50x256xf32, #tpu.memory_space<vmem>>, vector<50x256xf32>
    %dot_general3A = arith.constant dense<0.000000e+00> : vector<200x256xf32>
    %dot_general3A_5 = tpu.matmul %get3A_1, %get3A_4, %dot_general3A {dimension_numbers = #tpu.dot_dimension_numbers<[1], [0], [0], [1], [0, 0, 1, 1], [], []>, transpose_lhs_hint = false} : vector<200x50xf32>, vector<50x256xf32>, vector<200x256xf32> -> vector<200x256xf32>
    %get3A_6 = arith.constant 0 : index
    %get3A_7 = arith.constant 0 : index
    %get3A_8 = arith.constant 0 : index
    %get3A_9 = vector.load %arg2[%get3A_6, %get3A_7, %get3A_8] : memref<3x256x256xf32, #tpu.memory_space<vmem>>, vector<1x256x256xf32>
    %get3A_10 = vector.shape_cast %get3A_9 : vector<1x256x256xf32> to vector<256x256xf32>
    %dot_general3A_11 = arith.constant dense<0.000000e+00> : vector<200x256xf32>
    %dot_general3A_12 = tpu.matmul %dot_general3A_5, %get3A_10, %dot_general3A_11 {dimension_numbers = #tpu.dot_dimension_numbers<[1], [0], [0], [1], [0, 0, 1, 1], [], []>, transpose_lhs_hint = false} : vector<200x256xf32>, vector<256x256xf32>, vector<200x256xf32> -> vector<200x256xf32>
    %slice3A = vector.extract_strided_slice %dot_general3A_12 {offsets = [0, 0], sizes = [200, 128], strides = [1, 1]} : vector<200x256xf32> to vector<200x128xf32>
    %swap3A = arith.constant 0 : index
    %swap3A_13 = arith.constant 0 : index
    %swap3A_14 = arith.constant 0 : index
    %swap3A_15 = vector.load %arg4[%swap3A, %swap3A_13, %swap3A_14] : memref<2x600x128xf32, #tpu.memory_space<vmem>>, vector<1x200x128xf32>
    %swap3A_16 = vector.shape_cast %swap3A_15 : vector<1x200x128xf32> to vector<200x128xf32>
    %swap3A_17 = vector.shape_cast %slice3A : vector<200x128xf32> to vector<1x200x128xf32>
    tpu.vector_store %arg4[%swap3A, %swap3A_13, %swap3A_14], %swap3A_17 {strides = array<i32>} : memref<2x600x128xf32, #tpu.memory_space<vmem>>, vector<1x200x128xf32>,
    %slice3A_18 = vector.extract_strided_slice %dot_general3A_12 {offsets = [0, 128], sizes = [200, 128], strides = [1, 1]} : vector<200x256xf32> to vector<200x128xf32>
    %swap3A_19 = arith.constant 1 : index
    %swap3A_20 = arith.constant 0 : index
    %swap3A_21 = arith.constant 0 : index
    %swap3A_22 = vector.load %arg4[%swap3A_19, %swap3A_20, %swap3A_21] : memref<2x600x128xf32, #tpu.memory_space<vmem>>, vector<1x200x128xf32>
    %swap3A_23 = vector.shape_cast %swap3A_22 : vector<1x200x128xf32> to vector<200x128xf32>
    %swap3A_24 = vector.shape_cast %slice3A_18 : vector<200x128xf32> to vector<1x200x128xf32>
    tpu.vector_store %arg4[%swap3A_19, %swap3A_20, %swap3A_21], %swap3A_24 {strides = array<i32>} : memref<2x600x128xf32, #tpu.memory_space<vmem>>, vector<1x200x128xf32>,
    %get3A_25 = arith.constant 1 : index
    %get3A_26 = arith.constant 0 : index
    %get3A_27 = arith.constant 0 : index
    %get3A_28 = vector.load %arg2[%get3A_25, %get3A_26, %get3A_27] : memref<3x256x256xf32, #tpu.memory_space<vmem>>, vector<1x256x256xf32>
    %get3A_29 = vector.shape_cast %get3A_28 : vector<1x256x256xf32> to vector<256x256xf32>
    %dot_general3A_30 = arith.constant dense<0.000000e+00> : vector<200x256xf32>
    %dot_general3A_31 = tpu.matmul %dot_general3A_5, %get3A_29, %dot_general3A_30 {dimension_numbers = #tpu.dot_dimension_numbers<[1], [0], [0], [1], [0, 0, 1, 1], [], []>, transpose_lhs_hint = false} : vector<200x256xf32>, vector<256x256xf32>, vector<200x256xf32> -> vector<200x256xf32>
    %slice3A_32 = vector.extract_strided_slice %dot_general3A_31 {offsets = [0, 0], sizes = [200, 128], strides = [1, 1]} : vector<200x256xf32> to vector<200x128xf32>
    %swap3A_33 = arith.constant 0 : index
    %swap3A_34 = arith.constant 200 : index
    %swap3A_35 = arith.constant 0 : index
    %swap3A_36 = vector.load %arg4[%swap3A_33, %swap3A_34, %swap3A_35] : memref<2x600x128xf32, #tpu.memory_space<vmem>>, vector<1x200x128xf32>
    %swap3A_37 = vector.shape_cast %swap3A_36 : vector<1x200x128xf32> to vector<200x128xf32>
    %swap3A_38 = vector.shape_cast %slice3A_32 : vector<200x128xf32> to vector<1x200x128xf32>
    tpu.vector_store %arg4[%swap3A_33, %swap3A_34, %swap3A_35], %swap3A_38 {strides = array<i32>} : memref<2x600x128xf32, #tpu.memory_space<vmem>>, vector<1x200x128xf32>,
    %slice3A_39 = vector.extract_strided_slice %dot_general3A_31 {offsets = [0, 128], sizes = [200, 128], strides = [1, 1]} : vector<200x256xf32> to vector<200x128xf32>
    %swap3A_40 = arith.constant 1 : index
    %swap3A_41 = arith.constant 200 : index
    %swap3A_42 = arith.constant 0 : index
    %swap3A_43 = vector.load %arg4[%swap3A_40, %swap3A_41, %swap3A_42] : memref<2x600x128xf32, #tpu.memory_space<vmem>>, vector<1x200x128xf32>
    %swap3A_44 = vector.shape_cast %swap3A_43 : vector<1x200x128xf32> to vector<200x128xf32>
    %swap3A_45 = vector.shape_cast %slice3A_39 : vector<200x128xf32> to vector<1x200x128xf32>
    tpu.vector_store %arg4[%swap3A_40, %swap3A_41, %swap3A_42], %swap3A_45 {strides = array<i32>} : memref<2x600x128xf32, #tpu.memory_space<vmem>>, vector<1x200x128xf32>,
    %get3A_46 = arith.constant 2 : index
    %get3A_47 = arith.constant 0 : index
    %get3A_48 = arith.constant 0 : index
    %get3A_49 = vector.load %arg2[%get3A_46, %get3A_47, %get3A_48] : memref<3x256x256xf32, #tpu.memory_space<vmem>>, vector<1x256x256xf32>
    %get3A_50 = vector.shape_cast %get3A_49 : vector<1x256x256xf32> to vector<256x256xf32>
    %dot_general3A_51 = arith.constant dense<0.000000e+00> : vector<200x256xf32>
    %dot_general3A_52 = tpu.matmul %dot_general3A_5, %get3A_50, %dot_general3A_51 {dimension_numbers = #tpu.dot_dimension_numbers<[1], [0], [0], [1], [0, 0, 1, 1], [], []>, transpose_lhs_hint = false} : vector<200x256xf32>, vector<256x256xf32>, vector<200x256xf32> -> vector<200x256xf32>
    %slice3A_53 = vector.extract_strided_slice %dot_general3A_52 {offsets = [0, 0], sizes = [200, 128], strides = [1, 1]} : vector<200x256xf32> to vector<200x128xf32>
    %swap3A_54 = arith.constant 0 : index
    %swap3A_55 = arith.constant 400 : index
    %swap3A_56 = arith.constant 0 : index
    %swap3A_57 = vector.load %arg4[%swap3A_54, %swap3A_55, %swap3A_56] : memref<2x600x128xf32, #tpu.memory_space<vmem>>, vector<1x200x128xf32>
    %swap3A_58 = vector.shape_cast %swap3A_57 : vector<1x200x128xf32> to vector<200x128xf32>
    %swap3A_59 = vector.shape_cast %slice3A_53 : vector<200x128xf32> to vector<1x200x128xf32>
    tpu.vector_store %arg4[%swap3A_54, %swap3A_55, %swap3A_56], %swap3A_59 {strides = array<i32>} : memref<2x600x128xf32, #tpu.memory_space<vmem>>, vector<1x200x128xf32>,
    %slice3A_60 = vector.extract_strided_slice %dot_general3A_52 {offsets = [0, 128], sizes = [200, 128], strides = [1, 1]} : vector<200x256xf32> to vector<200x128xf32>
    %swap3A_61 = arith.constant 1 : index
    %swap3A_62 = arith.constant 400 : index
    %swap3A_63 = arith.constant 0 : index
    %swap3A_64 = vector.load %arg4[%swap3A_61, %swap3A_62, %swap3A_63] : memref<2x600x128xf32, #tpu.memory_space<vmem>>, vector<1x200x128xf32>
    %swap3A_65 = vector.shape_cast %swap3A_64 : vector<1x200x128xf32> to vector<200x128xf32>
    %swap3A_66 = vector.shape_cast %slice3A_60 : vector<200x128xf32> to vector<1x200x128xf32>
    tpu.vector_store %arg4[%swap3A_61, %swap3A_62, %swap3A_63], %swap3A_66 {strides = array<i32>} : memref<2x600x128xf32, #tpu.memory_space<vmem>>, vector<1x200x128xf32>,
    %get3A_67 = arith.constant 0 : index
    %get3A_68 = arith.constant 0 : index
    %get3A_69 = vector.load %arg3[%get3A_67, %get3A_68] : memref<256x256xf32, #tpu.memory_space<vmem>>, vector<256x256xf32>
    %dot_general3A_70 = arith.constant dense<0.000000e+00> : vector<200x256xf32>
    %dot_general3A_71 = tpu.matmul %dot_general3A_5, %get3A_69, %dot_general3A_70 {dimension_numbers = #tpu.dot_dimension_numbers<[1], [0], [0], [1], [0, 0, 1, 1], [], []>, transpose_lhs_hint = false} : vector<200x256xf32>, vector<256x256xf32>, vector<200x256xf32> -> vector<200x256xf32>
    %slice3A_72 = vector.extract_strided_slice %dot_general3A_71 {offsets = [0, 0], sizes = [200, 128], strides = [1, 1]} : vector<200x256xf32> to vector<200x128xf32>
    %swap3A_73 = arith.constant 0 : index
    %swap3A_74 = arith.constant 0 : index
    %swap3A_75 = arith.constant 0 : index
    %swap3A_76 = vector.load %arg5[%swap3A_73, %swap3A_74, %swap3A_75] : memref<2x200x128xf32, #tpu.memory_space<vmem>>, vector<1x200x128xf32>
    %swap3A_77 = vector.shape_cast %swap3A_76 : vector<1x200x128xf32> to vector<200x128xf32>
    %swap3A_78 = vector.shape_cast %slice3A_72 : vector<200x128xf32> to vector<1x200x128xf32>
    tpu.vector_store %arg5[%swap3A_73, %swap3A_74, %swap3A_75], %swap3A_78 {strides = array<i32>} : memref<2x200x128xf32, #tpu.memory_space<vmem>>, vector<1x200x128xf32>,
    %slice3A_79 = vector.extract_strided_slice %dot_general3A_71 {offsets = [0, 128], sizes = [200, 128], strides = [1, 1]} : vector<200x256xf32> to vector<200x128xf32>
    %swap3A_80 = arith.constant 1 : index
    %swap3A_81 = arith.constant 0 : index
    %swap3A_82 = arith.constant 0 : index
    %swap3A_83 = vector.load %arg5[%swap3A_80, %swap3A_81, %swap3A_82] : memref<2x200x128xf32, #tpu.memory_space<vmem>>, vector<1x200x128xf32>
    %swap3A_84 = vector.shape_cast %swap3A_83 : vector<1x200x128xf32> to vector<200x128xf32>
    %swap3A_85 = vector.shape_cast %slice3A_79 : vector<200x128xf32> to vector<1x200x128xf32>
    tpu.vector_store %arg5[%swap3A_80, %swap3A_81, %swap3A_82], %swap3A_85 {strides = array<i32>} : memref<2x200x128xf32, #tpu.memory_space<vmem>>, vector<1x200x128xf32>,
    return
  }
}

module attributes {stable_mosaic.version = 14 : i64} {
  func.func @_fin_body(%arg0: i32, %arg1: memref<2048x128xf32, #tpu.memory_space<vmem>>, %arg2: memref<2048x128xf32, #tpu.memory_space<vmem>>, %arg3: memref<2048xf32, #tpu.memory_space<vmem>>) attributes {dimension_semantics = [#tpu.dimension_semantics<arbitrary>], iteration_bounds = array<i64: 8>, scalar_prefetch = 0 : i64, scratch_operands = 0 : i64, tpu.core_type = #tpu.core_type<tc>, window_params = [{transform_indices = @transform_0, window_bounds = array<i64: 2048, 128>}, {transform_indices = @transform_1, window_bounds = array<i64: 2048, 128>}, {transform_indices = @transform_2, window_bounds = array<i64: 2048>}]} {
    %get3A = arith.constant 0 : index
    %get3A_0 = arith.constant 0 : index
    %get3A_1 = vector.load %arg1[%get3A, %get3A_0] : memref<2048x128xf32, #tpu.memory_space<vmem>>, vector<2048x128xf32>
    %abs3A = math.absf %get3A_1 : vector<2048x128xf32>
    %reduce_sum3A = arith.constant dense<0.000000e+00> : vector<2048xf32>
    %reduce_sum3A_2 = vector.multi_reduction <add>, %abs3A, %reduce_sum3A [1] : vector<2048x128xf32> to vector<2048xf32>
    %get3A_3 = arith.constant 0 : index
    %get3A_4 = arith.constant 0 : index
    %get3A_5 = vector.load %arg2[%get3A_3, %get3A_4] : memref<2048x128xf32, #tpu.memory_space<vmem>>, vector<2048x128xf32>
    %abs3A_6 = math.absf %get3A_5 : vector<2048x128xf32>
    %reduce_sum3A_7 = arith.constant dense<0.000000e+00> : vector<2048xf32>
    %reduce_sum3A_8 = vector.multi_reduction <add>, %abs3A_6, %reduce_sum3A_7 [1] : vector<2048x128xf32> to vector<2048xf32>
    %add3A = arith.addf %reduce_sum3A_2, %reduce_sum3A_8 : vector<2048xf32>
    %logistic3A = arith.negf %add3A : vector<2048xf32>
    %logistic3A_9 = math.exp %logistic3A : vector<2048xf32>
    %logistic3A_10 = arith.constant 1.000000e+00 : f32
    %logistic3A_11 = vector.broadcast %logistic3A_10 : f32 to vector<2048xf32>
    %logistic3A_12 = arith.addf %logistic3A_11, %logistic3A_9 : vector<2048xf32>
    %logistic3A_13 = arith.divf %logistic3A_11, %logistic3A_12 : vector<2048xf32>
    %swap3A = arith.constant 0 : index
    %swap3A_14 = vector.load %arg3[%swap3A] : memref<2048xf32, #tpu.memory_space<vmem>>, vector<2048xf32>
    tpu.vector_store %arg3[%swap3A], %logistic3A_13 {strides = array<i32>} : memref<2048xf32, #tpu.memory_space<vmem>>, vector<2048xf32>,
    return
  }
  func.func @transform_0(%arg0: i32) -> (i32, i32) {
    %c0_i32 = arith.constant 0 : i32
    %c0_i32_0 = arith.constant 0 : i32
    return %arg0, %c0_i32 : i32, i32
  }
  func.func @transform_1(%arg0: i32) -> (i32, i32) {
    %add3A = arith.constant 8 : i32
    %add3A_0 = arith.addi %arg0, %add3A : i32
    %c0_i32 = arith.constant 0 : i32
    %c0_i32_1 = arith.constant 0 : i32
    return %add3A_0, %c0_i32 : i32, i32
  }
  func.func @transform_2(%arg0: i32) -> i32 {
    %c0_i32 = arith.constant 0 : i32
    return %arg0 : i32
  }
}

</mosaic_0001>

<sc_bundles>
// kernel: kernel.10.cloned.1.call-start
scs
__scs_entry_jumppad:
0x0: {  	(pc) =	sbr.rel $0x88, $3  }
0x1: {  	(tag) =	ssettag $0x0;
	lr =	simm.s32 $0x1  }
0x2: {  	[smem:$0x3F98] =	sst lr;
	_ =	strace $0xD0000000  }
0x3: {  	_ = 	snop  }
0x4: {  	_ = 	snop  }
0x5: {  	_ = 	snop  }
0x6: {  	_ = 	snop  }
0x7: {  	_ = 	snop  }
__scs_overlays_trampoline_lowered:
0x8: {  	[smem:$0x3FA7] =	sst s0  }
0x9: {  	[smem:$0x3FA8] =	sst s1  }
0xa: {  	[smem:$0x3FA9] =	sst s2  }
0xb: {  	[smem:$0x3FAA] =	sst s3  }
0xc: {  	[smem:$0x3FAB] =	sst s4  }
0xd: {  	[smem:$0x3FAC] =	sst s5  }
0xe: {  	[smem:$0x3FAD] =	sst s6  }
0xf: {  	[smem:$0x3FAE] =	sst s7  }
0x10: {  	[smem:$0x3FAF] =	sst s8  }
0x11: {  	[smem:$0x3FB0] =	sst s9;
	s0 =	simm.s32 @!p0 $0x0  }
0x12: {  	s1 =	sld [smem:$0x3F96];
	s0 =	simm.s32 @p0 $0x1  }
0x13: {  	[smem:$0x3FB1] =	sst s0;
	s0 =	simm.s32 @!p1 $0x0  }
0x14: {  	s2 =	sld [smem:$0x3F95];
	s0 =	simm.s32 @p1 $0x1  }
0x15: {  	[smem:$0x3FB2] =	sst s0;
	s0 =	simm.s32 @!p2 $0x0  }
0x16: {  	s3 =	sld [smem:$0x3FDB];
	s0 =	simm.s32 @p2 $0x1  }
0x17: {  	s4 =	simm.s32 $0x1BF5;
	[smem:$0x3FB4] =	sst s0  }
0x18: {  	s0 =	sld [smem:$0x3F97];
	_ =	swait.ge [sflag:s4], $0x0  }
0x19: {  	s7 =	sld [smem:$0x3F98]  }
0x1a: {  	s8 =	sadd.s32 $0xFFFFE003, lr  }
0x1b: {  	s9 =	sadd.s32 $0xFFFFFEF7, lr;
	s5 =	simm.s32 $0xFFFFFFFF;
	p2 =	slt.u32 s8, $0xFFFFF086  }
0x1c: {  	p1 =	slt.u32 s9, $0xF7A;
	s5 =	simm.s32 @!p2 $0x0  }
0x1d: {  	s5 =	simm.s32 @p1 $0x1;
	p0 =	seq.s32 s7, s2  }
0x1e: {  	s7 =	smul.u32 @!p0 $0xF7A, s2;
	p2 =	seq.s32 @!p0 s5, $0x0  }
0x1f: {  	s9 =	smul.u32 $0xF7A, s1;
	s8 =	simm.s32 @!p0 $0x1BF5;
	p2 =	por !p2, p0  }
0x20: {  	[sflag:s8] =	ssyncset.s32 @!p0 $0xFFFFF086;
	s6 =	sadd.s32 @!p0 s3, s7;
	s7 =	simm.s32 @!p0 $0x108  }
0x21: {  	s3 =	sadd.s32 s3, s9;
	s6 =	sadd.s32 @!p0 $0x88, s6;
	s7 =	simm.s32 @p2 $0x1082  }
0x22: {  	[simem:s7], [sflag:s8] =	dma.local @!p0 [hbm:s6], $0xF7A  }
0x23: {  	s9 =	sor.u32 $0xD0000000, s2;
	s6 =	simm.s32 $0x108;
	_ =	swait.ge @!p0 [sflag:s8], $0x0  }
0x24: {  	s3 =	sadd.s32 $0x88, s3;
	s6 =	simm.s32 @!p1 $0x1082;
	[sflag:s4] =	ssyncset.s32 $0xFFFFF086  }
0x25: {  	[simem:s6], [sflag:s4] =	dma.local [hbm:s3], $0xF7A  }
0x26: {  	[smem:$0x3F98] =	sst s1;
	(tag) =	ssettag s2;
	_ =	strace s9  }
0x27: {  	s1 =	sld [smem:$0x3FA8]  }
0x28: {  	s2 =	sld [smem:$0x3FA9]  }
0x29: {  	s4 =	sld [smem:$0x3FAB]  }
0x2a: {  	p0 =	seq.s32 s5, $0x0;
	s5 =	sld [smem:$0x3FAC]  }
0x2b: {  	s6 =	sld [smem:$0x3FAD]  }
0x2c: {  	s7 =	sld [smem:$0x3FAE]  }
0x2d: {  	s3 =	simm.s32 $0x108;
	s8 =	sld [smem:$0x3FAF]  }
0x2e: {  	s3 =	simm.s32 @!p0 $0x1082;
	s9 =	sld [smem:$0x3FB0]  }
0x2f: {  	lr =	sadd.s32 s0, s3;
	s0 =	sld [smem:$0x3FA7]  }
0x30: {  	s3 =	sld [smem:$0x3FAA]  }
0x31: {  	[smem:$0x3FB3] =	sst s10  }
0x32: {  	s10 =	sld [smem:$0x3FB1];
	_ =	sdelay $0x3  }
0x33: {  	p0 =	seq.s32 s10, $0x1;
	s10 =	sld [smem:$0x3FB3];
	_ =	sdelay $0x3  }
0x34: {  	[smem:$0x3FB3] =	sst s10  }
0x35: {  	s10 =	sld [smem:$0x3FB2];
	_ =	sdelay $0x3  }
0x36: {  	p1 =	seq.s32 s10, $0x1;
	s10 =	sld [smem:$0x3FB3];
	_ =	sdelay $0x3  }
0x37: {  	[smem:$0x3FB3] =	sst s10  }
0x38: {  	s10 =	sld [smem:$0x3FB4]  }
0x39: {  	_ = 	snop;
	(pc) =	sbr.ind lr, $3  }
0x3a: {  	_ = 	snop  }
0x3b: {  	_ = 	snop  }
0x3c: {  	p2 =	seq.s32 s10, $0x1;
	s10 =	sld [smem:$0x3FB3]  }
0x3d: {  	_ =	shalt  }
0x3e: {  	_ =	shalt  }
0x3f: {  	_ =	shalt  }
0x40: {  	_ =	shalt  }
0x41: {  	_ =	shalt  }
0x42: {  	_ =	shalt  }
0x43: {  	_ =	shalt  }
0x44: {  	_ =	shalt  }
0x45: {  	_ =	shalt  }
0x46: {  	_ =	shalt  }
0x47: {  	_ =	shalt  }
0x48: {  	_ =	shalt  }
0x49: {  	_ =	shalt  }
0x4a: {  	_ =	shalt  }
0x4b: {  	_ =	shalt  }
0x4c: {  	_ =	shalt  }
0x4d: {  	_ =	shalt  }
0x4e: {  	_ =	shalt  }
0x4f: {  	_ =	shalt  }
0x50: {  	_ =	shalt  }
0x51: {  	_ =	shalt  }
0x52: {  	_ =	shalt  }
0x53: {  	_ =	shalt  }
0x54: {  	_ =	shalt  }
0x55: {  	_ =	shalt  }
0x56: {  	_ =	shalt  }
0x57: {  	_ =	shalt  }
0x58: {  	_ =	shalt  }
0x59: {  	_ =	shalt  }
0x5a: {  	_ =	shalt  }
0x5b: {  	_ =	shalt  }
0x5c: {  	_ =	shalt  }
0x5d: {  	_ =	shalt  }
0x5e: {  	_ =	shalt  }
0x5f: {  	_ =	shalt  }
0x60: {  	_ =	shalt  }
0x61: {  	_ =	shalt  }
0x62: {  	_ =	shalt  }
0x63: {  	_ =	shalt  }
0x64: {  	_ =	shalt  }
0x65: {  	_ =	shalt  }
0x66: {  	_ =	shalt  }
0x67: {  	_ =	shalt  }
0x68: {  	_ =	shalt  }
0x69: {  	_ =	shalt  }
0x6a: {  	_ =	shalt  }
0x6b: {  	_ =	shalt  }
0x6c: {  	_ =	shalt  }
0x6d: {  	_ =	shalt  }
0x6e: {  	_ =	shalt  }
0x6f: {  	_ =	shalt  }
0x70: {  	_ =	shalt  }
0x71: {  	_ =	shalt  }
0x72: {  	_ =	shalt  }
0x73: {  	_ =	shalt  }
0x74: {  	_ =	shalt  }
0x75: {  	_ =	shalt  }
0x76: {  	_ =	shalt  }
0x77: {  	_ =	shalt  }
0x78: {  	_ =	shalt  }
0x79: {  	_ =	shalt  }
0x7a: {  	_ =	shalt  }
0x7b: {  	_ =	shalt  }
0x7c: {  	_ =	shalt  }
0x7d: {  	_ =	shalt  }
0x7e: {  	_ =	shalt  }
0x7f: {  	_ =	shalt  }
0x80: {  	_ =	shalt  }
0x81: {  	_ =	shalt  }
0x82: {  	_ =	shalt  }
0x83: {  	_ =	shalt  }
0x84: {  	_ =	shalt  }
0x85: {  	_ =	shalt  }
0x86: {  	_ =	shalt  }
0x87: {  	_ =	shalt  }
.Lfunc_end0:
.L_simem_size_0:
called_computation.1_lowered:
.L_overlay_start_0:
0x88: {  	s2 =	sld [smem:$0x3FD9]  }
0x89: {  	s3 =	sld [smem:$0x3FFE];
	_ =	sdelay $0x1  }
0x8a: {  	s1 =	srdreg.scid  }
0x8b: {  	s0 =	sand.u32 $0x1, s1  }
0x8c: {  	s16 =	sshll.u32 s0, $0xA;
	s2 =	sadd.s32 s3, s2  }
0x8d: {  	s2 =	sadd.s32 s2, s16  }
0x8e: {  	[smem:$0x3FBF] =	sst s2  }
0x8f: {  	_ = 	snop  }
0x90: {  	(tm) =	ssettm $0x1  }
0x91: {  	s17 =	sld [smem:$0x3FFB];
	_ =	sdelay $0x3  }
0x92: {  	_ =	strace s17  }
0x93: {  	s2 =	sld [smem:$0x3FFC];
	_ =	sdelay $0x3  }
0x94: {  	_ =	strace s2  }
0x95: {  	s2 =	sld [smem:$0x3FFD];
	_ =	sdelay $0x3  }
0x96: {  	_ =	strace s2  }
0x97: {  	_ =	strace $0x8FFFFFFF  }
0x98: {  	s18 =	sld [smem:$0x3FDB];
	_ =	sdelay $0x1  }
0x99: {  	s19 =	simm.s32 $_scs_section_size  }
0x9a: {  	s4 =	simm.s32 $_size__tile_overlayer_lowered;
	s5 =	simm.s32 $_tile_overlayer_lowered  }
0x9b: {  	s22 =	simm.s32 $0x1BFF;
	s21 =	sshll.u32 s5, $0x1;
	s2 =	sadd.s32 s19, s18  }
0x9c: {  	s6 =	simm.s32 $0x0;
	s20 =	sshll.u32 s4, $0x1;
	s4 =	sadd.s32 s21, s2  }
0x9d: {  	[timem:s6], [sflag:s22] =	dma.local [hbm:s4], s20  }
0x9e: {  	_ =	swait.ge [sflag:s22], s20  }
0x9f: {  	s3 =	ssub.s32 $0x0, s20;
	[sflag:s22] =	ssyncset.done $0x0  }
0xa0: {  	[sflag:s22] =	ssyncadd.s32 s3;
	_ =	sdelay $0x1  }
0xa1: {  	s23 =	simm.s32 $0x1B8B  }
0xa2: {  	_ =	swait.ge [sflag:s23], $0x1  }
0xa3: {  	[sflag:s23] =	ssyncset.done $0x0  }
0xa4: {  	s25 =	simm.s32 $0x1B8E;
	s24 =	sld [smem:$0x3FFE];
	[sflag:s23] =	ssyncadd.s32 $0xFFFFFFFF  }
0xa5: {  	s26 =	simm.s32 $execute0_lowered;
	[smem:$0x3FD2] =	sst s25  }
0xa6: {  	s4 =	sshll.u32 s26, $0x1;
	_ =	strace $0x80000049;
	[dreg:$0x1] =	wrdreg $0xFFFFFFFF  }
0xa7: {  	s28 =	simm.s32 $_size_execute0_lowered;
	s2 =	sadd.s32 s2, s4;
	[dreg:$0x0] =	wrdreg $0x0  }
0xa8: {  	s4 =	sshll.u32 s28, $0x1;
	[dreg:$0x2] =	wrdreg s2  }
0xa9: {  	[dreg:$0x3] =	wrdreg s4  }
0xaa: {  	[dreg:$0x4] =	wrdreg $0xC0  }
0xab: {  	_ =	task [dreg:s6], $0x5FFFF  }
0xac: {  	[dreg:$0x1] =	wrdreg $0xFFFFFFFF  }
0xad: {  	[dreg:$0x0] =	wrdreg $0x60  }
0xae: {  	[dreg:$0x2] =	wrdreg s24  }
0xaf: {  	[dreg:$0x3] =	wrdreg $0x9  }
0xb0: {  	_ =	task.clear_ibuf [dreg:s6], $0x4FFFF;
	_ =	strace $0x90000049  }
0xb1: {  	s29 =	simm.s32 $0x9;
	_ =	strace $0x8000004B  }
0xb2: {  	_ =	swait.ge [sflag:s29], $0x1  }
0xb3: {  	[sflag:s29] =	ssyncadd.s32 $0xFFFFFFFF  }
0xb4: {  	_ =	strace $0x9000004B  }
0xb5: {  	_ =	sfence  }
0xb6: {  	s30 =	sld [smem:$0x0];
	_ =	sdelay $0x2  }
0xb7: {  	s31 =	sshll.u32 s1, $0xD;
	s1 =	sshrl.u32 s1, $0x2  }
0xb8: {  	s3 =	sand.u32 $0x4000, s31;
	s1 =	sadd.s32 s1, s30  }
0xb9: {  	s0 =	sor.u32 s3, s0;
	s1 =	sshll.u32 s1, $0x11  }
0xba: {  	s0 =	sor.u32 s1, s0  }
0xbb: {  	s0 =	sadd.s32 $0x8F2B, s0  }
0xbc: {  	[sflag:s0] =	ssyncadd.remote.s32 $0x1  }
0xbd: {  	_ =	sfence.sel $0xFFFF  }
0xbe: {  	[dreg:$0x0] =	wrdreg $0xFFFFFFFF;
	(pc) =	sbr.abs _section_cstart, $3  }
0xbf: {  	[dreg:$0x1] =	wrdreg $0xFFFFFFFF  }
0xc0: {  	_ =	task.clear_ibuf [dreg:s6], $0x2FFFF;
	_ =	strace $0x9FFFFFFF  }
0xc1: {  	(tm) =	ssettm $0x7FFFFFFF  }
tec
execute0_lowered:
.L_overlay_start_1:
0x0: {  	(tag) =	ssettag $0x1  }
0x1: {  	s0 =	rddreg [dreg:$0x0]  }
0x2: {  	s2 =	simm.s32 $0x0;
	s1 =	srdreg.scid;
	s4 =	stileid.u32  }
0x3: {  	s17 =	simm.s32 $0x9;
	s20 =	simm.s32 $0x80;
	s21 =	simm.s32 $0xC00  }
0x4: {  	s22 =	simm.s32 $0x4C00;
	s29 =	simm.s32 $0x14C00;
	s30 =	simm.s32 $0x1  }
0x5: {  	s31 =	simm.s32 $0x2;
	s28 =	simm.s32 $0x4;
	s18 =	simm.s32 $0x6  }
0x6: {  	s19 =	simm.s32 $0x8;
	[smem:$0x7FF] =	sst s2;
	s1 =	sand.u32 $0x1, s1  }
0x7: {  	s3 =	sadd.s32 $0x159000, s0;
	s6 =	sshll.u32 s4, $0xA;
	s5 =	sshll.u32 s1, $0xE  }
0x8: {  	s4 =	sadd.s32 $0x104E00, s0;
	s1 =	ssub.s32 $0x2, s1;
	s5 =	sor.u32 s6, s5  }
0x9: {  	_ =	strace $0x8000004A;
	s7 =	sshrl.u32 s1, $0x1;
	s6 =	sshrl.u32 s5, $0x3  }
0xa: {  	s5 =	sshll.u32 s5, $0x4;
	s1 =	ssub.s32 s1, s7;
	s6 =	sadd.s32 s6, s0  }
0xb: {  	s0 =	sadd.s32 s5, s0;
	s16 =	smax.u32 s1, $0x1;
	s1 =	simm.s32 $0x7  }
0xc: {  	s5 =	simm.s32 $0x0;
	s23 =	sadd.s32 $0x1AA000, s6;
	s24 =	sadd.s32 $0x1AB000, s6  }
0xd: {  	s25 =	sadd.s32 $0x1A9000, s6;
	s26 =	sadd.s32 $0x1C00, s0;
	s9 =	sadd.s32 $0x2400, s0  }
0xe: {  	s10 =	sadd.s32 $0x2C00, s0;
	s11 =	sadd.s32 $0x3400, s0;
	[dreg:$0x2] =	wrdreg s23  }
0xf: {  	s12 =	sadd.s32 $0x3C00, s0;
	s13 =	sadd.s32 $0x4400, s0;
	[dreg:$0x3] =	wrdreg s24  }
0x10: {  	s14 =	sadd.s32 $0x4C00, s0;
	s15 =	sadd.s32 $0x5400, s0;
	[dreg:$0x4] =	wrdreg s25  }
0x11: {  	s0 =	simm.s32 $0x3;
	[dreg:$0x5] =	wrdreg s26;
	s23 =	simm.s32 $0x8C00  }
0x12: {  	s24 =	simm.s32 $0xCC00;
	s26 =	simm.s32 $0x10C00;
	s25 =	simm.s32 $0x5  }
.LBB2_1:
0x13: {  	s6 =	rddreg [dreg:$0x2]  }
0x14: {  	[tilespmem:s2], [sflag:$0x9] =	stream.linear.gather [hbm4b:s6+s2], $0x400, $0x38;
	[tilespmem:$0x18C00] =	vst v63  }
0x15: {  	_ =	swait.ge [sflag:s17], $0x400  }
0x16: {  	[sflag:s17] =	ssyncset.done $0x0  }
0x17: {  	s7 =	simm.s32 $0x400;
	s8 =	rddreg [dreg:$0x3];
	[sflag:s17] =	ssyncadd.s32 $0xFFFFFC00  }
0x18: {  	[tilespmem:s7], [sflag:$0x9] =	stream.linear.gather [hbm4b:s8+s2], $0x400, $0x38;
	[tilespmem:$0x18C00] =	vst v63  }
0x19: {  	_ =	swait.ge [sflag:s17], $0x400  }
0x1a: {  	[sflag:s17] =	ssyncset.done $0x0  }
0x1b: {  	s8 =	simm.s32 $0x800;
	s6 =	rddreg [dreg:$0x4];
	[sflag:s17] =	ssyncadd.s32 $0xFFFFFC00  }
0x1c: {  	[tilespmem:s8], [sflag:$0x9] =	stream.linear.gather [hbm4b:s6+s2], $0x400, $0x38;
	[tilespmem:$0x18C00] =	vst v63  }
0x1d: {  	_ =	swait.ge [sflag:s17], $0x400  }
0x1e: {  	[sflag:s17] =	ssyncset.done $0x0  }
0x1f: {  	[sflag:s17] =	ssyncadd.s32 $0xFFFFFC00  }
0x20: {  	[tilespmem:s21], [sflag:$0x1] =	stream.indirect.gather [hbm4b:s3+s20], $0x80, s2, s20, $0xb8;
	[tilespmem:$0x18C00] =	vst v63  }
0x21: {  	_ = 	snop  }
0x22: {  	[tilespmem:s22], [sflag:$0x2] =	stream.indirect.gather [hbm4b:s4+s20], $0x80, s7, s20, $0xb8;
	[tilespmem:$0x18C00] =	vst v63  }
0x23: {  	_ = 	snop  }
0x24: {  	[tilespmem:s23], [sflag:$0x3] =	stream.indirect.gather [hbm4b:s3+s20], $0x80, s8, s20, $0xb8;
	[tilespmem:$0x18C00] =	vst v63  }
0x25: {  	_ = 	snop  }
0x26: {  	[tilespmem:s24], [sflag:$0x4] =	stream.indirect.gather [hbm4b:s3+s20], $0x80, s20, s20, $0xb8;
	[tilespmem:$0x18C00] =	vst v63  }
0x27: {  	s7 =	simm.s32 $0x480  }
0x28: {  	[tilespmem:s26], [sflag:$0x5] =	stream.indirect.gather [hbm4b:s4+s20], $0x80, s7, s20, $0xb8;
	[tilespmem:$0x18C00] =	vst v63  }
0x29: {  	s8 =	simm.s32 $0x880  }
0x2a: {  	[tilespmem:s29], [sflag:$0x6] =	stream.indirect.gather [hbm4b:s3+s20], $0x80, s8, s20, $0xb8;
	[tilespmem:$0x18C00] =	vst v63  }
0x2b: {  	_ =	swait.ge [sflag:s30], $0x4000  }
0x2c: {  	[sflag:s30] =	ssyncset.done $0x0  }
0x2d: {  	[sflag:s30] =	ssyncadd.s32 $0xFFFFC000  }
0x2e: {  	_ =	swait.ge [sflag:s31], $0x4000  }
0x2f: {  	[sflag:s31] =	ssyncset.done $0x0  }
0x30: {  	[sflag:s31] =	ssyncadd.s32 $0xFFFFC000  }
0x31: {  	_ =	swait.ge [sflag:s0], $0x4000  }
0x32: {  	[sflag:s0] =	ssyncset.done $0x0  }
0x33: {  	s6 =	simm.s32 $0x0;
	[sflag:s0] =	ssyncadd.s32 $0xFFFFC000  }
0x34: {  	v5 =	vld [tilespmem:s6+$0x8C00]  }
0x35: {  	v4 =	vld [tilespmem:s6+$0x8C10]  }
0x36: {  	v3 =	vld [tilespmem:s6+$0x8C20]  }
0x37: {  	v2 =	vld [tilespmem:s6+$0x8C30]  }
0x38: {  	v1 =	vld [tilespmem:s6+$0x8C40]  }
0x39: {  	v0 =	vld [tilespmem:s6+$0x8C50]  }
0x3a: {  	v12 =	vld [tilespmem:s6+$0x4C00]  }
0x3b: {  	v17 =	vld [tilespmem:s6+$0x4C10]  }
0x3c: {  	v11 =	vld [tilespmem:s6+$0x4C20]  }
0x3d: {  	v10 =	vld [tilespmem:s6+$0x4C30]  }
0x3e: {  	v9 =	vld [tilespmem:s6+$0x4C40]  }
0x3f: {  	v8 =	vld [tilespmem:s6+$0x4C50]  }
0x40: {  	v7 =	vld [tilespmem:s6+$0x4C60]  }
0x41: {  	v6 =	vld [tilespmem:s6+$0x4C70]  }
0x42: {  	v18 =	vld [tilespmem:s6+$0xC00]  }
0x43: {  	v19 =	vld [tilespmem:s6+$0xC10]  }
0x44: {  	v16 =	vld [tilespmem:s6+$0xC20]  }
0x45: {  	v15 =	vld [tilespmem:s6+$0xC30]  }
0x46: {  	v14 =	vld [tilespmem:s6+$0xC40]  }
0x47: {  	v13 =	vld [tilespmem:s6+$0xC50];
	v18 =	vadd.f32 v12, v18  }
0x48: {  	s7 =	simm.s32 $0x200;
	v17 =	vadd.f32 v17, v19;
	v12 =	vld [tilespmem:s6+$0xC60]  }
.LBB2_2:
0x49: {  	p0 =	sne.s32 s7, $0xFE00;
	v5 =	vsub.f32 v18, v5;
	v11 =	vadd.f32 v11, v16;
	v16 =	vld [tilespmem:s6+$0xC70]  }
0x4a: {  	v4 =	vsub.f32 v17, v4;
	v10 =	vadd.f32 v10, v15;
	v15 =	vld [tilespmem:s6+$0x8C60]  }
0x4b: {  	s8 =	sshra.s32 s7, $0x2;
	[tilespmem:s6+$0xC00] =	vst v5;
	v3 =	vsub.f32 v11, v3;
	v9 =	vadd.f32 v9, v14;
	v11 =	vld [tilespmem:s6+$0x8C70]  }
0x4c: {  	v5 =	vld [tilespmem:s8+$0x8C00];
	[tilespmem:s6+$0xC10] =	vst v4;
	v2 =	vsub.f32 v10, v2;
	v8 =	vadd.f32 v8, v13  }
0x4d: {  	v4 =	vld [tilespmem:s8+$0x8C10];
	[tilespmem:s6+$0xC20] =	vst v3;
	v1 =	vsub.f32 v9, v1;
	v7 =	vadd.f32 v7, v12  }
0x4e: {  	v3 =	vld [tilespmem:s8+$0x8C20];
	[tilespmem:s6+$0xC30] =	vst v2;
	v0 =	vsub.f32 v8, v0;
	v6 =	vadd.f32 v6, v16  }
0x4f: {  	v2 =	vld [tilespmem:s8+$0x8C30];
	[tilespmem:s6+$0xC40] =	vst v1;
	v7 =	vsub.f32 v7, v15  }
0x50: {  	v1 =	vld [tilespmem:s8+$0x8C40];
	[tilespmem:s6+$0xC50] =	vst v0;
	v6 =	vsub.f32 v6, v11  }
0x51: {  	v0 =	vld [tilespmem:s8+$0x8C50];
	[tilespmem:s6+$0xC60] =	vst v7  }
0x52: {  	v12 =	vld [tilespmem:s8+$0x4C00];
	[tilespmem:s6+$0xC70] =	vst v6;
	s6 =	smov.u32 s8  }
0x53: {  	v17 =	vld [tilespmem:s6+$0x4C10]  }
0x54: {  	v11 =	vld [tilespmem:s6+$0x4C20]  }
0x55: {  	v10 =	vld [tilespmem:s6+$0x4C30]  }
0x56: {  	v9 =	vld [tilespmem:s6+$0x4C40]  }
0x57: {  	v8 =	vld [tilespmem:s6+$0x4C50]  }
0x58: {  	v7 =	vld [tilespmem:s6+$0x4C60]  }
0x59: {  	v6 =	vld [tilespmem:s6+$0x4C70]  }
0x5a: {  	v13 =	vld [tilespmem:s6+$0xC00]  }
0x5b: {  	v19 =	vld [tilespmem:s6+$0xC10]  }
.Ltmp0:
0x5c: {  	v16 =	vld [tilespmem:s6+$0xC20];
	(pc) =	sbr.rel @p0 .LBB2_2-.Ltmp0, $4  }
0x5d: {  	v15 =	vld [tilespmem:s6+$0xC30]  }
0x5e: {  	v14 =	vld [tilespmem:s6+$0xC40]  }
0x5f: {  	v18 =	vadd.f32 v12, v13;
	v13 =	vld [tilespmem:s6+$0xC50]  }
0x60: {  	s7 =	sadd.s32 $0x200, s7;
	v17 =	vadd.f32 v17, v19;
	v12 =	vld [tilespmem:s6+$0xC60]  }
0x61: {  	v5 =	vsub.f32 v18, v5;
	v18 =	vld [tilespmem:s6+$0xC70];
	v11 =	vadd.f32 v11, v16  }
0x62: {  	v16 =	vld [tilespmem:s6+$0x8C60];
	v4 =	vsub.f32 v17, v4;
	v10 =	vadd.f32 v10, v15  }
0x63: {  	[tilespmem:s6+$0xC00] =	vst v5;
	v3 =	vsub.f32 v11, v3;
	v5 =	vadd.f32 v9, v14;
	v9 =	vld [tilespmem:s6+$0x8C70]  }
0x64: {  	[tilespmem:s6+$0xC10] =	vst v4;
	v2 =	vsub.f32 v10, v2;
	v4 =	vadd.f32 v8, v13  }
0x65: {  	[tilespmem:s6+$0xC20] =	vst v3;
	v1 =	vsub.f32 v5, v1;
	v3 =	vadd.f32 v7, v12  }
0x66: {  	[tilespmem:s6+$0xC30] =	vst v2;
	v0 =	vsub.f32 v4, v0;
	v2 =	vadd.f32 v6, v18  }
0x67: {  	[tilespmem:s6+$0xC40] =	vst v1;
	v1 =	vsub.f32 v3, v16  }
0x68: {  	[tilespmem:s6+$0xC50] =	vst v0;
	v0 =	vsub.f32 v2, v9  }
0x69: {  	[tilespmem:s6+$0xC60] =	vst v1  }
0x6a: {  	s8 =	simm.s32 $0x0;
	s7 =	rddreg [dreg:$0x5];
	[tilespmem:s6+$0xC70] =	vst v0  }
0x6b: {  	[hbm4b:s7+s8] =	stream.linear.scatter [tilespmem:s21], [sflag:$0x7], $0x4000, $0x38;
	[tilespmem:$0x18C00] =	vst v63  }
0x6c: {  	_ =	swait.ge [sflag:s1], $0x4000  }
0x6d: {  	[sflag:s1] =	ssyncset.done $0x0  }
0x6e: {  	s8 =	simm.s32 $0x100;
	[sflag:s1] =	ssyncadd.s32 $0xFFFFC000  }
0x6f: {  	[tilespmem:s21], [sflag:$0x1] =	stream.indirect.gather [hbm4b:s3+s20], $0x80, s8, s20, $0xb8;
	[tilespmem:$0x18C00] =	vst v63  }
0x70: {  	s7 =	simm.s32 $0x500  }
0x71: {  	[tilespmem:s22], [sflag:$0x2] =	stream.indirect.gather [hbm4b:s4+s20], $0x80, s7, s20, $0xb8;
	[tilespmem:$0x18C00] =	vst v63  }
0x72: {  	s8 =	simm.s32 $0x900  }
0x73: {  	[tilespmem:s23], [sflag:$0x3] =	stream.indirect.gather [hbm4b:s3+s20], $0x80, s8, s20, $0xb8;
	[tilespmem:$0x18C00] =	vst v63  }
0x74: {  	_ =	swait.ge [sflag:s28], $0x4000  }
0x75: {  	[sflag:s28] =	ssyncset.done $0x0  }
0x76: {  	[sflag:s28] =	ssyncadd.s32 $0xFFFFC000  }
0x77: {  	_ =	swait.ge [sflag:s25], $0x4000  }
0x78: {  	[sflag:s25] =	ssyncset.done $0x0  }
0x79: {  	[sflag:s25] =	ssyncadd.s32 $0xFFFFC000  }
0x7a: {  	_ =	swait.ge [sflag:s18], $0x4000  }
0x7b: {  	[sflag:s18] =	ssyncset.done $0x0  }
0x7c: {  	s6 =	simm.s32 $0x0;
	[sflag:s18] =	ssyncadd.s32 $0xFFFFC000  }
0x7d: {  	v5 =	vld [tilespmem:s6+$0x14C00]  }
0x7e: {  	v4 =	vld [tilespmem:s6+$0x14C10]  }
0x7f: {  	v3 =	vld [tilespmem:s6+$0x14C20]  }
0x80: {  	v2 =	vld [tilespmem:s6+$0x14C30]  }
0x81: {  	v1 =	vld [tilespmem:s6+$0x14C40]  }
0x82: {  	v0 =	vld [tilespmem:s6+$0x14C50]  }
0x83: {  	v12 =	vld [tilespmem:s6+$0x10C00]  }
0x84: {  	v17 =	vld [tilespmem:s6+$0x10C10]  }
0x85: {  	v11 =	vld [tilespmem:s6+$0x10C20]  }
0x86: {  	v10 =	vld [tilespmem:s6+$0x10C30]  }
0x87: {  	v9 =	vld [tilespmem:s6+$0x10C40]  }
0x88: {  	v8 =	vld [tilespmem:s6+$0x10C50]  }
0x89: {  	v7 =	vld [tilespmem:s6+$0x10C60]  }
0x8a: {  	v6 =	vld [tilespmem:s6+$0x10C70]  }
0x8b: {  	v18 =	vld [tilespmem:s6+$0xCC00]  }
0x8c: {  	v19 =	vld [tilespmem:s6+$0xCC10]  }
0x8d: {  	v16 =	vld [tilespmem:s6+$0xCC20]  }
0x8e: {  	v15 =	vld [tilespmem:s6+$0xCC30]  }
0x8f: {  	v14 =	vld [tilespmem:s6+$0xCC40]  }
0x90: {  	v13 =	vld [tilespmem:s6+$0xCC50];
	v18 =	vadd.f32 v12, v18  }
0x91: {  	s7 =	simm.s32 $0x200;
	v17 =	vadd.f32 v17, v19;
	v12 =	vld [tilespmem:s6+$0xCC60]  }
.LBB2_4:
0x92: {  	p0 =	sne.s32 s7, $0xFE00;
	v5 =	vsub.f32 v18, v5;
	v11 =	vadd.f32 v11, v16;
	v16 =	vld [tilespmem:s6+$0xCC70]  }
0x93: {  	v4 =	vsub.f32 v17, v4;
	v10 =	vadd.f32 v10, v15;
	v15 =	vld [tilespmem:s6+$0x14C60]  }
0x94: {  	s8 =	sshra.s32 s7, $0x2;
	[tilespmem:s6+$0xCC00] =	vst v5;
	v3 =	vsub.f32 v11, v3;
	v9 =	vadd.f32 v9, v14;
	v11 =	vld [tilespmem:s6+$0x14C70]  }
0x95: {  	v5 =	vld [tilespmem:s8+$0x14C00];
	[tilespmem:s6+$0xCC10] =	vst v4;
	v2 =	vsub.f32 v10, v2;
	v8 =	vadd.f32 v8, v13  }
0x96: {  	v4 =	vld [tilespmem:s8+$0x14C10];
	[tilespmem:s6+$0xCC20] =	vst v3;
	v1 =	vsub.f32 v9, v1;
	v7 =	vadd.f32 v7, v12  }
0x97: {  	v3 =	vld [tilespmem:s8+$0x14C20];
	[tilespmem:s6+$0xCC30] =	vst v2;
	v0 =	vsub.f32 v8, v0;
	v6 =	vadd.f32 v6, v16  }
0x98: {  	v2 =	vld [tilespmem:s8+$0x14C30];
	[tilespmem:s6+$0xCC40] =	vst v1;
	v7 =	vsub.f32 v7, v15  }
0x99: {  	v1 =	vld [tilespmem:s8+$0x14C40];
	[tilespmem:s6+$0xCC50] =	vst v0;
	v6 =	vsub.f32 v6, v11  }
0x9a: {  	v0 =	vld [tilespmem:s8+$0x14C50];
	[tilespmem:s6+$0xCC60] =	vst v7  }
0x9b: {  	v12 =	vld [tilespmem:s8+$0x10C00];
	[tilespmem:s6+$0xCC70] =	vst v6;
	s6 =	smov.u32 s8  }
0x9c: {  	v17 =	vld [tilespmem:s6+$0x10C10]  }
0x9d: {  	v11 =	vld [tilespmem:s6+$0x10C20]  }
0x9e: {  	v10 =	vld [tilespmem:s6+$0x10C30]  }
0x9f: {  	v9 =	vld [tilespmem:s6+$0x10C40]  }
0xa0: {  	v8 =	vld [tilespmem:s6+$0x10C50]  }
0xa1: {  	v7 =	vld [tilespmem:s6+$0x10C60]  }
0xa2: {  	v6 =	vld [tilespmem:s6+$0x10C70]  }
0xa3: {  	v13 =	vld [tilespmem:s6+$0xCC00]  }
0xa4: {  	v19 =	vld [tilespmem:s6+$0xCC10]  }
.Ltmp1:
0xa5: {  	v16 =	vld [tilespmem:s6+$0xCC20];
	(pc) =	sbr.rel @p0 .LBB2_4-.Ltmp1, $4  }
0xa6: {  	v15 =	vld [tilespmem:s6+$0xCC30]  }
0xa7: {  	v14 =	vld [tilespmem:s6+$0xCC40]  }
0xa8: {  	v18 =	vadd.f32 v12, v13;
	v13 =	vld [tilespmem:s6+$0xCC50]  }
0xa9: {  	s7 =	sadd.s32 $0x200, s7;
	v17 =	vadd.f32 v17, v19;
	v12 =	vld [tilespmem:s6+$0xCC60]  }
0xaa: {  	v5 =	vsub.f32 v18, v5;
	v18 =	vld [tilespmem:s6+$0xCC70];
	v11 =	vadd.f32 v11, v16  }
0xab: {  	v16 =	vld [tilespmem:s6+$0x14C60];
	v4 =	vsub.f32 v17, v4;
	v10 =	vadd.f32 v10, v15  }
0xac: {  	[tilespmem:s6+$0xCC00] =	vst v5;
	v3 =	vsub.f32 v11, v3;
	v5 =	vadd.f32 v9, v14;
	v9 =	vld [tilespmem:s6+$0x14C70]  }
0xad: {  	[tilespmem:s6+$0xCC10] =	vst v4;
	v2 =	vsub.f32 v10, v2;
	v4 =	vadd.f32 v8, v13  }
0xae: {  	[tilespmem:s6+$0xCC20] =	vst v3;
	v1 =	vsub.f32 v5, v1;
	v3 =	vadd.f32 v7, v12  }
0xaf: {  	[tilespmem:s6+$0xCC30] =	vst v2;
	v0 =	vsub.f32 v4, v0;
	v2 =	vadd.f32 v6, v18  }
0xb0: {  	[tilespmem:s6+$0xCC40] =	vst v1;
	v1 =	vsub.f32 v3, v16  }
0xb1: {  	[tilespmem:s6+$0xCC50] =	vst v0;
	v0 =	vsub.f32 v2, v9  }
0xb2: {  	[tilespmem:s6+$0xCC60] =	vst v1  }
0xb3: {  	s7 =	simm.s32 $0x0;
	[tilespmem:s6+$0xCC70] =	vst v0  }
0xb4: {  	[hbm4b:s9+s7] =	stream.linear.scatter [tilespmem:s24], [sflag:$0x8], $0x4000, $0x38;
	[tilespmem:$0x18C00] =	vst v63  }
0xb5: {  	_ =	swait.ge [sflag:s19], $0x4000  }
0xb6: {  	[sflag:s19] =	ssyncset.done $0x0  }
0xb7: {  	s8 =	simm.s32 $0x180;
	[sflag:s19] =	ssyncadd.s32 $0xFFFFC000  }
0xb8: {  	[tilespmem:s24], [sflag:$0x4] =	stream.indirect.gather [hbm4b:s3+s20], $0x80, s8, s20, $0xb8;
	[tilespmem:$0x18C00] =	vst v63  }
0xb9: {  	s7 =	simm.s32 $0x580  }
0xba: {  	[tilespmem:s26], [sflag:$0x5] =	stream.indirect.gather [hbm4b:s4+s20], $0x80, s7, s20, $0xb8;
	[tilespmem:$0x18C00] =	vst v63  }
0xbb: {  	s8 =	simm.s32 $0x980  }
0xbc: {  	[tilespmem:s29], [sflag:$0x6] =	stream.indirect.gather [hbm4b:s3+s20], $0x80, s8, s20, $0xb8;
	[tilespmem:$0x18C00] =	vst v63  }
0xbd: {  	_ =	swait.ge [sflag:s30], $0x4000  }
0xbe: {  	[sflag:s30] =	ssyncset.done $0x0  }
0xbf: {  	[sflag:s30] =	ssyncadd.s32 $0xFFFFC000  }
0xc0: {  	_ =	swait.ge [sflag:s31], $0x4000  }
0xc1: {  	[sflag:s31] =	ssyncset.done $0x0  }
0xc2: {  	[sflag:s31] =	ssyncadd.s32 $0xFFFFC000  }
0xc3: {  	_ =	swait.ge [sflag:s0], $0x4000  }
0xc4: {  	[sflag:s0] =	ssyncset.done $0x0  }
0xc5: {  	s6 =	simm.s32 $0x0;
	[sflag:s0] =	ssyncadd.s32 $0xFFFFC000  }
0xc6: {  	v5 =	vld [tilespmem:s6+$0x8C00]  }
0xc7: {  	v4 =	vld [tilespmem:s6+$0x8C10]  }
0xc8: {  	v3 =	vld [tilespmem:s6+$0x8C20]  }
0xc9: {  	v2 =	vld [tilespmem:s6+$0x8C30]  }
0xca: {  	v1 =	vld [tilespmem:s6+$0x8C40]  }
0xcb: {  	v0 =	vld [tilespmem:s6+$0x8C50]  }
0xcc: {  	v12 =	vld [tilespmem:s6+$0x4C00]  }
0xcd: {  	v17 =	vld [tilespmem:s6+$0x4C10]  }
0xce: {  	v11 =	vld [tilespmem:s6+$0x4C20]  }
0xcf: {  	v10 =	vld [tilespmem:s6+$0x4C30]  }
0xd0: {  	v9 =	vld [tilespmem:s6+$0x4C40]  }
0xd1: {  	v8 =	vld [tilespmem:s6+$0x4C50]  }
0xd2: {  	v7 =	vld [tilespmem:s6+$0x4C60]  }
0xd3: {  	v6 =	vld [tilespmem:s6+$0x4C70]  }
0xd4: {  	v18 =	vld [tilespmem:s6+$0xC00]  }
0xd5: {  	v19 =	vld [tilespmem:s6+$0xC10]  }
0xd6: {  	v16 =	vld [tilespmem:s6+$0xC20]  }
0xd7: {  	v15 =	vld [tilespmem:s6+$0xC30]  }
0xd8: {  	v14 =	vld [tilespmem:s6+$0xC40]  }
0xd9: {  	v13 =	vld [tilespmem:s6+$0xC50];
	v18 =	vadd.f32 v12, v18  }
0xda: {  	s7 =	simm.s32 $0x200;
	v17 =	vadd.f32 v17, v19;
	v12 =	vld [tilespmem:s6+$0xC60]  }
.LBB2_6:
0xdb: {  	p0 =	sne.s32 s7, $0xFE00;
	v5 =	vsub.f32 v18, v5;
	v11 =	vadd.f32 v11, v16;
	v16 =	vld [tilespmem:s6+$0xC70]  }
0xdc: {  	v4 =	vsub.f32 v17, v4;
	v10 =	vadd.f32 v10, v15;
	v15 =	vld [tilespmem:s6+$0x8C60]  }
0xdd: {  	s8 =	sshra.s32 s7, $0x2;
	[tilespmem:s6+$0xC00] =	vst v5;
	v3 =	vsub.f32 v11, v3;
	v9 =	vadd.f32 v9, v14;
	v11 =	vld [tilespmem:s6+$0x8C70]  }
0xde: {  	v5 =	vld [tilespmem:s8+$0x8C00];
	[tilespmem:s6+$0xC10] =	vst v4;
	v2 =	vsub.f32 v10, v2;
	v8 =	vadd.f32 v8, v13  }
0xdf: {  	v4 =	vld [tilespmem:s8+$0x8C10];
	[tilespmem:s6+$0xC20] =	vst v3;
	v1 =	vsub.f32 v9, v1;
	v7 =	vadd.f32 v7, v12  }
0xe0: {  	v3 =	vld [tilespmem:s8+$0x8C20];
	[tilespmem:s6+$0xC30] =	vst v2;
	v0 =	vsub.f32 v8, v0;
	v6 =	vadd.f32 v6, v16  }
0xe1: {  	v2 =	vld [tilespmem:s8+$0x8C30];
	[tilespmem:s6+$0xC40] =	vst v1;
	v7 =	vsub.f32 v7, v15  }
0xe2: {  	v1 =	vld [tilespmem:s8+$0x8C40];
	[tilespmem:s6+$0xC50] =	vst v0;
	v6 =	vsub.f32 v6, v11  }
0xe3: {  	v0 =	vld [tilespmem:s8+$0x8C50];
	[tilespmem:s6+$0xC60] =	vst v7  }
0xe4: {  	v12 =	vld [tilespmem:s8+$0x4C00];
	[tilespmem:s6+$0xC70] =	vst v6;
	s6 =	smov.u32 s8  }
0xe5: {  	v17 =	vld [tilespmem:s6+$0x4C10]  }
0xe6: {  	v11 =	vld [tilespmem:s6+$0x4C20]  }
0xe7: {  	v10 =	vld [tilespmem:s6+$0x4C30]  }
0xe8: {  	v9 =	vld [tilespmem:s6+$0x4C40]  }
0xe9: {  	v8 =	vld [tilespmem:s6+$0x4C50]  }
0xea: {  	v7 =	vld [tilespmem:s6+$0x4C60]  }
0xeb: {  	v6 =	vld [tilespmem:s6+$0x4C70]  }
0xec: {  	v13 =	vld [tilespmem:s6+$0xC00]  }
0xed: {  	v19 =	vld [tilespmem:s6+$0xC10]  }
.Ltmp2:
0xee: {  	v16 =	vld [tilespmem:s6+$0xC20];
	(pc) =	sbr.rel @p0 .LBB2_6-.Ltmp2, $4  }
0xef: {  	v15 =	vld [tilespmem:s6+$0xC30]  }
0xf0: {  	v14 =	vld [tilespmem:s6+$0xC40]  }
0xf1: {  	v18 =	vadd.f32 v12, v13;
	v13 =	vld [tilespmem:s6+$0xC50]  }
0xf2: {  	s7 =	sadd.s32 $0x200, s7;
	v17 =	vadd.f32 v17, v19;
	v12 =	vld [tilespmem:s6+$0xC60]  }
0xf3: {  	v5 =	vsub.f32 v18, v5;
	v18 =	vld [tilespmem:s6+$0xC70];
	v11 =	vadd.f32 v11, v16  }
0xf4: {  	v16 =	vld [tilespmem:s6+$0x8C60];
	v4 =	vsub.f32 v17, v4;
	v10 =	vadd.f32 v10, v15  }
0xf5: {  	[tilespmem:s6+$0xC00] =	vst v5;
	v3 =	vsub.f32 v11, v3;
	v5 =	vadd.f32 v9, v14;
	v9 =	vld [tilespmem:s6+$0x8C70]  }
0xf6: {  	[tilespmem:s6+$0xC10] =	vst v4;
	v2 =	vsub.f32 v10, v2;
	v4 =	vadd.f32 v8, v13  }
0xf7: {  	[tilespmem:s6+$0xC20] =	vst v3;
	v1 =	vsub.f32 v5, v1;
	v3 =	vadd.f32 v7, v12  }
0xf8: {  	[tilespmem:s6+$0xC30] =	vst v2;
	v0 =	vsub.f32 v4, v0;
	v2 =	vadd.f32 v6, v18  }
0xf9: {  	[tilespmem:s6+$0xC40] =	vst v1;
	v1 =	vsub.f32 v3, v16  }
0xfa: {  	[tilespmem:s6+$0xC50] =	vst v0;
	v0 =	vsub.f32 v2, v9  }
0xfb: {  	[tilespmem:s6+$0xC60] =	vst v1  }
0xfc: {  	s7 =	simm.s32 $0x0;
	[tilespmem:s6+$0xC70] =	vst v0  }
0xfd: {  	[hbm4b:s10+s7] =	stream.linear.scatter [tilespmem:s21], [sflag:$0x7], $0x4000, $0x38;
	[tilespmem:$0x18C00] =	vst v63  }
0xfe: {  	_ =	swait.ge [sflag:s1], $0x4000  }
0xff: {  	[sflag:s1] =	ssyncset.done $0x0  }
0x100: {  	s8 =	simm.s32 $0x200;
	[sflag:s1] =	ssyncadd.s32 $0xFFFFC000  }
0x101: {  	[tilespmem:s21], [sflag:$0x1] =	stream.indirect.gather [hbm4b:s3+s20], $0x80, s8, s20, $0xb8;
	[tilespmem:$0x18C00] =	vst v63  }
0x102: {  	s7 =	simm.s32 $0x600  }
0x103: {  	[tilespmem:s22], [sflag:$0x2] =	stream.indirect.gather [hbm4b:s4+s20], $0x80, s7, s20, $0xb8;
	[tilespmem:$0x18C00] =	vst v63  }
0x104: {  	s8 =	simm.s32 $0xA00  }
0x105: {  	[tilespmem:s23], [sflag:$0x3] =	stream.indirect.gather [hbm4b:s3+s20], $0x80, s8, s20, $0xb8;
	[tilespmem:$0x18C00] =	vst v63  }
0x106: {  	_ =	swait.ge [sflag:s28], $0x4000  }
0x107: {  	[sflag:s28] =	ssyncset.done $0x0  }
0x108: {  	[sflag:s28] =	ssyncadd.s32 $0xFFFFC000  }
0x109: {  	_ =	swait.ge [sflag:s25], $0x4000  }
0x10a: {  	[sflag:s25] =	ssyncset.done $0x0  }
0x10b: {  	[sflag:s25] =	ssyncadd.s32 $0xFFFFC000  }
0x10c: {  	_ =	swait.ge [sflag:s18], $0x4000  }
0x10d: {  	[sflag:s18] =	ssyncset.done $0x0  }
0x10e: {  	s6 =	simm.s32 $0x0;
	[sflag:s18] =	ssyncadd.s32 $0xFFFFC000  }
0x10f: {  	v5 =	vld [tilespmem:s6+$0x14C00]  }
0x110: {  	v4 =	vld [tilespmem:s6+$0x14C10]  }
0x111: {  	v3 =	vld [tilespmem:s6+$0x14C20]  }
0x112: {  	v2 =	vld [tilespmem:s6+$0x14C30]  }
0x113: {  	v1 =	vld [tilespmem:s6+$0x14C40]  }
0x114: {  	v0 =	vld [tilespmem:s6+$0x14C50]  }
0x115: {  	v12 =	vld [tilespmem:s6+$0x10C00]  }
0x116: {  	v17 =	vld [tilespmem:s6+$0x10C10]  }
0x117: {  	v11 =	vld [tilespmem:s6+$0x10C20]  }
0x118: {  	v10 =	vld [tilespmem:s6+$0x10C30]  }
0x119: {  	v9 =	vld [tilespmem:s6+$0x10C40]  }
0x11a: {  	v8 =	vld [tilespmem:s6+$0x10C50]  }
0x11b: {  	v7 =	vld [tilespmem:s6+$0x10C60]  }
0x11c: {  	v6 =	vld [tilespmem:s6+$0x10C70]  }
0x11d: {  	v18 =	vld [tilespmem:s6+$0xCC00]  }
0x11e: {  	v19 =	vld [tilespmem:s6+$0xCC10]  }
0x11f: {  	v16 =	vld [tilespmem:s6+$0xCC20]  }
0x120: {  	v15 =	vld [tilespmem:s6+$0xCC30]  }
0x121: {  	v14 =	vld [tilespmem:s6+$0xCC40]  }
0x122: {  	v13 =	vld [tilespmem:s6+$0xCC50];
	v18 =	vadd.f32 v12, v18  }
0x123: {  	s7 =	simm.s32 $0x200;
	v17 =	vadd.f32 v17, v19;
	v12 =	vld [tilespmem:s6+$0xCC60]  }
.LBB2_8:
0x124: {  	p0 =	sne.s32 s7, $0xFE00;
	v5 =	vsub.f32 v18, v5;
	v11 =	vadd.f32 v11, v16;
	v16 =	vld [tilespmem:s6+$0xCC70]  }
0x125: {  	v4 =	vsub.f32 v17, v4;
	v10 =	vadd.f32 v10, v15;
	v15 =	vld [tilespmem:s6+$0x14C60]  }
0x126: {  	s8 =	sshra.s32 s7, $0x2;
	[tilespmem:s6+$0xCC00] =	vst v5;
	v3 =	vsub.f32 v11, v3;
	v9 =	vadd.f32 v9, v14;
	v11 =	vld [tilespmem:s6+$0x14C70]  }
0x127: {  	v5 =	vld [tilespmem:s8+$0x14C00];
	[tilespmem:s6+$0xCC10] =	vst v4;
	v2 =	vsub.f32 v10, v2;
	v8 =	vadd.f32 v8, v13  }
0x128: {  	v4 =	vld [tilespmem:s8+$0x14C10];
	[tilespmem:s6+$0xCC20] =	vst v3;
	v1 =	vsub.f32 v9, v1;
	v7 =	vadd.f32 v7, v12  }
0x129: {  	v3 =	vld [tilespmem:s8+$0x14C20];
	[tilespmem:s6+$0xCC30] =	vst v2;
	v0 =	vsub.f32 v8, v0;
	v6 =	vadd.f32 v6, v16  }
0x12a: {  	v2 =	vld [tilespmem:s8+$0x14C30];
	[tilespmem:s6+$0xCC40] =	vst v1;
	v7 =	vsub.f32 v7, v15  }
0x12b: {  	v1 =	vld [tilespmem:s8+$0x14C40];
	[tilespmem:s6+$0xCC50] =	vst v0;
	v6 =	vsub.f32 v6, v11  }
0x12c: {  	v0 =	vld [tilespmem:s8+$0x14C50];
	[tilespmem:s6+$0xCC60] =	vst v7  }
0x12d: {  	v12 =	vld [tilespmem:s8+$0x10C00];
	[tilespmem:s6+$0xCC70] =	vst v6;
	s6 =	smov.u32 s8  }
0x12e: {  	v17 =	vld [tilespmem:s6+$0x10C10]  }
0x12f: {  	v11 =	vld [tilespmem:s6+$0x10C20]  }
0x130: {  	v10 =	vld [tilespmem:s6+$0x10C30]  }
0x131: {  	v9 =	vld [tilespmem:s6+$0x10C40]  }
0x132: {  	v8 =	vld [tilespmem:s6+$0x10C50]  }
0x133: {  	v7 =	vld [tilespmem:s6+$0x10C60]  }
0x134: {  	v6 =	vld [tilespmem:s6+$0x10C70]  }
0x135: {  	v13 =	vld [tilespmem:s6+$0xCC00]  }
0x136: {  	v19 =	vld [tilespmem:s6+$0xCC10]  }
.Ltmp3:
0x137: {  	v16 =	vld [tilespmem:s6+$0xCC20];
	(pc) =	sbr.rel @p0 .LBB2_8-.Ltmp3, $4  }
0x138: {  	v15 =	vld [tilespmem:s6+$0xCC30]  }
0x139: {  	v14 =	vld [tilespmem:s6+$0xCC40]  }
0x13a: {  	v18 =	vadd.f32 v12, v13;
	v13 =	vld [tilespmem:s6+$0xCC50]  }
0x13b: {  	s7 =	sadd.s32 $0x200, s7;
	v17 =	vadd.f32 v17, v19;
	v12 =	vld [tilespmem:s6+$0xCC60]  }
0x13c: {  	v5 =	vsub.f32 v18, v5;
	v18 =	vld [tilespmem:s6+$0xCC70];
	v11 =	vadd.f32 v11, v16  }
0x13d: {  	v16 =	vld [tilespmem:s6+$0x14C60];
	v4 =	vsub.f32 v17, v4;
	v10 =	vadd.f32 v10, v15  }
0x13e: {  	[tilespmem:s6+$0xCC00] =	vst v5;
	v3 =	vsub.f32 v11, v3;
	v5 =	vadd.f32 v9, v14;
	v9 =	vld [tilespmem:s6+$0x14C70]  }
0x13f: {  	[tilespmem:s6+$0xCC10] =	vst v4;
	v2 =	vsub.f32 v10, v2;
	v4 =	vadd.f32 v8, v13  }
0x140: {  	[tilespmem:s6+$0xCC20] =	vst v3;
	v1 =	vsub.f32 v5, v1;
	v3 =	vadd.f32 v7, v12  }
0x141: {  	[tilespmem:s6+$0xCC30] =	vst v2;
	v0 =	vsub.f32 v4, v0;
	v2 =	vadd.f32 v6, v18  }
0x142: {  	[tilespmem:s6+$0xCC40] =	vst v1;
	v1 =	vsub.f32 v3, v16  }
0x143: {  	[tilespmem:s6+$0xCC50] =	vst v0;
	v0 =	vsub.f32 v2, v9  }
0x144: {  	[tilespmem:s6+$0xCC60] =	vst v1  }
0x145: {  	s7 =	simm.s32 $0x0;
	[tilespmem:s6+$0xCC70] =	vst v0  }
0x146: {  	[hbm4b:s11+s7] =	stream.linear.scatter [tilespmem:s24], [sflag:$0x8], $0x4000, $0x38;
	[tilespmem:$0x18C00] =	vst v63  }
0x147: {  	_ =	swait.ge [sflag:s19], $0x4000  }
0x148: {  	[sflag:s19] =	ssyncset.done $0x0  }
0x149: {  	s8 =	simm.s32 $0x280;
	[sflag:s19] =	ssyncadd.s32 $0xFFFFC000  }
0x14a: {  	[tilespmem:s24], [sflag:$0x4] =	stream.indirect.gather [hbm4b:s3+s20], $0x80, s8, s20, $0xb8;
	[tilespmem:$0x18C00] =	vst v63  }
0x14b: {  	s7 =	simm.s32 $0x680  }
0x14c: {  	[tilespmem:s26], [sflag:$0x5] =	stream.indirect.gather [hbm4b:s4+s20], $0x80, s7, s20, $0xb8;
	[tilespmem:$0x18C00] =	vst v63  }
0x14d: {  	s8 =	simm.s32 $0xA80  }
0x14e: {  	[tilespmem:s29], [sflag:$0x6] =	stream.indirect.gather [hbm4b:s3+s20], $0x80, s8, s20, $0xb8;
	[tilespmem:$0x18C00] =	vst v63  }
0x14f: {  	_ =	swait.ge [sflag:s30], $0x4000  }
0x150: {  	[sflag:s30] =	ssyncset.done $0x0  }
0x151: {  	[sflag:s30] =	ssyncadd.s32 $0xFFFFC000  }
0x152: {  	_ =	swait.ge [sflag:s31], $0x4000  }
0x153: {  	[sflag:s31] =	ssyncset.done $0x0  }
0x154: {  	[sflag:s31] =	ssyncadd.s32 $0xFFFFC000  }
0x155: {  	_ =	swait.ge [sflag:s0], $0x4000  }
0x156: {  	[sflag:s0] =	ssyncset.done $0x0  }
0x157: {  	s6 =	simm.s32 $0x0;
	[sflag:s0] =	ssyncadd.s32 $0xFFFFC000  }
0x158: {  	v5 =	vld [tilespmem:s6+$0x8C00]  }
0x159: {  	v4 =	vld [tilespmem:s6+$0x8C10]  }
0x15a: {  	v3 =	vld [tilespmem:s6+$0x8C20]  }
0x15b: {  	v2 =	vld [tilespmem:s6+$0x8C30]  }
0x15c: {  	v1 =	vld [tilespmem:s6+$0x8C40]  }
0x15d: {  	v0 =	vld [tilespmem:s6+$0x8C50]  }
0x15e: {  	v12 =	vld [tilespmem:s6+$0x4C00]  }
0x15f: {  	v17 =	vld [tilespmem:s6+$0x4C10]  }
0x160: {  	v11 =	vld [tilespmem:s6+$0x4C20]  }
0x161: {  	v10 =	vld [tilespmem:s6+$0x4C30]  }
0x162: {  	v9 =	vld [tilespmem:s6+$0x4C40]  }
0x163: {  	v8 =	vld [tilespmem:s6+$0x4C50]  }
0x164: {  	v7 =	vld [tilespmem:s6+$0x4C60]  }
0x165: {  	v6 =	vld [tilespmem:s6+$0x4C70]  }
0x166: {  	v18 =	vld [tilespmem:s6+$0xC00]  }
0x167: {  	v19 =	vld [tilespmem:s6+$0xC10]  }
0x168: {  	v16 =	vld [tilespmem:s6+$0xC20]  }
0x169: {  	v15 =	vld [tilespmem:s6+$0xC30]  }
0x16a: {  	v14 =	vld [tilespmem:s6+$0xC40]  }
0x16b: {  	v13 =	vld [tilespmem:s6+$0xC50];
	v18 =	vadd.f32 v12, v18  }
0x16c: {  	s7 =	simm.s32 $0x200;
	v17 =	vadd.f32 v17, v19;
	v12 =	vld [tilespmem:s6+$0xC60]  }
.LBB2_10:
0x16d: {  	p0 =	sne.s32 s7, $0xFE00;
	v5 =	vsub.f32 v18, v5;
	v11 =	vadd.f32 v11, v16;
	v16 =	vld [tilespmem:s6+$0xC70]  }
0x16e: {  	v4 =	vsub.f32 v17, v4;
	v10 =	vadd.f32 v10, v15;
	v15 =	vld [tilespmem:s6+$0x8C60]  }
0x16f: {  	s8 =	sshra.s32 s7, $0x2;
	[tilespmem:s6+$0xC00] =	vst v5;
	v3 =	vsub.f32 v11, v3;
	v9 =	vadd.f32 v9, v14;
	v11 =	vld [tilespmem:s6+$0x8C70]  }
0x170: {  	v5 =	vld [tilespmem:s8+$0x8C00];
	[tilespmem:s6+$0xC10] =	vst v4;
	v2 =	vsub.f32 v10, v2;
	v8 =	vadd.f32 v8, v13  }
0x171: {  	v4 =	vld [tilespmem:s8+$0x8C10];
	[tilespmem:s6+$0xC20] =	vst v3;
	v1 =	vsub.f32 v9, v1;
	v7 =	vadd.f32 v7, v12  }
0x172: {  	v3 =	vld [tilespmem:s8+$0x8C20];
	[tilespmem:s6+$0xC30] =	vst v2;
	v0 =	vsub.f32 v8, v0;
	v6 =	vadd.f32 v6, v16  }
0x173: {  	v2 =	vld [tilespmem:s8+$0x8C30];
	[tilespmem:s6+$0xC40] =	vst v1;
	v7 =	vsub.f32 v7, v15  }
0x174: {  	v1 =	vld [tilespmem:s8+$0x8C40];
	[tilespmem:s6+$0xC50] =	vst v0;
	v6 =	vsub.f32 v6, v11  }
0x175: {  	v0 =	vld [tilespmem:s8+$0x8C50];
	[tilespmem:s6+$0xC60] =	vst v7  }
0x176: {  	v12 =	vld [tilespmem:s8+$0x4C00];
	[tilespmem:s6+$0xC70] =	vst v6;
	s6 =	smov.u32 s8  }
0x177: {  	v17 =	vld [tilespmem:s6+$0x4C10]  }
0x178: {  	v11 =	vld [tilespmem:s6+$0x4C20]  }
0x179: {  	v10 =	vld [tilespmem:s6+$0x4C30]  }
0x17a: {  	v9 =	vld [tilespmem:s6+$0x4C40]  }
0x17b: {  	v8 =	vld [tilespmem:s6+$0x4C50]  }
0x17c: {  	v7 =	vld [tilespmem:s6+$0x4C60]  }
0x17d: {  	v6 =	vld [tilespmem:s6+$0x4C70]  }
0x17e: {  	v13 =	vld [tilespmem:s6+$0xC00]  }
0x17f: {  	v19 =	vld [tilespmem:s6+$0xC10]  }
.Ltmp4:
0x180: {  	v16 =	vld [tilespmem:s6+$0xC20];
	(pc) =	sbr.rel @p0 .LBB2_10-.Ltmp4, $4  }
0x181: {  	v15 =	vld [tilespmem:s6+$0xC30]  }
0x182: {  	v14 =	vld [tilespmem:s6+$0xC40]  }
0x183: {  	v18 =	vadd.f32 v12, v13;
	v13 =	vld [tilespmem:s6+$0xC50]  }
0x184: {  	s7 =	sadd.s32 $0x200, s7;
	v17 =	vadd.f32 v17, v19;
	v12 =	vld [tilespmem:s6+$0xC60]  }
0x185: {  	v5 =	vsub.f32 v18, v5;
	v18 =	vld [tilespmem:s6+$0xC70];
	v11 =	vadd.f32 v11, v16  }
0x186: {  	v16 =	vld [tilespmem:s6+$0x8C60];
	v4 =	vsub.f32 v17, v4;
	v10 =	vadd.f32 v10, v15  }
0x187: {  	[tilespmem:s6+$0xC00] =	vst v5;
	v3 =	vsub.f32 v11, v3;
	v5 =	vadd.f32 v9, v14;
	v9 =	vld [tilespmem:s6+$0x8C70]  }
0x188: {  	[tilespmem:s6+$0xC10] =	vst v4;
	v2 =	vsub.f32 v10, v2;
	v4 =	vadd.f32 v8, v13  }
0x189: {  	[tilespmem:s6+$0xC20] =	vst v3;
	v1 =	vsub.f32 v5, v1;
	v3 =	vadd.f32 v7, v12  }
0x18a: {  	[tilespmem:s6+$0xC30] =	vst v2;
	v0 =	vsub.f32 v4, v0;
	v2 =	vadd.f32 v6, v18  }
0x18b: {  	[tilespmem:s6+$0xC40] =	vst v1;
	v1 =	vsub.f32 v3, v16  }
0x18c: {  	[tilespmem:s6+$0xC50] =	vst v0;
	v0 =	vsub.f32 v2, v9  }
0x18d: {  	[tilespmem:s6+$0xC60] =	vst v1  }
0x18e: {  	s7 =	simm.s32 $0x0;
	[tilespmem:s6+$0xC70] =	vst v0  }
0x18f: {  	[hbm4b:s12+s7] =	stream.linear.scatter [tilespmem:s21], [sflag:$0x7], $0x4000, $0x38;
	[tilespmem:$0x18C00] =	vst v63  }
0x190: {  	_ =	swait.ge [sflag:s1], $0x4000  }
0x191: {  	[sflag:s1] =	ssyncset.done $0x0  }
0x192: {  	s8 =	simm.s32 $0x300;
	[sflag:s1] =	ssyncadd.s32 $0xFFFFC000  }
0x193: {  	[tilespmem:s21], [sflag:$0x1] =	stream.indirect.gather [hbm4b:s3+s20], $0x80, s8, s20, $0xb8;
	[tilespmem:$0x18C00] =	vst v63  }
0x194: {  	s7 =	simm.s32 $0x700  }
0x195: {  	[tilespmem:s22], [sflag:$0x2] =	stream.indirect.gather [hbm4b:s4+s20], $0x80, s7, s20, $0xb8;
	[tilespmem:$0x18C00] =	vst v63  }
0x196: {  	s8 =	simm.s32 $0xB00  }
0x197: {  	[tilespmem:s23], [sflag:$0x3] =	stream.indirect.gather [hbm4b:s3+s20], $0x80, s8, s20, $0xb8;
	[tilespmem:$0x18C00] =	vst v63  }
0x198: {  	_ =	swait.ge [sflag:s28], $0x4000  }
0x199: {  	[sflag:s28] =	ssyncset.done $0x0  }
0x19a: {  	[sflag:s28] =	ssyncadd.s32 $0xFFFFC000  }
0x19b: {  	_ =	swait.ge [sflag:s25], $0x4000  }
0x19c: {  	[sflag:s25] =	ssyncset.done $0x0  }
0x19d: {  	[sflag:s25] =	ssyncadd.s32 $0xFFFFC000  }
0x19e: {  	_ =	swait.ge [sflag:s18], $0x4000  }
0x19f: {  	[sflag:s18] =	ssyncset.done $0x0  }
0x1a0: {  	s6 =	simm.s32 $0x0;
	[sflag:s18] =	ssyncadd.s32 $0xFFFFC000  }
0x1a1: {  	v5 =	vld [tilespmem:s6+$0x14C00]  }
0x1a2: {  	v4 =	vld [tilespmem:s6+$0x14C10]  }
0x1a3: {  	v3 =	vld [tilespmem:s6+$0x14C20]  }
0x1a4: {  	v2 =	vld [tilespmem:s6+$0x14C30]  }
0x1a5: {  	v1 =	vld [tilespmem:s6+$0x14C40]  }
0x1a6: {  	v0 =	vld [tilespmem:s6+$0x14C50]  }
0x1a7: {  	v12 =	vld [tilespmem:s6+$0x10C00]  }
0x1a8: {  	v17 =	vld [tilespmem:s6+$0x10C10]  }
0x1a9: {  	v11 =	vld [tilespmem:s6+$0x10C20]  }
0x1aa: {  	v10 =	vld [tilespmem:s6+$0x10C30]  }
0x1ab: {  	v9 =	vld [tilespmem:s6+$0x10C40]  }
0x1ac: {  	v8 =	vld [tilespmem:s6+$0x10C50]  }
0x1ad: {  	v7 =	vld [tilespmem:s6+$0x10C60]  }
0x1ae: {  	v6 =	vld [tilespmem:s6+$0x10C70]  }
0x1af: {  	v18 =	vld [tilespmem:s6+$0xCC00]  }
0x1b0: {  	v19 =	vld [tilespmem:s6+$0xCC10]  }
0x1b1: {  	v16 =	vld [tilespmem:s6+$0xCC20]  }
0x1b2: {  	v15 =	vld [tilespmem:s6+$0xCC30]  }
0x1b3: {  	v14 =	vld [tilespmem:s6+$0xCC40]  }
0x1b4: {  	v13 =	vld [tilespmem:s6+$0xCC50];
	v18 =	vadd.f32 v12, v18  }
0x1b5: {  	s7 =	simm.s32 $0x200;
	v17 =	vadd.f32 v17, v19;
	v12 =	vld [tilespmem:s6+$0xCC60]  }
.LBB2_12:
0x1b6: {  	p0 =	sne.s32 s7, $0xFE00;
	v5 =	vsub.f32 v18, v5;
	v11 =	vadd.f32 v11, v16;
	v16 =	vld [tilespmem:s6+$0xCC70]  }
0x1b7: {  	v4 =	vsub.f32 v17, v4;
	v10 =	vadd.f32 v10, v15;
	v15 =	vld [tilespmem:s6+$0x14C60]  }
0x1b8: {  	s8 =	sshra.s32 s7, $0x2;
	[tilespmem:s6+$0xCC00] =	vst v5;
	v3 =	vsub.f32 v11, v3;
	v9 =	vadd.f32 v9, v14;
	v11 =	vld [tilespmem:s6+$0x14C70]  }
0x1b9: {  	v5 =	vld [tilespmem:s8+$0x14C00];
	[tilespmem:s6+$0xCC10] =	vst v4;
	v2 =	vsub.f32 v10, v2;
	v8 =	vadd.f32 v8, v13  }
0x1ba: {  	v4 =	vld [tilespmem:s8+$0x14C10];
	[tilespmem:s6+$0xCC20] =	vst v3;
	v1 =	vsub.f32 v9, v1;
	v7 =	vadd.f32 v7, v12  }
0x1bb: {  	v3 =	vld [tilespmem:s8+$0x14C20];
	[tilespmem:s6+$0xCC30] =	vst v2;
	v0 =	vsub.f32 v8, v0;
	v6 =	vadd.f32 v6, v16  }
0x1bc: {  	v2 =	vld [tilespmem:s8+$0x14C30];
	[tilespmem:s6+$0xCC40] =	vst v1;
	v7 =	vsub.f32 v7, v15  }
0x1bd: {  	v1 =	vld [tilespmem:s8+$0x14C40];
	[tilespmem:s6+$0xCC50] =	vst v0;
	v6 =	vsub.f32 v6, v11  }
0x1be: {  	v0 =	vld [tilespmem:s8+$0x14C50];
	[tilespmem:s6+$0xCC60] =	vst v7  }
0x1bf: {  	v12 =	vld [tilespmem:s8+$0x10C00];
	[tilespmem:s6+$0xCC70] =	vst v6;
	s6 =	smov.u32 s8  }
0x1c0: {  	v17 =	vld [tilespmem:s6+$0x10C10]  }
0x1c1: {  	v11 =	vld [tilespmem:s6+$0x10C20]  }
0x1c2: {  	v10 =	vld [tilespmem:s6+$0x10C30]  }
0x1c3: {  	v9 =	vld [tilespmem:s6+$0x10C40]  }
0x1c4: {  	v8 =	vld [tilespmem:s6+$0x10C50]  }
0x1c5: {  	v7 =	vld [tilespmem:s6+$0x10C60]  }
0x1c6: {  	v6 =	vld [tilespmem:s6+$0x10C70]  }
0x1c7: {  	v13 =	vld [tilespmem:s6+$0xCC00]  }
0x1c8: {  	v19 =	vld [tilespmem:s6+$0xCC10]  }
.Ltmp5:
0x1c9: {  	v16 =	vld [tilespmem:s6+$0xCC20];
	(pc) =	sbr.rel @p0 .LBB2_12-.Ltmp5, $4  }
0x1ca: {  	v15 =	vld [tilespmem:s6+$0xCC30]  }
0x1cb: {  	v14 =	vld [tilespmem:s6+$0xCC40]  }
0x1cc: {  	v18 =	vadd.f32 v12, v13;
	v13 =	vld [tilespmem:s6+$0xCC50]  }
0x1cd: {  	s7 =	sadd.s32 $0x200, s7;
	v17 =	vadd.f32 v17, v19;
	v12 =	vld [tilespmem:s6+$0xCC60]  }
0x1ce: {  	v5 =	vsub.f32 v18, v5;
	v18 =	vld [tilespmem:s6+$0xCC70];
	v11 =	vadd.f32 v11, v16  }
0x1cf: {  	v16 =	vld [tilespmem:s6+$0x14C60];
	v4 =	vsub.f32 v17, v4;
	v10 =	vadd.f32 v10, v15  }
0x1d0: {  	[tilespmem:s6+$0xCC00] =	vst v5;
	v3 =	vsub.f32 v11, v3;
	v5 =	vadd.f32 v9, v14;
	v9 =	vld [tilespmem:s6+$0x14C70]  }
0x1d1: {  	[tilespmem:s6+$0xCC10] =	vst v4;
	v2 =	vsub.f32 v10, v2;
	v4 =	vadd.f32 v8, v13  }
0x1d2: {  	[tilespmem:s6+$0xCC20] =	vst v3;
	v1 =	vsub.f32 v5, v1;
	v3 =	vadd.f32 v7, v12  }
0x1d3: {  	[tilespmem:s6+$0xCC30] =	vst v2;
	v0 =	vsub.f32 v4, v0;
	v2 =	vadd.f32 v6, v18  }
0x1d4: {  	[tilespmem:s6+$0xCC40] =	vst v1;
	v1 =	vsub.f32 v3, v16  }
0x1d5: {  	[tilespmem:s6+$0xCC50] =	vst v0;
	v0 =	vsub.f32 v2, v9  }
0x1d6: {  	[tilespmem:s6+$0xCC60] =	vst v1  }
0x1d7: {  	s7 =	simm.s32 $0x0;
	[tilespmem:s6+$0xCC70] =	vst v0  }
0x1d8: {  	[hbm4b:s13+s7] =	stream.linear.scatter [tilespmem:s24], [sflag:$0x8], $0x4000, $0x38;
	[tilespmem:$0x18C00] =	vst v63  }
0x1d9: {  	_ =	swait.ge [sflag:s19], $0x4000  }
0x1da: {  	[sflag:s19] =	ssyncset.done $0x0  }
0x1db: {  	s8 =	simm.s32 $0x380;
	[sflag:s19] =	ssyncadd.s32 $0xFFFFC000  }
0x1dc: {  	[tilespmem:s24], [sflag:$0x4] =	stream.indirect.gather [hbm4b:s3+s20], $0x80, s8, s20, $0xb8;
	[tilespmem:$0x18C00] =	vst v63  }
0x1dd: {  	s7 =	simm.s32 $0x780  }
0x1de: {  	[tilespmem:s26], [sflag:$0x5] =	stream.indirect.gather [hbm4b:s4+s20], $0x80, s7, s20, $0xb8;
	[tilespmem:$0x18C00] =	vst v63  }
0x1df: {  	s8 =	simm.s32 $0xB80  }
0x1e0: {  	[tilespmem:s29], [sflag:$0x6] =	stream.indirect.gather [hbm4b:s3+s20], $0x80, s8, s20, $0xb8;
	[tilespmem:$0x18C00] =	vst v63  }
0x1e1: {  	_ =	swait.ge [sflag:s30], $0x4000  }
0x1e2: {  	[sflag:s30] =	ssyncset.done $0x0  }
0x1e3: {  	[sflag:s30] =	ssyncadd.s32 $0xFFFFC000  }
0x1e4: {  	_ =	swait.ge [sflag:s31], $0x4000  }
0x1e5: {  	[sflag:s31] =	ssyncset.done $0x0  }
0x1e6: {  	[sflag:s31] =	ssyncadd.s32 $0xFFFFC000  }
0x1e7: {  	_ =	swait.ge [sflag:s0], $0x4000  }
0x1e8: {  	[sflag:s0] =	ssyncset.done $0x0  }
0x1e9: {  	s6 =	simm.s32 $0x0;
	[sflag:s0] =	ssyncadd.s32 $0xFFFFC000  }
0x1ea: {  	v5 =	vld [tilespmem:s6+$0x8C00]  }
0x1eb: {  	v4 =	vld [tilespmem:s6+$0x8C10]  }
0x1ec: {  	v3 =	vld [tilespmem:s6+$0x8C20]  }
0x1ed: {  	v2 =	vld [tilespmem:s6+$0x8C30]  }
0x1ee: {  	v1 =	vld [tilespmem:s6+$0x8C40]  }
0x1ef: {  	v0 =	vld [tilespmem:s6+$0x8C50]  }
0x1f0: {  	v12 =	vld [tilespmem:s6+$0x4C00]  }
0x1f1: {  	v17 =	vld [tilespmem:s6+$0x4C10]  }
0x1f2: {  	v11 =	vld [tilespmem:s6+$0x4C20]  }
0x1f3: {  	v10 =	vld [tilespmem:s6+$0x4C30]  }
0x1f4: {  	v9 =	vld [tilespmem:s6+$0x4C40]  }
0x1f5: {  	v8 =	vld [tilespmem:s6+$0x4C50]  }
0x1f6: {  	v7 =	vld [tilespmem:s6+$0x4C60]  }
0x1f7: {  	v6 =	vld [tilespmem:s6+$0x4C70]  }
0x1f8: {  	v18 =	vld [tilespmem:s6+$0xC00]  }
0x1f9: {  	v19 =	vld [tilespmem:s6+$0xC10]  }
0x1fa: {  	v16 =	vld [tilespmem:s6+$0xC20]  }
0x1fb: {  	v15 =	vld [tilespmem:s6+$0xC30]  }
0x1fc: {  	v14 =	vld [tilespmem:s6+$0xC40]  }
0x1fd: {  	v13 =	vld [tilespmem:s6+$0xC50];
	v18 =	vadd.f32 v12, v18  }
0x1fe: {  	s7 =	simm.s32 $0x200;
	v17 =	vadd.f32 v17, v19;
	v12 =	vld [tilespmem:s6+$0xC60]  }
.LBB2_14:
0x1ff: {  	p0 =	sne.s32 s7, $0xFE00;
	v5 =	vsub.f32 v18, v5;
	v11 =	vadd.f32 v11, v16;
	v16 =	vld [tilespmem:s6+$0xC70]  }
0x200: {  	v4 =	vsub.f32 v17, v4;
	v10 =	vadd.f32 v10, v15;
	v15 =	vld [tilespmem:s6+$0x8C60]  }
0x201: {  	s8 =	sshra.s32 s7, $0x2;
	[tilespmem:s6+$0xC00] =	vst v5;
	v3 =	vsub.f32 v11, v3;
	v9 =	vadd.f32 v9, v14;
	v11 =	vld [tilespmem:s6+$0x8C70]  }
0x202: {  	v5 =	vld [tilespmem:s8+$0x8C00];
	[tilespmem:s6+$0xC10] =	vst v4;
	v2 =	vsub.f32 v10, v2;
	v8 =	vadd.f32 v8, v13  }
0x203: {  	v4 =	vld [tilespmem:s8+$0x8C10];
	[tilespmem:s6+$0xC20] =	vst v3;
	v1 =	vsub.f32 v9, v1;
	v7 =	vadd.f32 v7, v12  }
0x204: {  	v3 =	vld [tilespmem:s8+$0x8C20];
	[tilespmem:s6+$0xC30] =	vst v2;
	v0 =	vsub.f32 v8, v0;
	v6 =	vadd.f32 v6, v16  }
0x205: {  	v2 =	vld [tilespmem:s8+$0x8C30];
	[tilespmem:s6+$0xC40] =	vst v1;
	v7 =	vsub.f32 v7, v15  }
0x206: {  	v1 =	vld [tilespmem:s8+$0x8C40];
	[tilespmem:s6+$0xC50] =	vst v0;
	v6 =	vsub.f32 v6, v11  }
0x207: {  	v0 =	vld [tilespmem:s8+$0x8C50];
	[tilespmem:s6+$0xC60] =	vst v7  }
0x208: {  	v12 =	vld [tilespmem:s8+$0x4C00];
	[tilespmem:s6+$0xC70] =	vst v6;
	s6 =	smov.u32 s8  }
0x209: {  	v17 =	vld [tilespmem:s6+$0x4C10]  }
0x20a: {  	v11 =	vld [tilespmem:s6+$0x4C20]  }
0x20b: {  	v10 =	vld [tilespmem:s6+$0x4C30]  }
0x20c: {  	v9 =	vld [tilespmem:s6+$0x4C40]  }
0x20d: {  	v8 =	vld [tilespmem:s6+$0x4C50]  }
0x20e: {  	v7 =	vld [tilespmem:s6+$0x4C60]  }
0x20f: {  	v6 =	vld [tilespmem:s6+$0x4C70]  }
0x210: {  	v13 =	vld [tilespmem:s6+$0xC00]  }
0x211: {  	v19 =	vld [tilespmem:s6+$0xC10]  }
.Ltmp6:
0x212: {  	v16 =	vld [tilespmem:s6+$0xC20];
	(pc) =	sbr.rel @p0 .LBB2_14-.Ltmp6, $4  }
0x213: {  	v15 =	vld [tilespmem:s6+$0xC30]  }
0x214: {  	v14 =	vld [tilespmem:s6+$0xC40]  }
0x215: {  	v18 =	vadd.f32 v12, v13;
	v13 =	vld [tilespmem:s6+$0xC50]  }
0x216: {  	s7 =	sadd.s32 $0x200, s7;
	v17 =	vadd.f32 v17, v19;
	v12 =	vld [tilespmem:s6+$0xC60]  }
0x217: {  	v5 =	vsub.f32 v18, v5;
	v18 =	vld [tilespmem:s6+$0xC70];
	v11 =	vadd.f32 v11, v16  }
0x218: {  	v16 =	vld [tilespmem:s6+$0x8C60];
	v4 =	vsub.f32 v17, v4;
	v10 =	vadd.f32 v10, v15  }
0x219: {  	[tilespmem:s6+$0xC00] =	vst v5;
	v3 =	vsub.f32 v11, v3;
	v5 =	vadd.f32 v9, v14;
	v9 =	vld [tilespmem:s6+$0x8C70]  }
0x21a: {  	[tilespmem:s6+$0xC10] =	vst v4;
	v2 =	vsub.f32 v10, v2;
	v4 =	vadd.f32 v8, v13  }
0x21b: {  	[tilespmem:s6+$0xC20] =	vst v3;
	v1 =	vsub.f32 v5, v1;
	v3 =	vadd.f32 v7, v12  }
0x21c: {  	[tilespmem:s6+$0xC30] =	vst v2;
	v0 =	vsub.f32 v4, v0;
	v2 =	vadd.f32 v6, v18  }
0x21d: {  	[tilespmem:s6+$0xC40] =	vst v1;
	v1 =	vsub.f32 v3, v16  }
0x21e: {  	[tilespmem:s6+$0xC50] =	vst v0;
	v0 =	vsub.f32 v2, v9  }
0x21f: {  	[tilespmem:s6+$0xC60] =	vst v1  }
0x220: {  	s8 =	simm.s32 $0x0;
	[tilespmem:s6+$0xC70] =	vst v0  }
0x221: {  	[hbm4b:s14+s8] =	stream.linear.scatter [tilespmem:s21], [sflag:$0x7], $0x4000, $0x38;
	[tilespmem:$0x18C00] =	vst v63  }
0x222: {  	_ =	swait.ge [sflag:s28], $0x4000  }
0x223: {  	[sflag:s28] =	ssyncset.done $0x0  }
0x224: {  	[sflag:s28] =	ssyncadd.s32 $0xFFFFC000  }
0x225: {  	_ =	swait.ge [sflag:s25], $0x4000  }
0x226: {  	[sflag:s25] =	ssyncset.done $0x0  }
0x227: {  	[sflag:s25] =	ssyncadd.s32 $0xFFFFC000  }
0x228: {  	_ =	swait.ge [sflag:s18], $0x4000  }
0x229: {  	[sflag:s18] =	ssyncset.done $0x0  }
0x22a: {  	s6 =	simm.s32 $0x0;
	[sflag:s18] =	ssyncadd.s32 $0xFFFFC000  }
0x22b: {  	v5 =	vld [tilespmem:s6+$0x14C00]  }
0x22c: {  	v4 =	vld [tilespmem:s6+$0x14C10]  }
0x22d: {  	v3 =	vld [tilespmem:s6+$0x14C20]  }
0x22e: {  	v2 =	vld [tilespmem:s6+$0x14C30]  }
0x22f: {  	v1 =	vld [tilespmem:s6+$0x14C40]  }
0x230: {  	v0 =	vld [tilespmem:s6+$0x14C50]  }
0x231: {  	v12 =	vld [tilespmem:s6+$0x10C00]  }
0x232: {  	v17 =	vld [tilespmem:s6+$0x10C10]  }
0x233: {  	v11 =	vld [tilespmem:s6+$0x10C20]  }
0x234: {  	v10 =	vld [tilespmem:s6+$0x10C30]  }
0x235: {  	v9 =	vld [tilespmem:s6+$0x10C40]  }
0x236: {  	v8 =	vld [tilespmem:s6+$0x10C50]  }
0x237: {  	v7 =	vld [tilespmem:s6+$0x10C60]  }
0x238: {  	v6 =	vld [tilespmem:s6+$0x10C70]  }
0x239: {  	v18 =	vld [tilespmem:s6+$0xCC00]  }
0x23a: {  	v19 =	vld [tilespmem:s6+$0xCC10]  }
0x23b: {  	v16 =	vld [tilespmem:s6+$0xCC20]  }
0x23c: {  	v15 =	vld [tilespmem:s6+$0xCC30]  }
0x23d: {  	v14 =	vld [tilespmem:s6+$0xCC40]  }
0x23e: {  	v13 =	vld [tilespmem:s6+$0xCC50];
	v18 =	vadd.f32 v12, v18  }
0x23f: {  	s7 =	simm.s32 $0x200;
	v17 =	vadd.f32 v17, v19;
	v12 =	vld [tilespmem:s6+$0xCC60]  }
.LBB2_16:
0x240: {  	p0 =	sne.s32 s7, $0xFE00;
	v5 =	vsub.f32 v18, v5;
	v11 =	vadd.f32 v11, v16;
	v16 =	vld [tilespmem:s6+$0xCC70]  }
0x241: {  	v4 =	vsub.f32 v17, v4;
	v10 =	vadd.f32 v10, v15;
	v15 =	vld [tilespmem:s6+$0x14C60]  }
0x242: {  	s8 =	sshra.s32 s7, $0x2;
	[tilespmem:s6+$0xCC00] =	vst v5;
	v3 =	vsub.f32 v11, v3;
	v9 =	vadd.f32 v9, v14;
	v11 =	vld [tilespmem:s6+$0x14C70]  }
0x243: {  	v5 =	vld [tilespmem:s8+$0x14C00];
	[tilespmem:s6+$0xCC10] =	vst v4;
	v2 =	vsub.f32 v10, v2;
	v8 =	vadd.f32 v8, v13  }
0x244: {  	v4 =	vld [tilespmem:s8+$0x14C10];
	[tilespmem:s6+$0xCC20] =	vst v3;
	v1 =	vsub.f32 v9, v1;
	v7 =	vadd.f32 v7, v12  }
0x245: {  	v3 =	vld [tilespmem:s8+$0x14C20];
	[tilespmem:s6+$0xCC30] =	vst v2;
	v0 =	vsub.f32 v8, v0;
	v6 =	vadd.f32 v6, v16  }
0x246: {  	v2 =	vld [tilespmem:s8+$0x14C30];
	[tilespmem:s6+$0xCC40] =	vst v1;
	v7 =	vsub.f32 v7, v15  }
0x247: {  	v1 =	vld [tilespmem:s8+$0x14C40];
	[tilespmem:s6+$0xCC50] =	vst v0;
	v6 =	vsub.f32 v6, v11  }
0x248: {  	v0 =	vld [tilespmem:s8+$0x14C50];
	[tilespmem:s6+$0xCC60] =	vst v7  }
0x249: {  	v12 =	vld [tilespmem:s8+$0x10C00];
	[tilespmem:s6+$0xCC70] =	vst v6;
	s6 =	smov.u32 s8  }
0x24a: {  	v17 =	vld [tilespmem:s6+$0x10C10]  }
0x24b: {  	v11 =	vld [tilespmem:s6+$0x10C20]  }
0x24c: {  	v10 =	vld [tilespmem:s6+$0x10C30]  }
0x24d: {  	v9 =	vld [tilespmem:s6+$0x10C40]  }
0x24e: {  	v8 =	vld [tilespmem:s6+$0x10C50]  }
0x24f: {  	v7 =	vld [tilespmem:s6+$0x10C60]  }
0x250: {  	v6 =	vld [tilespmem:s6+$0x10C70]  }
0x251: {  	v13 =	vld [tilespmem:s6+$0xCC00]  }
0x252: {  	v19 =	vld [tilespmem:s6+$0xCC10]  }
.Ltmp7:
0x253: {  	v16 =	vld [tilespmem:s6+$0xCC20];
	(pc) =	sbr.rel @p0 .LBB2_16-.Ltmp7, $4  }
0x254: {  	v15 =	vld [tilespmem:s6+$0xCC30]  }
0x255: {  	v14 =	vld [tilespmem:s6+$0xCC40]  }
0x256: {  	v18 =	vadd.f32 v12, v13;
	v13 =	vld [tilespmem:s6+$0xCC50]  }
0x257: {  	s7 =	sadd.s32 $0x200, s7;
	v17 =	vadd.f32 v17, v19;
	v12 =	vld [tilespmem:s6+$0xCC60]  }
0x258: {  	v5 =	vsub.f32 v18, v5;
	v55 =	vld [tilespmem:s6+$0xCC70];
	v11 =	vadd.f32 v11, v16  }
0x259: {  	v56 =	vld [tilespmem:s6+$0x14C60];
	v4 =	vsub.f32 v17, v4;
	v10 =	vadd.f32 v10, v15  }
0x25a: {  	v58 =	vld [tilespmem:s6+$0x14C70];
	[tilespmem:s6+$0xCC00] =	vst v5;
	v3 =	vsub.f32 v11, v3;
	v57 =	vadd.f32 v9, v14  }
0x25b: {  	[tilespmem:s6+$0xCC10] =	vst v4;
	v2 =	vsub.f32 v10, v2;
	v59 =	vadd.f32 v8, v13  }
0x25c: {  	[tilespmem:s6+$0xCC20] =	vst v3;
	v1 =	vsub.f32 v57, v1;
	v60 =	vadd.f32 v7, v12  }
0x25d: {  	[tilespmem:s6+$0xCC30] =	vst v2;
	v0 =	vsub.f32 v59, v0;
	v61 =	vadd.f32 v6, v55  }
0x25e: {  	[tilespmem:s6+$0xCC40] =	vst v1;
	v62 =	vsub.f32 v60, v56  }
0x25f: {  	[tilespmem:s6+$0xCC50] =	vst v0;
	v63 =	vsub.f32 v61, v58  }
0x260: {  	[tilespmem:s6+$0xCC60] =	vst v62  }
0x261: {  	s5 =	sadd.s32 $0x1, s5;
	[tilespmem:s6+$0xCC70] =	vst v63  }
0x262: {  	[hbm4b:s15+s2] =	stream.linear.scatter [tilespmem:s24], [sflag:$0x8], $0x4000, $0x38;
	[tilespmem:$0x18C00] =	vst v63  }
0x263: {  	p0 =	sne.s32 s5, s16;
	_ =	swait.ge [sflag:s1], $0x4000  }
.Ltmp8:
0x264: {  	[sflag:s1] =	ssyncset.done $0x0;
	(pc) =	sbr.rel @p0 .LBB2_1-.Ltmp8, $4  }
0x265: {  	[sflag:s1] =	ssyncadd.s32 $0xFFFFC000  }
0x266: {  	_ =	swait.ge [sflag:s19], $0x4000  }
0x267: {  	[sflag:s19] =	ssyncset.done $0x0  }
0x268: {  	[sflag:s19] =	ssyncadd.s32 $0xFFFFC000  }
0x269: {  	_ =	sfence.sel $0x180000  }
0x26a: {  	[bflag:$0x0] =	sbarrier.arrive $0xFFFF  }
0x26b: {  	_ =	strace $0x9000004A  }
0x26c: {  	s0 =	stileid.u32;
	[bflag:$0x2] =	sbarrier.arrive $0xFFFF  }
0x26d: {  	p0 =	sne.s32 s0, $0x0;
	s0 =	rddreg [dreg:$0x1]  }
0x26e: {  	s0 =	sadd.s32 @!p0 $0x100000, s0  }
0x26f: {  	[sflag:s0] =	ssyncadd.tile.s32 @!p0 $0x1;
	_ =	shalt  }
.Lfunc_end2:
_tile_overlayer_lowered:
.L_overlay_start_2:
0x270: {  	(tag) =	ssettag $0x2  }
0x271: {  	s0 =	rddreg [dreg:$0x0];
	s2 =	stileid.u32  }
0x272: {  	s1 =	rddreg [dreg:$0x1];
	p0 =	sne.s32 s2, $0x0  }
0x273: {  	s3 =	rddreg [dreg:$0x2];
	[bflag:$0x3] =	sbarrier.arrive $0xFFFF;
	s2 =	simm.s32 @!p0 $0x1C09  }
0x274: {  	[timem:s3], [sflag:s2] =	dma.local @!p0 [hbm:s0], s1  }
0x275: {  	s0 =	simm.s32 @!p0 $0x9  }
0x276: {  	_ =	swait.ge @!p0 [sflag:s0], s1  }
0x277: {  	s1 =	ssub.s32 @!p0 $0x0, s1;
	[sflag:s0] =	ssyncset.done @!p0 $0x0  }
0x278: {  	[sflag:s0] =	ssyncadd.s32 @!p0 s1  }
0x279: {  	[bflag:$0x3] =	sbarrier.arrive $0xFFFF  }
0x27a: {  	_ =	shalt  }

// kernel: kernel.7.cloned.1.call-start
scs
__scs_entry_jumppad:
0x0: {  	(pc) =	sbr.rel $0x88, $3  }
0x1: {  	(tag) =	ssettag $0x0;
	lr =	simm.s32 $0x1  }
0x2: {  	[smem:$0x3F98] =	sst lr;
	_ =	strace $0xD0000000  }
0x3: {  	_ = 	snop  }
0x4: {  	_ = 	snop  }
0x5: {  	_ = 	snop  }
0x6: {  	_ = 	snop  }
0x7: {  	_ = 	snop  }
__scs_overlays_trampoline_lowered:
0x8: {  	[smem:$0x3FA7] =	sst s0  }
0x9: {  	[smem:$0x3FA8] =	sst s1  }
0xa: {  	[smem:$0x3FA9] =	sst s2  }
0xb: {  	[smem:$0x3FAA] =	sst s3  }
0xc: {  	[smem:$0x3FAB] =	sst s4  }
0xd: {  	[smem:$0x3FAC] =	sst s5  }
0xe: {  	[smem:$0x3FAD] =	sst s6  }
0xf: {  	[smem:$0x3FAE] =	sst s7  }
0x10: {  	[smem:$0x3FAF] =	sst s8  }
0x11: {  	[smem:$0x3FB0] =	sst s9;
	s0 =	simm.s32 @!p0 $0x0  }
0x12: {  	s1 =	sld [smem:$0x3F96];
	s0 =	simm.s32 @p0 $0x1  }
0x13: {  	[smem:$0x3FB1] =	sst s0;
	s0 =	simm.s32 @!p1 $0x0  }
0x14: {  	s2 =	sld [smem:$0x3F95];
	s0 =	simm.s32 @p1 $0x1  }
0x15: {  	[smem:$0x3FB2] =	sst s0;
	s0 =	simm.s32 @!p2 $0x0  }
0x16: {  	s3 =	sld [smem:$0x3FDB];
	s0 =	simm.s32 @p2 $0x1  }
0x17: {  	s4 =	simm.s32 $0x1BF5;
	[smem:$0x3FB4] =	sst s0  }
0x18: {  	s0 =	sld [smem:$0x3F97];
	_ =	swait.ge [sflag:s4], $0x0  }
0x19: {  	s7 =	sld [smem:$0x3F98]  }
0x1a: {  	s8 =	sadd.s32 $0xFFFFE003, lr  }
0x1b: {  	s9 =	sadd.s32 $0xFFFFFEF7, lr;
	s5 =	simm.s32 $0xFFFFFFFF;
	p2 =	slt.u32 s8, $0xFFFFF086  }
0x1c: {  	p1 =	slt.u32 s9, $0xF7A;
	s5 =	simm.s32 @!p2 $0x0  }
0x1d: {  	s5 =	simm.s32 @p1 $0x1;
	p0 =	seq.s32 s7, s2  }
0x1e: {  	s7 =	smul.u32 @!p0 $0xF7A, s2;
	p2 =	seq.s32 @!p0 s5, $0x0  }
0x1f: {  	s9 =	smul.u32 $0xF7A, s1;
	s8 =	simm.s32 @!p0 $0x1BF5;
	p2 =	por !p2, p0  }
0x20: {  	[sflag:s8] =	ssyncset.s32 @!p0 $0xFFFFF086;
	s6 =	sadd.s32 @!p0 s3, s7;
	s7 =	simm.s32 @!p0 $0x108  }
0x21: {  	s3 =	sadd.s32 s3, s9;
	s6 =	sadd.s32 @!p0 $0x88, s6;
	s7 =	simm.s32 @p2 $0x1082  }
0x22: {  	[simem:s7], [sflag:s8] =	dma.local @!p0 [hbm:s6], $0xF7A  }
0x23: {  	s9 =	sor.u32 $0xD0000000, s2;
	s6 =	simm.s32 $0x108;
	_ =	swait.ge @!p0 [sflag:s8], $0x0  }
0x24: {  	s3 =	sadd.s32 $0x88, s3;
	s6 =	simm.s32 @!p1 $0x1082;
	[sflag:s4] =	ssyncset.s32 $0xFFFFF086  }
0x25: {  	[simem:s6], [sflag:s4] =	dma.local [hbm:s3], $0xF7A  }
0x26: {  	[smem:$0x3F98] =	sst s1;
	(tag) =	ssettag s2;
	_ =	strace s9  }
0x27: {  	s1 =	sld [smem:$0x3FA8]  }
0x28: {  	s2 =	sld [smem:$0x3FA9]  }
0x29: {  	s4 =	sld [smem:$0x3FAB]  }
0x2a: {  	p0 =	seq.s32 s5, $0x0;
	s5 =	sld [smem:$0x3FAC]  }
0x2b: {  	s6 =	sld [smem:$0x3FAD]  }
0x2c: {  	s7 =	sld [smem:$0x3FAE]  }
0x2d: {  	s3 =	simm.s32 $0x108;
	s8 =	sld [smem:$0x3FAF]  }
0x2e: {  	s3 =	simm.s32 @!p0 $0x1082;
	s9 =	sld [smem:$0x3FB0]  }
0x2f: {  	lr =	sadd.s32 s0, s3;
	s0 =	sld [smem:$0x3FA7]  }
0x30: {  	s3 =	sld [smem:$0x3FAA]  }
0x31: {  	[smem:$0x3FB3] =	sst s10  }
0x32: {  	s10 =	sld [smem:$0x3FB1];
	_ =	sdelay $0x3  }
0x33: {  	p0 =	seq.s32 s10, $0x1;
	s10 =	sld [smem:$0x3FB3];
	_ =	sdelay $0x3  }
0x34: {  	[smem:$0x3FB3] =	sst s10  }
0x35: {  	s10 =	sld [smem:$0x3FB2];
	_ =	sdelay $0x3  }
0x36: {  	p1 =	seq.s32 s10, $0x1;
	s10 =	sld [smem:$0x3FB3];
	_ =	sdelay $0x3  }
0x37: {  	[smem:$0x3FB3] =	sst s10  }
0x38: {  	s10 =	sld [smem:$0x3FB4]  }
0x39: {  	_ = 	snop;
	(pc) =	sbr.ind lr, $3  }
0x3a: {  	_ = 	snop  }
0x3b: {  	_ = 	snop  }
0x3c: {  	p2 =	seq.s32 s10, $0x1;
	s10 =	sld [smem:$0x3FB3]  }
0x3d: {  	_ =	shalt  }
0x3e: {  	_ =	shalt  }
0x3f: {  	_ =	shalt  }
0x40: {  	_ =	shalt  }
0x41: {  	_ =	shalt  }
0x42: {  	_ =	shalt  }
0x43: {  	_ =	shalt  }
0x44: {  	_ =	shalt  }
0x45: {  	_ =	shalt  }
0x46: {  	_ =	shalt  }
0x47: {  	_ =	shalt  }
0x48: {  	_ =	shalt  }
0x49: {  	_ =	shalt  }
0x4a: {  	_ =	shalt  }
0x4b: {  	_ =	shalt  }
0x4c: {  	_ =	shalt  }
0x4d: {  	_ =	shalt  }
0x4e: {  	_ =	shalt  }
0x4f: {  	_ =	shalt  }
0x50: {  	_ =	shalt  }
0x51: {  	_ =	shalt  }
0x52: {  	_ =	shalt  }
0x53: {  	_ =	shalt  }
0x54: {  	_ =	shalt  }
0x55: {  	_ =	shalt  }
0x56: {  	_ =	shalt  }
0x57: {  	_ =	shalt  }
0x58: {  	_ =	shalt  }
0x59: {  	_ =	shalt  }
0x5a: {  	_ =	shalt  }
0x5b: {  	_ =	shalt  }
0x5c: {  	_ =	shalt  }
0x5d: {  	_ =	shalt  }
0x5e: {  	_ =	shalt  }
0x5f: {  	_ =	shalt  }
0x60: {  	_ =	shalt  }
0x61: {  	_ =	shalt  }
0x62: {  	_ =	shalt  }
0x63: {  	_ =	shalt  }
0x64: {  	_ =	shalt  }
0x65: {  	_ =	shalt  }
0x66: {  	_ =	shalt  }
0x67: {  	_ =	shalt  }
0x68: {  	_ =	shalt  }
0x69: {  	_ =	shalt  }
0x6a: {  	_ =	shalt  }
0x6b: {  	_ =	shalt  }
0x6c: {  	_ =	shalt  }
0x6d: {  	_ =	shalt  }
0x6e: {  	_ =	shalt  }
0x6f: {  	_ =	shalt  }
0x70: {  	_ =	shalt  }
0x71: {  	_ =	shalt  }
0x72: {  	_ =	shalt  }
0x73: {  	_ =	shalt  }
0x74: {  	_ =	shalt  }
0x75: {  	_ =	shalt  }
0x76: {  	_ =	shalt  }
0x77: {  	_ =	shalt  }
0x78: {  	_ =	shalt  }
0x79: {  	_ =	shalt  }
0x7a: {  	_ =	shalt  }
0x7b: {  	_ =	shalt  }
0x7c: {  	_ =	shalt  }
0x7d: {  	_ =	shalt  }
0x7e: {  	_ =	shalt  }
0x7f: {  	_ =	shalt  }
0x80: {  	_ =	shalt  }
0x81: {  	_ =	shalt  }
0x82: {  	_ =	shalt  }
0x83: {  	_ =	shalt  }
0x84: {  	_ =	shalt  }
0x85: {  	_ =	shalt  }
0x86: {  	_ =	shalt  }
0x87: {  	_ =	shalt  }
.Lfunc_end0:
.L_simem_size_0:
called_computation_lowered:
.L_overlay_start_0:
0x88: {  	s2 =	sld [smem:$0x3FD9]  }
0x89: {  	s3 =	sld [smem:$0x3FFE];
	_ =	sdelay $0x1  }
0x8a: {  	s1 =	srdreg.scid  }
0x8b: {  	s0 =	sand.u32 $0x1, s1  }
0x8c: {  	s16 =	sshll.u32 s0, $0xA;
	s2 =	sadd.s32 s3, s2  }
0x8d: {  	s2 =	sadd.s32 s2, s16  }
0x8e: {  	[smem:$0x3FBF] =	sst s2  }
0x8f: {  	_ = 	snop  }
0x90: {  	(tm) =	ssettm $0x1  }
0x91: {  	s17 =	sld [smem:$0x3FFB];
	_ =	sdelay $0x3  }
0x92: {  	_ =	strace s17  }
0x93: {  	s2 =	sld [smem:$0x3FFC];
	_ =	sdelay $0x3  }
0x94: {  	_ =	strace s2  }
0x95: {  	s2 =	sld [smem:$0x3FFD];
	_ =	sdelay $0x3  }
0x96: {  	_ =	strace s2  }
0x97: {  	_ =	strace $0x8FFFFFFF  }
0x98: {  	s18 =	sld [smem:$0x3FDB];
	_ =	sdelay $0x1  }
0x99: {  	s19 =	simm.s32 $_scs_section_size  }
0x9a: {  	s4 =	simm.s32 $_size__tile_overlayer_lowered;
	s5 =	simm.s32 $_tile_overlayer_lowered  }
0x9b: {  	s22 =	simm.s32 $0x1BFF;
	s21 =	sshll.u32 s5, $0x1;
	s2 =	sadd.s32 s19, s18  }
0x9c: {  	s6 =	simm.s32 $0x0;
	s20 =	sshll.u32 s4, $0x1;
	s4 =	sadd.s32 s21, s2  }
0x9d: {  	[timem:s6], [sflag:s22] =	dma.local [hbm:s4], s20  }
0x9e: {  	_ =	swait.ge [sflag:s22], s20  }
0x9f: {  	s3 =	ssub.s32 $0x0, s20;
	[sflag:s22] =	ssyncset.done $0x0  }
0xa0: {  	[sflag:s22] =	ssyncadd.s32 s3;
	_ =	sdelay $0x1  }
0xa1: {  	s23 =	simm.s32 $0x1B8B  }
0xa2: {  	_ =	swait.ge [sflag:s23], $0x1  }
0xa3: {  	[sflag:s23] =	ssyncset.done $0x0  }
0xa4: {  	s25 =	simm.s32 $0x1B8E;
	s24 =	sld [smem:$0x3FFE];
	[sflag:s23] =	ssyncadd.s32 $0xFFFFFFFF  }
0xa5: {  	s26 =	simm.s32 $execute0_lowered;
	[smem:$0x3FD2] =	sst s25  }
0xa6: {  	s4 =	sshll.u32 s26, $0x1;
	_ =	strace $0x80000046;
	[dreg:$0x1] =	wrdreg $0xFFFFFFFF  }
0xa7: {  	s28 =	simm.s32 $_size_execute0_lowered;
	s2 =	sadd.s32 s2, s4;
	[dreg:$0x0] =	wrdreg $0x0  }
0xa8: {  	s4 =	sshll.u32 s28, $0x1;
	[dreg:$0x2] =	wrdreg s2  }
0xa9: {  	[dreg:$0x3] =	wrdreg s4  }
0xaa: {  	[dreg:$0x4] =	wrdreg $0xC0  }
0xab: {  	_ =	task [dreg:s6], $0x5FFFF  }
0xac: {  	[dreg:$0x1] =	wrdreg $0xFFFFFFFF  }
0xad: {  	[dreg:$0x0] =	wrdreg $0x60  }
0xae: {  	[dreg:$0x2] =	wrdreg s24  }
0xaf: {  	[dreg:$0x3] =	wrdreg $0xB8000  }
0xb0: {  	[dreg:$0x4] =	wrdreg $0x9  }
0xb1: {  	_ =	task.clear_ibuf [dreg:s6], $0x5FFFF;
	_ =	strace $0x90000046  }
0xb2: {  	s29 =	simm.s32 $0x9;
	_ =	strace $0x80000048  }
0xb3: {  	_ =	swait.ge [sflag:s29], $0x1  }
0xb4: {  	[sflag:s29] =	ssyncadd.s32 $0xFFFFFFFF  }
0xb5: {  	_ =	strace $0x90000048  }
0xb6: {  	_ =	sfence  }
0xb7: {  	s30 =	sld [smem:$0x0];
	_ =	sdelay $0x2  }
0xb8: {  	s31 =	sshll.u32 s1, $0xD;
	s1 =	sshrl.u32 s1, $0x2  }
0xb9: {  	s3 =	sand.u32 $0x4000, s31;
	s1 =	sadd.s32 s1, s30  }
0xba: {  	s0 =	sor.u32 s3, s0;
	s1 =	sshll.u32 s1, $0x11  }
0xbb: {  	s0 =	sor.u32 s1, s0  }
0xbc: {  	s0 =	sadd.s32 $0x8F2B, s0  }
0xbd: {  	[sflag:s0] =	ssyncadd.remote.s32 $0x1  }
0xbe: {  	_ =	sfence.sel $0xFFFF  }
0xbf: {  	[dreg:$0x0] =	wrdreg $0xFFFFFFFF;
	(pc) =	sbr.abs _section_cstart, $3  }
0xc0: {  	[dreg:$0x1] =	wrdreg $0xFFFFFFFF  }
0xc1: {  	_ =	task.clear_ibuf [dreg:s6], $0x2FFFF;
	_ =	strace $0x9FFFFFFF  }
0xc2: {  	(tm) =	ssettm $0x7FFFFFFF  }
0xc3: {  	_ =	shalt  }
tec
execute0_lowered:
.L_overlay_start_1:
0x0: {  	(tag) =	ssettag $0x1  }
0x1: {  	s0 =	rddreg [dreg:$0x0]  }
0x2: {  	s2 =	rddreg [dreg:$0x1];
	s9 =	simm.s32 $0x0  }
0x3: {  	s17 =	simm.s32 $0x80;
	[smem:$0x7FF] =	sst s9  }
0x4: {  	s18 =	simm.s32 $0x880;
	_ =	strace $0x80000047;
	[dreg:$0x6] =	wrdreg s17  }
0x5: {  	s19 =	simm.s32 $0x100;
	[dreg:$0x7] =	wrdreg s18  }
0x6: {  	s20 =	simm.s32 $0x900;
	[dreg:$0x8] =	wrdreg s19  }
0x7: {  	s21 =	simm.s32 $0x180;
	[dreg:$0x9] =	wrdreg s20  }
0x8: {  	s6 =	sadd.s32 $0x156800, s0;
	[dreg:$0xa] =	wrdreg s21  }
0x9: {  	s22 =	simm.s32 $0x980;
	[smem:$0x7F3] =	sst s6  }
0xa: {  	s23 =	simm.s32 $0x200;
	[dreg:$0xb] =	wrdreg s22  }
0xb: {  	s24 =	simm.s32 $0xA00;
	[dreg:$0xc] =	wrdreg s23  }
0xc: {  	s26 =	simm.s32 $0x280;
	[dreg:$0xd] =	wrdreg s24  }
0xd: {  	s29 =	simm.s32 $0xA80;
	[dreg:$0xe] =	wrdreg s26  }
0xe: {  	s30 =	simm.s32 $0x300;
	[dreg:$0xf] =	wrdreg s29  }
0xf: {  	s10 =	simm.s32 $0xB00;
	[dreg:$0x10] =	wrdreg s30  }
0x10: {  	s11 =	simm.s32 $0x380;
	[dreg:$0x11] =	wrdreg s10  }
0x11: {  	s12 =	simm.s32 $0xB80;
	[dreg:$0x12] =	wrdreg s11  }
0x12: {  	s13 =	simm.s32 $0x400;
	[dreg:$0x13] =	wrdreg s12  }
0x13: {  	s7 =	stileid.u32;
	s14 =	simm.s32 $0xC00;
	[dreg:$0x14] =	wrdreg s13  }
0x14: {  	s15 =	simm.s32 $0x480;
	s3 =	smul.u32 $0x1400, s7;
	[dreg:$0x15] =	wrdreg s14  }
0x15: {  	s16 =	simm.s32 $0xC80;
	s8 =	smul.u32 $0x280, s7;
	[dreg:$0x16] =	wrdreg s15  }
0x16: {  	s31 =	smul.u32 $0x50000, s7;
	s7 =	sshll.u32 s7, $0x6;
	[dreg:$0x17] =	wrdreg s16  }
0x17: {  	s7 =	sor.u32 $0x1C11, s7;
	[smem:$0x7F5] =	sst s8  }
0x18: {  	s18 =	simm.s32 $0x500;
	[smem:$0x7F6] =	sst s7  }
0x19: {  	s20 =	simm.s32 $0xD00;
	[dreg:$0x18] =	wrdreg s18  }
0x1a: {  	s21 =	simm.s32 $0x580;
	[dreg:$0x19] =	wrdreg s20  }
0x1b: {  	s22 =	simm.s32 $0xD80;
	[dreg:$0x1a] =	wrdreg s21  }
0x1c: {  	s1 =	srdreg.scid;
	s23 =	simm.s32 $0x600;
	[dreg:$0x1b] =	wrdreg s22  }
0x1d: {  	s1 =	sand.u32 $0x1, s1;
	s24 =	simm.s32 $0xE00;
	[dreg:$0x1c] =	wrdreg s23  }
0x1e: {  	s4 =	smul.u32 $0x14000, s1;
	s26 =	simm.s32 $0xE80;
	[dreg:$0x1d] =	wrdreg s24  }
0x1f: {  	s25 =	ssub.s32 $0x2, s1;
	s29 =	simm.s32 $0xF00;
	[dreg:$0x1f] =	wrdreg s26  }
0x20: {  	s1 =	smul.u32 $0x2800, s1;
	s30 =	simm.s32 $0x780;
	[smem:$0x7FB] =	sst s29  }
0x21: {  	s3 =	sadd.s32 s3, s0;
	[smem:$0x7FC] =	sst s30  }
0x22: {  	s6 =	sshrl.u32 s31, $0x2;
	s31 =	simm.s32 $0xF80;
	[smem:$0x7F7] =	sst s1  }
0x23: {  	s5 =	sadd.s32 $0x1C00, s3;
	s3 =	sadd.s32 s4, s3;
	[smem:$0x7FD] =	sst s31  }
0x24: {  	s28 =	sshrl.u32 s25, $0x1;
	[dreg:$0x3] =	wrdreg s5;
	s4 =	sadd.s32 $0x106800, s3  }
0x25: {  	s6 =	sadd.s32 s6, s2;
	s3 =	sadd.s32 $0x12E800, s3;
	[dreg:$0x4] =	wrdreg s4  }
0x26: {  	s5 =	sadd.s32 $0x100200, s0;
	s19 =	sshrl.u32 s6, $0x3;
	[dreg:$0x5] =	wrdreg s3  }
0x27: {  	s4 =	sadd.s32 $0x15C00, s0;
	s0 =	sadd.s32 $0x159000, s0;
	[smem:$0x7F9] =	sst s19  }
0x28: {  	s3 =	ssub.s32 s25, s28;
	s25 =	simm.s32 $0x680;
	[smem:$0x7F4] =	sst s0  }
0x29: {  	s13 =	simm.s32 $0x11;
	s28 =	simm.s32 $0x700;
	[dreg:$0x1e] =	wrdreg s25  }
0x2a: {  	s16 =	simm.s32 $0x20;
	s17 =	smax.u32 s3, $0x1;
	[smem:$0x7FA] =	sst s28  }
0x2b: {  	s15 =	simm.s32 $0x0;
	s18 =	simm.s32 $0x800;
	[smem:$0x7F8] =	sst s17  }
.LBB2_1:
0x2c: {  	s3 =	sld [smem:$0x7F3]  }
0x2d: {  	s10 =	sld [smem:$0x7F6]  }
0x2e: {  	s17 =	sld [smem:$0x7F9];
	_ =	sdelay $0x1  }
0x2f: {  	[smem:$0x7F2] =	sst s15  }
0x30: {  	[spmem:s17], [sflag:s10] =	dma.local [hbm:s3], $0x2800  }
0x31: {  	_ =	swait.ge [sflag:s13], $0x2800  }
0x32: {  	[sflag:s13] =	ssyncset.done $0x0  }
0x33: {  	[sflag:s13] =	ssyncadd.s32 $0xFFFFD800  }
0x34: {  	[bflag:$0x0] =	sbarrier.arrive $0xFFFF  }
0x35: {  	s11 =	rddreg [dreg:$0x5]  }
0x36: {  	s3 =	sadd.s32 $0x0, s11  }
0x37: {  	[tilespmem:s9], [sflag:$0x11] =	stream.linear.gather [hbm4b:s3+s9], $0x800, $0x38;
	[tilespmem:$0x1F800] =	vst v63  }
0x38: {  	_ =	swait.ge [sflag:s13], $0x800  }
0x39: {  	s12 =	rddreg [dreg:$0x4];
	[sflag:s13] =	ssyncset.done $0x0  }
0x3a: {  	[sflag:s13] =	ssyncadd.s32 $0xFFFFF800;
	s3 =	sadd.s32 $0x0, s12  }
0x3b: {  	[tilespmem:s18], [sflag:$0x11] =	stream.linear.gather [hbm4b:s3+s9], $0x800, $0x38;
	[tilespmem:$0x1F800] =	vst v63  }
0x3c: {  	_ =	swait.ge [sflag:s13], $0x800  }
0x3d: {  	s14 =	rddreg [dreg:$0x3];
	[sflag:s13] =	ssyncset.done $0x0  }
0x3e: {  	s0 =	simm.s32 $0x1000;
	[sflag:s13] =	ssyncadd.s32 $0xFFFFF800;
	s3 =	sadd.s32 $0x0, s14  }
0x3f: {  	[tilespmem:s0], [sflag:$0x11] =	stream.linear.gather [hbm4b:s3+s9], $0x800, $0x38;
	[tilespmem:$0x1F800] =	vst v63  }
0x40: {  	_ =	swait.ge [sflag:s13], $0x800  }
0x41: {  	[sflag:s13] =	ssyncset.done $0x0  }
0x42: {  	s26 =	simm.s32 $0x1800;
	s3 =	simm.s32 $0x0;
	[sflag:s13] =	ssyncadd.s32 $0xFFFFF800  }
0x43: {  	[tilespmem:s26], [sflag:$0x1] =	stream.indirect.gather [hbm4b:s4+s16], $0x80, s3, s16, $0xb8;
	[tilespmem:$0x1F800] =	vst v63  }
0x44: {  	s15 =	simm.s32 $0x5800  }
0x45: {  	[tilespmem:s15], [sflag:$0x5] =	stream.indirect.gather [hbm4b:s5+s16], $0x80, s18, s16, $0xb8;
	[tilespmem:$0x1F800] =	vst v63  }
0x46: {  	s1 =	simm.s32 $0x2800;
	s3 =	rddreg [dreg:$0x6]  }
0x47: {  	[tilespmem:s1], [sflag:$0x2] =	stream.indirect.gather [hbm4b:s4+s16], $0x80, s3, s16, $0xb8;
	[tilespmem:$0x1F800] =	vst v63  }
0x48: {  	s6 =	simm.s32 $0x6800;
	s15 =	rddreg [dreg:$0x7]  }
0x49: {  	[tilespmem:s6], [sflag:$0x6] =	stream.indirect.gather [hbm4b:s5+s16], $0x80, s15, s16, $0xb8;
	[tilespmem:$0x1F800] =	vst v63  }
0x4a: {  	s11 =	simm.s32 $0x3800;
	s3 =	rddreg [dreg:$0x8]  }
0x4b: {  	[tilespmem:s11], [sflag:$0x3] =	stream.indirect.gather [hbm4b:s4+s16], $0x80, s3, s16, $0xb8;
	[tilespmem:$0x1F800] =	vst v63  }
0x4c: {  	s7 =	simm.s32 $0x1;
	s10 =	simm.s32 $0x7800;
	s15 =	rddreg [dreg:$0x9]  }
0x4d: {  	[tilespmem:s10], [sflag:$0x7] =	stream.indirect.gather [hbm4b:s5+s16], $0x80, s15, s16, $0xb8;
	[tilespmem:$0x1F800] =	vst v63  }
0x4e: {  	_ =	swait.ge [sflag:s7], $0x1000  }
0x4f: {  	[sflag:s7] =	ssyncset.done $0x0  }
0x50: {  	s24 =	simm.s32 $0x5;
	[sflag:s7] =	ssyncadd.s32 $0xFFFFF000  }
0x51: {  	[spmem:s2] =	stream.indirect.scatter.add.f32 [tilespmem:s26], [sflag:$0x9], $0x80, s0, s16, $0xb8;
	[tilespmem:$0x1F800] =	vst v63  }
0x52: {  	_ =	swait.ge [sflag:s24], $0x1000  }
0x53: {  	[sflag:s24] =	ssyncset.done $0x0  }
0x54: {  	s18 =	simm.s32 $0x5800;
	[sflag:s24] =	ssyncadd.s32 $0xFFFFF000  }
0x55: {  	[spmem:s2] =	stream.indirect.scatter.add.f32 [tilespmem:s18], [sflag:$0xD], $0x80, s0, s16, $0xb8;
	[tilespmem:$0x1F800] =	vst v63  }
0x56: {  	s9 =	simm.s32 $0x4800;
	s15 =	rddreg [dreg:$0xa]  }
0x57: {  	[tilespmem:s9], [sflag:$0x4] =	stream.indirect.gather [hbm4b:s4+s16], $0x80, s15, s16, $0xb8;
	[tilespmem:$0x1F800] =	vst v63  }
0x58: {  	s28 =	simm.s32 $0x2;
	s8 =	simm.s32 $0x8800;
	s0 =	rddreg [dreg:$0xb]  }
0x59: {  	[tilespmem:s8], [sflag:$0x8] =	stream.indirect.gather [hbm4b:s5+s16], $0x80, s0, s16, $0xb8;
	[tilespmem:$0x1F800] =	vst v63  }
0x5a: {  	_ =	swait.ge [sflag:s28], $0x1000  }
0x5b: {  	[sflag:s28] =	ssyncset.done $0x0  }
0x5c: {  	s30 =	simm.s32 $0x6;
	s3 =	simm.s32 $0x1080;
	[sflag:s28] =	ssyncadd.s32 $0xFFFFF000  }
0x5d: {  	[spmem:s2] =	stream.indirect.scatter.add.f32 [tilespmem:s1], [sflag:$0xA], $0x80, s3, s16, $0xb8;
	[tilespmem:$0x1F800] =	vst v63  }
0x5e: {  	_ =	swait.ge [sflag:s30], $0x1000  }
0x5f: {  	[sflag:s30] =	ssyncset.done $0x0  }
0x60: {  	s17 =	simm.s32 $0x9;
	[sflag:s30] =	ssyncadd.s32 $0xFFFFF000  }
0x61: {  	[spmem:s2] =	stream.indirect.scatter.add.f32 [tilespmem:s6], [sflag:$0xE], $0x80, s3, s16, $0xb8;
	[tilespmem:$0x1F800] =	vst v63  }
0x62: {  	_ =	swait.ge [sflag:s17], $0x1000  }
0x63: {  	[sflag:s17] =	ssyncset.done $0x0  }
0x64: {  	s19 =	simm.s32 $0xD;
	[sflag:s17] =	ssyncadd.s32 $0xFFFFF000  }
0x65: {  	_ =	swait.ge [sflag:s19], $0x1000  }
0x66: {  	[sflag:s19] =	ssyncset.done $0x0  }
0x67: {  	s15 =	rddreg [dreg:$0xc];
	[sflag:s19] =	ssyncadd.s32 $0xFFFFF000  }
0x68: {  	[tilespmem:s26], [sflag:$0x1] =	stream.indirect.gather [hbm4b:s4+s16], $0x80, s15, s16, $0xb8;
	[tilespmem:$0x1F800] =	vst v63  }
0x69: {  	s31 =	simm.s32 $0x3;
	s0 =	rddreg [dreg:$0xd]  }
0x6a: {  	[tilespmem:s18], [sflag:$0x5] =	stream.indirect.gather [hbm4b:s5+s16], $0x80, s0, s16, $0xb8;
	[tilespmem:$0x1F800] =	vst v63  }
0x6b: {  	_ =	swait.ge [sflag:s31], $0x1000  }
0x6c: {  	s12 =	simm.s32 $0x7;
	[sflag:s31] =	ssyncset.done $0x0  }
0x6d: {  	s11 =	simm.s32 $0x3800;
	s6 =	simm.s32 $0x1100;
	[sflag:s31] =	ssyncadd.s32 $0xFFFFF000  }
0x6e: {  	[spmem:s2] =	stream.indirect.scatter.add.f32 [tilespmem:s11], [sflag:$0xB], $0x80, s6, s16, $0xb8;
	[tilespmem:$0x1F800] =	vst v63  }
0x6f: {  	_ =	swait.ge [sflag:s12], $0x1000  }
0x70: {  	[sflag:s12] =	ssyncset.done $0x0  }
0x71: {  	s20 =	simm.s32 $0xA;
	s10 =	simm.s32 $0x7800;
	[sflag:s12] =	ssyncadd.s32 $0xFFFFF000  }
0x72: {  	[spmem:s2] =	stream.indirect.scatter.add.f32 [tilespmem:s10], [sflag:$0xF], $0x80, s6, s16, $0xb8;
	[tilespmem:$0x1F800] =	vst v63  }
0x73: {  	_ =	swait.ge [sflag:s20], $0x1000  }
0x74: {  	[sflag:s20] =	ssyncset.done $0x0  }
0x75: {  	s21 =	simm.s32 $0xE;
	[sflag:s20] =	ssyncadd.s32 $0xFFFFF000  }
0x76: {  	_ =	swait.ge [sflag:s21], $0x1000  }
0x77: {  	[sflag:s21] =	ssyncset.done $0x0  }
0x78: {  	s8 =	simm.s32 $0x2800;
	s15 =	rddreg [dreg:$0xe];
	[sflag:s21] =	ssyncadd.s32 $0xFFFFF000  }
0x79: {  	[tilespmem:s8], [sflag:$0x2] =	stream.indirect.gather [hbm4b:s4+s16], $0x80, s15, s16, $0xb8;
	[tilespmem:$0x1F800] =	vst v63  }
0x7a: {  	s13 =	simm.s32 $0x4;
	s1 =	simm.s32 $0x6800;
	s0 =	rddreg [dreg:$0xf]  }
0x7b: {  	[tilespmem:s1], [sflag:$0x6] =	stream.indirect.gather [hbm4b:s5+s16], $0x80, s0, s16, $0xb8;
	[tilespmem:$0x1F800] =	vst v63  }
0x7c: {  	_ =	swait.ge [sflag:s13], $0x1000  }
0x7d: {  	s14 =	simm.s32 $0x8;
	[sflag:s13] =	ssyncset.done $0x0  }
0x7e: {  	s9 =	simm.s32 $0x4800;
	s3 =	simm.s32 $0x1180;
	[sflag:s13] =	ssyncadd.s32 $0xFFFFF000  }
0x7f: {  	[spmem:s2] =	stream.indirect.scatter.add.f32 [tilespmem:s9], [sflag:$0xC], $0x80, s3, s16, $0xb8;
	[tilespmem:$0x1F800] =	vst v63  }
0x80: {  	_ =	swait.ge [sflag:s14], $0x1000  }
0x81: {  	[sflag:s14] =	ssyncset.done $0x0  }
0x82: {  	s22 =	simm.s32 $0xB;
	s8 =	simm.s32 $0x8800;
	[sflag:s14] =	ssyncadd.s32 $0xFFFFF000  }
0x83: {  	[spmem:s2] =	stream.indirect.scatter.add.f32 [tilespmem:s8], [sflag:$0x10], $0x80, s3, s16, $0xb8;
	[tilespmem:$0x1F800] =	vst v63  }
0x84: {  	_ =	swait.ge [sflag:s22], $0x1000  }
0x85: {  	[sflag:s22] =	ssyncset.done $0x0  }
0x86: {  	s29 =	simm.s32 $0xF;
	[sflag:s22] =	ssyncadd.s32 $0xFFFFF000  }
0x87: {  	_ =	swait.ge [sflag:s29], $0x1000  }
0x88: {  	[sflag:s29] =	ssyncset.done $0x0  }
0x89: {  	s15 =	rddreg [dreg:$0x10];
	[sflag:s29] =	ssyncadd.s32 $0xFFFFF000  }
0x8a: {  	[tilespmem:s11], [sflag:$0x3] =	stream.indirect.gather [hbm4b:s4+s16], $0x80, s15, s16, $0xb8;
	[tilespmem:$0x1F800] =	vst v63  }
0x8b: {  	s6 =	simm.s32 $0x7800;
	s0 =	rddreg [dreg:$0x11]  }
0x8c: {  	[tilespmem:s6], [sflag:$0x7] =	stream.indirect.gather [hbm4b:s5+s16], $0x80, s0, s16, $0xb8;
	[tilespmem:$0x1F800] =	vst v63  }
0x8d: {  	_ =	swait.ge [sflag:s7], $0x1000  }
0x8e: {  	[sflag:s7] =	ssyncset.done $0x0  }
0x8f: {  	s3 =	simm.s32 $0x1200;
	[sflag:s7] =	ssyncadd.s32 $0xFFFFF000  }
0x90: {  	[spmem:s2] =	stream.indirect.scatter.add.f32 [tilespmem:s26], [sflag:$0x9], $0x80, s3, s16, $0xb8;
	[tilespmem:$0x1F800] =	vst v63  }
0x91: {  	_ =	swait.ge [sflag:s24], $0x1000  }
0x92: {  	[sflag:s24] =	ssyncset.done $0x0  }
0x93: {  	s23 =	simm.s32 $0xC;
	[sflag:s24] =	ssyncadd.s32 $0xFFFFF000  }
0x94: {  	[spmem:s2] =	stream.indirect.scatter.add.f32 [tilespmem:s18], [sflag:$0xD], $0x80, s3, s16, $0xb8;
	[tilespmem:$0x1F800] =	vst v63  }
0x95: {  	_ =	swait.ge [sflag:s23], $0x1000  }
0x96: {  	[sflag:s23] =	ssyncset.done $0x0  }
0x97: {  	s25 =	simm.s32 $0x10;
	[sflag:s23] =	ssyncadd.s32 $0xFFFFF000  }
0x98: {  	_ =	swait.ge [sflag:s25], $0x1000  }
0x99: {  	[sflag:s25] =	ssyncset.done $0x0  }
0x9a: {  	s15 =	rddreg [dreg:$0x12];
	[sflag:s25] =	ssyncadd.s32 $0xFFFFF000  }
0x9b: {  	[tilespmem:s9], [sflag:$0x4] =	stream.indirect.gather [hbm4b:s4+s16], $0x80, s15, s16, $0xb8;
	[tilespmem:$0x1F800] =	vst v63  }
0x9c: {  	s8 =	simm.s32 $0x8800;
	s0 =	rddreg [dreg:$0x13]  }
0x9d: {  	[tilespmem:s8], [sflag:$0x8] =	stream.indirect.gather [hbm4b:s5+s16], $0x80, s0, s16, $0xb8;
	[tilespmem:$0x1F800] =	vst v63  }
0x9e: {  	_ =	swait.ge [sflag:s28], $0x1000  }
0x9f: {  	[sflag:s28] =	ssyncset.done $0x0  }
0xa0: {  	s10 =	simm.s32 $0x2800;
	s3 =	simm.s32 $0x1280;
	[sflag:s28] =	ssyncadd.s32 $0xFFFFF000  }
0xa1: {  	[spmem:s2] =	stream.indirect.scatter.add.f32 [tilespmem:s10], [sflag:$0xA], $0x80, s3, s16, $0xb8;
	[tilespmem:$0x1F800] =	vst v63  }
0xa2: {  	_ =	swait.ge [sflag:s30], $0x1000  }
0xa3: {  	[sflag:s30] =	ssyncset.done $0x0  }
0xa4: {  	s1 =	simm.s32 $0x6800;
	[sflag:s30] =	ssyncadd.s32 $0xFFFFF000  }
0xa5: {  	[spmem:s2] =	stream.indirect.scatter.add.f32 [tilespmem:s1], [sflag:$0xE], $0x80, s3, s16, $0xb8;
	[tilespmem:$0x1F800] =	vst v63  }
0xa6: {  	_ =	swait.ge [sflag:s17], $0x1000  }
0xa7: {  	[sflag:s17] =	ssyncset.done $0x0  }
0xa8: {  	[sflag:s17] =	ssyncadd.s32 $0xFFFFF000  }
0xa9: {  	_ =	swait.ge [sflag:s19], $0x1000  }
0xaa: {  	[sflag:s19] =	ssyncset.done $0x0  }
0xab: {  	s15 =	rddreg [dreg:$0x14];
	[sflag:s19] =	ssyncadd.s32 $0xFFFFF000  }
0xac: {  	[tilespmem:s26], [sflag:$0x1] =	stream.indirect.gather [hbm4b:s4+s16], $0x80, s15, s16, $0xb8;
	[tilespmem:$0x1F800] =	vst v63  }
0xad: {  	s0 =	rddreg [dreg:$0x15]  }
0xae: {  	[tilespmem:s18], [sflag:$0x5] =	stream.indirect.gather [hbm4b:s5+s16], $0x80, s0, s16, $0xb8;
	[tilespmem:$0x1F800] =	vst v63  }
0xaf: {  	_ =	swait.ge [sflag:s31], $0x1000  }
0xb0: {  	[sflag:s31] =	ssyncset.done $0x0  }
0xb1: {  	s3 =	simm.s32 $0x1300;
	[sflag:s31] =	ssyncadd.s32 $0xFFFFF000  }
0xb2: {  	[spmem:s2] =	stream.indirect.scatter.add.f32 [tilespmem:s11], [sflag:$0xB], $0x80, s3, s16, $0xb8;
	[tilespmem:$0x1F800] =	vst v63  }
0xb3: {  	_ =	swait.ge [sflag:s12], $0x1000  }
0xb4: {  	[sflag:s12] =	ssyncset.done $0x0  }
0xb5: {  	[sflag:s12] =	ssyncadd.s32 $0xFFFFF000  }
0xb6: {  	[spmem:s2] =	stream.indirect.scatter.add.f32 [tilespmem:s6], [sflag:$0xF], $0x80, s3, s16, $0xb8;
	[tilespmem:$0x1F800] =	vst v63  }
0xb7: {  	_ =	swait.ge [sflag:s20], $0x1000  }
0xb8: {  	[sflag:s20] =	ssyncset.done $0x0  }
0xb9: {  	[sflag:s20] =	ssyncadd.s32 $0xFFFFF000  }
0xba: {  	_ =	swait.ge [sflag:s21], $0x1000  }
0xbb: {  	[sflag:s21] =	ssyncset.done $0x0  }
0xbc: {  	s15 =	rddreg [dreg:$0x16];
	[sflag:s21] =	ssyncadd.s32 $0xFFFFF000  }
0xbd: {  	[tilespmem:s10], [sflag:$0x2] =	stream.indirect.gather [hbm4b:s4+s16], $0x80, s15, s16, $0xb8;
	[tilespmem:$0x1F800] =	vst v63  }
0xbe: {  	s0 =	rddreg [dreg:$0x17]  }
0xbf: {  	[tilespmem:s1], [sflag:$0x6] =	stream.indirect.gather [hbm4b:s5+s16], $0x80, s0, s16, $0xb8;
	[tilespmem:$0x1F800] =	vst v63  }
0xc0: {  	_ =	swait.ge [sflag:s13], $0x1000  }
0xc1: {  	[sflag:s13] =	ssyncset.done $0x0  }
0xc2: {  	s3 =	simm.s32 $0x1380;
	[sflag:s13] =	ssyncadd.s32 $0xFFFFF000  }
0xc3: {  	[spmem:s2] =	stream.indirect.scatter.add.f32 [tilespmem:s9], [sflag:$0xC], $0x80, s3, s16, $0xb8;
	[tilespmem:$0x1F800] =	vst v63  }
0xc4: {  	_ =	swait.ge [sflag:s14], $0x1000  }
0xc5: {  	[sflag:s14] =	ssyncset.done $0x0  }
0xc6: {  	[sflag:s14] =	ssyncadd.s32 $0xFFFFF000  }
0xc7: {  	[spmem:s2] =	stream.indirect.scatter.add.f32 [tilespmem:s8], [sflag:$0x10], $0x80, s3, s16, $0xb8;
	[tilespmem:$0x1F800] =	vst v63  }
0xc8: {  	_ =	swait.ge [sflag:s22], $0x1000  }
0xc9: {  	[sflag:s22] =	ssyncset.done $0x0  }
0xca: {  	[sflag:s22] =	ssyncadd.s32 $0xFFFFF000  }
0xcb: {  	_ =	swait.ge [sflag:s29], $0x1000  }
0xcc: {  	[sflag:s29] =	ssyncset.done $0x0  }
0xcd: {  	s15 =	rddreg [dreg:$0x18];
	[sflag:s29] =	ssyncadd.s32 $0xFFFFF000  }
0xce: {  	[tilespmem:s11], [sflag:$0x3] =	stream.indirect.gather [hbm4b:s4+s16], $0x80, s15, s16, $0xb8;
	[tilespmem:$0x1F800] =	vst v63  }
0xcf: {  	s0 =	rddreg [dreg:$0x19]  }
0xd0: {  	[tilespmem:s6], [sflag:$0x7] =	stream.indirect.gather [hbm4b:s5+s16], $0x80, s0, s16, $0xb8;
	[tilespmem:$0x1F800] =	vst v63  }
0xd1: {  	_ =	swait.ge [sflag:s7], $0x1000  }
0xd2: {  	[sflag:s7] =	ssyncset.done $0x0  }
0xd3: {  	s3 =	simm.s32 $0x1400;
	[sflag:s7] =	ssyncadd.s32 $0xFFFFF000  }
0xd4: {  	[spmem:s2] =	stream.indirect.scatter.add.f32 [tilespmem:s26], [sflag:$0x9], $0x80, s3, s16, $0xb8;
	[tilespmem:$0x1F800] =	vst v63  }
0xd5: {  	_ =	swait.ge [sflag:s24], $0x1000  }
0xd6: {  	[sflag:s24] =	ssyncset.done $0x0  }
0xd7: {  	[sflag:s24] =	ssyncadd.s32 $0xFFFFF000  }
0xd8: {  	[spmem:s2] =	stream.indirect.scatter.add.f32 [tilespmem:s18], [sflag:$0xD], $0x80, s3, s16, $0xb8;
	[tilespmem:$0x1F800] =	vst v63  }
0xd9: {  	_ =	swait.ge [sflag:s23], $0x1000  }
0xda: {  	[sflag:s23] =	ssyncset.done $0x0  }
0xdb: {  	[sflag:s23] =	ssyncadd.s32 $0xFFFFF000  }
0xdc: {  	_ =	swait.ge [sflag:s25], $0x1000  }
0xdd: {  	[sflag:s25] =	ssyncset.done $0x0  }
0xde: {  	s15 =	rddreg [dreg:$0x1a];
	[sflag:s25] =	ssyncadd.s32 $0xFFFFF000  }
0xdf: {  	[tilespmem:s9], [sflag:$0x4] =	stream.indirect.gather [hbm4b:s4+s16], $0x80, s15, s16, $0xb8;
	[tilespmem:$0x1F800] =	vst v63  }
0xe0: {  	s0 =	rddreg [dreg:$0x1b]  }
0xe1: {  	[tilespmem:s8], [sflag:$0x8] =	stream.indirect.gather [hbm4b:s5+s16], $0x80, s0, s16, $0xb8;
	[tilespmem:$0x1F800] =	vst v63  }
0xe2: {  	_ =	swait.ge [sflag:s28], $0x1000  }
0xe3: {  	[sflag:s28] =	ssyncset.done $0x0  }
0xe4: {  	s3 =	simm.s32 $0x1480;
	[sflag:s28] =	ssyncadd.s32 $0xFFFFF000  }
0xe5: {  	[spmem:s2] =	stream.indirect.scatter.add.f32 [tilespmem:s10], [sflag:$0xA], $0x80, s3, s16, $0xb8;
	[tilespmem:$0x1F800] =	vst v63  }
0xe6: {  	_ =	swait.ge [sflag:s30], $0x1000  }
0xe7: {  	[sflag:s30] =	ssyncset.done $0x0  }
0xe8: {  	[sflag:s30] =	ssyncadd.s32 $0xFFFFF000  }
0xe9: {  	[spmem:s2] =	stream.indirect.scatter.add.f32 [tilespmem:s1], [sflag:$0xE], $0x80, s3, s16, $0xb8;
	[tilespmem:$0x1F800] =	vst v63  }
0xea: {  	_ =	swait.ge [sflag:s17], $0x1000  }
0xeb: {  	[sflag:s17] =	ssyncset.done $0x0  }
0xec: {  	[sflag:s17] =	ssyncadd.s32 $0xFFFFF000  }
0xed: {  	_ =	swait.ge [sflag:s19], $0x1000  }
0xee: {  	[sflag:s19] =	ssyncset.done $0x0  }
0xef: {  	s15 =	rddreg [dreg:$0x1c];
	[sflag:s19] =	ssyncadd.s32 $0xFFFFF000  }
0xf0: {  	[tilespmem:s26], [sflag:$0x1] =	stream.indirect.gather [hbm4b:s4+s16], $0x80, s15, s16, $0xb8;
	[tilespmem:$0x1F800] =	vst v63  }
0xf1: {  	s0 =	rddreg [dreg:$0x1d]  }
0xf2: {  	[tilespmem:s18], [sflag:$0x5] =	stream.indirect.gather [hbm4b:s5+s16], $0x80, s0, s16, $0xb8;
	[tilespmem:$0x1F800] =	vst v63  }
0xf3: {  	_ =	swait.ge [sflag:s31], $0x1000  }
0xf4: {  	[sflag:s31] =	ssyncset.done $0x0  }
0xf5: {  	s3 =	simm.s32 $0x1500;
	[sflag:s31] =	ssyncadd.s32 $0xFFFFF000  }
0xf6: {  	[spmem:s2] =	stream.indirect.scatter.add.f32 [tilespmem:s11], [sflag:$0xB], $0x80, s3, s16, $0xb8;
	[tilespmem:$0x1F800] =	vst v63  }
0xf7: {  	_ =	swait.ge [sflag:s12], $0x1000  }
0xf8: {  	[sflag:s12] =	ssyncset.done $0x0  }
0xf9: {  	[sflag:s12] =	ssyncadd.s32 $0xFFFFF000  }
0xfa: {  	[spmem:s2] =	stream.indirect.scatter.add.f32 [tilespmem:s6], [sflag:$0xF], $0x80, s3, s16, $0xb8;
	[tilespmem:$0x1F800] =	vst v63  }
0xfb: {  	_ =	swait.ge [sflag:s20], $0x1000  }
0xfc: {  	[sflag:s20] =	ssyncset.done $0x0  }
0xfd: {  	[sflag:s20] =	ssyncadd.s32 $0xFFFFF000  }
0xfe: {  	_ =	swait.ge [sflag:s21], $0x1000  }
0xff: {  	[sflag:s21] =	ssyncset.done $0x0  }
0x100: {  	s15 =	rddreg [dreg:$0x1e];
	[sflag:s21] =	ssyncadd.s32 $0xFFFFF000  }
0x101: {  	[tilespmem:s10], [sflag:$0x2] =	stream.indirect.gather [hbm4b:s4+s16], $0x80, s15, s16, $0xb8;
	[tilespmem:$0x1F800] =	vst v63  }
0x102: {  	s0 =	rddreg [dreg:$0x1f]  }
0x103: {  	[tilespmem:s1], [sflag:$0x6] =	stream.indirect.gather [hbm4b:s5+s16], $0x80, s0, s16, $0xb8;
	[tilespmem:$0x1F800] =	vst v63  }
0x104: {  	_ =	swait.ge [sflag:s13], $0x1000  }
0x105: {  	[sflag:s13] =	ssyncset.done $0x0  }
0x106: {  	s3 =	simm.s32 $0x1580;
	[sflag:s13] =	ssyncadd.s32 $0xFFFFF000  }
0x107: {  	[spmem:s2] =	stream.indirect.scatter.add.f32 [tilespmem:s9], [sflag:$0xC], $0x80, s3, s16, $0xb8;
	[tilespmem:$0x1F800] =	vst v63  }
0x108: {  	_ =	swait.ge [sflag:s14], $0x1000  }
0x109: {  	[sflag:s14] =	ssyncset.done $0x0  }
0x10a: {  	[sflag:s14] =	ssyncadd.s32 $0xFFFFF000  }
0x10b: {  	[spmem:s2] =	stream.indirect.scatter.add.f32 [tilespmem:s8], [sflag:$0x10], $0x80, s3, s16, $0xb8;
	[tilespmem:$0x1F800] =	vst v63  }
0x10c: {  	_ =	swait.ge [sflag:s22], $0x1000  }
0x10d: {  	[sflag:s22] =	ssyncset.done $0x0  }
0x10e: {  	[sflag:s22] =	ssyncadd.s32 $0xFFFFF000  }
0x10f: {  	_ =	swait.ge [sflag:s29], $0x1000  }
0x110: {  	s15 =	sld [smem:$0x7FA]  }
0x111: {  	[sflag:s29] =	ssyncset.done $0x0  }
0x112: {  	s0 =	sld [smem:$0x7FB];
	[sflag:s29] =	ssyncadd.s32 $0xFFFFF000  }
0x113: {  	[tilespmem:s11], [sflag:$0x3] =	stream.indirect.gather [hbm4b:s4+s16], $0x80, s15, s16, $0xb8;
	[tilespmem:$0x1F800] =	vst v63  }
0x114: {  	_ = 	snop  }
0x115: {  	[tilespmem:s6], [sflag:$0x7] =	stream.indirect.gather [hbm4b:s5+s16], $0x80, s0, s16, $0xb8;
	[tilespmem:$0x1F800] =	vst v63  }
0x116: {  	_ =	swait.ge [sflag:s7], $0x1000  }
0x117: {  	[sflag:s7] =	ssyncset.done $0x0  }
0x118: {  	s15 =	simm.s32 $0x1600;
	[sflag:s7] =	ssyncadd.s32 $0xFFFFF000  }
0x119: {  	[spmem:s2] =	stream.indirect.scatter.add.f32 [tilespmem:s26], [sflag:$0x9], $0x80, s15, s16, $0xb8;
	[tilespmem:$0x1F800] =	vst v63  }
0x11a: {  	_ =	swait.ge [sflag:s24], $0x1000  }
0x11b: {  	[sflag:s24] =	ssyncset.done $0x0  }
0x11c: {  	[sflag:s24] =	ssyncadd.s32 $0xFFFFF000  }
0x11d: {  	[spmem:s2] =	stream.indirect.scatter.add.f32 [tilespmem:s18], [sflag:$0xD], $0x80, s15, s16, $0xb8;
	[tilespmem:$0x1F800] =	vst v63  }
0x11e: {  	_ =	swait.ge [sflag:s23], $0x1000  }
0x11f: {  	[sflag:s23] =	ssyncset.done $0x0  }
0x120: {  	[sflag:s23] =	ssyncadd.s32 $0xFFFFF000  }
0x121: {  	_ =	swait.ge [sflag:s25], $0x1000  }
0x122: {  	s24 =	sld [smem:$0x7FC]  }
0x123: {  	[sflag:s25] =	ssyncset.done $0x0  }
0x124: {  	s26 =	sld [smem:$0x7FD];
	[sflag:s25] =	ssyncadd.s32 $0xFFFFF000  }
0x125: {  	[tilespmem:s9], [sflag:$0x4] =	stream.indirect.gather [hbm4b:s4+s16], $0x80, s24, s16, $0xb8;
	[tilespmem:$0x1F800] =	vst v63  }
0x126: {  	_ = 	snop  }
0x127: {  	[tilespmem:s8], [sflag:$0x8] =	stream.indirect.gather [hbm4b:s5+s16], $0x80, s26, s16, $0xb8;
	[tilespmem:$0x1F800] =	vst v63  }
0x128: {  	_ =	swait.ge [sflag:s28], $0x1000  }
0x129: {  	[sflag:s28] =	ssyncset.done $0x0  }
0x12a: {  	[sflag:s28] =	ssyncadd.s32 $0xFFFFF000;
	s28 =	simm.s32 $0x1680  }
0x12b: {  	[spmem:s2] =	stream.indirect.scatter.add.f32 [tilespmem:s10], [sflag:$0xA], $0x80, s28, s16, $0xb8;
	[tilespmem:$0x1F800] =	vst v63  }
0x12c: {  	_ =	swait.ge [sflag:s30], $0x1000  }
0x12d: {  	[sflag:s30] =	ssyncset.done $0x0  }
0x12e: {  	[sflag:s30] =	ssyncadd.s32 $0xFFFFF000  }
0x12f: {  	[spmem:s2] =	stream.indirect.scatter.add.f32 [tilespmem:s1], [sflag:$0xE], $0x80, s28, s16, $0xb8;
	[tilespmem:$0x1F800] =	vst v63  }
0x130: {  	_ =	swait.ge [sflag:s31], $0x1000  }
0x131: {  	[sflag:s31] =	ssyncset.done $0x0  }
0x132: {  	s30 =	simm.s32 $0x1700;
	[sflag:s31] =	ssyncadd.s32 $0xFFFFF000  }
0x133: {  	[spmem:s2] =	stream.indirect.scatter.add.f32 [tilespmem:s11], [sflag:$0xB], $0x80, s30, s16, $0xb8;
	[tilespmem:$0x1F800] =	vst v63  }
0x134: {  	_ =	swait.ge [sflag:s12], $0x1000  }
0x135: {  	[sflag:s12] =	ssyncset.done $0x0  }
0x136: {  	[sflag:s12] =	ssyncadd.s32 $0xFFFFF000  }
0x137: {  	[spmem:s2] =	stream.indirect.scatter.add.f32 [tilespmem:s6], [sflag:$0xF], $0x80, s30, s16, $0xb8;
	[tilespmem:$0x1F800] =	vst v63  }
0x138: {  	_ =	swait.ge [sflag:s13], $0x1000  }
0x139: {  	[sflag:s13] =	ssyncset.done $0x0  }
0x13a: {  	s31 =	simm.s32 $0x1780;
	[sflag:s13] =	ssyncadd.s32 $0xFFFFF000  }
0x13b: {  	[spmem:s2] =	stream.indirect.scatter.add.f32 [tilespmem:s9], [sflag:$0xC], $0x80, s31, s16, $0xb8;
	[tilespmem:$0x1F800] =	vst v63  }
0x13c: {  	_ =	swait.ge [sflag:s14], $0x1000  }
0x13d: {  	[sflag:s14] =	ssyncset.done $0x0  }
0x13e: {  	[sflag:s14] =	ssyncadd.s32 $0xFFFFF000  }
0x13f: {  	[spmem:s2] =	stream.indirect.scatter.add.f32 [tilespmem:s8], [sflag:$0x10], $0x80, s31, s16, $0xb8;
	[tilespmem:$0x1F800] =	vst v63  }
0x140: {  	_ =	swait.ge [sflag:s17], $0x1000  }
0x141: {  	[sflag:s17] =	ssyncset.done $0x0  }
0x142: {  	[sflag:s17] =	ssyncadd.s32 $0xFFFFF000  }
0x143: {  	_ =	swait.ge [sflag:s19], $0x1000  }
0x144: {  	[sflag:s19] =	ssyncset.done $0x0  }
0x145: {  	[sflag:s19] =	ssyncadd.s32 $0xFFFFF000  }
0x146: {  	_ =	swait.ge [sflag:s20], $0x1000  }
0x147: {  	[sflag:s20] =	ssyncset.done $0x0  }
0x148: {  	[sflag:s20] =	ssyncadd.s32 $0xFFFFF000  }
0x149: {  	_ =	swait.ge [sflag:s21], $0x1000  }
0x14a: {  	[sflag:s21] =	ssyncset.done $0x0  }
0x14b: {  	[sflag:s21] =	ssyncadd.s32 $0xFFFFF000  }
0x14c: {  	_ =	swait.ge [sflag:s22], $0x1000  }
0x14d: {  	[sflag:s22] =	ssyncset.done $0x0  }
0x14e: {  	[sflag:s22] =	ssyncadd.s32 $0xFFFFF000  }
0x14f: {  	_ =	swait.ge [sflag:s29], $0x1000  }
0x150: {  	[sflag:s29] =	ssyncset.done $0x0  }
0x151: {  	[sflag:s29] =	ssyncadd.s32 $0xFFFFF000  }
0x152: {  	_ =	swait.ge [sflag:s23], $0x1000  }
0x153: {  	[sflag:s23] =	ssyncset.done $0x0  }
0x154: {  	s25 =	simm.s32 $0x10;
	[sflag:s23] =	ssyncadd.s32 $0xFFFFF000  }
0x155: {  	s3 =	simm.s32 $0x200;
	_ =	swait.ge [sflag:s25], $0x1000  }
0x156: {  	s0 =	simm.s32 $0x100;
	s17 =	rddreg [dreg:$0x5];
	[sflag:s25] =	ssyncset.done $0x0  }
.LBB2_2:
0x157: {  	[sflag:s25] =	ssyncadd.s32 $0xFFFFF000  }
0x158: {  	s17 =	sadd.s32 s0, s17;
	s7 =	simm.s32 $0x0;
	s1 =	simm.s32 $0x11  }
0x159: {  	[tilespmem:s7], [sflag:$0x11] =	stream.linear.gather [hbm4b:s17+s7], $0x800, $0x38;
	[tilespmem:$0x1F800] =	vst v63  }
0x15a: {  	_ =	swait.ge [sflag:s1], $0x800  }
0x15b: {  	s19 =	rddreg [dreg:$0x4];
	[sflag:s1] =	ssyncset.done $0x0  }
0x15c: {  	s8 =	simm.s32 $0x800;
	[sflag:s1] =	ssyncadd.s32 $0xFFFFF800;
	s17 =	sadd.s32 s0, s19  }
0x15d: {  	[tilespmem:s8], [sflag:$0x11] =	stream.linear.gather [hbm4b:s17+s7], $0x800, $0x38;
	[tilespmem:$0x1F800] =	vst v63  }
0x15e: {  	s18 =	smov.u32 s3;
	s22 =	simm.s32 $0x1000;
	_ =	swait.ge [sflag:s1], $0x800  }
0x15f: {  	s21 =	smov.u32 s18;
	s20 =	rddreg [dreg:$0x3];
	[sflag:s1] =	ssyncset.done $0x0  }
0x160: {  	[smem:$0x7F1] =	sst s21;
	[sflag:s1] =	ssyncadd.s32 $0xFFFFF800;
	s17 =	sadd.s32 s0, s20  }
0x161: {  	[tilespmem:s22], [sflag:$0x11] =	stream.linear.gather [hbm4b:s17+s7], $0x800, $0x38;
	[tilespmem:$0x1F800] =	vst v63  }
0x162: {  	_ =	swait.ge [sflag:s1], $0x800  }
0x163: {  	[sflag:s1] =	ssyncset.done $0x0  }
0x164: {  	s6 =	simm.s32 $0x1800;
	[sflag:s1] =	ssyncadd.s32 $0xFFFFF800  }
0x165: {  	[tilespmem:s6], [sflag:$0x1] =	stream.indirect.gather [hbm4b:s4+s16], $0x80, s7, s16, $0xb8;
	[tilespmem:$0x1F800] =	vst v63  }
0x166: {  	s23 =	simm.s32 $0x5800  }
0x167: {  	[tilespmem:s23], [sflag:$0x5] =	stream.indirect.gather [hbm4b:s5+s16], $0x80, s8, s16, $0xb8;
	[tilespmem:$0x1F800] =	vst v63  }
0x168: {  	s28 =	simm.s32 $0x2800;
	s25 =	rddreg [dreg:$0x6]  }
0x169: {  	[tilespmem:s28], [sflag:$0x2] =	stream.indirect.gather [hbm4b:s4+s16], $0x80, s25, s16, $0xb8;
	[tilespmem:$0x1F800] =	vst v63  }
0x16a: {  	s30 =	simm.s32 $0x6800;
	s26 =	rddreg [dreg:$0x7]  }
0x16b: {  	[tilespmem:s30], [sflag:$0x6] =	stream.indirect.gather [hbm4b:s5+s16], $0x80, s26, s16, $0xb8;
	[tilespmem:$0x1F800] =	vst v63  }
0x16c: {  	s10 =	simm.s32 $0x3800;
	s29 =	rddreg [dreg:$0x8]  }
0x16d: {  	[tilespmem:s10], [sflag:$0x3] =	stream.indirect.gather [hbm4b:s4+s16], $0x80, s29, s16, $0xb8;
	[tilespmem:$0x1F800] =	vst v63  }
0x16e: {  	s11 =	simm.s32 $0x7800;
	s15 =	simm.s32 $0x1;
	s8 =	rddreg [dreg:$0x9]  }
0x16f: {  	[tilespmem:s11], [sflag:$0x7] =	stream.indirect.gather [hbm4b:s5+s16], $0x80, s8, s16, $0xb8;
	[tilespmem:$0x1F800] =	vst v63  }
0x170: {  	_ =	swait.ge [sflag:s15], $0x1000  }
0x171: {  	[sflag:s15] =	ssyncset.done $0x0  }
0x172: {  	s24 =	simm.s32 $0x5;
	[sflag:s15] =	ssyncadd.s32 $0xFFFFF000  }
0x173: {  	[spmem:s2] =	stream.indirect.scatter.add.f32 [tilespmem:s6], [sflag:$0x9], $0x80, s22, s16, $0xb8;
	[tilespmem:$0x1F800] =	vst v63  }
0x174: {  	_ =	swait.ge [sflag:s24], $0x1000  }
0x175: {  	[sflag:s24] =	ssyncset.done $0x0  }
0x176: {  	[sflag:s24] =	ssyncadd.s32 $0xFFFFF000  }
0x177: {  	[spmem:s2] =	stream.indirect.scatter.add.f32 [tilespmem:s23], [sflag:$0xD], $0x80, s22, s16, $0xb8;
	[tilespmem:$0x1F800] =	vst v63  }
0x178: {  	s25 =	simm.s32 $0x4800;
	s12 =	rddreg [dreg:$0xa]  }
0x179: {  	[tilespmem:s25], [sflag:$0x4] =	stream.indirect.gather [hbm4b:s4+s16], $0x80, s12, s16, $0xb8;
	[tilespmem:$0x1F800] =	vst v63  }
0x17a: {  	s17 =	simm.s32 $0x8800;
	s28 =	simm.s32 $0x2;
	s14 =	rddreg [dreg:$0xb]  }
0x17b: {  	[tilespmem:s17], [sflag:$0x8] =	stream.indirect.gather [hbm4b:s5+s16], $0x80, s14, s16, $0xb8;
	[tilespmem:$0x1F800] =	vst v63  }
0x17c: {  	_ =	swait.ge [sflag:s28], $0x1000  }
0x17d: {  	s9 =	simm.s32 $0x2800;
	[sflag:s28] =	ssyncset.done $0x0  }
0x17e: {  	s19 =	simm.s32 $0x1080;
	s30 =	simm.s32 $0x6;
	[sflag:s28] =	ssyncadd.s32 $0xFFFFF000  }
0x17f: {  	[spmem:s2] =	stream.indirect.scatter.add.f32 [tilespmem:s9], [sflag:$0xA], $0x80, s19, s16, $0xb8;
	[tilespmem:$0x1F800] =	vst v63  }
0x180: {  	_ =	swait.ge [sflag:s30], $0x1000  }
0x181: {  	[sflag:s30] =	ssyncset.done $0x0  }
0x182: {  	s31 =	simm.s32 $0x6800;
	s14 =	simm.s32 $0x9;
	[sflag:s30] =	ssyncadd.s32 $0xFFFFF000  }
0x183: {  	[spmem:s2] =	stream.indirect.scatter.add.f32 [tilespmem:s31], [sflag:$0xE], $0x80, s19, s16, $0xb8;
	[tilespmem:$0x1F800] =	vst v63  }
0x184: {  	_ =	swait.ge [sflag:s14], $0x1000  }
0x185: {  	[sflag:s14] =	ssyncset.done $0x0  }
0x186: {  	s1 =	simm.s32 $0xD;
	[sflag:s14] =	ssyncadd.s32 $0xFFFFF000  }
0x187: {  	_ =	swait.ge [sflag:s1], $0x1000  }
0x188: {  	[sflag:s1] =	ssyncset.done $0x0  }
0x189: {  	s21 =	rddreg [dreg:$0xc];
	[sflag:s1] =	ssyncadd.s32 $0xFFFFF000  }
0x18a: {  	[tilespmem:s6], [sflag:$0x1] =	stream.indirect.gather [hbm4b:s4+s16], $0x80, s21, s16, $0xb8;
	[tilespmem:$0x1F800] =	vst v63  }
0x18b: {  	s31 =	simm.s32 $0x3;
	s22 =	rddreg [dreg:$0xd]  }
0x18c: {  	[tilespmem:s23], [sflag:$0x5] =	stream.indirect.gather [hbm4b:s5+s16], $0x80, s22, s16, $0xb8;
	[tilespmem:$0x1F800] =	vst v63  }
0x18d: {  	_ =	swait.ge [sflag:s31], $0x1000  }
0x18e: {  	s26 =	simm.s32 $0x1100;
	[sflag:s31] =	ssyncset.done $0x0  }
0x18f: {  	s9 =	simm.s32 $0x7;
	s22 =	simm.s32 $0x3800;
	[sflag:s31] =	ssyncadd.s32 $0xFFFFF000  }
0x190: {  	[spmem:s2] =	stream.indirect.scatter.add.f32 [tilespmem:s22], [sflag:$0xB], $0x80, s26, s16, $0xb8;
	[tilespmem:$0x1F800] =	vst v63  }
0x191: {  	_ =	swait.ge [sflag:s9], $0x1000  }
0x192: {  	[sflag:s9] =	ssyncset.done $0x0  }
0x193: {  	s0 =	simm.s32 $0xA;
	s8 =	simm.s32 $0x7800;
	[sflag:s9] =	ssyncadd.s32 $0xFFFFF000  }
0x194: {  	[spmem:s2] =	stream.indirect.scatter.add.f32 [tilespmem:s8], [sflag:$0xF], $0x80, s26, s16, $0xb8;
	[tilespmem:$0x1F800] =	vst v63  }
0x195: {  	_ =	swait.ge [sflag:s0], $0x1000  }
0x196: {  	[sflag:s0] =	ssyncset.done $0x0  }
0x197: {  	s12 =	simm.s32 $0xE;
	[sflag:s0] =	ssyncadd.s32 $0xFFFFF000  }
0x198: {  	_ =	swait.ge [sflag:s12], $0x1000  }
0x199: {  	[sflag:s12] =	ssyncset.done $0x0  }
0x19a: {  	s10 =	simm.s32 $0x2800;
	s29 =	rddreg [dreg:$0xe];
	[sflag:s12] =	ssyncadd.s32 $0xFFFFF000  }
0x19b: {  	[tilespmem:s10], [sflag:$0x2] =	stream.indirect.gather [hbm4b:s4+s16], $0x80, s29, s16, $0xb8;
	[tilespmem:$0x1F800] =	vst v63  }
0x19c: {  	s20 =	simm.s32 $0x6800;
	s11 =	rddreg [dreg:$0xf]  }
0x19d: {  	[tilespmem:s20], [sflag:$0x6] =	stream.indirect.gather [hbm4b:s5+s16], $0x80, s11, s16, $0xb8;
	[tilespmem:$0x1F800] =	vst v63  }
0x19e: {  	s11 =	simm.s32 $0x4  }
0x19f: {  	_ =	swait.ge [sflag:s11], $0x1000  }
0x1a0: {  	[sflag:s11] =	ssyncset.done $0x0  }
0x1a1: {  	s17 =	simm.s32 $0x1180;
	s10 =	simm.s32 $0x8;
	[sflag:s11] =	ssyncadd.s32 $0xFFFFF000  }
0x1a2: {  	[spmem:s2] =	stream.indirect.scatter.add.f32 [tilespmem:s25], [sflag:$0xC], $0x80, s17, s16, $0xb8;
	[tilespmem:$0x1F800] =	vst v63  }
0x1a3: {  	_ =	swait.ge [sflag:s10], $0x1000  }
0x1a4: {  	[sflag:s10] =	ssyncset.done $0x0  }
0x1a5: {  	s7 =	simm.s32 $0xB;
	s21 =	simm.s32 $0x8800;
	[sflag:s10] =	ssyncadd.s32 $0xFFFFF000  }
0x1a6: {  	[spmem:s2] =	stream.indirect.scatter.add.f32 [tilespmem:s21], [sflag:$0x10], $0x80, s17, s16, $0xb8;
	[tilespmem:$0x1F800] =	vst v63  }
0x1a7: {  	_ =	swait.ge [sflag:s7], $0x1000  }
0x1a8: {  	[sflag:s7] =	ssyncset.done $0x0  }
0x1a9: {  	s29 =	simm.s32 $0xF;
	[sflag:s7] =	ssyncadd.s32 $0xFFFFF000  }
0x1aa: {  	_ =	swait.ge [sflag:s29], $0x1000  }
0x1ab: {  	[sflag:s29] =	ssyncset.done $0x0  }
0x1ac: {  	s18 =	rddreg [dreg:$0x10];
	[sflag:s29] =	ssyncadd.s32 $0xFFFFF000  }
0x1ad: {  	[tilespmem:s22], [sflag:$0x3] =	stream.indirect.gather [hbm4b:s4+s16], $0x80, s18, s16, $0xb8;
	[tilespmem:$0x1F800] =	vst v63  }
0x1ae: {  	s19 =	rddreg [dreg:$0x11]  }
0x1af: {  	[tilespmem:s8], [sflag:$0x7] =	stream.indirect.gather [hbm4b:s5+s16], $0x80, s19, s16, $0xb8;
	[tilespmem:$0x1F800] =	vst v63  }
0x1b0: {  	_ =	swait.ge [sflag:s15], $0x1000  }
0x1b1: {  	[sflag:s15] =	ssyncset.done $0x0  }
0x1b2: {  	s20 =	simm.s32 $0x1200;
	[sflag:s15] =	ssyncadd.s32 $0xFFFFF000  }
0x1b3: {  	[spmem:s2] =	stream.indirect.scatter.add.f32 [tilespmem:s6], [sflag:$0x9], $0x80, s20, s16, $0xb8;
	[tilespmem:$0x1F800] =	vst v63  }
0x1b4: {  	_ =	swait.ge [sflag:s24], $0x1000  }
0x1b5: {  	[sflag:s24] =	ssyncset.done $0x0  }
0x1b6: {  	s8 =	simm.s32 $0xC;
	[sflag:s24] =	ssyncadd.s32 $0xFFFFF000  }
0x1b7: {  	[spmem:s2] =	stream.indirect.scatter.add.f32 [tilespmem:s23], [sflag:$0xD], $0x80, s20, s16, $0xb8;
	[tilespmem:$0x1F800] =	vst v63  }
0x1b8: {  	_ =	swait.ge [sflag:s8], $0x1000  }
0x1b9: {  	[sflag:s8] =	ssyncset.done $0x0  }
0x1ba: {  	s13 =	simm.s32 $0x10;
	[sflag:s8] =	ssyncadd.s32 $0xFFFFF000  }
0x1bb: {  	_ =	swait.ge [sflag:s13], $0x1000  }
0x1bc: {  	[sflag:s13] =	ssyncset.done $0x0  }
0x1bd: {  	s22 =	rddreg [dreg:$0x12];
	[sflag:s13] =	ssyncadd.s32 $0xFFFFF000  }
0x1be: {  	[tilespmem:s25], [sflag:$0x4] =	stream.indirect.gather [hbm4b:s4+s16], $0x80, s22, s16, $0xb8;
	[tilespmem:$0x1F800] =	vst v63  }
0x1bf: {  	s26 =	rddreg [dreg:$0x13]  }
0x1c0: {  	[tilespmem:s21], [sflag:$0x8] =	stream.indirect.gather [hbm4b:s5+s16], $0x80, s26, s16, $0xb8;
	[tilespmem:$0x1F800] =	vst v63  }
0x1c1: {  	_ =	swait.ge [sflag:s28], $0x1000  }
0x1c2: {  	[sflag:s28] =	ssyncset.done $0x0  }
0x1c3: {  	s18 =	simm.s32 $0x1280;
	s20 =	simm.s32 $0x2800;
	[sflag:s28] =	ssyncadd.s32 $0xFFFFF000  }
0x1c4: {  	[spmem:s2] =	stream.indirect.scatter.add.f32 [tilespmem:s20], [sflag:$0xA], $0x80, s18, s16, $0xb8;
	[tilespmem:$0x1F800] =	vst v63  }
0x1c5: {  	_ =	swait.ge [sflag:s30], $0x1000  }
0x1c6: {  	[sflag:s30] =	ssyncset.done $0x0  }
0x1c7: {  	s26 =	simm.s32 $0x6800;
	[sflag:s30] =	ssyncadd.s32 $0xFFFFF000  }
0x1c8: {  	[spmem:s2] =	stream.indirect.scatter.add.f32 [tilespmem:s26], [sflag:$0xE], $0x80, s18, s16, $0xb8;
	[tilespmem:$0x1F800] =	vst v63  }
0x1c9: {  	_ =	swait.ge [sflag:s14], $0x1000  }
0x1ca: {  	[sflag:s14] =	ssyncset.done $0x0  }
0x1cb: {  	[sflag:s14] =	ssyncadd.s32 $0xFFFFF000  }
0x1cc: {  	_ =	swait.ge [sflag:s1], $0x1000  }
0x1cd: {  	[sflag:s1] =	ssyncset.done $0x0  }
0x1ce: {  	s21 =	rddreg [dreg:$0x14];
	[sflag:s1] =	ssyncadd.s32 $0xFFFFF000  }
0x1cf: {  	[tilespmem:s6], [sflag:$0x1] =	stream.indirect.gather [hbm4b:s4+s16], $0x80, s21, s16, $0xb8;
	[tilespmem:$0x1F800] =	vst v63  }
0x1d0: {  	s22 =	rddreg [dreg:$0x15]  }
0x1d1: {  	[tilespmem:s23], [sflag:$0x5] =	stream.indirect.gather [hbm4b:s5+s16], $0x80, s22, s16, $0xb8;
	[tilespmem:$0x1F800] =	vst v63  }
0x1d2: {  	_ =	swait.ge [sflag:s31], $0x1000  }
0x1d3: {  	[sflag:s31] =	ssyncset.done $0x0  }
0x1d4: {  	s18 =	simm.s32 $0x1300;
	s21 =	simm.s32 $0x3800;
	[sflag:s31] =	ssyncadd.s32 $0xFFFFF000  }
0x1d5: {  	[spmem:s2] =	stream.indirect.scatter.add.f32 [tilespmem:s21], [sflag:$0xB], $0x80, s18, s16, $0xb8;
	[tilespmem:$0x1F800] =	vst v63  }
0x1d6: {  	_ =	swait.ge [sflag:s9], $0x1000  }
0x1d7: {  	[sflag:s9] =	ssyncset.done $0x0  }
0x1d8: {  	s22 =	simm.s32 $0x7800;
	[sflag:s9] =	ssyncadd.s32 $0xFFFFF000  }
0x1d9: {  	[spmem:s2] =	stream.indirect.scatter.add.f32 [tilespmem:s22], [sflag:$0xF], $0x80, s18, s16, $0xb8;
	[tilespmem:$0x1F800] =	vst v63  }
0x1da: {  	_ =	swait.ge [sflag:s0], $0x1000  }
0x1db: {  	[sflag:s0] =	ssyncset.done $0x0  }
0x1dc: {  	[sflag:s0] =	ssyncadd.s32 $0xFFFFF000  }
0x1dd: {  	_ =	swait.ge [sflag:s12], $0x1000  }
0x1de: {  	[sflag:s12] =	ssyncset.done $0x0  }
0x1df: {  	s17 =	rddreg [dreg:$0x16];
	[sflag:s12] =	ssyncadd.s32 $0xFFFFF000  }
0x1e0: {  	[tilespmem:s20], [sflag:$0x2] =	stream.indirect.gather [hbm4b:s4+s16], $0x80, s17, s16, $0xb8;
	[tilespmem:$0x1F800] =	vst v63  }
0x1e1: {  	s18 =	rddreg [dreg:$0x17]  }
0x1e2: {  	[tilespmem:s26], [sflag:$0x6] =	stream.indirect.gather [hbm4b:s5+s16], $0x80, s18, s16, $0xb8;
	[tilespmem:$0x1F800] =	vst v63  }
0x1e3: {  	_ =	swait.ge [sflag:s11], $0x1000  }
0x1e4: {  	[sflag:s11] =	ssyncset.done $0x0  }
0x1e5: {  	s18 =	simm.s32 $0x1380;
	[sflag:s11] =	ssyncadd.s32 $0xFFFFF000  }
0x1e6: {  	[spmem:s2] =	stream.indirect.scatter.add.f32 [tilespmem:s25], [sflag:$0xC], $0x80, s18, s16, $0xb8;
	[tilespmem:$0x1F800] =	vst v63  }
0x1e7: {  	_ =	swait.ge [sflag:s10], $0x1000  }
0x1e8: {  	[sflag:s10] =	ssyncset.done $0x0  }
0x1e9: {  	s19 =	simm.s32 $0x8800;
	[sflag:s10] =	ssyncadd.s32 $0xFFFFF000  }
0x1ea: {  	[spmem:s2] =	stream.indirect.scatter.add.f32 [tilespmem:s19], [sflag:$0x10], $0x80, s18, s16, $0xb8;
	[tilespmem:$0x1F800] =	vst v63  }
0x1eb: {  	_ =	swait.ge [sflag:s7], $0x1000  }
0x1ec: {  	[sflag:s7] =	ssyncset.done $0x0  }
0x1ed: {  	[sflag:s7] =	ssyncadd.s32 $0xFFFFF000  }
0x1ee: {  	_ =	swait.ge [sflag:s29], $0x1000  }
0x1ef: {  	[sflag:s29] =	ssyncset.done $0x0  }
0x1f0: {  	s19 =	rddreg [dreg:$0x18];
	[sflag:s29] =	ssyncadd.s32 $0xFFFFF000  }
0x1f1: {  	[tilespmem:s21], [sflag:$0x3] =	stream.indirect.gather [hbm4b:s4+s16], $0x80, s19, s16, $0xb8;
	[tilespmem:$0x1F800] =	vst v63  }
0x1f2: {  	s18 =	rddreg [dreg:$0x19]  }
0x1f3: {  	[tilespmem:s22], [sflag:$0x7] =	stream.indirect.gather [hbm4b:s5+s16], $0x80, s18, s16, $0xb8;
	[tilespmem:$0x1F800] =	vst v63  }
0x1f4: {  	_ =	swait.ge [sflag:s15], $0x1000  }
0x1f5: {  	[sflag:s15] =	ssyncset.done $0x0  }
0x1f6: {  	s18 =	simm.s32 $0x1400;
	[sflag:s15] =	ssyncadd.s32 $0xFFFFF000  }
0x1f7: {  	[spmem:s2] =	stream.indirect.scatter.add.f32 [tilespmem:s6], [sflag:$0x9], $0x80, s18, s16, $0xb8;
	[tilespmem:$0x1F800] =	vst v63  }
0x1f8: {  	_ =	swait.ge [sflag:s24], $0x1000  }
0x1f9: {  	[sflag:s24] =	ssyncset.done $0x0  }
0x1fa: {  	[sflag:s24] =	ssyncadd.s32 $0xFFFFF000  }
0x1fb: {  	[spmem:s2] =	stream.indirect.scatter.add.f32 [tilespmem:s23], [sflag:$0xD], $0x80, s18, s16, $0xb8;
	[tilespmem:$0x1F800] =	vst v63  }
0x1fc: {  	_ =	swait.ge [sflag:s8], $0x1000  }
0x1fd: {  	[sflag:s8] =	ssyncset.done $0x0  }
0x1fe: {  	[sflag:s8] =	ssyncadd.s32 $0xFFFFF000  }
0x1ff: {  	_ =	swait.ge [sflag:s13], $0x1000  }
0x200: {  	[sflag:s13] =	ssyncset.done $0x0  }
0x201: {  	s21 =	rddreg [dreg:$0x1a];
	[sflag:s13] =	ssyncadd.s32 $0xFFFFF000  }
0x202: {  	[tilespmem:s25], [sflag:$0x4] =	stream.indirect.gather [hbm4b:s4+s16], $0x80, s21, s16, $0xb8;
	[tilespmem:$0x1F800] =	vst v63  }
0x203: {  	s26 =	simm.s32 $0x8800;
	s22 =	rddreg [dreg:$0x1b]  }
0x204: {  	[tilespmem:s26], [sflag:$0x8] =	stream.indirect.gather [hbm4b:s5+s16], $0x80, s22, s16, $0xb8;
	[tilespmem:$0x1F800] =	vst v63  }
0x205: {  	_ =	swait.ge [sflag:s28], $0x1000  }
0x206: {  	[sflag:s28] =	ssyncset.done $0x0  }
0x207: {  	s20 =	simm.s32 $0x2800;
	s18 =	simm.s32 $0x1480;
	[sflag:s28] =	ssyncadd.s32 $0xFFFFF000  }
0x208: {  	[spmem:s2] =	stream.indirect.scatter.add.f32 [tilespmem:s20], [sflag:$0xA], $0x80, s18, s16, $0xb8;
	[tilespmem:$0x1F800] =	vst v63  }
0x209: {  	_ =	swait.ge [sflag:s30], $0x1000  }
0x20a: {  	[sflag:s30] =	ssyncset.done $0x0  }
0x20b: {  	s22 =	simm.s32 $0x6800;
	[sflag:s30] =	ssyncadd.s32 $0xFFFFF000  }
0x20c: {  	[spmem:s2] =	stream.indirect.scatter.add.f32 [tilespmem:s22], [sflag:$0xE], $0x80, s18, s16, $0xb8;
	[tilespmem:$0x1F800] =	vst v63  }
0x20d: {  	_ =	swait.ge [sflag:s14], $0x1000  }
0x20e: {  	[sflag:s14] =	ssyncset.done $0x0  }
0x20f: {  	[sflag:s14] =	ssyncadd.s32 $0xFFFFF000  }
0x210: {  	_ =	swait.ge [sflag:s1], $0x1000  }
0x211: {  	[sflag:s1] =	ssyncset.done $0x0  }
0x212: {  	s18 =	rddreg [dreg:$0x1c];
	[sflag:s1] =	ssyncadd.s32 $0xFFFFF000  }
0x213: {  	[tilespmem:s6], [sflag:$0x1] =	stream.indirect.gather [hbm4b:s4+s16], $0x80, s18, s16, $0xb8;
	[tilespmem:$0x1F800] =	vst v63  }
0x214: {  	s20 =	rddreg [dreg:$0x1d]  }
0x215: {  	[tilespmem:s23], [sflag:$0x5] =	stream.indirect.gather [hbm4b:s5+s16], $0x80, s20, s16, $0xb8;
	[tilespmem:$0x1F800] =	vst v63  }
0x216: {  	_ =	swait.ge [sflag:s31], $0x1000  }
0x217: {  	[sflag:s31] =	ssyncset.done $0x0  }
0x218: {  	s19 =	simm.s32 $0x3800;
	s18 =	simm.s32 $0x1500;
	[sflag:s31] =	ssyncadd.s32 $0xFFFFF000  }
0x219: {  	[spmem:s2] =	stream.indirect.scatter.add.f32 [tilespmem:s19], [sflag:$0xB], $0x80, s18, s16, $0xb8;
	[tilespmem:$0x1F800] =	vst v63  }
0x21a: {  	_ =	swait.ge [sflag:s9], $0x1000  }
0x21b: {  	[sflag:s9] =	ssyncset.done $0x0  }
0x21c: {  	s19 =	simm.s32 $0x7800;
	[sflag:s9] =	ssyncadd.s32 $0xFFFFF000  }
0x21d: {  	[spmem:s2] =	stream.indirect.scatter.add.f32 [tilespmem:s19], [sflag:$0xF], $0x80, s18, s16, $0xb8;
	[tilespmem:$0x1F800] =	vst v63  }
0x21e: {  	_ =	swait.ge [sflag:s0], $0x1000  }
0x21f: {  	[sflag:s0] =	ssyncset.done $0x0  }
0x220: {  	[sflag:s0] =	ssyncadd.s32 $0xFFFFF000  }
0x221: {  	_ =	swait.ge [sflag:s12], $0x1000  }
0x222: {  	[sflag:s12] =	ssyncset.done $0x0  }
0x223: {  	s21 =	simm.s32 $0x2800;
	s17 =	rddreg [dreg:$0x1e];
	[sflag:s12] =	ssyncadd.s32 $0xFFFFF000  }
0x224: {  	[tilespmem:s21], [sflag:$0x2] =	stream.indirect.gather [hbm4b:s4+s16], $0x80, s17, s16, $0xb8;
	[tilespmem:$0x1F800] =	vst v63  }
0x225: {  	s22 =	simm.s32 $0x6800;
	s18 =	rddreg [dreg:$0x1f]  }
0x226: {  	[tilespmem:s22], [sflag:$0x6] =	stream.indirect.gather [hbm4b:s5+s16], $0x80, s18, s16, $0xb8;
	[tilespmem:$0x1F800] =	vst v63  }
0x227: {  	_ =	swait.ge [sflag:s11], $0x1000  }
0x228: {  	[sflag:s11] =	ssyncset.done $0x0  }
0x229: {  	s18 =	simm.s32 $0x1580;
	[sflag:s11] =	ssyncadd.s32 $0xFFFFF000  }
0x22a: {  	[spmem:s2] =	stream.indirect.scatter.add.f32 [tilespmem:s25], [sflag:$0xC], $0x80, s18, s16, $0xb8;
	[tilespmem:$0x1F800] =	vst v63  }
0x22b: {  	_ =	swait.ge [sflag:s10], $0x1000  }
0x22c: {  	[sflag:s10] =	ssyncset.done $0x0  }
0x22d: {  	[sflag:s10] =	ssyncadd.s32 $0xFFFFF000  }
0x22e: {  	[spmem:s2] =	stream.indirect.scatter.add.f32 [tilespmem:s26], [sflag:$0x10], $0x80, s18, s16, $0xb8;
	[tilespmem:$0x1F800] =	vst v63  }
0x22f: {  	_ =	swait.ge [sflag:s7], $0x1000  }
0x230: {  	[sflag:s7] =	ssyncset.done $0x0  }
0x231: {  	[sflag:s7] =	ssyncadd.s32 $0xFFFFF000  }
0x232: {  	_ =	swait.ge [sflag:s29], $0x1000  }
0x233: {  	s17 =	sld [smem:$0x7FA]  }
0x234: {  	[sflag:s29] =	ssyncset.done $0x0  }
0x235: {  	s20 =	simm.s32 $0x3800;
	s18 =	sld [smem:$0x7FB];
	[sflag:s29] =	ssyncadd.s32 $0xFFFFF000  }
0x236: {  	[tilespmem:s20], [sflag:$0x3] =	stream.indirect.gather [hbm4b:s4+s16], $0x80, s17, s16, $0xb8;
	[tilespmem:$0x1F800] =	vst v63  }
0x237: {  	s19 =	simm.s32 $0x7800  }
0x238: {  	[tilespmem:s19], [sflag:$0x7] =	stream.indirect.gather [hbm4b:s5+s16], $0x80, s18, s16, $0xb8;
	[tilespmem:$0x1F800] =	vst v63  }
0x239: {  	_ =	swait.ge [sflag:s15], $0x1000  }
0x23a: {  	[sflag:s15] =	ssyncset.done $0x0  }
0x23b: {  	s18 =	simm.s32 $0x1600;
	[sflag:s15] =	ssyncadd.s32 $0xFFFFF000  }
0x23c: {  	[spmem:s2] =	stream.indirect.scatter.add.f32 [tilespmem:s6], [sflag:$0x9], $0x80, s18, s16, $0xb8;
	[tilespmem:$0x1F800] =	vst v63  }
0x23d: {  	_ =	swait.ge [sflag:s24], $0x1000  }
0x23e: {  	[sflag:s24] =	ssyncset.done $0x0  }
0x23f: {  	[sflag:s24] =	ssyncadd.s32 $0xFFFFF000  }
0x240: {  	[spmem:s2] =	stream.indirect.scatter.add.f32 [tilespmem:s23], [sflag:$0xD], $0x80, s18, s16, $0xb8;
	[tilespmem:$0x1F800] =	vst v63  }
0x241: {  	_ =	swait.ge [sflag:s8], $0x1000  }
0x242: {  	[sflag:s8] =	ssyncset.done $0x0  }
0x243: {  	[sflag:s8] =	ssyncadd.s32 $0xFFFFF000  }
0x244: {  	_ =	swait.ge [sflag:s13], $0x1000  }
0x245: {  	s23 =	sld [smem:$0x7FC]  }
0x246: {  	[sflag:s13] =	ssyncset.done $0x0  }
0x247: {  	s24 =	sld [smem:$0x7FD];
	[sflag:s13] =	ssyncadd.s32 $0xFFFFF000  }
0x248: {  	[tilespmem:s25], [sflag:$0x4] =	stream.indirect.gather [hbm4b:s4+s16], $0x80, s23, s16, $0xb8;
	[tilespmem:$0x1F800] =	vst v63  }
0x249: {  	_ = 	snop  }
0x24a: {  	[tilespmem:s26], [sflag:$0x8] =	stream.indirect.gather [hbm4b:s5+s16], $0x80, s24, s16, $0xb8;
	[tilespmem:$0x1F800] =	vst v63  }
0x24b: {  	_ =	swait.ge [sflag:s28], $0x1000  }
0x24c: {  	[sflag:s28] =	ssyncset.done $0x0  }
0x24d: {  	s18 =	simm.s32 $0x1680;
	[sflag:s28] =	ssyncadd.s32 $0xFFFFF000  }
0x24e: {  	[spmem:s2] =	stream.indirect.scatter.add.f32 [tilespmem:s21], [sflag:$0xA], $0x80, s18, s16, $0xb8;
	[tilespmem:$0x1F800] =	vst v63  }
0x24f: {  	_ =	swait.ge [sflag:s30], $0x1000  }
0x250: {  	[sflag:s30] =	ssyncset.done $0x0  }
0x251: {  	[sflag:s30] =	ssyncadd.s32 $0xFFFFF000  }
0x252: {  	[spmem:s2] =	stream.indirect.scatter.add.f32 [tilespmem:s22], [sflag:$0xE], $0x80, s18, s16, $0xb8;
	[tilespmem:$0x1F800] =	vst v63  }
0x253: {  	_ =	swait.ge [sflag:s31], $0x1000  }
0x254: {  	[sflag:s31] =	ssyncset.done $0x0  }
0x255: {  	s30 =	simm.s32 $0x1700;
	[sflag:s31] =	ssyncadd.s32 $0xFFFFF000  }
0x256: {  	[spmem:s2] =	stream.indirect.scatter.add.f32 [tilespmem:s20], [sflag:$0xB], $0x80, s30, s16, $0xb8;
	[tilespmem:$0x1F800] =	vst v63  }
0x257: {  	_ =	swait.ge [sflag:s9], $0x1000  }
0x258: {  	[sflag:s9] =	ssyncset.done $0x0  }
0x259: {  	[sflag:s9] =	ssyncadd.s32 $0xFFFFF000  }
0x25a: {  	[spmem:s2] =	stream.indirect.scatter.add.f32 [tilespmem:s19], [sflag:$0xF], $0x80, s30, s16, $0xb8;
	[tilespmem:$0x1F800] =	vst v63  }
0x25b: {  	_ =	swait.ge [sflag:s11], $0x1000  }
0x25c: {  	[sflag:s11] =	ssyncset.done $0x0  }
0x25d: {  	s31 =	simm.s32 $0x1780;
	[sflag:s11] =	ssyncadd.s32 $0xFFFFF000  }
0x25e: {  	[spmem:s2] =	stream.indirect.scatter.add.f32 [tilespmem:s25], [sflag:$0xC], $0x80, s31, s16, $0xb8;
	[tilespmem:$0x1F800] =	vst v63  }
0x25f: {  	_ =	swait.ge [sflag:s10], $0x1000  }
0x260: {  	[sflag:s10] =	ssyncset.done $0x0  }
0x261: {  	[sflag:s10] =	ssyncadd.s32 $0xFFFFF000  }
0x262: {  	[spmem:s2] =	stream.indirect.scatter.add.f32 [tilespmem:s26], [sflag:$0x10], $0x80, s31, s16, $0xb8;
	[tilespmem:$0x1F800] =	vst v63  }
0x263: {  	_ =	swait.ge [sflag:s14], $0x1000  }
0x264: {  	[sflag:s14] =	ssyncset.done $0x0  }
0x265: {  	[sflag:s14] =	ssyncadd.s32 $0xFFFFF000  }
0x266: {  	_ =	swait.ge [sflag:s1], $0x1000  }
0x267: {  	[sflag:s1] =	ssyncset.done $0x0  }
0x268: {  	[sflag:s1] =	ssyncadd.s32 $0xFFFFF000  }
0x269: {  	_ =	swait.ge [sflag:s0], $0x1000  }
0x26a: {  	[sflag:s0] =	ssyncset.done $0x0  }
0x26b: {  	[sflag:s0] =	ssyncadd.s32 $0xFFFFF000  }
0x26c: {  	s0 =	sld [smem:$0x7F1];
	_ =	swait.ge [sflag:s12], $0x1000  }
0x26d: {  	[sflag:s12] =	ssyncset.done $0x0  }
0x26e: {  	[sflag:s12] =	ssyncadd.s32 $0xFFFFF000  }
0x26f: {  	_ =	swait.ge [sflag:s7], $0x1000  }
0x270: {  	[sflag:s7] =	ssyncset.done $0x0  }
0x271: {  	[sflag:s7] =	ssyncadd.s32 $0xFFFFF000  }
0x272: {  	_ =	swait.ge [sflag:s29], $0x1000  }
0x273: {  	[sflag:s29] =	ssyncset.done $0x0  }
0x274: {  	p0 =	sne.s32 s3, $0x1300;
	[sflag:s29] =	ssyncadd.s32 $0xFFFFF000  }
.Ltmp0:
0x275: {  	_ =	swait.ge [sflag:s8], $0x1000;
	(pc) =	sbr.rel @p0 .LBB2_2-.Ltmp0, $4  }
0x276: {  	[sflag:s8] =	ssyncset.done $0x0  }
0x277: {  	s25 =	simm.s32 $0x10;
	[sflag:s8] =	ssyncadd.s32 $0xFFFFF000  }
0x278: {  	_ =	swait.ge [sflag:s25], $0x1000  }
0x279: {  	s3 =	sadd.s32 $0x100, s3;
	s17 =	rddreg [dreg:$0x5];
	[sflag:s25] =	ssyncset.done $0x0  }
0x27a: {  	[sflag:s25] =	ssyncadd.s32 $0xFFFFF000  }
0x27b: {  	s3 =	sadd.s32 s0, s17;
	s7 =	simm.s32 $0x0;
	s1 =	simm.s32 $0x11  }
0x27c: {  	[tilespmem:s7], [sflag:$0x11] =	stream.linear.gather [hbm4b:s3+s7], $0x800, $0x38;
	[tilespmem:$0x1F800] =	vst v63  }
0x27d: {  	_ =	swait.ge [sflag:s1], $0x800  }
0x27e: {  	s28 =	rddreg [dreg:$0x4];
	[sflag:s1] =	ssyncset.done $0x0  }
0x27f: {  	s8 =	simm.s32 $0x800;
	[sflag:s1] =	ssyncadd.s32 $0xFFFFF800;
	s3 =	sadd.s32 s0, s28  }
0x280: {  	[tilespmem:s8], [sflag:$0x11] =	stream.linear.gather [hbm4b:s3+s7], $0x800, $0x38;
	[tilespmem:$0x1F800] =	vst v63  }
0x281: {  	_ =	swait.ge [sflag:s1], $0x800  }
0x282: {  	s29 =	rddreg [dreg:$0x3];
	[sflag:s1] =	ssyncset.done $0x0  }
0x283: {  	s30 =	simm.s32 $0x1000;
	[sflag:s1] =	ssyncadd.s32 $0xFFFFF800;
	s3 =	sadd.s32 s0, s29  }
0x284: {  	[tilespmem:s30], [sflag:$0x11] =	stream.linear.gather [hbm4b:s3+s7], $0x800, $0x38;
	[tilespmem:$0x1F800] =	vst v63  }
0x285: {  	_ =	swait.ge [sflag:s1], $0x800  }
0x286: {  	[sflag:s1] =	ssyncset.done $0x0  }
0x287: {  	s6 =	simm.s32 $0x1800;
	[sflag:s1] =	ssyncadd.s32 $0xFFFFF800  }
0x288: {  	[tilespmem:s6], [sflag:$0x1] =	stream.indirect.gather [hbm4b:s4+s16], $0x80, s7, s16, $0xb8;
	[tilespmem:$0x1F800] =	vst v63  }
0x289: {  	s23 =	simm.s32 $0x5800  }
0x28a: {  	[tilespmem:s23], [sflag:$0x5] =	stream.indirect.gather [hbm4b:s5+s16], $0x80, s8, s16, $0xb8;
	[tilespmem:$0x1F800] =	vst v63  }
0x28b: {  	s22 =	simm.s32 $0x2800;
	s31 =	rddreg [dreg:$0x6]  }
0x28c: {  	[tilespmem:s22], [sflag:$0x2] =	stream.indirect.gather [hbm4b:s4+s16], $0x80, s31, s16, $0xb8;
	[tilespmem:$0x1F800] =	vst v63  }
0x28d: {  	s20 =	simm.s32 $0x6800;
	s15 =	rddreg [dreg:$0x7]  }
0x28e: {  	[tilespmem:s20], [sflag:$0x6] =	stream.indirect.gather [hbm4b:s5+s16], $0x80, s15, s16, $0xb8;
	[tilespmem:$0x1F800] =	vst v63  }
0x28f: {  	s21 =	simm.s32 $0x3800;
	s1 =	rddreg [dreg:$0x8]  }
0x290: {  	[tilespmem:s21], [sflag:$0x3] =	stream.indirect.gather [hbm4b:s4+s16], $0x80, s1, s16, $0xb8;
	[tilespmem:$0x1F800] =	vst v63  }
0x291: {  	s19 =	simm.s32 $0x7800;
	s7 =	rddreg [dreg:$0x9];
	s31 =	simm.s32 $0x1  }
0x292: {  	[tilespmem:s19], [sflag:$0x7] =	stream.indirect.gather [hbm4b:s5+s16], $0x80, s7, s16, $0xb8;
	[tilespmem:$0x1F800] =	vst v63  }
0x293: {  	_ =	swait.ge [sflag:s31], $0x1000  }
0x294: {  	[sflag:s31] =	ssyncset.done $0x0  }
0x295: {  	s24 =	simm.s32 $0x5;
	[sflag:s31] =	ssyncadd.s32 $0xFFFFF000  }
0x296: {  	[spmem:s2] =	stream.indirect.scatter.add.f32 [tilespmem:s6], [sflag:$0x9], $0x80, s30, s16, $0xb8;
	[tilespmem:$0x1F800] =	vst v63  }
0x297: {  	_ =	swait.ge [sflag:s24], $0x1000  }
0x298: {  	[sflag:s24] =	ssyncset.done $0x0  }
0x299: {  	[sflag:s24] =	ssyncadd.s32 $0xFFFFF000  }
0x29a: {  	[spmem:s2] =	stream.indirect.scatter.add.f32 [tilespmem:s23], [sflag:$0xD], $0x80, s30, s16, $0xb8;
	[tilespmem:$0x1F800] =	vst v63  }
0x29b: {  	s17 =	simm.s32 $0x4800;
	s8 =	rddreg [dreg:$0xa]  }
0x29c: {  	[tilespmem:s17], [sflag:$0x4] =	stream.indirect.gather [hbm4b:s4+s16], $0x80, s8, s16, $0xb8;
	[tilespmem:$0x1F800] =	vst v63  }
0x29d: {  	s13 =	simm.s32 $0x8800;
	s28 =	simm.s32 $0x2;
	s9 =	rddreg [dreg:$0xb]  }
0x29e: {  	[tilespmem:s13], [sflag:$0x8] =	stream.indirect.gather [hbm4b:s5+s16], $0x80, s9, s16, $0xb8;
	[tilespmem:$0x1F800] =	vst v63  }
0x29f: {  	_ =	swait.ge [sflag:s28], $0x1000  }
0x2a0: {  	[sflag:s28] =	ssyncset.done $0x0  }
0x2a1: {  	s10 =	simm.s32 $0x1080;
	s30 =	simm.s32 $0x6;
	[sflag:s28] =	ssyncadd.s32 $0xFFFFF000  }
0x2a2: {  	[spmem:s2] =	stream.indirect.scatter.add.f32 [tilespmem:s22], [sflag:$0xA], $0x80, s10, s16, $0xb8;
	[tilespmem:$0x1F800] =	vst v63  }
0x2a3: {  	_ =	swait.ge [sflag:s30], $0x1000  }
0x2a4: {  	[sflag:s30] =	ssyncset.done $0x0  }
0x2a5: {  	s14 =	simm.s32 $0x9;
	[sflag:s30] =	ssyncadd.s32 $0xFFFFF000  }
0x2a6: {  	[spmem:s2] =	stream.indirect.scatter.add.f32 [tilespmem:s20], [sflag:$0xE], $0x80, s10, s16, $0xb8;
	[tilespmem:$0x1F800] =	vst v63  }
0x2a7: {  	_ =	swait.ge [sflag:s14], $0x1000  }
0x2a8: {  	[sflag:s14] =	ssyncset.done $0x0  }
0x2a9: {  	s1 =	simm.s32 $0xD;
	[sflag:s14] =	ssyncadd.s32 $0xFFFFF000  }
0x2aa: {  	_ =	swait.ge [sflag:s1], $0x1000  }
0x2ab: {  	[sflag:s1] =	ssyncset.done $0x0  }
0x2ac: {  	s11 =	rddreg [dreg:$0xc];
	[sflag:s1] =	ssyncadd.s32 $0xFFFFF000  }
0x2ad: {  	[tilespmem:s6], [sflag:$0x1] =	stream.indirect.gather [hbm4b:s4+s16], $0x80, s11, s16, $0xb8;
	[tilespmem:$0x1F800] =	vst v63  }
0x2ae: {  	s29 =	simm.s32 $0x3;
	s12 =	rddreg [dreg:$0xd]  }
0x2af: {  	[tilespmem:s23], [sflag:$0x5] =	stream.indirect.gather [hbm4b:s5+s16], $0x80, s12, s16, $0xb8;
	[tilespmem:$0x1F800] =	vst v63  }
0x2b0: {  	_ =	swait.ge [sflag:s29], $0x1000  }
0x2b1: {  	[sflag:s29] =	ssyncset.done $0x0  }
0x2b2: {  	s15 =	simm.s32 $0x1100;
	s9 =	simm.s32 $0x7;
	[sflag:s29] =	ssyncadd.s32 $0xFFFFF000  }
0x2b3: {  	[spmem:s2] =	stream.indirect.scatter.add.f32 [tilespmem:s21], [sflag:$0xB], $0x80, s15, s16, $0xb8;
	[tilespmem:$0x1F800] =	vst v63  }
0x2b4: {  	_ =	swait.ge [sflag:s9], $0x1000  }
0x2b5: {  	[sflag:s9] =	ssyncset.done $0x0  }
0x2b6: {  	s0 =	simm.s32 $0xA;
	[sflag:s9] =	ssyncadd.s32 $0xFFFFF000  }
0x2b7: {  	[spmem:s2] =	stream.indirect.scatter.add.f32 [tilespmem:s19], [sflag:$0xF], $0x80, s15, s16, $0xb8;
	[tilespmem:$0x1F800] =	vst v63  }
0x2b8: {  	_ =	swait.ge [sflag:s0], $0x1000  }
0x2b9: {  	[sflag:s0] =	ssyncset.done $0x0  }
0x2ba: {  	s12 =	simm.s32 $0xE;
	[sflag:s0] =	ssyncadd.s32 $0xFFFFF000  }
0x2bb: {  	_ =	swait.ge [sflag:s12], $0x1000  }
0x2bc: {  	[sflag:s12] =	ssyncset.done $0x0  }
0x2bd: {  	s26 =	rddreg [dreg:$0xe];
	[sflag:s12] =	ssyncadd.s32 $0xFFFFF000  }
0x2be: {  	[tilespmem:s22], [sflag:$0x2] =	stream.indirect.gather [hbm4b:s4+s16], $0x80, s26, s16, $0xb8;
	[tilespmem:$0x1F800] =	vst v63  }
0x2bf: {  	s11 =	simm.s32 $0x4;
	s7 =	rddreg [dreg:$0xf]  }
0x2c0: {  	[tilespmem:s20], [sflag:$0x6] =	stream.indirect.gather [hbm4b:s5+s16], $0x80, s7, s16, $0xb8;
	[tilespmem:$0x1F800] =	vst v63  }
0x2c1: {  	_ =	swait.ge [sflag:s11], $0x1000  }
0x2c2: {  	[sflag:s11] =	ssyncset.done $0x0  }
0x2c3: {  	s8 =	simm.s32 $0x1180;
	s10 =	simm.s32 $0x8;
	[sflag:s11] =	ssyncadd.s32 $0xFFFFF000  }
0x2c4: {  	[spmem:s2] =	stream.indirect.scatter.add.f32 [tilespmem:s17], [sflag:$0xC], $0x80, s8, s16, $0xb8;
	[tilespmem:$0x1F800] =	vst v63  }
0x2c5: {  	_ =	swait.ge [sflag:s10], $0x1000  }
0x2c6: {  	[sflag:s10] =	ssyncset.done $0x0  }
0x2c7: {  	s7 =	simm.s32 $0xB;
	[sflag:s10] =	ssyncadd.s32 $0xFFFFF000  }
0x2c8: {  	[spmem:s2] =	stream.indirect.scatter.add.f32 [tilespmem:s13], [sflag:$0x10], $0x80, s8, s16, $0xb8;
	[tilespmem:$0x1F800] =	vst v63  }
0x2c9: {  	_ =	swait.ge [sflag:s7], $0x1000  }
0x2ca: {  	[sflag:s7] =	ssyncset.done $0x0  }
0x2cb: {  	s26 =	simm.s32 $0xF;
	[sflag:s7] =	ssyncadd.s32 $0xFFFFF000  }
0x2cc: {  	_ =	swait.ge [sflag:s26], $0x1000  }
0x2cd: {  	[sflag:s26] =	ssyncset.done $0x0  }
0x2ce: {  	s15 =	rddreg [dreg:$0x10];
	[sflag:s26] =	ssyncadd.s32 $0xFFFFF000  }
0x2cf: {  	[tilespmem:s21], [sflag:$0x3] =	stream.indirect.gather [hbm4b:s4+s16], $0x80, s15, s16, $0xb8;
	[tilespmem:$0x1F800] =	vst v63  }
0x2d0: {  	s8 =	rddreg [dreg:$0x11]  }
0x2d1: {  	[tilespmem:s19], [sflag:$0x7] =	stream.indirect.gather [hbm4b:s5+s16], $0x80, s8, s16, $0xb8;
	[tilespmem:$0x1F800] =	vst v63  }
0x2d2: {  	_ =	swait.ge [sflag:s31], $0x1000  }
0x2d3: {  	[sflag:s31] =	ssyncset.done $0x0  }
0x2d4: {  	s8 =	simm.s32 $0x1200;
	[sflag:s31] =	ssyncadd.s32 $0xFFFFF000  }
0x2d5: {  	[spmem:s2] =	stream.indirect.scatter.add.f32 [tilespmem:s6], [sflag:$0x9], $0x80, s8, s16, $0xb8;
	[tilespmem:$0x1F800] =	vst v63  }
0x2d6: {  	_ =	swait.ge [sflag:s24], $0x1000  }
0x2d7: {  	[sflag:s24] =	ssyncset.done $0x0  }
0x2d8: {  	[sflag:s24] =	ssyncadd.s32 $0xFFFFF000  }
0x2d9: {  	[spmem:s2] =	stream.indirect.scatter.add.f32 [tilespmem:s23], [sflag:$0xD], $0x80, s8, s16, $0xb8;
	[tilespmem:$0x1F800] =	vst v63  }
0x2da: {  	s8 =	simm.s32 $0xC  }
0x2db: {  	_ =	swait.ge [sflag:s8], $0x1000  }
0x2dc: {  	[sflag:s8] =	ssyncset.done $0x0  }
0x2dd: {  	[sflag:s8] =	ssyncadd.s32 $0xFFFFF000  }
0x2de: {  	_ =	swait.ge [sflag:s25], $0x1000  }
0x2df: {  	[sflag:s25] =	ssyncset.done $0x0  }
0x2e0: {  	s3 =	rddreg [dreg:$0x12];
	[sflag:s25] =	ssyncadd.s32 $0xFFFFF000  }
0x2e1: {  	[tilespmem:s17], [sflag:$0x4] =	stream.indirect.gather [hbm4b:s4+s16], $0x80, s3, s16, $0xb8;
	[tilespmem:$0x1F800] =	vst v63  }
0x2e2: {  	s15 =	rddreg [dreg:$0x13]  }
0x2e3: {  	[tilespmem:s13], [sflag:$0x8] =	stream.indirect.gather [hbm4b:s5+s16], $0x80, s15, s16, $0xb8;
	[tilespmem:$0x1F800] =	vst v63  }
0x2e4: {  	_ =	swait.ge [sflag:s28], $0x1000  }
0x2e5: {  	[sflag:s28] =	ssyncset.done $0x0  }
0x2e6: {  	s15 =	simm.s32 $0x1280;
	[sflag:s28] =	ssyncadd.s32 $0xFFFFF000  }
0x2e7: {  	[spmem:s2] =	stream.indirect.scatter.add.f32 [tilespmem:s22], [sflag:$0xA], $0x80, s15, s16, $0xb8;
	[tilespmem:$0x1F800] =	vst v63  }
0x2e8: {  	_ =	swait.ge [sflag:s30], $0x1000  }
0x2e9: {  	[sflag:s30] =	ssyncset.done $0x0  }
0x2ea: {  	[sflag:s30] =	ssyncadd.s32 $0xFFFFF000  }
0x2eb: {  	[spmem:s2] =	stream.indirect.scatter.add.f32 [tilespmem:s20], [sflag:$0xE], $0x80, s15, s16, $0xb8;
	[tilespmem:$0x1F800] =	vst v63  }
0x2ec: {  	_ =	swait.ge [sflag:s14], $0x1000  }
0x2ed: {  	[sflag:s14] =	ssyncset.done $0x0  }
0x2ee: {  	[sflag:s14] =	ssyncadd.s32 $0xFFFFF000  }
0x2ef: {  	_ =	swait.ge [sflag:s1], $0x1000  }
0x2f0: {  	[sflag:s1] =	ssyncset.done $0x0  }
0x2f1: {  	s3 =	rddreg [dreg:$0x14];
	[sflag:s1] =	ssyncadd.s32 $0xFFFFF000  }
0x2f2: {  	[tilespmem:s6], [sflag:$0x1] =	stream.indirect.gather [hbm4b:s4+s16], $0x80, s3, s16, $0xb8;
	[tilespmem:$0x1F800] =	vst v63  }
0x2f3: {  	s15 =	rddreg [dreg:$0x15]  }
0x2f4: {  	[tilespmem:s23], [sflag:$0x5] =	stream.indirect.gather [hbm4b:s5+s16], $0x80, s15, s16, $0xb8;
	[tilespmem:$0x1F800] =	vst v63  }
0x2f5: {  	_ =	swait.ge [sflag:s29], $0x1000  }
0x2f6: {  	[sflag:s29] =	ssyncset.done $0x0  }
0x2f7: {  	s15 =	simm.s32 $0x1300;
	[sflag:s29] =	ssyncadd.s32 $0xFFFFF000  }
0x2f8: {  	[spmem:s2] =	stream.indirect.scatter.add.f32 [tilespmem:s21], [sflag:$0xB], $0x80, s15, s16, $0xb8;
	[tilespmem:$0x1F800] =	vst v63  }
0x2f9: {  	_ =	swait.ge [sflag:s9], $0x1000  }
0x2fa: {  	[sflag:s9] =	ssyncset.done $0x0  }
0x2fb: {  	[sflag:s9] =	ssyncadd.s32 $0xFFFFF000  }
0x2fc: {  	[spmem:s2] =	stream.indirect.scatter.add.f32 [tilespmem:s19], [sflag:$0xF], $0x80, s15, s16, $0xb8;
	[tilespmem:$0x1F800] =	vst v63  }
0x2fd: {  	_ =	swait.ge [sflag:s0], $0x1000  }
0x2fe: {  	[sflag:s0] =	ssyncset.done $0x0  }
0x2ff: {  	[sflag:s0] =	ssyncadd.s32 $0xFFFFF000  }
0x300: {  	_ =	swait.ge [sflag:s12], $0x1000  }
0x301: {  	[sflag:s12] =	ssyncset.done $0x0  }
0x302: {  	s3 =	rddreg [dreg:$0x16];
	[sflag:s12] =	ssyncadd.s32 $0xFFFFF000  }
0x303: {  	[tilespmem:s22], [sflag:$0x2] =	stream.indirect.gather [hbm4b:s4+s16], $0x80, s3, s16, $0xb8;
	[tilespmem:$0x1F800] =	vst v63  }
0x304: {  	s15 =	rddreg [dreg:$0x17]  }
0x305: {  	[tilespmem:s20], [sflag:$0x6] =	stream.indirect.gather [hbm4b:s5+s16], $0x80, s15, s16, $0xb8;
	[tilespmem:$0x1F800] =	vst v63  }
0x306: {  	_ =	swait.ge [sflag:s11], $0x1000  }
0x307: {  	[sflag:s11] =	ssyncset.done $0x0  }
0x308: {  	s15 =	simm.s32 $0x1380;
	[sflag:s11] =	ssyncadd.s32 $0xFFFFF000  }
0x309: {  	[spmem:s2] =	stream.indirect.scatter.add.f32 [tilespmem:s17], [sflag:$0xC], $0x80, s15, s16, $0xb8;
	[tilespmem:$0x1F800] =	vst v63  }
0x30a: {  	_ =	swait.ge [sflag:s10], $0x1000  }
0x30b: {  	[sflag:s10] =	ssyncset.done $0x0  }
0x30c: {  	[sflag:s10] =	ssyncadd.s32 $0xFFFFF000  }
0x30d: {  	[spmem:s2] =	stream.indirect.scatter.add.f32 [tilespmem:s13], [sflag:$0x10], $0x80, s15, s16, $0xb8;
	[tilespmem:$0x1F800] =	vst v63  }
0x30e: {  	_ =	swait.ge [sflag:s7], $0x1000  }
0x30f: {  	[sflag:s7] =	ssyncset.done $0x0  }
0x310: {  	[sflag:s7] =	ssyncadd.s32 $0xFFFFF000  }
0x311: {  	_ =	swait.ge [sflag:s26], $0x1000  }
0x312: {  	[sflag:s26] =	ssyncset.done $0x0  }
0x313: {  	s3 =	rddreg [dreg:$0x18];
	[sflag:s26] =	ssyncadd.s32 $0xFFFFF000  }
0x314: {  	[tilespmem:s21], [sflag:$0x3] =	stream.indirect.gather [hbm4b:s4+s16], $0x80, s3, s16, $0xb8;
	[tilespmem:$0x1F800] =	vst v63  }
0x315: {  	s15 =	rddreg [dreg:$0x19]  }
0x316: {  	[tilespmem:s19], [sflag:$0x7] =	stream.indirect.gather [hbm4b:s5+s16], $0x80, s15, s16, $0xb8;
	[tilespmem:$0x1F800] =	vst v63  }
0x317: {  	_ =	swait.ge [sflag:s31], $0x1000  }
0x318: {  	[sflag:s31] =	ssyncset.done $0x0  }
0x319: {  	s15 =	simm.s32 $0x1400;
	[sflag:s31] =	ssyncadd.s32 $0xFFFFF000  }
0x31a: {  	[spmem:s2] =	stream.indirect.scatter.add.f32 [tilespmem:s6], [sflag:$0x9], $0x80, s15, s16, $0xb8;
	[tilespmem:$0x1F800] =	vst v63  }
0x31b: {  	_ =	swait.ge [sflag:s24], $0x1000  }
0x31c: {  	[sflag:s24] =	ssyncset.done $0x0  }
0x31d: {  	[sflag:s24] =	ssyncadd.s32 $0xFFFFF000  }
0x31e: {  	[spmem:s2] =	stream.indirect.scatter.add.f32 [tilespmem:s23], [sflag:$0xD], $0x80, s15, s16, $0xb8;
	[tilespmem:$0x1F800] =	vst v63  }
0x31f: {  	_ =	swait.ge [sflag:s8], $0x1000  }
0x320: {  	[sflag:s8] =	ssyncset.done $0x0  }
0x321: {  	[sflag:s8] =	ssyncadd.s32 $0xFFFFF000  }
0x322: {  	_ =	swait.ge [sflag:s25], $0x1000  }
0x323: {  	[sflag:s25] =	ssyncset.done $0x0  }
0x324: {  	s3 =	rddreg [dreg:$0x1a];
	[sflag:s25] =	ssyncadd.s32 $0xFFFFF000  }
0x325: {  	[tilespmem:s17], [sflag:$0x4] =	stream.indirect.gather [hbm4b:s4+s16], $0x80, s3, s16, $0xb8;
	[tilespmem:$0x1F800] =	vst v63  }
0x326: {  	s15 =	rddreg [dreg:$0x1b]  }
0x327: {  	[tilespmem:s13], [sflag:$0x8] =	stream.indirect.gather [hbm4b:s5+s16], $0x80, s15, s16, $0xb8;
	[tilespmem:$0x1F800] =	vst v63  }
0x328: {  	_ =	swait.ge [sflag:s28], $0x1000  }
0x329: {  	[sflag:s28] =	ssyncset.done $0x0  }
0x32a: {  	s15 =	simm.s32 $0x1480;
	[sflag:s28] =	ssyncadd.s32 $0xFFFFF000  }
0x32b: {  	[spmem:s2] =	stream.indirect.scatter.add.f32 [tilespmem:s22], [sflag:$0xA], $0x80, s15, s16, $0xb8;
	[tilespmem:$0x1F800] =	vst v63  }
0x32c: {  	_ =	swait.ge [sflag:s30], $0x1000  }
0x32d: {  	[sflag:s30] =	ssyncset.done $0x0  }
0x32e: {  	[sflag:s30] =	ssyncadd.s32 $0xFFFFF000  }
0x32f: {  	[spmem:s2] =	stream.indirect.scatter.add.f32 [tilespmem:s20], [sflag:$0xE], $0x80, s15, s16, $0xb8;
	[tilespmem:$0x1F800] =	vst v63  }
0x330: {  	_ =	swait.ge [sflag:s14], $0x1000  }
0x331: {  	[sflag:s14] =	ssyncset.done $0x0  }
0x332: {  	[sflag:s14] =	ssyncadd.s32 $0xFFFFF000  }
0x333: {  	_ =	swait.ge [sflag:s1], $0x1000  }
0x334: {  	[sflag:s1] =	ssyncset.done $0x0  }
0x335: {  	s3 =	rddreg [dreg:$0x1c];
	[sflag:s1] =	ssyncadd.s32 $0xFFFFF000  }
0x336: {  	[tilespmem:s6], [sflag:$0x1] =	stream.indirect.gather [hbm4b:s4+s16], $0x80, s3, s16, $0xb8;
	[tilespmem:$0x1F800] =	vst v63  }
0x337: {  	s15 =	rddreg [dreg:$0x1d]  }
0x338: {  	[tilespmem:s23], [sflag:$0x5] =	stream.indirect.gather [hbm4b:s5+s16], $0x80, s15, s16, $0xb8;
	[tilespmem:$0x1F800] =	vst v63  }
0x339: {  	_ =	swait.ge [sflag:s29], $0x1000  }
0x33a: {  	[sflag:s29] =	ssyncset.done $0x0  }
0x33b: {  	s15 =	simm.s32 $0x1500;
	[sflag:s29] =	ssyncadd.s32 $0xFFFFF000  }
0x33c: {  	[spmem:s2] =	stream.indirect.scatter.add.f32 [tilespmem:s21], [sflag:$0xB], $0x80, s15, s16, $0xb8;
	[tilespmem:$0x1F800] =	vst v63  }
0x33d: {  	_ =	swait.ge [sflag:s9], $0x1000  }
0x33e: {  	[sflag:s9] =	ssyncset.done $0x0  }
0x33f: {  	[sflag:s9] =	ssyncadd.s32 $0xFFFFF000  }
0x340: {  	[spmem:s2] =	stream.indirect.scatter.add.f32 [tilespmem:s19], [sflag:$0xF], $0x80, s15, s16, $0xb8;
	[tilespmem:$0x1F800] =	vst v63  }
0x341: {  	_ =	swait.ge [sflag:s0], $0x1000  }
0x342: {  	[sflag:s0] =	ssyncset.done $0x0  }
0x343: {  	[sflag:s0] =	ssyncadd.s32 $0xFFFFF000  }
0x344: {  	_ =	swait.ge [sflag:s12], $0x1000  }
0x345: {  	[sflag:s12] =	ssyncset.done $0x0  }
0x346: {  	s3 =	rddreg [dreg:$0x1e];
	[sflag:s12] =	ssyncadd.s32 $0xFFFFF000  }
0x347: {  	[tilespmem:s22], [sflag:$0x2] =	stream.indirect.gather [hbm4b:s4+s16], $0x80, s3, s16, $0xb8;
	[tilespmem:$0x1F800] =	vst v63  }
0x348: {  	s15 =	rddreg [dreg:$0x1f]  }
0x349: {  	[tilespmem:s20], [sflag:$0x6] =	stream.indirect.gather [hbm4b:s5+s16], $0x80, s15, s16, $0xb8;
	[tilespmem:$0x1F800] =	vst v63  }
0x34a: {  	_ =	swait.ge [sflag:s11], $0x1000  }
0x34b: {  	[sflag:s11] =	ssyncset.done $0x0  }
0x34c: {  	s15 =	simm.s32 $0x1580;
	[sflag:s11] =	ssyncadd.s32 $0xFFFFF000  }
0x34d: {  	[spmem:s2] =	stream.indirect.scatter.add.f32 [tilespmem:s17], [sflag:$0xC], $0x80, s15, s16, $0xb8;
	[tilespmem:$0x1F800] =	vst v63  }
0x34e: {  	_ =	swait.ge [sflag:s10], $0x1000  }
0x34f: {  	[sflag:s10] =	ssyncset.done $0x0  }
0x350: {  	[sflag:s10] =	ssyncadd.s32 $0xFFFFF000  }
0x351: {  	[spmem:s2] =	stream.indirect.scatter.add.f32 [tilespmem:s13], [sflag:$0x10], $0x80, s15, s16, $0xb8;
	[tilespmem:$0x1F800] =	vst v63  }
0x352: {  	_ =	swait.ge [sflag:s7], $0x1000  }
0x353: {  	[sflag:s7] =	ssyncset.done $0x0  }
0x354: {  	[sflag:s7] =	ssyncadd.s32 $0xFFFFF000  }
0x355: {  	_ =	swait.ge [sflag:s26], $0x1000  }
0x356: {  	s3 =	sld [smem:$0x7FA]  }
0x357: {  	[sflag:s26] =	ssyncset.done $0x0  }
0x358: {  	s15 =	sld [smem:$0x7FB];
	[sflag:s26] =	ssyncadd.s32 $0xFFFFF000  }
0x359: {  	[tilespmem:s21], [sflag:$0x3] =	stream.indirect.gather [hbm4b:s4+s16], $0x80, s3, s16, $0xb8;
	[tilespmem:$0x1F800] =	vst v63  }
0x35a: {  	_ = 	snop  }
0x35b: {  	[tilespmem:s19], [sflag:$0x7] =	stream.indirect.gather [hbm4b:s5+s16], $0x80, s15, s16, $0xb8;
	[tilespmem:$0x1F800] =	vst v63  }
0x35c: {  	_ =	swait.ge [sflag:s31], $0x1000  }
0x35d: {  	[sflag:s31] =	ssyncset.done $0x0  }
0x35e: {  	s15 =	simm.s32 $0x1600;
	[sflag:s31] =	ssyncadd.s32 $0xFFFFF000  }
0x35f: {  	[spmem:s2] =	stream.indirect.scatter.add.f32 [tilespmem:s6], [sflag:$0x9], $0x80, s15, s16, $0xb8;
	[tilespmem:$0x1F800] =	vst v63  }
0x360: {  	_ =	swait.ge [sflag:s24], $0x1000  }
0x361: {  	[sflag:s24] =	ssyncset.done $0x0  }
0x362: {  	[sflag:s24] =	ssyncadd.s32 $0xFFFFF000  }
0x363: {  	[spmem:s2] =	stream.indirect.scatter.add.f32 [tilespmem:s23], [sflag:$0xD], $0x80, s15, s16, $0xb8;
	[tilespmem:$0x1F800] =	vst v63  }
0x364: {  	_ =	swait.ge [sflag:s8], $0x1000  }
0x365: {  	[sflag:s8] =	ssyncset.done $0x0  }
0x366: {  	[sflag:s8] =	ssyncadd.s32 $0xFFFFF000  }
0x367: {  	_ =	swait.ge [sflag:s25], $0x1000  }
0x368: {  	s23 =	sld [smem:$0x7FC]  }
0x369: {  	[sflag:s25] =	ssyncset.done $0x0  }
0x36a: {  	s24 =	sld [smem:$0x7FD];
	[sflag:s25] =	ssyncadd.s32 $0xFFFFF000  }
0x36b: {  	[tilespmem:s17], [sflag:$0x4] =	stream.indirect.gather [hbm4b:s4+s16], $0x80, s23, s16, $0xb8;
	[tilespmem:$0x1F800] =	vst v63  }
0x36c: {  	_ = 	snop  }
0x36d: {  	[tilespmem:s13], [sflag:$0x8] =	stream.indirect.gather [hbm4b:s5+s16], $0x80, s24, s16, $0xb8;
	[tilespmem:$0x1F800] =	vst v63  }
0x36e: {  	_ =	swait.ge [sflag:s28], $0x1000  }
0x36f: {  	[sflag:s28] =	ssyncset.done $0x0  }
0x370: {  	[sflag:s28] =	ssyncadd.s32 $0xFFFFF000  }
0x371: {  	[spmem:s2] =	stream.indirect.scatter.add.f32 [tilespmem:s22], [sflag:$0xA], $0x80, s18, s16, $0xb8;
	[tilespmem:$0x1F800] =	vst v63  }
0x372: {  	_ =	swait.ge [sflag:s30], $0x1000  }
0x373: {  	[sflag:s30] =	ssyncset.done $0x0  }
0x374: {  	[sflag:s30] =	ssyncadd.s32 $0xFFFFF000  }
0x375: {  	[spmem:s2] =	stream.indirect.scatter.add.f32 [tilespmem:s20], [sflag:$0xE], $0x80, s18, s16, $0xb8;
	[tilespmem:$0x1F800] =	vst v63  }
0x376: {  	_ =	swait.ge [sflag:s29], $0x1000  }
0x377: {  	[sflag:s29] =	ssyncset.done $0x0  }
0x378: {  	s30 =	simm.s32 $0x1700;
	[sflag:s29] =	ssyncadd.s32 $0xFFFFF000  }
0x379: {  	[spmem:s2] =	stream.indirect.scatter.add.f32 [tilespmem:s21], [sflag:$0xB], $0x80, s30, s16, $0xb8;
	[tilespmem:$0x1F800] =	vst v63  }
0x37a: {  	_ =	swait.ge [sflag:s9], $0x1000  }
0x37b: {  	[sflag:s9] =	ssyncset.done $0x0  }
0x37c: {  	[sflag:s9] =	ssyncadd.s32 $0xFFFFF000  }
0x37d: {  	[spmem:s2] =	stream.indirect.scatter.add.f32 [tilespmem:s19], [sflag:$0xF], $0x80, s30, s16, $0xb8;
	[tilespmem:$0x1F800] =	vst v63  }
0x37e: {  	_ =	swait.ge [sflag:s11], $0x1000  }
0x37f: {  	[sflag:s11] =	ssyncset.done $0x0  }
0x380: {  	s31 =	simm.s32 $0x1780;
	[sflag:s11] =	ssyncadd.s32 $0xFFFFF000  }
0x381: {  	[spmem:s2] =	stream.indirect.scatter.add.f32 [tilespmem:s17], [sflag:$0xC], $0x80, s31, s16, $0xb8;
	[tilespmem:$0x1F800] =	vst v63  }
0x382: {  	_ =	swait.ge [sflag:s10], $0x1000  }
0x383: {  	[sflag:s10] =	ssyncset.done $0x0  }
0x384: {  	[sflag:s10] =	ssyncadd.s32 $0xFFFFF000  }
0x385: {  	[spmem:s2] =	stream.indirect.scatter.add.f32 [tilespmem:s13], [sflag:$0x10], $0x80, s31, s16, $0xb8;
	[tilespmem:$0x1F800] =	vst v63  }
0x386: {  	_ =	swait.ge [sflag:s14], $0x1000  }
0x387: {  	[sflag:s14] =	ssyncset.done $0x0  }
0x388: {  	[sflag:s14] =	ssyncadd.s32 $0xFFFFF000  }
0x389: {  	_ =	swait.ge [sflag:s1], $0x1000  }
0x38a: {  	[sflag:s1] =	ssyncset.done $0x0  }
0x38b: {  	[sflag:s1] =	ssyncadd.s32 $0xFFFFF000  }
0x38c: {  	_ =	swait.ge [sflag:s0], $0x1000  }
0x38d: {  	[sflag:s0] =	ssyncset.done $0x0  }
0x38e: {  	[sflag:s0] =	ssyncadd.s32 $0xFFFFF000  }
0x38f: {  	_ =	swait.ge [sflag:s12], $0x1000  }
0x390: {  	[sflag:s12] =	ssyncset.done $0x0  }
0x391: {  	[sflag:s12] =	ssyncadd.s32 $0xFFFFF000  }
0x392: {  	_ =	swait.ge [sflag:s7], $0x1000  }
0x393: {  	[sflag:s7] =	ssyncset.done $0x0  }
0x394: {  	[sflag:s7] =	ssyncadd.s32 $0xFFFFF000  }
0x395: {  	_ =	swait.ge [sflag:s26], $0x1000  }
0x396: {  	[sflag:s26] =	ssyncset.done $0x0  }
0x397: {  	[sflag:s26] =	ssyncadd.s32 $0xFFFFF000  }
0x398: {  	_ =	swait.ge [sflag:s8], $0x1000  }
0x399: {  	[sflag:s8] =	ssyncset.done $0x0  }
0x39a: {  	[sflag:s8] =	ssyncadd.s32 $0xFFFFF000  }
0x39b: {  	_ =	swait.ge [sflag:s25], $0x1000  }
0x39c: {  	[sflag:s25] =	ssyncset.done $0x0  }
0x39d: {  	s20 =	simm.s32 $0x9800;
	[sflag:s25] =	ssyncadd.s32 $0xFFFFF000  }
0x39e: {  	s13 =	simm.s32 $0x11;
	s0 =	simm.s32 $0x0;
	[bflag:$0x0] =	sbarrier.arrive $0xFFFF  }
.LBB2_4:
0x39f: {  	s15 =	sld [smem:$0x7F5];
	_ =	sdelay $0x1  }
0x3a0: {  	s3 =	sshll.u32 s0, $0x6  }
0x3a1: {  	s1 =	sadd.s32 s15, s3  }
0x3a2: {  	s3 =	sshll.u32 s1, $0x7  }
0x3a3: {  	s3 =	sand.u32 $0x3FFFFF80, s3  }
0x3a4: {  	s3 =	sadd.s32 s3, s2  }
0x3a5: {  	[tilespmem:s20], [sflag:$0x11] =	stream.linear.gather [spmem:s3], $0x2000, $0x38;
	[tilespmem:$0x1F800] =	vst v63  }
0x3a6: {  	_ =	swait.ge [sflag:s13], $0x2000  }
0x3a7: {  	[sflag:s13] =	ssyncset.done $0x0  }
0x3a8: {  	s17 =	simm.s32 $0x0;
	[sflag:s13] =	ssyncadd.s32 $0xFFFFE000  }
0x3a9: {  	v0 =	vld [tilespmem:s17+$0x9810];
	_ =	sdelay $0x4  }
0x3aa: {  	v1 =	vmin.f32 v0, $0.0e+00  }
0x3ab: {  	v1 =	vmul.f32 $9.999999770e-03, v1  }
0x3ac: {  	v0 =	vmax.f32 v0, $0.0e+00  }
0x3ad: {  	v0 =	vadd.f32 v1, v0;
	v1 =	vld [tilespmem:s17+$0x9850];
	_ =	sdelay $0x1  }
0x3ae: {  	s3 =	simm.s32 $0x80;
	[tilespmem:s17+$0x9810] =	vst v0;
	v0 =	vld [tilespmem:s17+$0x9870]  }
0x3af: {  	v2 =	vld [tilespmem:s3+$0x9810];
	_ =	sdelay $0x1  }
0x3b0: {  	v3 =	vld [tilespmem:s17+$0x9820];
	v4 =	vmin.f32 v1, $0.0e+00  }
0x3b1: {  	v4 =	vmul.f32 $9.999999770e-03, v4  }
0x3b2: {  	v5 =	vld [tilespmem:s17+$0x9840];
	v1 =	vmax.f32 v1, $0.0e+00;
	v7 =	vmin.f32 v0, $0.0e+00  }
0x3b3: {  	v8 =	vmin.f32 v2, $0.0e+00;
	v1 =	vadd.f32 v4, v1;
	v4 =	vmul.f32 $9.999999770e-03, v7  }
0x3b4: {  	v6 =	vld [tilespmem:s17+$0x9800];
	v0 =	vmax.f32 v0, $0.0e+00;
	v8 =	vmul.f32 $9.999999770e-03, v8  }
0x3b5: {  	v9 =	vld [tilespmem:s17+$0x9830];
	v2 =	vmax.f32 v2, $0.0e+00;
	[tilespmem:s17+$0x9850] =	vst v1;
	v0 =	vadd.f32 v4, v0;
	v1 =	vmin.f32 v3, $0.0e+00  }
0x3b6: {  	v7 =	vld [tilespmem:s17+$0x9860];
	v2 =	vadd.f32 v8, v2;
	v1 =	vmul.f32 $9.999999770e-03, v1  }
0x3b7: {  	v4 =	vld [tilespmem:s3+$0x9850];
	[tilespmem:s17+$0x9870] =	vst v0;
	v0 =	vmax.f32 v3, $0.0e+00;
	v3 =	vmin.f32 v5, $0.0e+00  }
0x3b8: {  	[tilespmem:s3+$0x9810] =	vst v2;
	v0 =	vadd.f32 v1, v0;
	v2 =	vmul.f32 $9.999999770e-03, v3  }
0x3b9: {  	s15 =	simm.s32 $0x100;
	v8 =	vld [tilespmem:s3+$0x9870];
	v3 =	vmax.f32 v5, $0.0e+00;
	v5 =	vmin.f32 v6, $0.0e+00  }
0x3ba: {  	v1 =	vld [tilespmem:s15+$0x9810];
	v5 =	vmul.f32 $9.999999770e-03, v5;
	[tilespmem:s17+$0x9820] =	vst v0;
	v0 =	vadd.f32 v2, v3  }
0x3bb: {  	v3 =	vmax.f32 v6, $0.0e+00;
	v6 =	vmax.f32 v7, $0.0e+00;
	v7 =	vmin.f32 v7, $0.0e+00  }
0x3bc: {  	v2 =	vld [tilespmem:s3+$0x9820];
	v5 =	vadd.f32 v5, v3;
	v3 =	vmin.f32 v9, $0.0e+00;
	v7 =	vmul.f32 $9.999999770e-03, v7  }
0x3bd: {  	v10 =	vmax.f32 v4, $0.0e+00;
	[tilespmem:s17+$0x9840] =	vst v0;
	v0 =	vmin.f32 v4, $0.0e+00;
	v11 =	vmul.f32 $9.999999770e-03, v3  }
0x3be: {  	v3 =	vld [tilespmem:s3+$0x9840];
	v12 =	vmul.f32 $9.999999770e-03, v0;
	[tilespmem:s17+$0x9800] =	vst v5;
	v5 =	vmax.f32 v9, $0.0e+00;
	v9 =	vadd.f32 v7, v6  }
0x3bf: {  	v4 =	vmax.f32 v8, $0.0e+00;
	v6 =	vmin.f32 v8, $0.0e+00;
	v0 =	vld [tilespmem:s3+$0x9800];
	v7 =	vadd.f32 v11, v5  }
0x3c0: {  	s18 =	simm.s32 $0x600;
	v8 =	vmin.f32 v1, $0.0e+00;
	v6 =	vmul.f32 $9.999999770e-03, v6;
	v5 =	vadd.f32 v12, v10;
	[tilespmem:s17+$0x9860] =	vst v9  }
.LBB2_5:
0x3c1: {  	s19 =	sshra.s32 s18, $0x2;
	p0 =	sne.s32 s18, $0x7E00;
	s18 =	sadd.s32 $0x200, s18;
	v1 =	vmax.f32 v1, $0.0e+00;
	v8 =	vmul.f32 $9.999999770e-03, v8;
	v9 =	vmin.f32 v2, $0.0e+00;
	v10 =	vld [tilespmem:s3+$0x9860];
	[tilespmem:s17+$0x9830] =	vst v7  }
0x3c2: {  	v2 =	vmax.f32 v2, $0.0e+00;
	s17 =	smov.u32 s3;
	v7 =	vmul.f32 $9.999999770e-03, v9;
	v9 =	vld [tilespmem:s3+$0x9830];
	[tilespmem:s3+$0x9850] =	vst v5;
	v4 =	vadd.f32 v6, v4;
	s3 =	smov.u32 s15;
	s15 =	smov.u32 s19  }
0x3c3: {  	v1 =	vadd.f32 v8, v1;
	v5 =	vld [tilespmem:s3+$0x9850];
	v6 =	vmax.f32 v3, $0.0e+00;
	v3 =	vmin.f32 v3, $0.0e+00  }
0x3c4: {  	v8 =	vmin.f32 v0, $0.0e+00;
	v2 =	vadd.f32 v7, v2;
	v3 =	vmul.f32 $9.999999770e-03, v3;
	[tilespmem:s17+$0x9870] =	vst v4  }
0x3c5: {  	v0 =	vmax.f32 v0, $0.0e+00;
	[tilespmem:s3+$0x9810] =	vst v1;
	v7 =	vld [tilespmem:s3+$0x9870];
	v4 =	vmul.f32 $9.999999770e-03, v8  }
0x3c6: {  	v1 =	vld [tilespmem:s15+$0x9810];
	[tilespmem:s17+$0x9820] =	vst v2;
	v3 =	vadd.f32 v3, v6;
	v6 =	vmax.f32 v10, $0.0e+00;
	v8 =	vmin.f32 v10, $0.0e+00  }
.Ltmp1:
0x3c7: {  	v2 =	vld [tilespmem:s3+$0x9820];
	v0 =	vadd.f32 v4, v0;
	v4 =	vmin.f32 v9, $0.0e+00;
	v8 =	vmul.f32 $9.999999770e-03, v8;
	(pc) =	sbr.rel @p0 .LBB2_5-.Ltmp1, $4  }
0x3c8: {  	v10 =	vmax.f32 v5, $0.0e+00;
	v5 =	vmin.f32 v5, $0.0e+00;
	v11 =	vmul.f32 $9.999999770e-03, v4;
	[tilespmem:s17+$0x9840] =	vst v3  }
0x3c9: {  	v9 =	vmax.f32 v9, $0.0e+00;
	v3 =	vld [tilespmem:s3+$0x9840];
	v5 =	vmul.f32 $9.999999770e-03, v5;
	[tilespmem:s17+$0x9800] =	vst v0;
	v12 =	vadd.f32 v8, v6  }
0x3ca: {  	v0 =	vld [tilespmem:s3+$0x9800];
	v4 =	vmax.f32 v7, $0.0e+00;
	v6 =	vmin.f32 v7, $0.0e+00;
	v7 =	vadd.f32 v11, v9  }
0x3cb: {  	v8 =	vmin.f32 v1, $0.0e+00;
	v5 =	vadd.f32 v5, v10;
	v6 =	vmul.f32 $9.999999770e-03, v6;
	[tilespmem:s17+$0x9860] =	vst v12  }
0x3cc: {  	v9 =	vld [tilespmem:s3+$0x9860];
	[tilespmem:s17+$0x9830] =	vst v7  }
0x3cd: {  	v25 =	vmul.f32 $9.999999770e-03, v8;
	v1 =	vmax.f32 v1, $0.0e+00;
	v10 =	vmin.f32 v2, $0.0e+00;
	v26 =	vld [tilespmem:s3+$0x9830]  }
0x3ce: {  	v29 =	vmax.f32 v2, $0.0e+00;
	v4 =	vadd.f32 v6, v4;
	v27 =	vmul.f32 $9.999999770e-03, v10  }
0x3cf: {  	[tilespmem:s3+$0x9850] =	vst v5;
	v1 =	vadd.f32 v25, v1;
	v30 =	vmin.f32 v3, $0.0e+00;
	v32 =	vmax.f32 v3, $0.0e+00  }
0x3d0: {  	v28 =	vld [tilespmem:s15+$0x9850];
	[tilespmem:s3+$0x9870] =	vst v4;
	v2 =	vadd.f32 v27, v29;
	v31 =	vmul.f32 $9.999999770e-03, v30;
	v33 =	vmin.f32 v0, $0.0e+00  }
0x3d1: {  	v35 =	vmax.f32 v0, $0.0e+00;
	[tilespmem:s15+$0x9810] =	vst v1;
	v3 =	vmul.f32 $9.999999770e-03, v33;
	v36 =	vmin.f32 v9, $0.0e+00  }
0x3d2: {  	v34 =	vld [tilespmem:s15+$0x9870];
	[tilespmem:s3+$0x9820] =	vst v2;
	v1 =	vadd.f32 v31, v32;
	v2 =	vmul.f32 $9.999999770e-03, v36;
	v39 =	vmin.f32 v26, $0.0e+00  }
0x3d3: {  	v38 =	vmax.f32 v9, $0.0e+00;
	v37 =	vld [tilespmem:s15+$0x9820];
	v0 =	vadd.f32 v3, v35;
	v3 =	vmul.f32 $9.999999770e-03, v39  }
0x3d4: {  	v42 =	vmax.f32 v26, $0.0e+00;
	[tilespmem:s3+$0x9840] =	vst v1;
	v41 =	vadd.f32 v2, v38  }
0x3d5: {  	v40 =	vld [tilespmem:s15+$0x9840];
	[tilespmem:s3+$0x9800] =	vst v0;
	v1 =	vadd.f32 v3, v42  }
0x3d6: {  	v44 =	vmin.f32 v28, $0.0e+00;
	v43 =	vld [tilespmem:s15+$0x9800];
	[tilespmem:s3+$0x9860] =	vst v41  }
0x3d7: {  	v6 =	vmax.f32 v28, $0.0e+00;
	v0 =	vmul.f32 $9.999999770e-03, v44;
	v46 =	vmin.f32 v34, $0.0e+00;
	v45 =	vld [tilespmem:s15+$0x9860];
	[tilespmem:s3+$0x9830] =	vst v1  }
0x3d8: {  	v47 =	vmax.f32 v34, $0.0e+00;
	v48 =	vmul.f32 $9.999999770e-03, v46;
	v49 =	vmin.f32 v37, $0.0e+00;
	v50 =	vld [tilespmem:s15+$0x9830]  }
0x3d9: {  	v0 =	vadd.f32 v0, v6;
	v4 =	vmax.f32 v37, $0.0e+00;
	v51 =	vmul.f32 $9.999999770e-03, v49  }
0x3da: {  	v1 =	vadd.f32 v48, v47;
	v52 =	vmax.f32 v40, $0.0e+00;
	v7 =	vmin.f32 v40, $0.0e+00  }
0x3db: {  	v53 =	vmin.f32 v43, $0.0e+00;
	v4 =	vadd.f32 v51, v4;
	v54 =	vmul.f32 $9.999999770e-03, v7  }
0x3dc: {  	[tilespmem:s15+$0x9850] =	vst v0;
	v55 =	vmax.f32 v43, $0.0e+00;
	v56 =	vmul.f32 $9.999999770e-03, v53;
	v57 =	vmin.f32 v45, $0.0e+00  }
0x3dd: {  	s30 =	sld [smem:$0x7F7];
	[tilespmem:s15+$0x9870] =	vst v1;
	v58 =	vadd.f32 v54, v52;
	v59 =	vmin.f32 v50, $0.0e+00;
	v60 =	vmul.f32 $9.999999770e-03, v57  }
0x3de: {  	[tilespmem:s15+$0x9820] =	vst v4;
	v3 =	vmax.f32 v45, $0.0e+00;
	v0 =	vadd.f32 v56, v55;
	v61 =	vmul.f32 $9.999999770e-03, v59  }
0x3df: {  	s31 =	sld [smem:$0x7F4];
	v62 =	vmax.f32 v50, $0.0e+00;
	[tilespmem:s15+$0x9840] =	vst v58;
	v3 =	vadd.f32 v60, v3  }
0x3e0: {  	s0 =	sadd.s32 $0x1, s0;
	s3 =	sadd.s32 s30, s1;
	[tilespmem:s15+$0x9800] =	vst v0;
	v63 =	vadd.f32 v61, v62  }
0x3e1: {  	p0 =	sne.s32 s0, $0xA;
	s3 =	sshll.u32 s3, $0x4;
	[tilespmem:s15+$0x9860] =	vst v3  }
.Ltmp2:
0x3e2: {  	s9 =	simm.s32 $0x0;
	s3 =	sadd.s32 s31, s3;
	[tilespmem:s15+$0x9830] =	vst v63;
	(pc) =	sbr.rel @p0 .LBB2_4-.Ltmp2, $4  }
0x3e3: {  	[hbm4b:s3+s9] =	stream.linear.scatter [tilespmem:s20], [sflag:$0x11], $0x2000, $0x38;
	[tilespmem:$0x1F800] =	vst v63  }
0x3e4: {  	_ =	swait.ge [sflag:s13], $0x2000  }
0x3e5: {  	[sflag:s13] =	ssyncset.done $0x0  }
0x3e6: {  	[sflag:s13] =	ssyncadd.s32 $0xFFFFE000  }
0x3e7: {  	s15 =	sld [smem:$0x7F2]  }
0x3e8: {  	s3 =	sld [smem:$0x7F8];
	_ =	sdelay $0x1  }
0x3e9: {  	s15 =	sadd.s32 $0x1, s15  }
0x3ea: {  	p0 =	sne.s32 s15, s3  }
.Ltmp3:
0x3eb: {  	_ = 	snop;
	(pc) =	sbr.rel @p0 .LBB2_1-.Ltmp3, $2  }
0x3ec: {  	_ =	sdelay $0x2  }
0x3ed: {  	s18 =	simm.s32 $0x800  }
0x3ee: {  	_ =	sfence.sel $0x180000  }
0x3ef: {  	[bflag:$0x0] =	sbarrier.arrive $0xFFFF  }
0x3f0: {  	_ =	strace $0x90000047  }
0x3f1: {  	s0 =	stileid.u32;
	[bflag:$0x2] =	sbarrier.arrive $0xFFFF  }
0x3f2: {  	p0 =	sne.s32 s0, $0x0;
	s0 =	rddreg [dreg:$0x2]  }
0x3f3: {  	s0 =	sadd.s32 @!p0 $0x100000, s0  }
0x3f4: {  	[sflag:s0] =	ssyncadd.tile.s32 @!p0 $0x1;
	_ =	shalt  }
.Lfunc_end2:
_tile_overlayer_lowered:
.L_overlay_start_2:
0x3f5: {  	(tag) =	ssettag $0x2  }
0x3f6: {  	s0 =	rddreg [dreg:$0x0];
	s2 =	stileid.u32  }
0x3f7: {  	s1 =	rddreg [dreg:$0x1];
	p0 =	sne.s32 s2, $0x0  }
0x3f8: {  	s3 =	rddreg [dreg:$0x2];
	[bflag:$0x3] =	sbarrier.arrive $0xFFFF;
	s2 =	simm.s32 @!p0 $0x1C11  }
0x3f9: {  	[timem:s3], [sflag:s2] =	dma.local @!p0 [hbm:s0], s1  }
0x3fa: {  	s0 =	simm.s32 @!p0 $0x11  }
0x3fb: {  	_ =	swait.ge @!p0 [sflag:s0], s1  }
0x3fc: {  	s1 =	ssub.s32 @!p0 $0x0, s1;
	[sflag:s0] =	ssyncset.done @!p0 $0x0  }
0x3fd: {  	[sflag:s0] =	ssyncadd.s32 @!p0 s1  }
0x3fe: {  	[bflag:$0x3] =	sbarrier.arrive $0xFFFF  }
0x3ff: {  	_ =	shalt  }

</sc_bundles>
